<compile_context>
chip_gen: v7x
topology: tpu7x:2x2x1
jax: 0.10.2.dev20260603
libtpu: 0.0.44.dev20260713+nightly
codegen_flags: <defaults>
</compile_context>

<pallas_src>
import functools
import jax
import jax.numpy as jnp
from jax import lax
from jax.experimental import pallas as pl
from jax.experimental.pallas import tpu as pltpu
from jax.experimental.pallas import tpu_sc as plsc

_N = 10000
_D = 128
_HID = 64
_G = 64
_E_RAW = 320000
_E_TOT = _E_RAW + _N
_C = 128
_E_PAD = 331776
_E_HALF = _E_PAD // 2
_NACC = 10240
_ROWS_T = _NACC // 16
_W = 80
_BM = 400
_EPS = 1e-16

_SC_PARAMS = pltpu.CompilerParams(
    needs_layout_passes=False, use_tc_tiling_on_sc=False)



def _edge_body(split_edges, src_hbm, dst_hbm, h_hbm, as_hbm, ad_hbm, out_hbm,
               as_ref, ad_ref, hrows, msg, src_loc, src_gl, dst_loc,
               accum, sem):
    c = lax.axis_index("c")
    s = lax.axis_index("s")
    zero16 = jnp.zeros((16,), jnp.float32)

    if split_edges:
        pltpu.sync_copy(as_hbm, as_ref)
        pltpu.sync_copy(ad_hbm, ad_ref)
    else:
        pltpu.sync_copy(as_hbm.at[c], as_ref)
        pltpu.sync_copy(ad_hbm.at[c], ad_ref)

    def zrow(r, carry):
        for k in range(_W // 16):
            msg[r, pl.ds(k * 16, 16)] = zero16
        return carry

    lax.fori_loop(0, _C, zrow, 0)
    row0 = s * _ROWS_T
    for p in range(_ROWS_T // _C):
        pltpu.sync_copy(msg, accum.at[pl.ds(row0 + p * _C, _C)])
    plsc.subcore_barrier()

    iota16 = lax.iota(jnp.int32, 16)
    per_tile = (_E_HALF if split_edges else _E_PAD) // 16
    nchunks = per_tile // _C
    ebase = c * _E_HALF + s * per_tile if split_edges else s * per_tile
    cn = 0 if split_edges else c * _N

    def chunk(j, carry):
        eoff = ebase + j * _C
        pltpu.sync_copy(src_hbm.at[pl.ds(eoff, _C)], src_loc)
        pltpu.sync_copy(dst_hbm.at[pl.ds(eoff, _C)], dst_loc)
        if split_edges:
            gather_idx = src_loc
        else:
            for g in range(8):
                sl = pl.ds(g * 16, 16)
                src_gl[sl] = src_loc[sl] + cn
            gather_idx = src_gl
        cp = pltpu.async_copy(h_hbm.at[gather_idx], hrows, sem)
        for g in range(8):
            sl = pl.ds(g * 16, 16)
            s16 = src_loc[sl]
            d16 = dst_loc[sl]
            asv = plsc.load_gather(as_ref, [s16])
            adv = plsc.load_gather(ad_ref, [d16])
            e = asv + adv
            e = jnp.maximum(e, 0.2 * e)
            w = jnp.exp(e)
            plsc.store_scatter(
                msg, [iota16 + g * 16, jnp.full((16,), 64, jnp.int32)], w)
        cp.wait()

        def scale(i, carry):
            wv = msg[i, pl.ds(64, 16)]
            w0 = jnp.broadcast_to(wv[0], (16,))
            for k in range(4):
                msg[i, pl.ds(k * 16, 16)] = (
                    hrows[i, pl.ds(k * 16, 16)] * w0)
            return carry

        lax.fori_loop(0, _C, scale, 0)
        pltpu.sync_copy(msg, accum.at[dst_loc], add=True)
        return carry

    lax.fori_loop(0, nchunks, chunk, 0)
    plsc.subcore_barrier()
    for p in range(_ROWS_T // _C):
        r0 = row0 + p * _C
        pltpu.sync_copy(accum.at[pl.ds(r0, _C)], msg)
        pltpu.sync_copy(msg, out_hbm.at[pl.ds(c * _NACC + r0, _C)])


def _edge_call(split_edges, src_pad, dst_pad, h_hbm, as_hbm, ad_hbm):
    mesh = plsc.VectorSubcoreMesh(core_axis_name="c", subcore_axis_name="s")
    kfn = pl.kernel(
        functools.partial(_edge_body, split_edges),
        out_type=jax.ShapeDtypeStruct((2 * _NACC, _W), jnp.float32),
        mesh=mesh,
        compiler_params=_SC_PARAMS,
        scratch_types=[
            pltpu.VMEM((_N,), jnp.float32),
            pltpu.VMEM((_N,), jnp.float32),
            pltpu.VMEM((_C, 64), jnp.float32),
            pltpu.VMEM((_C, _W), jnp.float32),
            pltpu.VMEM((_C,), jnp.int32),
            pltpu.VMEM((_C,), jnp.int32),
            pltpu.VMEM((_C,), jnp.int32),
            pltpu.VMEM_SHARED((_NACC, _W), jnp.float32),
            pltpu.SemaphoreType.DMA,
        ],
    )
    return kfn(src_pad, dst_pad, h_hbm, as_hbm, ad_hbm)



def _k1_body(x_ref, w_ref, asm_ref, adm_ref, h_ref, as_ref, ad_ref):
    h = jnp.dot(x_ref[...], w_ref[...], preferred_element_type=jnp.float32)
    h_ref[...] = h
    as_ref[...] = jnp.dot(h, asm_ref[...], preferred_element_type=jnp.float32,
                          precision=lax.Precision.HIGHEST)
    ad_ref[...] = jnp.dot(h, adm_ref[...], preferred_element_type=jnp.float32,
                          precision=lax.Precision.HIGHEST)


def _tc_layer1(x, w1, asm, adm):
    nb = _N // _BM
    return pl.pallas_call(
        _k1_body,
        grid=(nb,),
        in_specs=[
            pl.BlockSpec((_BM, _D), lambda i: (i, 0)),
            pl.BlockSpec((_D, 256), lambda i: (0, 0)),
            pl.BlockSpec((256, 8), lambda i: (0, 0)),
            pl.BlockSpec((256, 8), lambda i: (0, 0)),
        ],
        out_specs=[
            pl.BlockSpec((_BM, 256), lambda i: (i, 0)),
            pl.BlockSpec((_BM, 8), lambda i: (i, 0)),
            pl.BlockSpec((_BM, 8), lambda i: (i, 0)),
        ],
        out_shape=[
            jax.ShapeDtypeStruct((_N, 256), jnp.float32),
            jax.ShapeDtypeStruct((_N, 8), jnp.float32),
            jax.ShapeDtypeStruct((_N, 8), jnp.float32),
        ],
    )(x, w1, asm, adm)


def _k23_body(num_ref, den_ref, r_ref, b_ref, w_ref, asm_ref, adm_ref,
              h_ref, as_ref, ad_ref):
    rec = 1.0 / (den_ref[...] + _EPS)
    rep = jnp.dot(rec, r_ref[...], preferred_element_type=jnp.float32,
                  precision=lax.Precision.HIGHEST)
    a = num_ref[...] * rep + b_ref[...]
    act = jnp.where(a > 0, a, jnp.exp(a) - 1.0)
    h = jnp.dot(act, w_ref[...], preferred_element_type=jnp.float32)
    h_ref[...] = h
    as_ref[...] = jnp.dot(h, asm_ref[...], preferred_element_type=jnp.float32,
                          precision=lax.Precision.HIGHEST)
    ad_ref[...] = jnp.dot(h, adm_ref[...], preferred_element_type=jnp.float32,
                          precision=lax.Precision.HIGHEST)


def _tc_layer23(num, den, rmat, bias, w, asm, adm, out_w):
    nb = _N // _BM
    return pl.pallas_call(
        _k23_body,
        grid=(nb,),
        in_specs=[
            pl.BlockSpec((_BM, 256), lambda i: (i, 0)),
            pl.BlockSpec((_BM, 8), lambda i: (i, 0)),
            pl.BlockSpec((8, 256), lambda i: (0, 0)),
            pl.BlockSpec((1, 256), lambda i: (0, 0)),
            pl.BlockSpec((256, out_w), lambda i: (0, 0)),
            pl.BlockSpec((out_w, 8), lambda i: (0, 0)),
            pl.BlockSpec((out_w, 8), lambda i: (0, 0)),
        ],
        out_specs=[
            pl.BlockSpec((_BM, out_w), lambda i: (i, 0)),
            pl.BlockSpec((_BM, 8), lambda i: (i, 0)),
            pl.BlockSpec((_BM, 8), lambda i: (i, 0)),
        ],
        out_shape=[
            jax.ShapeDtypeStruct((_N, out_w), jnp.float32),
            jax.ShapeDtypeStruct((_N, 8), jnp.float32),
            jax.ShapeDtypeStruct((_N, 8), jnp.float32),
        ],
    )(num, den, rmat, bias, w, asm, adm)


def _k4_body(a_ref, b_ref, bat_ref, b3_ref, cw1_ref, cb1_ref, cw2_ref,
             cb2_ref, out_ref, acc_ref):
    i = pl.program_id(0)

    @pl.when(i == 0)
    def _():
        acc_ref[...] = jnp.zeros_like(acc_ref)

    a = a_ref[...]
    b = b_ref[...]
    num = a[:, :64] + b[:, :64]
    den = a[:, 64:65] + b[:, 64:65]
    h = num / (den + _EPS) + b3_ref[...]
    bat = bat_ref[...]
    g64 = lax.broadcasted_iota(jnp.int32, (1, _G), 1)
    mask = (bat == g64).astype(jnp.float32)
    feat = jnp.concatenate([h, jnp.ones_like(h)], axis=1)
    acc_ref[...] += lax.dot_general(
        mask, feat, (((0,), (0,)), ((), ())),
        preferred_element_type=jnp.float32,
        precision=lax.Precision.HIGHEST)

    @pl.when(i == (_N // _BM) - 1)
    def _():
        gf = acc_ref[...]
        g = gf[:, :64] / jnp.maximum(gf[:, 64:65], 1.0)
        z = jnp.dot(g, cw1_ref[...], preferred_element_type=jnp.float32,
                    precision=lax.Precision.HIGHEST)
        z = jnp.maximum(z + cb1_ref[...], 0.0)
        out_ref[...] = jnp.dot(
            z, cw2_ref[...], preferred_element_type=jnp.float32,
            precision=lax.Precision.HIGHEST) + cb2_ref[...]


def _tc_final(acc_a, acc_b, batch2d, b3, cw1, cb1, cw2p, cb2p):
    nb = _N // _BM
    return pl.pallas_call(
        _k4_body,
        grid=(nb,),
        in_specs=[
            pl.BlockSpec((_BM, _W), lambda i: (i, 0)),
            pl.BlockSpec((_BM, _W), lambda i: (i, 0)),
            pl.BlockSpec((_BM, 1), lambda i: (i, 0)),
            pl.BlockSpec((1, 64), lambda i: (0, 0)),
            pl.BlockSpec((64, 32), lambda i: (0, 0)),
            pl.BlockSpec((1, 32), lambda i: (0, 0)),
            pl.BlockSpec((32, 8), lambda i: (0, 0)),
            pl.BlockSpec((1, 8), lambda i: (0, 0)),
        ],
        out_specs=pl.BlockSpec((_G, 8), lambda i: (0, 0)),
        out_shape=jax.ShapeDtypeStruct((_G, 8), jnp.float32),
        scratch_shapes=[pltpu.VMEM((_G, 128), jnp.float32)],
    )(acc_a, acc_b, batch2d, b3, cw1, cb1, cw2p, cb2p)



def _blockdiag(a):
    hh = a.shape[0]
    eye = jnp.eye(hh, 8, dtype=a.dtype)
    return (a[:, :, None] * eye[:, None, :]).reshape(hh * _HID, 8)


def _four_head_edges(src_pad, dst_pad, h, as4, ad4):
    nums = []
    dens = []
    prev = None
    for pair in range(2):
        h_stk = jnp.concatenate(
            [h[:, (2 * pair) * 64:(2 * pair + 1) * 64],
             h[:, (2 * pair + 1) * 64:(2 * pair + 2) * 64]], axis=0)
        as_stk = jnp.stack([as4[:, 2 * pair], as4[:, 2 * pair + 1]])
        ad_stk = jnp.stack([ad4[:, 2 * pair], ad4[:, 2 * pair + 1]])
        if prev is not None:
            h_stk, _ = lax.optimization_barrier((h_stk, prev))
        acc = _edge_call(False, src_pad, dst_pad, h_stk, as_stk, ad_stk)
        prev = acc
        nums.append(acc[:_N, :64])
        nums.append(acc[_NACC:_NACC + _N, :64])
        dens.append(acc[:_N, 64:65])
        dens.append(acc[_NACC:_NACC + _N, 64:65])
    num = jnp.concatenate(nums, axis=1)
    den = jnp.concatenate(
        dens + [jnp.ones((_N, 4), jnp.float32)], axis=1)
    return num, den


def kernel(x, edge_index, batch, W1, a_src1, a_dst1, b1, W2, a_src2, a_dst2,
           b2, W3, a_src3, a_dst3, b3, cW1, cb1, cW2, cb2):
    loops = jnp.arange(_N, dtype=jnp.int32)
    src = jnp.concatenate([edge_index[0], loops])
    dst = jnp.concatenate([edge_index[1], loops])
    npad = _E_PAD - _E_TOT
    src_pad = jnp.concatenate([src, jnp.zeros((npad,), jnp.int32)])
    dst_pad = jnp.concatenate([dst, jnp.full((npad,), _N, jnp.int32)])

    asm1 = _blockdiag(a_src1)
    adm1 = _blockdiag(a_dst1)
    asm2 = _blockdiag(a_src2)
    adm2 = _blockdiag(a_dst2)
    asm3 = jnp.concatenate(
        [a_src3.T, jnp.zeros((_HID, 7), jnp.float32)], axis=1)
    adm3 = jnp.concatenate(
        [a_dst3.T, jnp.zeros((_HID, 7), jnp.float32)], axis=1)
    rmat = jnp.concatenate(
        [jnp.repeat(jnp.eye(4, dtype=jnp.float32), 64, axis=1),
         jnp.zeros((4, 256), jnp.float32)], axis=0)

    h1, as1, ad1 = _tc_layer1(x, W1, asm1, adm1)
    num1, den1 = _four_head_edges(src_pad, dst_pad, h1, as1, ad1)

    h2, as2, ad2 = _tc_layer23(num1, den1, rmat, b1.reshape(1, 256), W2,
                               asm2, adm2, 256)
    num2, den2 = _four_head_edges(src_pad, dst_pad, h2, as2, ad2)

    h3, as3, ad3 = _tc_layer23(num2, den2, rmat, b2.reshape(1, 256), W3,
                               asm3, adm3, 64)
    acc3 = _edge_call(True, src_pad, dst_pad, h3, as3[:, 0], ad3[:, 0])

    out = _tc_final(
        acc3[:_N], acc3[_NACC:_NACC + _N], batch.reshape(_N, 1),
        b3.reshape(1, 64), cW1, cb1.reshape(1, 32),
        jnp.concatenate([cW2, jnp.zeros((32, 7), jnp.float32)], axis=1),
        jnp.concatenate([cb2, jnp.zeros((7,), jnp.float32)]).reshape(1, 8))
    return out[:, :1]

# --- scband reference (transcript-rebuilt; emitter-appended) ---
"""Pipeline reference for scband-hepatotoxicity-gat-30279519437232 (READ-ONLY COPY).

The authoritative reference and input builder live on the scoring server;
editing this copy changes nothing except your own understanding.
"""

import jax, jax.numpy as jnp
import numpy as np

N = 10000
E = 320000
D = 128
HID = 64
HEADS = 4
G = 64


def setup_inputs(seed: int = 0) -> dict:
    key = jax.random.key(seed)
    ks = jax.random.split(key, 24)
    s = 0.05
    inp = {}
    inp['x'] = jax.random.normal(ks[0], (N, D), dtype=jnp.float32)
    inp['edge_index'] = jax.random.randint(ks[1], (2, E), 0, N, dtype=jnp.int32)
    inp['batch'] = jnp.sort(jax.random.randint(ks[2], (N,), 0, G, dtype=jnp.int32))
    # layer 1: in=128 -> heads=4, out=64 (concat -> 256)
    inp['W1'] = jax.random.normal(ks[3], (D, HEADS * HID), dtype=jnp.float32) * s
    inp['a_src1'] = jax.random.normal(ks[4], (HEADS, HID), dtype=jnp.float32) * s
    inp['a_dst1'] = jax.random.normal(ks[5], (HEADS, HID), dtype=jnp.float32) * s
    inp['b1'] = jnp.zeros((HEADS * HID,), dtype=jnp.float32)
    # layer 2: in=256 -> heads=4, out=64 (concat -> 256)
    inp['W2'] = jax.random.normal(ks[6], (HEADS * HID, HEADS * HID), dtype=jnp.float32) * s
    inp['a_src2'] = jax.random.normal(ks[7], (HEADS, HID), dtype=jnp.float32) * s
    inp['a_dst2'] = jax.random.normal(ks[8], (HEADS, HID), dtype=jnp.float32) * s
    inp['b2'] = jnp.zeros((HEADS * HID,), dtype=jnp.float32)
    # layer 3: in=256 -> heads=1, out=64
    inp['W3'] = jax.random.normal(ks[9], (HEADS * HID, HID), dtype=jnp.float32) * s
    inp['a_src3'] = jax.random.normal(ks[10], (1, HID), dtype=jnp.float32) * s
    inp['a_dst3'] = jax.random.normal(ks[11], (1, HID), dtype=jnp.float32) * s
    inp['b3'] = jnp.zeros((HID,), dtype=jnp.float32)
    # classifier: Linear(64,32) -> ReLU -> Linear(32,1)
    inp['cW1'] = jax.random.normal(ks[12], (HID, HID // 2), dtype=jnp.float32) * s
    inp['cb1'] = jnp.zeros((HID // 2,), dtype=jnp.float32)
    inp['cW2'] = jax.random.normal(ks[13], (HID // 2, 1), dtype=jnp.float32) * s
    inp['cb2'] = jnp.zeros((1,), dtype=jnp.float32)
    return inp


def gat_conv(x, src, dst, W, a_src, a_dst, b, heads, out_ch):
    Nn = x.shape[0]
    h = (x @ W).reshape(Nn, heads, out_ch)
    alpha_src = (h * a_src[None]).sum(-1)  # [N, H]
    alpha_dst = (h * a_dst[None]).sum(-1)  # [N, H]
    e = alpha_src[src] + alpha_dst[dst]    # [E, H]
    e = jax.nn.leaky_relu(e, negative_slope=0.2)
    e_max = jax.ops.segment_max(e, dst, num_segments=Nn)
    e = jnp.exp(e - e_max[dst])
    denom = jax.ops.segment_sum(e, dst, num_segments=Nn)
    alpha = e / (denom[dst] + 1e-16)       # softmax over incoming edges
    msg = h[src] * alpha[:, :, None]       # gather + weight
    out = jax.ops.segment_sum(msg, dst, num_segments=Nn)  # scatter-add
    return out.reshape(Nn, heads * out_ch) + b


def reference(x, edge_index, batch, W1, a_src1, a_dst1, b1, W2, a_src2, a_dst2, b2, W3, a_src3, a_dst3, b3, cW1, cb1, cW2, cb2):
    Nn = x.shape[0]
    loops = jnp.arange(Nn, dtype=edge_index.dtype)
    src = jnp.concatenate([edge_index[0], loops])  # add_self_loops (GATConv default)
    dst = jnp.concatenate([edge_index[1], loops])
    h = gat_conv(x, src, dst, W1, a_src1, a_dst1, b1, HEADS, HID)
    h = jax.nn.elu(h)  # dropout is identity in eval mode
    h = gat_conv(h, src, dst, W2, a_src2, a_dst2, b2, HEADS, HID)
    h = jax.nn.elu(h)
    h = gat_conv(h, src, dst, W3, a_src3, a_dst3, b3, 1, HID)
    # global_mean_pool
    sums = jax.ops.segment_sum(h, batch, num_segments=G)
    cnt = jax.ops.segment_sum(jnp.ones((Nn, 1), h.dtype), batch, num_segments=G)
    g = sums / jnp.maximum(cnt, 1.0)
    z = jax.nn.relu(g @ cW1 + cb1)
    return z @ cW2 + cb2

if __name__ == "__main__":
    import jax
    _d = setup_inputs()
    print(jax.jit(kernel)(*tuple(_d.values())))

</pallas_src>

<mosaic_0001>
#map = affine_map<(d0, d1) -> (0)>
#map1 = affine_map<(d0, d1) -> (0, 0)>
module attributes {stable_mosaic.version = 14 : i64} {
  func.func @_edge_body(%arg0: i32, %arg1: i32, %arg2: memref<331776xi32, #tpu.memory_space<hbm>>, %arg3: memref<331776xi32, #tpu.memory_space<hbm>>, %arg4: memref<20000x64xf32, #tpu.memory_space<hbm>>, %arg5: memref<2x10000xf32, #tpu.memory_space<hbm>>, %arg6: memref<2x10000xf32, #tpu.memory_space<hbm>>, %arg7: memref<20480x80xf32, #tpu.memory_space<hbm>>, %arg8: memref<10000xf32, #tpu.memory_space<vmem>>, %arg9: memref<10000xf32, #tpu.memory_space<vmem>>, %arg10: memref<128x64xf32, #tpu.memory_space<vmem>>, %arg11: memref<128x80xf32, #tpu.memory_space<vmem>>, %arg12: memref<128xi32, #tpu.memory_space<vmem>>, %arg13: memref<128xi32, #tpu.memory_space<vmem>>, %arg14: memref<128xi32, #tpu.memory_space<vmem>>, %arg15: memref<10240x80xf32, #tpu.memory_space<vmem_shared>>, %arg16: memref<!tpu.dma_semaphore, #tpu.memory_space<semaphore_mem>>) attributes {dimension_semantics = [#tpu.dimension_semantics<core_parallel>, #tpu.dimension_semantics<subcore_parallel>], iteration_bounds = array<i64: 2, 16>, scalar_prefetch = 0 : i64, scratch_operands = 9 : i64, tpu.core_type = #tpu.core_type<sc_vector_subcore>, window_params = [{transform_indices = #map}, {transform_indices = #map}, {transform_indices = #map1}, {transform_indices = #map1}, {transform_indices = #map1}, {transform_indices = #map1}]} {
    %broadcast_in_dim3A = arith.constant 0.000000e+00 : f32
    %broadcast_in_dim3A_0 = vector.broadcast %broadcast_in_dim3A : f32 to vector<16xf32>
    "tpu.region"() ({
      %run_scoped3A = tpu.sem_alloc : memref<!tpu.dma_semaphore, #tpu.memory_space<semaphore_mem>>
      %dma_start3A = arith.constant 0 : i32
      %dma_start3A_52 = tpu.memref_slice %arg5[%arg0, %dma_start3A] : memref<2x10000xf32, #tpu.memory_space<hbm>> -> memref<1x10000xf32, #tpu.memory_space<hbm>>
      %dma_start3A_53 = tpu.memref_squeeze %dma_start3A_52 : memref<1x10000xf32, #tpu.memory_space<hbm>> -> memref<10000xf32, #tpu.memory_space<hbm>>
      %dma_start3A_54 = arith.constant 0 : i32
      %dma_start3A_55 = tpu.memref_slice %arg5[%arg0, %dma_start3A_54] : memref<2x10000xf32, #tpu.memory_space<hbm>> -> memref<1x10000xf32, #tpu.memory_space<hbm>>
      %dma_start3A_56 = tpu.memref_squeeze %dma_start3A_55 : memref<1x10000xf32, #tpu.memory_space<hbm>> -> memref<10000xf32, #tpu.memory_space<hbm>>
      tpu.enqueue_dma source(%dma_start3A_56 : memref<10000xf32, #tpu.memory_space<hbm>>) target(%arg8 : memref<10000xf32, #tpu.memory_space<vmem>>) target_semaphore(%run_scoped3A : memref<!tpu.dma_semaphore, #tpu.memory_space<semaphore_mem>>)
      %dma_wait3A = arith.constant 0 : i32
      %dma_wait3A_57 = tpu.memref_slice %arg5[%arg0, %dma_wait3A] : memref<2x10000xf32, #tpu.memory_space<hbm>> -> memref<1x10000xf32, #tpu.memory_space<hbm>>
      %dma_wait3A_58 = tpu.memref_squeeze %dma_wait3A_57 : memref<1x10000xf32, #tpu.memory_space<hbm>> -> memref<10000xf32, #tpu.memory_space<hbm>>
      %dma_wait3A_59 = arith.constant 0 : i32
      %dma_wait3A_60 = tpu.memref_slice %arg5[%arg0, %dma_wait3A_59] : memref<2x10000xf32, #tpu.memory_space<hbm>> -> memref<1x10000xf32, #tpu.memory_space<hbm>>
      %dma_wait3A_61 = tpu.memref_squeeze %dma_wait3A_60 : memref<1x10000xf32, #tpu.memory_space<hbm>> -> memref<10000xf32, #tpu.memory_space<hbm>>
      tpu.wait_dma2 semaphore(%run_scoped3A : memref<!tpu.dma_semaphore, #tpu.memory_space<semaphore_mem>>) src(%dma_wait3A_61 : memref<10000xf32, #tpu.memory_space<hbm>>) dst(%arg8 : memref<10000xf32, #tpu.memory_space<vmem>>)
      tpu.yield
    }) : () -> ()
    "tpu.region"() ({
      %run_scoped3A = tpu.sem_alloc : memref<!tpu.dma_semaphore, #tpu.memory_space<semaphore_mem>>
      %dma_start3A = arith.constant 0 : i32
      %dma_start3A_52 = tpu.memref_slice %arg6[%arg0, %dma_start3A] : memref<2x10000xf32, #tpu.memory_space<hbm>> -> memref<1x10000xf32, #tpu.memory_space<hbm>>
      %dma_start3A_53 = tpu.memref_squeeze %dma_start3A_52 : memref<1x10000xf32, #tpu.memory_space<hbm>> -> memref<10000xf32, #tpu.memory_space<hbm>>
      %dma_start3A_54 = arith.constant 0 : i32
      %dma_start3A_55 = tpu.memref_slice %arg6[%arg0, %dma_start3A_54] : memref<2x10000xf32, #tpu.memory_space<hbm>> -> memref<1x10000xf32, #tpu.memory_space<hbm>>
      %dma_start3A_56 = tpu.memref_squeeze %dma_start3A_55 : memref<1x10000xf32, #tpu.memory_space<hbm>> -> memref<10000xf32, #tpu.memory_space<hbm>>
      tpu.enqueue_dma source(%dma_start3A_56 : memref<10000xf32, #tpu.memory_space<hbm>>) target(%arg9 : memref<10000xf32, #tpu.memory_space<vmem>>) target_semaphore(%run_scoped3A : memref<!tpu.dma_semaphore, #tpu.memory_space<semaphore_mem>>)
      %dma_wait3A = arith.constant 0 : i32
      %dma_wait3A_57 = tpu.memref_slice %arg6[%arg0, %dma_wait3A] : memref<2x10000xf32, #tpu.memory_space<hbm>> -> memref<1x10000xf32, #tpu.memory_space<hbm>>
      %dma_wait3A_58 = tpu.memref_squeeze %dma_wait3A_57 : memref<1x10000xf32, #tpu.memory_space<hbm>> -> memref<10000xf32, #tpu.memory_space<hbm>>
      %dma_wait3A_59 = arith.constant 0 : i32
      %dma_wait3A_60 = tpu.memref_slice %arg6[%arg0, %dma_wait3A_59] : memref<2x10000xf32, #tpu.memory_space<hbm>> -> memref<1x10000xf32, #tpu.memory_space<hbm>>
      %dma_wait3A_61 = tpu.memref_squeeze %dma_wait3A_60 : memref<1x10000xf32, #tpu.memory_space<hbm>> -> memref<10000xf32, #tpu.memory_space<hbm>>
      tpu.wait_dma2 semaphore(%run_scoped3A : memref<!tpu.dma_semaphore, #tpu.memory_space<semaphore_mem>>) src(%dma_wait3A_61 : memref<10000xf32, #tpu.memory_space<hbm>>) dst(%arg9 : memref<10000xf32, #tpu.memory_space<vmem>>)
      tpu.yield
    }) : () -> ()
    %scan3A = arith.constant 0 : i32
    %scan3A_1 = arith.constant 0 : i32
    %scan3A_2 = arith.constant 128 : i32
    %scan3A_3 = arith.addi %scan3A_1, %scan3A_2 : i32
    %scan3A_4 = arith.constant 1 : i32
    scf.for %scan3A_52 = %scan3A_1 to %scan3A_3 step %scan3A_4  : i32 {
      %swap3A = arith.index_cast %scan3A_52 : i32 to index
      %swap3A_53 = arith.constant 0 : index
      %swap3A_54 = tpu.vector_load %arg11[%swap3A, %swap3A_53] {strides = array<i32>} : memref<128x80xf32, #tpu.memory_space<vmem>>, vector<16xf32>,
      tpu.vector_store %arg11[%swap3A, %swap3A_53], %broadcast_in_dim3A_0 {strides = array<i32>} : memref<128x80xf32, #tpu.memory_space<vmem>>, vector<16xf32>,
      %swap3A_55 = arith.index_cast %scan3A_52 : i32 to index
      %swap3A_56 = arith.constant 16 : index
      %swap3A_57 = tpu.vector_load %arg11[%swap3A_55, %swap3A_56] {strides = array<i32>} : memref<128x80xf32, #tpu.memory_space<vmem>>, vector<16xf32>,
      tpu.vector_store %arg11[%swap3A_55, %swap3A_56], %broadcast_in_dim3A_0 {strides = array<i32>} : memref<128x80xf32, #tpu.memory_space<vmem>>, vector<16xf32>,
      %swap3A_58 = arith.index_cast %scan3A_52 : i32 to index
      %swap3A_59 = arith.constant 32 : index
      %swap3A_60 = tpu.vector_load %arg11[%swap3A_58, %swap3A_59] {strides = array<i32>} : memref<128x80xf32, #tpu.memory_space<vmem>>, vector<16xf32>,
      tpu.vector_store %arg11[%swap3A_58, %swap3A_59], %broadcast_in_dim3A_0 {strides = array<i32>} : memref<128x80xf32, #tpu.memory_space<vmem>>, vector<16xf32>,
      %swap3A_61 = arith.index_cast %scan3A_52 : i32 to index
      %swap3A_62 = arith.constant 48 : index
      %swap3A_63 = tpu.vector_load %arg11[%swap3A_61, %swap3A_62] {strides = array<i32>} : memref<128x80xf32, #tpu.memory_space<vmem>>, vector<16xf32>,
      tpu.vector_store %arg11[%swap3A_61, %swap3A_62], %broadcast_in_dim3A_0 {strides = array<i32>} : memref<128x80xf32, #tpu.memory_space<vmem>>, vector<16xf32>,
      %swap3A_64 = arith.index_cast %scan3A_52 : i32 to index
      %swap3A_65 = arith.constant 64 : index
      %swap3A_66 = tpu.vector_load %arg11[%swap3A_64, %swap3A_65] {strides = array<i32>} : memref<128x80xf32, #tpu.memory_space<vmem>>, vector<16xf32>,
      tpu.vector_store %arg11[%swap3A_64, %swap3A_65], %broadcast_in_dim3A_0 {strides = array<i32>} : memref<128x80xf32, #tpu.memory_space<vmem>>, vector<16xf32>,
    }
    %scan3A_5 = arith.constant 128 : i32
    %mul3A = arith.constant 640 : i32
    %mul3A_6 = arith.muli %arg1, %mul3A : i32
    %add3A = arith.constant 0 : i32
    %add3A_7 = arith.addi %mul3A_6, %add3A : i32
    "tpu.region"() ({
      %run_scoped3A = tpu.sem_alloc : memref<!tpu.dma_semaphore, #tpu.memory_space<semaphore_mem>>
      %dma_start3A = arith.constant 0 : i32
      %dma_start3A_52 = tpu.memref_slice %arg15[%add3A_7, %dma_start3A] : memref<10240x80xf32, #tpu.memory_space<vmem_shared>> -> memref<128x80xf32, #tpu.memory_space<vmem_shared>>
      %dma_start3A_53 = arith.constant 0 : i32
      %dma_start3A_54 = tpu.memref_slice %arg15[%add3A_7, %dma_start3A_53] : memref<10240x80xf32, #tpu.memory_space<vmem_shared>> -> memref<128x80xf32, #tpu.memory_space<vmem_shared>>
      tpu.enqueue_dma source(%arg11 : memref<128x80xf32, #tpu.memory_space<vmem>>) target(%dma_start3A_54 : memref<128x80xf32, #tpu.memory_space<vmem_shared>>) target_semaphore(%run_scoped3A : memref<!tpu.dma_semaphore, #tpu.memory_space<semaphore_mem>>)
      %dma_wait3A = arith.constant 0 : i32
      %dma_wait3A_55 = tpu.memref_slice %arg15[%add3A_7, %dma_wait3A] : memref<10240x80xf32, #tpu.memory_space<vmem_shared>> -> memref<128x80xf32, #tpu.memory_space<vmem_shared>>
      %dma_wait3A_56 = arith.constant 0 : i32
      %dma_wait3A_57 = tpu.memref_slice %arg15[%add3A_7, %dma_wait3A_56] : memref<10240x80xf32, #tpu.memory_space<vmem_shared>> -> memref<128x80xf32, #tpu.memory_space<vmem_shared>>
      tpu.wait_dma2 semaphore(%run_scoped3A : memref<!tpu.dma_semaphore, #tpu.memory_space<semaphore_mem>>) src(%arg11 : memref<128x80xf32, #tpu.memory_space<vmem>>) dst(%dma_wait3A_57 : memref<128x80xf32, #tpu.memory_space<vmem_shared>>)
      tpu.yield
    }) : () -> ()
    %add3A_8 = arith.constant 128 : i32
    %add3A_9 = arith.addi %mul3A_6, %add3A_8 : i32
    "tpu.region"() ({
      %run_scoped3A = tpu.sem_alloc : memref<!tpu.dma_semaphore, #tpu.memory_space<semaphore_mem>>
      %dma_start3A = arith.constant 0 : i32
      %dma_start3A_52 = tpu.memref_slice %arg15[%add3A_9, %dma_start3A] : memref<10240x80xf32, #tpu.memory_space<vmem_shared>> -> memref<128x80xf32, #tpu.memory_space<vmem_shared>>
      %dma_start3A_53 = arith.constant 0 : i32
      %dma_start3A_54 = tpu.memref_slice %arg15[%add3A_9, %dma_start3A_53] : memref<10240x80xf32, #tpu.memory_space<vmem_shared>> -> memref<128x80xf32, #tpu.memory_space<vmem_shared>>
      tpu.enqueue_dma source(%arg11 : memref<128x80xf32, #tpu.memory_space<vmem>>) target(%dma_start3A_54 : memref<128x80xf32, #tpu.memory_space<vmem_shared>>) target_semaphore(%run_scoped3A : memref<!tpu.dma_semaphore, #tpu.memory_space<semaphore_mem>>)
      %dma_wait3A = arith.constant 0 : i32
      %dma_wait3A_55 = tpu.memref_slice %arg15[%add3A_9, %dma_wait3A] : memref<10240x80xf32, #tpu.memory_space<vmem_shared>> -> memref<128x80xf32, #tpu.memory_space<vmem_shared>>
      %dma_wait3A_56 = arith.constant 0 : i32
      %dma_wait3A_57 = tpu.memref_slice %arg15[%add3A_9, %dma_wait3A_56] : memref<10240x80xf32, #tpu.memory_space<vmem_shared>> -> memref<128x80xf32, #tpu.memory_space<vmem_shared>>
      tpu.wait_dma2 semaphore(%run_scoped3A : memref<!tpu.dma_semaphore, #tpu.memory_space<semaphore_mem>>) src(%arg11 : memref<128x80xf32, #tpu.memory_space<vmem>>) dst(%dma_wait3A_57 : memref<128x80xf32, #tpu.memory_space<vmem_shared>>)
      tpu.yield
    }) : () -> ()
    %add3A_10 = arith.constant 256 : i32
    %add3A_11 = arith.addi %mul3A_6, %add3A_10 : i32
    "tpu.region"() ({
      %run_scoped3A = tpu.sem_alloc : memref<!tpu.dma_semaphore, #tpu.memory_space<semaphore_mem>>
      %dma_start3A = arith.constant 0 : i32
      %dma_start3A_52 = tpu.memref_slice %arg15[%add3A_11, %dma_start3A] : memref<10240x80xf32, #tpu.memory_space<vmem_shared>> -> memref<128x80xf32, #tpu.memory_space<vmem_shared>>
      %dma_start3A_53 = arith.constant 0 : i32
      %dma_start3A_54 = tpu.memref_slice %arg15[%add3A_11, %dma_start3A_53] : memref<10240x80xf32, #tpu.memory_space<vmem_shared>> -> memref<128x80xf32, #tpu.memory_space<vmem_shared>>
      tpu.enqueue_dma source(%arg11 : memref<128x80xf32, #tpu.memory_space<vmem>>) target(%dma_start3A_54 : memref<128x80xf32, #tpu.memory_space<vmem_shared>>) target_semaphore(%run_scoped3A : memref<!tpu.dma_semaphore, #tpu.memory_space<semaphore_mem>>)
      %dma_wait3A = arith.constant 0 : i32
      %dma_wait3A_55 = tpu.memref_slice %arg15[%add3A_11, %dma_wait3A] : memref<10240x80xf32, #tpu.memory_space<vmem_shared>> -> memref<128x80xf32, #tpu.memory_space<vmem_shared>>
      %dma_wait3A_56 = arith.constant 0 : i32
      %dma_wait3A_57 = tpu.memref_slice %arg15[%add3A_11, %dma_wait3A_56] : memref<10240x80xf32, #tpu.memory_space<vmem_shared>> -> memref<128x80xf32, #tpu.memory_space<vmem_shared>>
      tpu.wait_dma2 semaphore(%run_scoped3A : memref<!tpu.dma_semaphore, #tpu.memory_space<semaphore_mem>>) src(%arg11 : memref<128x80xf32, #tpu.memory_space<vmem>>) dst(%dma_wait3A_57 : memref<128x80xf32, #tpu.memory_space<vmem_shared>>)
      tpu.yield
    }) : () -> ()
    %add3A_12 = arith.constant 384 : i32
    %add3A_13 = arith.addi %mul3A_6, %add3A_12 : i32
    "tpu.region"() ({
      %run_scoped3A = tpu.sem_alloc : memref<!tpu.dma_semaphore, #tpu.memory_space<semaphore_mem>>
      %dma_start3A = arith.constant 0 : i32
      %dma_start3A_52 = tpu.memref_slice %arg15[%add3A_13, %dma_start3A] : memref<10240x80xf32, #tpu.memory_space<vmem_shared>> -> memref<128x80xf32, #tpu.memory_space<vmem_shared>>
      %dma_start3A_53 = arith.constant 0 : i32
      %dma_start3A_54 = tpu.memref_slice %arg15[%add3A_13, %dma_start3A_53] : memref<10240x80xf32, #tpu.memory_space<vmem_shared>> -> memref<128x80xf32, #tpu.memory_space<vmem_shared>>
      tpu.enqueue_dma source(%arg11 : memref<128x80xf32, #tpu.memory_space<vmem>>) target(%dma_start3A_54 : memref<128x80xf32, #tpu.memory_space<vmem_shared>>) target_semaphore(%run_scoped3A : memref<!tpu.dma_semaphore, #tpu.memory_space<semaphore_mem>>)
      %dma_wait3A = arith.constant 0 : i32
      %dma_wait3A_55 = tpu.memref_slice %arg15[%add3A_13, %dma_wait3A] : memref<10240x80xf32, #tpu.memory_space<vmem_shared>> -> memref<128x80xf32, #tpu.memory_space<vmem_shared>>
      %dma_wait3A_56 = arith.constant 0 : i32
      %dma_wait3A_57 = tpu.memref_slice %arg15[%add3A_13, %dma_wait3A_56] : memref<10240x80xf32, #tpu.memory_space<vmem_shared>> -> memref<128x80xf32, #tpu.memory_space<vmem_shared>>
      tpu.wait_dma2 semaphore(%run_scoped3A : memref<!tpu.dma_semaphore, #tpu.memory_space<semaphore_mem>>) src(%arg11 : memref<128x80xf32, #tpu.memory_space<vmem>>) dst(%dma_wait3A_57 : memref<128x80xf32, #tpu.memory_space<vmem_shared>>)
      tpu.yield
    }) : () -> ()
    %add3A_14 = arith.constant 512 : i32
    %add3A_15 = arith.addi %mul3A_6, %add3A_14 : i32
    "tpu.region"() ({
      %run_scoped3A = tpu.sem_alloc : memref<!tpu.dma_semaphore, #tpu.memory_space<semaphore_mem>>
      %dma_start3A = arith.constant 0 : i32
      %dma_start3A_52 = tpu.memref_slice %arg15[%add3A_15, %dma_start3A] : memref<10240x80xf32, #tpu.memory_space<vmem_shared>> -> memref<128x80xf32, #tpu.memory_space<vmem_shared>>
      %dma_start3A_53 = arith.constant 0 : i32
      %dma_start3A_54 = tpu.memref_slice %arg15[%add3A_15, %dma_start3A_53] : memref<10240x80xf32, #tpu.memory_space<vmem_shared>> -> memref<128x80xf32, #tpu.memory_space<vmem_shared>>
      tpu.enqueue_dma source(%arg11 : memref<128x80xf32, #tpu.memory_space<vmem>>) target(%dma_start3A_54 : memref<128x80xf32, #tpu.memory_space<vmem_shared>>) target_semaphore(%run_scoped3A : memref<!tpu.dma_semaphore, #tpu.memory_space<semaphore_mem>>)
      %dma_wait3A = arith.constant 0 : i32
      %dma_wait3A_55 = tpu.memref_slice %arg15[%add3A_15, %dma_wait3A] : memref<10240x80xf32, #tpu.memory_space<vmem_shared>> -> memref<128x80xf32, #tpu.memory_space<vmem_shared>>
      %dma_wait3A_56 = arith.constant 0 : i32
      %dma_wait3A_57 = tpu.memref_slice %arg15[%add3A_15, %dma_wait3A_56] : memref<10240x80xf32, #tpu.memory_space<vmem_shared>> -> memref<128x80xf32, #tpu.memory_space<vmem_shared>>
      tpu.wait_dma2 semaphore(%run_scoped3A : memref<!tpu.dma_semaphore, #tpu.memory_space<semaphore_mem>>) src(%arg11 : memref<128x80xf32, #tpu.memory_space<vmem>>) dst(%dma_wait3A_57 : memref<128x80xf32, #tpu.memory_space<vmem_shared>>)
      tpu.yield
    }) : () -> ()
    %barrier3A = arith.constant 0 : index
    tpu.barrier barrier_id(%barrier3A)
    %iota3A = tpu.iota {dimensions = array<i32: 0>} : vector<16xi32>
    %mul3A_16 = arith.constant 20736 : i32
    %mul3A_17 = arith.muli %arg1, %mul3A_16 : i32
    %mul3A_18 = arith.constant 10000 : i32
    %mul3A_19 = arith.muli %arg0, %mul3A_18 : i32
    %scan3A_20 = arith.constant 0 : i32
    %scan3A_21 = arith.constant 0 : i32
    %scan3A_22 = arith.constant 162 : i32
    %scan3A_23 = arith.addi %scan3A_21, %scan3A_22 : i32
    %scan3A_24 = arith.constant 1 : i32
    scf.for %scan3A_52 = %scan3A_21 to %scan3A_23 step %scan3A_24  : i32 {
      %mul3A_53 = arith.constant 128 : i32
      %mul3A_54 = arith.muli %scan3A_52, %mul3A_53 : i32
      %add3A_55 = arith.addi %mul3A_17, %mul3A_54 : i32
      "tpu.region"() ({
        %run_scoped3A = tpu.sem_alloc : memref<!tpu.dma_semaphore, #tpu.memory_space<semaphore_mem>>
        %dma_start3A_245 = tpu.memref_slice %arg2[%add3A_55] : memref<331776xi32, #tpu.memory_space<hbm>> -> memref<128xi32, #tpu.memory_space<hbm>>
        %dma_start3A_246 = tpu.memref_slice %arg2[%add3A_55] : memref<331776xi32, #tpu.memory_space<hbm>> -> memref<128xi32, #tpu.memory_space<hbm>>
        tpu.enqueue_dma source(%dma_start3A_246 : memref<128xi32, #tpu.memory_space<hbm>>) target(%arg12 : memref<128xi32, #tpu.memory_space<vmem>>) target_semaphore(%run_scoped3A : memref<!tpu.dma_semaphore, #tpu.memory_space<semaphore_mem>>)
        %dma_wait3A_247 = tpu.memref_slice %arg2[%add3A_55] : memref<331776xi32, #tpu.memory_space<hbm>> -> memref<128xi32, #tpu.memory_space<hbm>>
        %dma_wait3A_248 = tpu.memref_slice %arg2[%add3A_55] : memref<331776xi32, #tpu.memory_space<hbm>> -> memref<128xi32, #tpu.memory_space<hbm>>
        tpu.wait_dma2 semaphore(%run_scoped3A : memref<!tpu.dma_semaphore, #tpu.memory_space<semaphore_mem>>) src(%dma_wait3A_248 : memref<128xi32, #tpu.memory_space<hbm>>) dst(%arg12 : memref<128xi32, #tpu.memory_space<vmem>>)
        tpu.yield
      }) : () -> ()
      "tpu.region"() ({
        %run_scoped3A = tpu.sem_alloc : memref<!tpu.dma_semaphore, #tpu.memory_space<semaphore_mem>>
        %dma_start3A_245 = tpu.memref_slice %arg3[%add3A_55] : memref<331776xi32, #tpu.memory_space<hbm>> -> memref<128xi32, #tpu.memory_space<hbm>>
        %dma_start3A_246 = tpu.memref_slice %arg3[%add3A_55] : memref<331776xi32, #tpu.memory_space<hbm>> -> memref<128xi32, #tpu.memory_space<hbm>>
        tpu.enqueue_dma source(%dma_start3A_246 : memref<128xi32, #tpu.memory_space<hbm>>) target(%arg14 : memref<128xi32, #tpu.memory_space<vmem>>) target_semaphore(%run_scoped3A : memref<!tpu.dma_semaphore, #tpu.memory_space<semaphore_mem>>)
        %dma_wait3A_247 = tpu.memref_slice %arg3[%add3A_55] : memref<331776xi32, #tpu.memory_space<hbm>> -> memref<128xi32, #tpu.memory_space<hbm>>
        %dma_wait3A_248 = tpu.memref_slice %arg3[%add3A_55] : memref<331776xi32, #tpu.memory_space<hbm>> -> memref<128xi32, #tpu.memory_space<hbm>>
        tpu.wait_dma2 semaphore(%run_scoped3A : memref<!tpu.dma_semaphore, #tpu.memory_space<semaphore_mem>>) src(%dma_wait3A_248 : memref<128xi32, #tpu.memory_space<hbm>>) dst(%arg14 : memref<128xi32, #tpu.memory_space<vmem>>)
        tpu.yield
      }) : () -> ()
      %get3A = arith.constant 0 : index
      %get3A_56 = tpu.vector_load %arg12[%get3A] {strides = array<i32>} : memref<128xi32, #tpu.memory_space<vmem>>, vector<16xi32>,
      %add3A_57 = vector.broadcast %mul3A_19 : i32 to vector<16xi32>
      %add3A_58 = arith.addi %get3A_56, %add3A_57 : vector<16xi32>
      %swap3A = arith.constant 0 : index
      %swap3A_59 = tpu.vector_load %arg13[%swap3A] {strides = array<i32>} : memref<128xi32, #tpu.memory_space<vmem>>, vector<16xi32>,
      tpu.vector_store %arg13[%swap3A], %add3A_58 {strides = array<i32>} : memref<128xi32, #tpu.memory_space<vmem>>, vector<16xi32>,
      %get3A_60 = arith.constant 16 : index
      %get3A_61 = tpu.vector_load %arg12[%get3A_60] {strides = array<i32>} : memref<128xi32, #tpu.memory_space<vmem>>, vector<16xi32>,
      %add3A_62 = vector.broadcast %mul3A_19 : i32 to vector<16xi32>
      %add3A_63 = arith.addi %get3A_61, %add3A_62 : vector<16xi32>
      %swap3A_64 = arith.constant 16 : index
      %swap3A_65 = tpu.vector_load %arg13[%swap3A_64] {strides = array<i32>} : memref<128xi32, #tpu.memory_space<vmem>>, vector<16xi32>,
      tpu.vector_store %arg13[%swap3A_64], %add3A_63 {strides = array<i32>} : memref<128xi32, #tpu.memory_space<vmem>>, vector<16xi32>,
      %get3A_66 = arith.constant 32 : index
      %get3A_67 = tpu.vector_load %arg12[%get3A_66] {strides = array<i32>} : memref<128xi32, #tpu.memory_space<vmem>>, vector<16xi32>,
      %add3A_68 = vector.broadcast %mul3A_19 : i32 to vector<16xi32>
      %add3A_69 = arith.addi %get3A_67, %add3A_68 : vector<16xi32>
      %swap3A_70 = arith.constant 32 : index
      %swap3A_71 = tpu.vector_load %arg13[%swap3A_70] {strides = array<i32>} : memref<128xi32, #tpu.memory_space<vmem>>, vector<16xi32>,
      tpu.vector_store %arg13[%swap3A_70], %add3A_69 {strides = array<i32>} : memref<128xi32, #tpu.memory_space<vmem>>, vector<16xi32>,
      %get3A_72 = arith.constant 48 : index
      %get3A_73 = tpu.vector_load %arg12[%get3A_72] {strides = array<i32>} : memref<128xi32, #tpu.memory_space<vmem>>, vector<16xi32>,
      %add3A_74 = vector.broadcast %mul3A_19 : i32 to vector<16xi32>
      %add3A_75 = arith.addi %get3A_73, %add3A_74 : vector<16xi32>
      %swap3A_76 = arith.constant 48 : index
      %swap3A_77 = tpu.vector_load %arg13[%swap3A_76] {strides = array<i32>} : memref<128xi32, #tpu.memory_space<vmem>>, vector<16xi32>,
      tpu.vector_store %arg13[%swap3A_76], %add3A_75 {strides = array<i32>} : memref<128xi32, #tpu.memory_space<vmem>>, vector<16xi32>,
      %get3A_78 = arith.constant 64 : index
      %get3A_79 = tpu.vector_load %arg12[%get3A_78] {strides = array<i32>} : memref<128xi32, #tpu.memory_space<vmem>>, vector<16xi32>,
      %add3A_80 = vector.broadcast %mul3A_19 : i32 to vector<16xi32>
      %add3A_81 = arith.addi %get3A_79, %add3A_80 : vector<16xi32>
      %swap3A_82 = arith.constant 64 : index
      %swap3A_83 = tpu.vector_load %arg13[%swap3A_82] {strides = array<i32>} : memref<128xi32, #tpu.memory_space<vmem>>, vector<16xi32>,
      tpu.vector_store %arg13[%swap3A_82], %add3A_81 {strides = array<i32>} : memref<128xi32, #tpu.memory_space<vmem>>, vector<16xi32>,
      %get3A_84 = arith.constant 80 : index
      %get3A_85 = tpu.vector_load %arg12[%get3A_84] {strides = array<i32>} : memref<128xi32, #tpu.memory_space<vmem>>, vector<16xi32>,
      %add3A_86 = vector.broadcast %mul3A_19 : i32 to vector<16xi32>
      %add3A_87 = arith.addi %get3A_85, %add3A_86 : vector<16xi32>
      %swap3A_88 = arith.constant 80 : index
      %swap3A_89 = tpu.vector_load %arg13[%swap3A_88] {strides = array<i32>} : memref<128xi32, #tpu.memory_space<vmem>>, vector<16xi32>,
      tpu.vector_store %arg13[%swap3A_88], %add3A_87 {strides = array<i32>} : memref<128xi32, #tpu.memory_space<vmem>>, vector<16xi32>,
      %get3A_90 = arith.constant 96 : index
      %get3A_91 = tpu.vector_load %arg12[%get3A_90] {strides = array<i32>} : memref<128xi32, #tpu.memory_space<vmem>>, vector<16xi32>,
      %add3A_92 = vector.broadcast %mul3A_19 : i32 to vector<16xi32>
      %add3A_93 = arith.addi %get3A_91, %add3A_92 : vector<16xi32>
      %swap3A_94 = arith.constant 96 : index
      %swap3A_95 = tpu.vector_load %arg13[%swap3A_94] {strides = array<i32>} : memref<128xi32, #tpu.memory_space<vmem>>, vector<16xi32>,
      tpu.vector_store %arg13[%swap3A_94], %add3A_93 {strides = array<i32>} : memref<128xi32, #tpu.memory_space<vmem>>, vector<16xi32>,
      %get3A_96 = arith.constant 112 : index
      %get3A_97 = tpu.vector_load %arg12[%get3A_96] {strides = array<i32>} : memref<128xi32, #tpu.memory_space<vmem>>, vector<16xi32>,
      %add3A_98 = vector.broadcast %mul3A_19 : i32 to vector<16xi32>
      %add3A_99 = arith.addi %get3A_97, %add3A_98 : vector<16xi32>
      %swap3A_100 = arith.constant 112 : index
      %swap3A_101 = tpu.vector_load %arg13[%swap3A_100] {strides = array<i32>} : memref<128xi32, #tpu.memory_space<vmem>>, vector<16xi32>,
      tpu.vector_store %arg13[%swap3A_100], %add3A_99 {strides = array<i32>} : memref<128xi32, #tpu.memory_space<vmem>>, vector<16xi32>,
      %dma_start3A = arith.constant 0 : i32
      %dma_start3A_102 = arith.constant 0 : i32
      %dma_start3A_103 = tpu.memref_slice %arg4[%dma_start3A, %dma_start3A_102] : memref<20000x64xf32, #tpu.memory_space<hbm>> -> memref<20000x64xf32, #tpu.memory_space<hbm>>
      tpu.enqueue_indirect_dma source(%dma_start3A_103 : memref<20000x64xf32, #tpu.memory_space<hbm>>) target(%arg10 : memref<128x64xf32, #tpu.memory_space<vmem>>) offsets(%arg13 : memref<128xi32, #tpu.memory_space<vmem>>) semaphore(%arg16 : memref<!tpu.dma_semaphore, #tpu.memory_space<semaphore_mem>>)
      %get3A_104 = arith.constant 0 : index
      %get3A_105 = tpu.vector_load %arg12[%get3A_104] {strides = array<i32>} : memref<128xi32, #tpu.memory_space<vmem>>, vector<16xi32>,
      %get3A_106 = arith.constant 0 : index
      %get3A_107 = tpu.vector_load %arg14[%get3A_106] {strides = array<i32>} : memref<128xi32, #tpu.memory_space<vmem>>, vector<16xi32>,
      %gather3A = tpu.vector_load_idx %arg8[%get3A_105] : memref<10000xf32, #tpu.memory_space<vmem>>[vector<16xi32>], vector<16xf32>,
      %gather3A_108 = tpu.vector_load_idx %arg9[%get3A_107] : memref<10000xf32, #tpu.memory_space<vmem>>[vector<16xi32>], vector<16xf32>,
      %add3A_109 = arith.addf %gather3A, %gather3A_108 : vector<16xf32>
      %mul3A_110 = arith.constant 2.000000e-01 : f32
      %mul3A_111 = vector.broadcast %mul3A_110 : f32 to vector<16xf32>
      %mul3A_112 = arith.mulf %mul3A_111, %add3A_109 : vector<16xf32>
      %max3A = arith.maximumf %add3A_109, %mul3A_112 : vector<16xf32>
      %exp3A = math.exp %max3A : vector<16xf32>
      %add3A_113 = arith.constant 0 : i32
      %add3A_114 = vector.broadcast %add3A_113 : i32 to vector<16xi32>
      %add3A_115 = arith.addi %iota3A, %add3A_114 : vector<16xi32>
      %broadcast_in_dim3A_116 = arith.constant 64 : i32
      %broadcast_in_dim3A_117 = vector.broadcast %broadcast_in_dim3A_116 : i32 to vector<16xi32>
      tpu.vector_store_idx %arg11[%add3A_115, %broadcast_in_dim3A_117], %exp3A : memref<128x80xf32, #tpu.memory_space<vmem>>[vector<16xi32>, vector<16xi32>], vector<16xf32>,
      %get3A_118 = arith.constant 16 : index
      %get3A_119 = tpu.vector_load %arg12[%get3A_118] {strides = array<i32>} : memref<128xi32, #tpu.memory_space<vmem>>, vector<16xi32>,
      %get3A_120 = arith.constant 16 : index
      %get3A_121 = tpu.vector_load %arg14[%get3A_120] {strides = array<i32>} : memref<128xi32, #tpu.memory_space<vmem>>, vector<16xi32>,
      %gather3A_122 = tpu.vector_load_idx %arg8[%get3A_119] : memref<10000xf32, #tpu.memory_space<vmem>>[vector<16xi32>], vector<16xf32>,
      %gather3A_123 = tpu.vector_load_idx %arg9[%get3A_121] : memref<10000xf32, #tpu.memory_space<vmem>>[vector<16xi32>], vector<16xf32>,
      %add3A_124 = arith.addf %gather3A_122, %gather3A_123 : vector<16xf32>
      %mul3A_125 = arith.constant 2.000000e-01 : f32
      %mul3A_126 = vector.broadcast %mul3A_125 : f32 to vector<16xf32>
      %mul3A_127 = arith.mulf %mul3A_126, %add3A_124 : vector<16xf32>
      %max3A_128 = arith.maximumf %add3A_124, %mul3A_127 : vector<16xf32>
      %exp3A_129 = math.exp %max3A_128 : vector<16xf32>
      %add3A_130 = arith.constant 16 : i32
      %add3A_131 = vector.broadcast %add3A_130 : i32 to vector<16xi32>
      %add3A_132 = arith.addi %iota3A, %add3A_131 : vector<16xi32>
      %broadcast_in_dim3A_133 = arith.constant 64 : i32
      %broadcast_in_dim3A_134 = vector.broadcast %broadcast_in_dim3A_133 : i32 to vector<16xi32>
      tpu.vector_store_idx %arg11[%add3A_132, %broadcast_in_dim3A_134], %exp3A_129 : memref<128x80xf32, #tpu.memory_space<vmem>>[vector<16xi32>, vector<16xi32>], vector<16xf32>,
      %get3A_135 = arith.constant 32 : index
      %get3A_136 = tpu.vector_load %arg12[%get3A_135] {strides = array<i32>} : memref<128xi32, #tpu.memory_space<vmem>>, vector<16xi32>,
      %get3A_137 = arith.constant 32 : index
      %get3A_138 = tpu.vector_load %arg14[%get3A_137] {strides = array<i32>} : memref<128xi32, #tpu.memory_space<vmem>>, vector<16xi32>,
      %gather3A_139 = tpu.vector_load_idx %arg8[%get3A_136] : memref<10000xf32, #tpu.memory_space<vmem>>[vector<16xi32>], vector<16xf32>,
      %gather3A_140 = tpu.vector_load_idx %arg9[%get3A_138] : memref<10000xf32, #tpu.memory_space<vmem>>[vector<16xi32>], vector<16xf32>,
      %add3A_141 = arith.addf %gather3A_139, %gather3A_140 : vector<16xf32>
      %mul3A_142 = arith.constant 2.000000e-01 : f32
      %mul3A_143 = vector.broadcast %mul3A_142 : f32 to vector<16xf32>
      %mul3A_144 = arith.mulf %mul3A_143, %add3A_141 : vector<16xf32>
      %max3A_145 = arith.maximumf %add3A_141, %mul3A_144 : vector<16xf32>
      %exp3A_146 = math.exp %max3A_145 : vector<16xf32>
      %add3A_147 = arith.constant 32 : i32
      %add3A_148 = vector.broadcast %add3A_147 : i32 to vector<16xi32>
      %add3A_149 = arith.addi %iota3A, %add3A_148 : vector<16xi32>
      %broadcast_in_dim3A_150 = arith.constant 64 : i32
      %broadcast_in_dim3A_151 = vector.broadcast %broadcast_in_dim3A_150 : i32 to vector<16xi32>
      tpu.vector_store_idx %arg11[%add3A_149, %broadcast_in_dim3A_151], %exp3A_146 : memref<128x80xf32, #tpu.memory_space<vmem>>[vector<16xi32>, vector<16xi32>], vector<16xf32>,
      %get3A_152 = arith.constant 48 : index
      %get3A_153 = tpu.vector_load %arg12[%get3A_152] {strides = array<i32>} : memref<128xi32, #tpu.memory_space<vmem>>, vector<16xi32>,
      %get3A_154 = arith.constant 48 : index
      %get3A_155 = tpu.vector_load %arg14[%get3A_154] {strides = array<i32>} : memref<128xi32, #tpu.memory_space<vmem>>, vector<16xi32>,
      %gather3A_156 = tpu.vector_load_idx %arg8[%get3A_153] : memref<10000xf32, #tpu.memory_space<vmem>>[vector<16xi32>], vector<16xf32>,
      %gather3A_157 = tpu.vector_load_idx %arg9[%get3A_155] : memref<10000xf32, #tpu.memory_space<vmem>>[vector<16xi32>], vector<16xf32>,
      %add3A_158 = arith.addf %gather3A_156, %gather3A_157 : vector<16xf32>
      %mul3A_159 = arith.constant 2.000000e-01 : f32
      %mul3A_160 = vector.broadcast %mul3A_159 : f32 to vector<16xf32>
      %mul3A_161 = arith.mulf %mul3A_160, %add3A_158 : vector<16xf32>
      %max3A_162 = arith.maximumf %add3A_158, %mul3A_161 : vector<16xf32>
      %exp3A_163 = math.exp %max3A_162 : vector<16xf32>
      %add3A_164 = arith.constant 48 : i32
      %add3A_165 = vector.broadcast %add3A_164 : i32 to vector<16xi32>
      %add3A_166 = arith.addi %iota3A, %add3A_165 : vector<16xi32>
      %broadcast_in_dim3A_167 = arith.constant 64 : i32
      %broadcast_in_dim3A_168 = vector.broadcast %broadcast_in_dim3A_167 : i32 to vector<16xi32>
      tpu.vector_store_idx %arg11[%add3A_166, %broadcast_in_dim3A_168], %exp3A_163 : memref<128x80xf32, #tpu.memory_space<vmem>>[vector<16xi32>, vector<16xi32>], vector<16xf32>,
      %get3A_169 = arith.constant 64 : index
      %get3A_170 = tpu.vector_load %arg12[%get3A_169] {strides = array<i32>} : memref<128xi32, #tpu.memory_space<vmem>>, vector<16xi32>,
      %get3A_171 = arith.constant 64 : index
      %get3A_172 = tpu.vector_load %arg14[%get3A_171] {strides = array<i32>} : memref<128xi32, #tpu.memory_space<vmem>>, vector<16xi32>,
      %gather3A_173 = tpu.vector_load_idx %arg8[%get3A_170] : memref<10000xf32, #tpu.memory_space<vmem>>[vector<16xi32>], vector<16xf32>,
      %gather3A_174 = tpu.vector_load_idx %arg9[%get3A_172] : memref<10000xf32, #tpu.memory_space<vmem>>[vector<16xi32>], vector<16xf32>,
      %add3A_175 = arith.addf %gather3A_173, %gather3A_174 : vector<16xf32>
      %mul3A_176 = arith.constant 2.000000e-01 : f32
      %mul3A_177 = vector.broadcast %mul3A_176 : f32 to vector<16xf32>
      %mul3A_178 = arith.mulf %mul3A_177, %add3A_175 : vector<16xf32>
      %max3A_179 = arith.maximumf %add3A_175, %mul3A_178 : vector<16xf32>
      %exp3A_180 = math.exp %max3A_179 : vector<16xf32>
      %add3A_181 = arith.constant 64 : i32
      %add3A_182 = vector.broadcast %add3A_181 : i32 to vector<16xi32>
      %add3A_183 = arith.addi %iota3A, %add3A_182 : vector<16xi32>
      %broadcast_in_dim3A_184 = arith.constant 64 : i32
      %broadcast_in_dim3A_185 = vector.broadcast %broadcast_in_dim3A_184 : i32 to vector<16xi32>
      tpu.vector_store_idx %arg11[%add3A_183, %broadcast_in_dim3A_185], %exp3A_180 : memref<128x80xf32, #tpu.memory_space<vmem>>[vector<16xi32>, vector<16xi32>], vector<16xf32>,
      %get3A_186 = arith.constant 80 : index
      %get3A_187 = tpu.vector_load %arg12[%get3A_186] {strides = array<i32>} : memref<128xi32, #tpu.memory_space<vmem>>, vector<16xi32>,
      %get3A_188 = arith.constant 80 : index
      %get3A_189 = tpu.vector_load %arg14[%get3A_188] {strides = array<i32>} : memref<128xi32, #tpu.memory_space<vmem>>, vector<16xi32>,
      %gather3A_190 = tpu.vector_load_idx %arg8[%get3A_187] : memref<10000xf32, #tpu.memory_space<vmem>>[vector<16xi32>], vector<16xf32>,
      %gather3A_191 = tpu.vector_load_idx %arg9[%get3A_189] : memref<10000xf32, #tpu.memory_space<vmem>>[vector<16xi32>], vector<16xf32>,
      %add3A_192 = arith.addf %gather3A_190, %gather3A_191 : vector<16xf32>
      %mul3A_193 = arith.constant 2.000000e-01 : f32
      %mul3A_194 = vector.broadcast %mul3A_193 : f32 to vector<16xf32>
      %mul3A_195 = arith.mulf %mul3A_194, %add3A_192 : vector<16xf32>
      %max3A_196 = arith.maximumf %add3A_192, %mul3A_195 : vector<16xf32>
      %exp3A_197 = math.exp %max3A_196 : vector<16xf32>
      %add3A_198 = arith.constant 80 : i32
      %add3A_199 = vector.broadcast %add3A_198 : i32 to vector<16xi32>
      %add3A_200 = arith.addi %iota3A, %add3A_199 : vector<16xi32>
      %broadcast_in_dim3A_201 = arith.constant 64 : i32
      %broadcast_in_dim3A_202 = vector.broadcast %broadcast_in_dim3A_201 : i32 to vector<16xi32>
      tpu.vector_store_idx %arg11[%add3A_200, %broadcast_in_dim3A_202], %exp3A_197 : memref<128x80xf32, #tpu.memory_space<vmem>>[vector<16xi32>, vector<16xi32>], vector<16xf32>,
      %get3A_203 = arith.constant 96 : index
      %get3A_204 = tpu.vector_load %arg12[%get3A_203] {strides = array<i32>} : memref<128xi32, #tpu.memory_space<vmem>>, vector<16xi32>,
      %get3A_205 = arith.constant 96 : index
      %get3A_206 = tpu.vector_load %arg14[%get3A_205] {strides = array<i32>} : memref<128xi32, #tpu.memory_space<vmem>>, vector<16xi32>,
      %gather3A_207 = tpu.vector_load_idx %arg8[%get3A_204] : memref<10000xf32, #tpu.memory_space<vmem>>[vector<16xi32>], vector<16xf32>,
      %gather3A_208 = tpu.vector_load_idx %arg9[%get3A_206] : memref<10000xf32, #tpu.memory_space<vmem>>[vector<16xi32>], vector<16xf32>,
      %add3A_209 = arith.addf %gather3A_207, %gather3A_208 : vector<16xf32>
      %mul3A_210 = arith.constant 2.000000e-01 : f32
      %mul3A_211 = vector.broadcast %mul3A_210 : f32 to vector<16xf32>
      %mul3A_212 = arith.mulf %mul3A_211, %add3A_209 : vector<16xf32>
      %max3A_213 = arith.maximumf %add3A_209, %mul3A_212 : vector<16xf32>
      %exp3A_214 = math.exp %max3A_213 : vector<16xf32>
      %add3A_215 = arith.constant 96 : i32
      %add3A_216 = vector.broadcast %add3A_215 : i32 to vector<16xi32>
      %add3A_217 = arith.addi %iota3A, %add3A_216 : vector<16xi32>
      %broadcast_in_dim3A_218 = arith.constant 64 : i32
      %broadcast_in_dim3A_219 = vector.broadcast %broadcast_in_dim3A_218 : i32 to vector<16xi32>
      tpu.vector_store_idx %arg11[%add3A_217, %broadcast_in_dim3A_219], %exp3A_214 : memref<128x80xf32, #tpu.memory_space<vmem>>[vector<16xi32>, vector<16xi32>], vector<16xf32>,
      %get3A_220 = arith.constant 112 : index
      %get3A_221 = tpu.vector_load %arg12[%get3A_220] {strides = array<i32>} : memref<128xi32, #tpu.memory_space<vmem>>, vector<16xi32>,
      %get3A_222 = arith.constant 112 : index
      %get3A_223 = tpu.vector_load %arg14[%get3A_222] {strides = array<i32>} : memref<128xi32, #tpu.memory_space<vmem>>, vector<16xi32>,
      %gather3A_224 = tpu.vector_load_idx %arg8[%get3A_221] : memref<10000xf32, #tpu.memory_space<vmem>>[vector<16xi32>], vector<16xf32>,
      %gather3A_225 = tpu.vector_load_idx %arg9[%get3A_223] : memref<10000xf32, #tpu.memory_space<vmem>>[vector<16xi32>], vector<16xf32>,
      %add3A_226 = arith.addf %gather3A_224, %gather3A_225 : vector<16xf32>
      %mul3A_227 = arith.constant 2.000000e-01 : f32
      %mul3A_228 = vector.broadcast %mul3A_227 : f32 to vector<16xf32>
      %mul3A_229 = arith.mulf %mul3A_228, %add3A_226 : vector<16xf32>
      %max3A_230 = arith.maximumf %add3A_226, %mul3A_229 : vector<16xf32>
      %exp3A_231 = math.exp %max3A_230 : vector<16xf32>
      %add3A_232 = arith.constant 112 : i32
      %add3A_233 = vector.broadcast %add3A_232 : i32 to vector<16xi32>
      %add3A_234 = arith.addi %iota3A, %add3A_233 : vector<16xi32>
      %broadcast_in_dim3A_235 = arith.constant 64 : i32
      %broadcast_in_dim3A_236 = vector.broadcast %broadcast_in_dim3A_235 : i32 to vector<16xi32>
      tpu.vector_store_idx %arg11[%add3A_234, %broadcast_in_dim3A_236], %exp3A_231 : memref<128x80xf32, #tpu.memory_space<vmem>>[vector<16xi32>, vector<16xi32>], vector<16xf32>,
      %dma_wait3A = arith.constant 0 : i32
      %dma_wait3A_237 = arith.constant 0 : i32
      %dma_wait3A_238 = tpu.memref_slice %arg4[%dma_wait3A, %dma_wait3A_237] : memref<20000x64xf32, #tpu.memory_space<hbm>> -> memref<20000x64xf32, #tpu.memory_space<hbm>>
      tpu.wait_indirect_dma semaphore(%arg16 : memref<!tpu.dma_semaphore, #tpu.memory_space<semaphore_mem>>) src(%dma_wait3A_238 : memref<20000x64xf32, #tpu.memory_space<hbm>>) dst(%arg10 : memref<128x64xf32, #tpu.memory_space<vmem>>)
      %scan3A_239 = arith.constant 0 : i32
      %scan3A_240 = arith.constant 0 : i32
      %scan3A_241 = arith.constant 128 : i32
      %scan3A_242 = arith.addi %scan3A_240, %scan3A_241 : i32
      %scan3A_243 = arith.constant 1 : i32
      scf.for %scan3A_245 = %scan3A_240 to %scan3A_242 step %scan3A_243  : i32 {
        %get3A_246 = arith.index_cast %scan3A_245 : i32 to index
        %get3A_247 = arith.constant 64 : index
        %get3A_248 = tpu.vector_load %arg11[%get3A_246, %get3A_247] {strides = array<i32>} : memref<128x80xf32, #tpu.memory_space<vmem>>, vector<16xf32>,
        %slice3A = vector.extract_strided_slice %get3A_248 {offsets = [0], sizes = [1], strides = [1]} : vector<16xf32> to vector<1xf32>
        %squeeze3A = vector.extract %slice3A[0] : f32 from vector<1xf32>
        %broadcast_in_dim3A_249 = vector.broadcast %squeeze3A : f32 to vector<16xf32>
        %get3A_250 = arith.index_cast %scan3A_245 : i32 to index
        %get3A_251 = arith.constant 0 : index
        %get3A_252 = tpu.vector_load %arg10[%get3A_250, %get3A_251] {strides = array<i32>} : memref<128x64xf32, #tpu.memory_space<vmem>>, vector<16xf32>,
        %mul3A_253 = arith.mulf %get3A_252, %broadcast_in_dim3A_249 : vector<16xf32>
        %swap3A_254 = arith.index_cast %scan3A_245 : i32 to index
        %swap3A_255 = arith.constant 0 : index
        %swap3A_256 = tpu.vector_load %arg11[%swap3A_254, %swap3A_255] {strides = array<i32>} : memref<128x80xf32, #tpu.memory_space<vmem>>, vector<16xf32>,
        tpu.vector_store %arg11[%swap3A_254, %swap3A_255], %mul3A_253 {strides = array<i32>} : memref<128x80xf32, #tpu.memory_space<vmem>>, vector<16xf32>,
        %get3A_257 = arith.index_cast %scan3A_245 : i32 to index
        %get3A_258 = arith.constant 16 : index
        %get3A_259 = tpu.vector_load %arg10[%get3A_257, %get3A_258] {strides = array<i32>} : memref<128x64xf32, #tpu.memory_space<vmem>>, vector<16xf32>,
        %mul3A_260 = arith.mulf %get3A_259, %broadcast_in_dim3A_249 : vector<16xf32>
        %swap3A_261 = arith.index_cast %scan3A_245 : i32 to index
        %swap3A_262 = arith.constant 16 : index
        %swap3A_263 = tpu.vector_load %arg11[%swap3A_261, %swap3A_262] {strides = array<i32>} : memref<128x80xf32, #tpu.memory_space<vmem>>, vector<16xf32>,
        tpu.vector_store %arg11[%swap3A_261, %swap3A_262], %mul3A_260 {strides = array<i32>} : memref<128x80xf32, #tpu.memory_space<vmem>>, vector<16xf32>,
        %get3A_264 = arith.index_cast %scan3A_245 : i32 to index
        %get3A_265 = arith.constant 32 : index
        %get3A_266 = tpu.vector_load %arg10[%get3A_264, %get3A_265] {strides = array<i32>} : memref<128x64xf32, #tpu.memory_space<vmem>>, vector<16xf32>,
        %mul3A_267 = arith.mulf %get3A_266, %broadcast_in_dim3A_249 : vector<16xf32>
        %swap3A_268 = arith.index_cast %scan3A_245 : i32 to index
        %swap3A_269 = arith.constant 32 : index
        %swap3A_270 = tpu.vector_load %arg11[%swap3A_268, %swap3A_269] {strides = array<i32>} : memref<128x80xf32, #tpu.memory_space<vmem>>, vector<16xf32>,
        tpu.vector_store %arg11[%swap3A_268, %swap3A_269], %mul3A_267 {strides = array<i32>} : memref<128x80xf32, #tpu.memory_space<vmem>>, vector<16xf32>,
        %get3A_271 = arith.index_cast %scan3A_245 : i32 to index
        %get3A_272 = arith.constant 48 : index
        %get3A_273 = tpu.vector_load %arg10[%get3A_271, %get3A_272] {strides = array<i32>} : memref<128x64xf32, #tpu.memory_space<vmem>>, vector<16xf32>,
        %mul3A_274 = arith.mulf %get3A_273, %broadcast_in_dim3A_249 : vector<16xf32>
        %swap3A_275 = arith.index_cast %scan3A_245 : i32 to index
        %swap3A_276 = arith.constant 48 : index
        %swap3A_277 = tpu.vector_load %arg11[%swap3A_275, %swap3A_276] {strides = array<i32>} : memref<128x80xf32, #tpu.memory_space<vmem>>, vector<16xf32>,
        tpu.vector_store %arg11[%swap3A_275, %swap3A_276], %mul3A_274 {strides = array<i32>} : memref<128x80xf32, #tpu.memory_space<vmem>>, vector<16xf32>,
      }
      %scan3A_244 = arith.constant 128 : i32
      "tpu.region"() ({
        %run_scoped3A = tpu.sem_alloc : memref<!tpu.dma_semaphore, #tpu.memory_space<semaphore_mem>>
        %dma_start3A_245 = arith.constant 0 : i32
        %dma_start3A_246 = arith.constant 0 : i32
        %dma_start3A_247 = tpu.memref_slice %arg15[%dma_start3A_245, %dma_start3A_246] : memref<10240x80xf32, #tpu.memory_space<vmem_shared>> -> memref<10240x80xf32, #tpu.memory_space<vmem_shared>>
        tpu.enqueue_indirect_dma source(%arg11 : memref<128x80xf32, #tpu.memory_space<vmem>>) target(%dma_start3A_247 : memref<10240x80xf32, #tpu.memory_space<vmem_shared>>) offsets(%arg14 : memref<128xi32, #tpu.memory_space<vmem>>) semaphore(%run_scoped3A : memref<!tpu.dma_semaphore, #tpu.memory_space<semaphore_mem>>) {add = true}
        %dma_wait3A_248 = arith.constant 0 : i32
        %dma_wait3A_249 = arith.constant 0 : i32
        %dma_wait3A_250 = tpu.memref_slice %arg15[%dma_wait3A_248, %dma_wait3A_249] : memref<10240x80xf32, #tpu.memory_space<vmem_shared>> -> memref<10240x80xf32, #tpu.memory_space<vmem_shared>>
        tpu.wait_indirect_dma semaphore(%run_scoped3A : memref<!tpu.dma_semaphore, #tpu.memory_space<semaphore_mem>>) src(%arg11 : memref<128x80xf32, #tpu.memory_space<vmem>>) dst(%dma_wait3A_250 : memref<10240x80xf32, #tpu.memory_space<vmem_shared>>)
        tpu.yield
      }) : () -> ()
    }
    %scan3A_25 = arith.constant 162 : i32
    %barrier3A_26 = arith.constant 0 : index
    tpu.barrier barrier_id(%barrier3A_26)
    %add3A_27 = arith.constant 0 : i32
    %add3A_28 = arith.addi %mul3A_6, %add3A_27 : i32
    "tpu.region"() ({
      %run_scoped3A = tpu.sem_alloc : memref<!tpu.dma_semaphore, #tpu.memory_space<semaphore_mem>>
      %dma_start3A = arith.constant 0 : i32
      %dma_start3A_52 = tpu.memref_slice %arg15[%add3A_28, %dma_start3A] : memref<10240x80xf32, #tpu.memory_space<vmem_shared>> -> memref<128x80xf32, #tpu.memory_space<vmem_shared>>
      %dma_start3A_53 = arith.constant 0 : i32
      %dma_start3A_54 = tpu.memref_slice %arg15[%add3A_28, %dma_start3A_53] : memref<10240x80xf32, #tpu.memory_space<vmem_shared>> -> memref<128x80xf32, #tpu.memory_space<vmem_shared>>
      tpu.enqueue_dma source(%dma_start3A_54 : memref<128x80xf32, #tpu.memory_space<vmem_shared>>) target(%arg11 : memref<128x80xf32, #tpu.memory_space<vmem>>) target_semaphore(%run_scoped3A : memref<!tpu.dma_semaphore, #tpu.memory_space<semaphore_mem>>)
      %dma_wait3A = arith.constant 0 : i32
      %dma_wait3A_55 = tpu.memref_slice %arg15[%add3A_28, %dma_wait3A] : memref<10240x80xf32, #tpu.memory_space<vmem_shared>> -> memref<128x80xf32, #tpu.memory_space<vmem_shared>>
      %dma_wait3A_56 = arith.constant 0 : i32
      %dma_wait3A_57 = tpu.memref_slice %arg15[%add3A_28, %dma_wait3A_56] : memref<10240x80xf32, #tpu.memory_space<vmem_shared>> -> memref<128x80xf32, #tpu.memory_space<vmem_shared>>
      tpu.wait_dma2 semaphore(%run_scoped3A : memref<!tpu.dma_semaphore, #tpu.memory_space<semaphore_mem>>) src(%dma_wait3A_57 : memref<128x80xf32, #tpu.memory_space<vmem_shared>>) dst(%arg11 : memref<128x80xf32, #tpu.memory_space<vmem>>)
      tpu.yield
    }) : () -> ()
    %mul3A_29 = arith.constant 10240 : i32
    %mul3A_30 = arith.muli %arg0, %mul3A_29 : i32
    %add3A_31 = arith.addi %mul3A_30, %add3A_28 : i32
    "tpu.region"() ({
      %run_scoped3A = tpu.sem_alloc : memref<!tpu.dma_semaphore, #tpu.memory_space<semaphore_mem>>
      %dma_start3A = arith.constant 0 : i32
      %dma_start3A_52 = tpu.memref_slice %arg7[%add3A_31, %dma_start3A] : memref<20480x80xf32, #tpu.memory_space<hbm>> -> memref<128x80xf32, #tpu.memory_space<hbm>>
      %dma_start3A_53 = arith.constant 0 : i32
      %dma_start3A_54 = tpu.memref_slice %arg7[%add3A_31, %dma_start3A_53] : memref<20480x80xf32, #tpu.memory_space<hbm>> -> memref<128x80xf32, #tpu.memory_space<hbm>>
      tpu.enqueue_dma source(%arg11 : memref<128x80xf32, #tpu.memory_space<vmem>>) target(%dma_start3A_54 : memref<128x80xf32, #tpu.memory_space<hbm>>) target_semaphore(%run_scoped3A : memref<!tpu.dma_semaphore, #tpu.memory_space<semaphore_mem>>)
      %dma_wait3A = arith.constant 0 : i32
      %dma_wait3A_55 = tpu.memref_slice %arg7[%add3A_31, %dma_wait3A] : memref<20480x80xf32, #tpu.memory_space<hbm>> -> memref<128x80xf32, #tpu.memory_space<hbm>>
      %dma_wait3A_56 = arith.constant 0 : i32
      %dma_wait3A_57 = tpu.memref_slice %arg7[%add3A_31, %dma_wait3A_56] : memref<20480x80xf32, #tpu.memory_space<hbm>> -> memref<128x80xf32, #tpu.memory_space<hbm>>
      tpu.wait_dma2 semaphore(%run_scoped3A : memref<!tpu.dma_semaphore, #tpu.memory_space<semaphore_mem>>) src(%arg11 : memref<128x80xf32, #tpu.memory_space<vmem>>) dst(%dma_wait3A_57 : memref<128x80xf32, #tpu.memory_space<hbm>>)
      tpu.yield
    }) : () -> ()
    %add3A_32 = arith.constant 128 : i32
    %add3A_33 = arith.addi %mul3A_6, %add3A_32 : i32
    "tpu.region"() ({
      %run_scoped3A = tpu.sem_alloc : memref<!tpu.dma_semaphore, #tpu.memory_space<semaphore_mem>>
      %dma_start3A = arith.constant 0 : i32
      %dma_start3A_52 = tpu.memref_slice %arg15[%add3A_33, %dma_start3A] : memref<10240x80xf32, #tpu.memory_space<vmem_shared>> -> memref<128x80xf32, #tpu.memory_space<vmem_shared>>
      %dma_start3A_53 = arith.constant 0 : i32
      %dma_start3A_54 = tpu.memref_slice %arg15[%add3A_33, %dma_start3A_53] : memref<10240x80xf32, #tpu.memory_space<vmem_shared>> -> memref<128x80xf32, #tpu.memory_space<vmem_shared>>
      tpu.enqueue_dma source(%dma_start3A_54 : memref<128x80xf32, #tpu.memory_space<vmem_shared>>) target(%arg11 : memref<128x80xf32, #tpu.memory_space<vmem>>) target_semaphore(%run_scoped3A : memref<!tpu.dma_semaphore, #tpu.memory_space<semaphore_mem>>)
      %dma_wait3A = arith.constant 0 : i32
      %dma_wait3A_55 = tpu.memref_slice %arg15[%add3A_33, %dma_wait3A] : memref<10240x80xf32, #tpu.memory_space<vmem_shared>> -> memref<128x80xf32, #tpu.memory_space<vmem_shared>>
      %dma_wait3A_56 = arith.constant 0 : i32
      %dma_wait3A_57 = tpu.memref_slice %arg15[%add3A_33, %dma_wait3A_56] : memref<10240x80xf32, #tpu.memory_space<vmem_shared>> -> memref<128x80xf32, #tpu.memory_space<vmem_shared>>
      tpu.wait_dma2 semaphore(%run_scoped3A : memref<!tpu.dma_semaphore, #tpu.memory_space<semaphore_mem>>) src(%dma_wait3A_57 : memref<128x80xf32, #tpu.memory_space<vmem_shared>>) dst(%arg11 : memref<128x80xf32, #tpu.memory_space<vmem>>)
      tpu.yield
    }) : () -> ()
    %mul3A_34 = arith.constant 10240 : i32
    %mul3A_35 = arith.muli %arg0, %mul3A_34 : i32
    %add3A_36 = arith.addi %mul3A_35, %add3A_33 : i32
    "tpu.region"() ({
      %run_scoped3A = tpu.sem_alloc : memref<!tpu.dma_semaphore, #tpu.memory_space<semaphore_mem>>
      %dma_start3A = arith.constant 0 : i32
      %dma_start3A_52 = tpu.memref_slice %arg7[%add3A_36, %dma_start3A] : memref<20480x80xf32, #tpu.memory_space<hbm>> -> memref<128x80xf32, #tpu.memory_space<hbm>>
      %dma_start3A_53 = arith.constant 0 : i32
      %dma_start3A_54 = tpu.memref_slice %arg7[%add3A_36, %dma_start3A_53] : memref<20480x80xf32, #tpu.memory_space<hbm>> -> memref<128x80xf32, #tpu.memory_space<hbm>>
      tpu.enqueue_dma source(%arg11 : memref<128x80xf32, #tpu.memory_space<vmem>>) target(%dma_start3A_54 : memref<128x80xf32, #tpu.memory_space<hbm>>) target_semaphore(%run_scoped3A : memref<!tpu.dma_semaphore, #tpu.memory_space<semaphore_mem>>)
      %dma_wait3A = arith.constant 0 : i32
      %dma_wait3A_55 = tpu.memref_slice %arg7[%add3A_36, %dma_wait3A] : memref<20480x80xf32, #tpu.memory_space<hbm>> -> memref<128x80xf32, #tpu.memory_space<hbm>>
      %dma_wait3A_56 = arith.constant 0 : i32
      %dma_wait3A_57 = tpu.memref_slice %arg7[%add3A_36, %dma_wait3A_56] : memref<20480x80xf32, #tpu.memory_space<hbm>> -> memref<128x80xf32, #tpu.memory_space<hbm>>
      tpu.wait_dma2 semaphore(%run_scoped3A : memref<!tpu.dma_semaphore, #tpu.memory_space<semaphore_mem>>) src(%arg11 : memref<128x80xf32, #tpu.memory_space<vmem>>) dst(%dma_wait3A_57 : memref<128x80xf32, #tpu.memory_space<hbm>>)
      tpu.yield
    }) : () -> ()
    %add3A_37 = arith.constant 256 : i32
    %add3A_38 = arith.addi %mul3A_6, %add3A_37 : i32
    "tpu.region"() ({
      %run_scoped3A = tpu.sem_alloc : memref<!tpu.dma_semaphore, #tpu.memory_space<semaphore_mem>>
      %dma_start3A = arith.constant 0 : i32
      %dma_start3A_52 = tpu.memref_slice %arg15[%add3A_38, %dma_start3A] : memref<10240x80xf32, #tpu.memory_space<vmem_shared>> -> memref<128x80xf32, #tpu.memory_space<vmem_shared>>
      %dma_start3A_53 = arith.constant 0 : i32
      %dma_start3A_54 = tpu.memref_slice %arg15[%add3A_38, %dma_start3A_53] : memref<10240x80xf32, #tpu.memory_space<vmem_shared>> -> memref<128x80xf32, #tpu.memory_space<vmem_shared>>
      tpu.enqueue_dma source(%dma_start3A_54 : memref<128x80xf32, #tpu.memory_space<vmem_shared>>) target(%arg11 : memref<128x80xf32, #tpu.memory_space<vmem>>) target_semaphore(%run_scoped3A : memref<!tpu.dma_semaphore, #tpu.memory_space<semaphore_mem>>)
      %dma_wait3A = arith.constant 0 : i32
      %dma_wait3A_55 = tpu.memref_slice %arg15[%add3A_38, %dma_wait3A] : memref<10240x80xf32, #tpu.memory_space<vmem_shared>> -> memref<128x80xf32, #tpu.memory_space<vmem_shared>>
      %dma_wait3A_56 = arith.constant 0 : i32
      %dma_wait3A_57 = tpu.memref_slice %arg15[%add3A_38, %dma_wait3A_56] : memref<10240x80xf32, #tpu.memory_space<vmem_shared>> -> memref<128x80xf32, #tpu.memory_space<vmem_shared>>
      tpu.wait_dma2 semaphore(%run_scoped3A : memref<!tpu.dma_semaphore, #tpu.memory_space<semaphore_mem>>) src(%dma_wait3A_57 : memref<128x80xf32, #tpu.memory_space<vmem_shared>>) dst(%arg11 : memref<128x80xf32, #tpu.memory_space<vmem>>)
      tpu.yield
    }) : () -> ()
    %mul3A_39 = arith.constant 10240 : i32
    %mul3A_40 = arith.muli %arg0, %mul3A_39 : i32
    %add3A_41 = arith.addi %mul3A_40, %add3A_38 : i32
    "tpu.region"() ({
      %run_scoped3A = tpu.sem_alloc : memref<!tpu.dma_semaphore, #tpu.memory_space<semaphore_mem>>
      %dma_start3A = arith.constant 0 : i32
      %dma_start3A_52 = tpu.memref_slice %arg7[%add3A_41, %dma_start3A] : memref<20480x80xf32, #tpu.memory_space<hbm>> -> memref<128x80xf32, #tpu.memory_space<hbm>>
      %dma_start3A_53 = arith.constant 0 : i32
      %dma_start3A_54 = tpu.memref_slice %arg7[%add3A_41, %dma_start3A_53] : memref<20480x80xf32, #tpu.memory_space<hbm>> -> memref<128x80xf32, #tpu.memory_space<hbm>>
      tpu.enqueue_dma source(%arg11 : memref<128x80xf32, #tpu.memory_space<vmem>>) target(%dma_start3A_54 : memref<128x80xf32, #tpu.memory_space<hbm>>) target_semaphore(%run_scoped3A : memref<!tpu.dma_semaphore, #tpu.memory_space<semaphore_mem>>)
      %dma_wait3A = arith.constant 0 : i32
      %dma_wait3A_55 = tpu.memref_slice %arg7[%add3A_41, %dma_wait3A] : memref<20480x80xf32, #tpu.memory_space<hbm>> -> memref<128x80xf32, #tpu.memory_space<hbm>>
      %dma_wait3A_56 = arith.constant 0 : i32
      %dma_wait3A_57 = tpu.memref_slice %arg7[%add3A_41, %dma_wait3A_56] : memref<20480x80xf32, #tpu.memory_space<hbm>> -> memref<128x80xf32, #tpu.memory_space<hbm>>
      tpu.wait_dma2 semaphore(%run_scoped3A : memref<!tpu.dma_semaphore, #tpu.memory_space<semaphore_mem>>) src(%arg11 : memref<128x80xf32, #tpu.memory_space<vmem>>) dst(%dma_wait3A_57 : memref<128x80xf32, #tpu.memory_space<hbm>>)
      tpu.yield
    }) : () -> ()
    %add3A_42 = arith.constant 384 : i32
    %add3A_43 = arith.addi %mul3A_6, %add3A_42 : i32
    "tpu.region"() ({
      %run_scoped3A = tpu.sem_alloc : memref<!tpu.dma_semaphore, #tpu.memory_space<semaphore_mem>>
      %dma_start3A = arith.constant 0 : i32
      %dma_start3A_52 = tpu.memref_slice %arg15[%add3A_43, %dma_start3A] : memref<10240x80xf32, #tpu.memory_space<vmem_shared>> -> memref<128x80xf32, #tpu.memory_space<vmem_shared>>
      %dma_start3A_53 = arith.constant 0 : i32
      %dma_start3A_54 = tpu.memref_slice %arg15[%add3A_43, %dma_start3A_53] : memref<10240x80xf32, #tpu.memory_space<vmem_shared>> -> memref<128x80xf32, #tpu.memory_space<vmem_shared>>
      tpu.enqueue_dma source(%dma_start3A_54 : memref<128x80xf32, #tpu.memory_space<vmem_shared>>) target(%arg11 : memref<128x80xf32, #tpu.memory_space<vmem>>) target_semaphore(%run_scoped3A : memref<!tpu.dma_semaphore, #tpu.memory_space<semaphore_mem>>)
      %dma_wait3A = arith.constant 0 : i32
      %dma_wait3A_55 = tpu.memref_slice %arg15[%add3A_43, %dma_wait3A] : memref<10240x80xf32, #tpu.memory_space<vmem_shared>> -> memref<128x80xf32, #tpu.memory_space<vmem_shared>>
      %dma_wait3A_56 = arith.constant 0 : i32
      %dma_wait3A_57 = tpu.memref_slice %arg15[%add3A_43, %dma_wait3A_56] : memref<10240x80xf32, #tpu.memory_space<vmem_shared>> -> memref<128x80xf32, #tpu.memory_space<vmem_shared>>
      tpu.wait_dma2 semaphore(%run_scoped3A : memref<!tpu.dma_semaphore, #tpu.memory_space<semaphore_mem>>) src(%dma_wait3A_57 : memref<128x80xf32, #tpu.memory_space<vmem_shared>>) dst(%arg11 : memref<128x80xf32, #tpu.memory_space<vmem>>)
      tpu.yield
    }) : () -> ()
    %mul3A_44 = arith.constant 10240 : i32
    %mul3A_45 = arith.muli %arg0, %mul3A_44 : i32
    %add3A_46 = arith.addi %mul3A_45, %add3A_43 : i32
    "tpu.region"() ({
      %run_scoped3A = tpu.sem_alloc : memref<!tpu.dma_semaphore, #tpu.memory_space<semaphore_mem>>
      %dma_start3A = arith.constant 0 : i32
      %dma_start3A_52 = tpu.memref_slice %arg7[%add3A_46, %dma_start3A] : memref<20480x80xf32, #tpu.memory_space<hbm>> -> memref<128x80xf32, #tpu.memory_space<hbm>>
      %dma_start3A_53 = arith.constant 0 : i32
      %dma_start3A_54 = tpu.memref_slice %arg7[%add3A_46, %dma_start3A_53] : memref<20480x80xf32, #tpu.memory_space<hbm>> -> memref<128x80xf32, #tpu.memory_space<hbm>>
      tpu.enqueue_dma source(%arg11 : memref<128x80xf32, #tpu.memory_space<vmem>>) target(%dma_start3A_54 : memref<128x80xf32, #tpu.memory_space<hbm>>) target_semaphore(%run_scoped3A : memref<!tpu.dma_semaphore, #tpu.memory_space<semaphore_mem>>)
      %dma_wait3A = arith.constant 0 : i32
      %dma_wait3A_55 = tpu.memref_slice %arg7[%add3A_46, %dma_wait3A] : memref<20480x80xf32, #tpu.memory_space<hbm>> -> memref<128x80xf32, #tpu.memory_space<hbm>>
      %dma_wait3A_56 = arith.constant 0 : i32
      %dma_wait3A_57 = tpu.memref_slice %arg7[%add3A_46, %dma_wait3A_56] : memref<20480x80xf32, #tpu.memory_space<hbm>> -> memref<128x80xf32, #tpu.memory_space<hbm>>
      tpu.wait_dma2 semaphore(%run_scoped3A : memref<!tpu.dma_semaphore, #tpu.memory_space<semaphore_mem>>) src(%arg11 : memref<128x80xf32, #tpu.memory_space<vmem>>) dst(%dma_wait3A_57 : memref<128x80xf32, #tpu.memory_space<hbm>>)
      tpu.yield
    }) : () -> ()
    %add3A_47 = arith.constant 512 : i32
    %add3A_48 = arith.addi %mul3A_6, %add3A_47 : i32
    "tpu.region"() ({
      %run_scoped3A = tpu.sem_alloc : memref<!tpu.dma_semaphore, #tpu.memory_space<semaphore_mem>>
      %dma_start3A = arith.constant 0 : i32
      %dma_start3A_52 = tpu.memref_slice %arg15[%add3A_48, %dma_start3A] : memref<10240x80xf32, #tpu.memory_space<vmem_shared>> -> memref<128x80xf32, #tpu.memory_space<vmem_shared>>
      %dma_start3A_53 = arith.constant 0 : i32
      %dma_start3A_54 = tpu.memref_slice %arg15[%add3A_48, %dma_start3A_53] : memref<10240x80xf32, #tpu.memory_space<vmem_shared>> -> memref<128x80xf32, #tpu.memory_space<vmem_shared>>
      tpu.enqueue_dma source(%dma_start3A_54 : memref<128x80xf32, #tpu.memory_space<vmem_shared>>) target(%arg11 : memref<128x80xf32, #tpu.memory_space<vmem>>) target_semaphore(%run_scoped3A : memref<!tpu.dma_semaphore, #tpu.memory_space<semaphore_mem>>)
      %dma_wait3A = arith.constant 0 : i32
      %dma_wait3A_55 = tpu.memref_slice %arg15[%add3A_48, %dma_wait3A] : memref<10240x80xf32, #tpu.memory_space<vmem_shared>> -> memref<128x80xf32, #tpu.memory_space<vmem_shared>>
      %dma_wait3A_56 = arith.constant 0 : i32
      %dma_wait3A_57 = tpu.memref_slice %arg15[%add3A_48, %dma_wait3A_56] : memref<10240x80xf32, #tpu.memory_space<vmem_shared>> -> memref<128x80xf32, #tpu.memory_space<vmem_shared>>
      tpu.wait_dma2 semaphore(%run_scoped3A : memref<!tpu.dma_semaphore, #tpu.memory_space<semaphore_mem>>) src(%dma_wait3A_57 : memref<128x80xf32, #tpu.memory_space<vmem_shared>>) dst(%arg11 : memref<128x80xf32, #tpu.memory_space<vmem>>)
      tpu.yield
    }) : () -> ()
    %mul3A_49 = arith.constant 10240 : i32
    %mul3A_50 = arith.muli %arg0, %mul3A_49 : i32
    %add3A_51 = arith.addi %mul3A_50, %add3A_48 : i32
    "tpu.region"() ({
      %run_scoped3A = tpu.sem_alloc : memref<!tpu.dma_semaphore, #tpu.memory_space<semaphore_mem>>
      %dma_start3A = arith.constant 0 : i32
      %dma_start3A_52 = tpu.memref_slice %arg7[%add3A_51, %dma_start3A] : memref<20480x80xf32, #tpu.memory_space<hbm>> -> memref<128x80xf32, #tpu.memory_space<hbm>>
      %dma_start3A_53 = arith.constant 0 : i32
      %dma_start3A_54 = tpu.memref_slice %arg7[%add3A_51, %dma_start3A_53] : memref<20480x80xf32, #tpu.memory_space<hbm>> -> memref<128x80xf32, #tpu.memory_space<hbm>>
      tpu.enqueue_dma source(%arg11 : memref<128x80xf32, #tpu.memory_space<vmem>>) target(%dma_start3A_54 : memref<128x80xf32, #tpu.memory_space<hbm>>) target_semaphore(%run_scoped3A : memref<!tpu.dma_semaphore, #tpu.memory_space<semaphore_mem>>)
      %dma_wait3A = arith.constant 0 : i32
      %dma_wait3A_55 = tpu.memref_slice %arg7[%add3A_51, %dma_wait3A] : memref<20480x80xf32, #tpu.memory_space<hbm>> -> memref<128x80xf32, #tpu.memory_space<hbm>>
      %dma_wait3A_56 = arith.constant 0 : i32
      %dma_wait3A_57 = tpu.memref_slice %arg7[%add3A_51, %dma_wait3A_56] : memref<20480x80xf32, #tpu.memory_space<hbm>> -> memref<128x80xf32, #tpu.memory_space<hbm>>
      tpu.wait_dma2 semaphore(%run_scoped3A : memref<!tpu.dma_semaphore, #tpu.memory_space<semaphore_mem>>) src(%arg11 : memref<128x80xf32, #tpu.memory_space<vmem>>) dst(%dma_wait3A_57 : memref<128x80xf32, #tpu.memory_space<hbm>>)
      tpu.yield
    }) : () -> ()
    return
  }
}

#map = affine_map<(d0, d1) -> (0)>
#map1 = affine_map<(d0, d1) -> (0, 0)>
module attributes {stable_mosaic.version = 14 : i64} {
  func.func @_edge_body(%arg0: i32, %arg1: i32, %arg2: memref<331776xi32, #tpu.memory_space<hbm>>, %arg3: memref<331776xi32, #tpu.memory_space<hbm>>, %arg4: memref<20000x64xf32, #tpu.memory_space<hbm>>, %arg5: memref<2x10000xf32, #tpu.memory_space<hbm>>, %arg6: memref<2x10000xf32, #tpu.memory_space<hbm>>, %arg7: memref<20480x80xf32, #tpu.memory_space<hbm>>, %arg8: memref<10000xf32, #tpu.memory_space<vmem>>, %arg9: memref<10000xf32, #tpu.memory_space<vmem>>, %arg10: memref<128x64xf32, #tpu.memory_space<vmem>>, %arg11: memref<128x80xf32, #tpu.memory_space<vmem>>, %arg12: memref<128xi32, #tpu.memory_space<vmem>>, %arg13: memref<128xi32, #tpu.memory_space<vmem>>, %arg14: memref<128xi32, #tpu.memory_space<vmem>>, %arg15: memref<10240x80xf32, #tpu.memory_space<vmem_shared>>, %arg16: memref<!tpu.dma_semaphore, #tpu.memory_space<semaphore_mem>>) attributes {dimension_semantics = [#tpu.dimension_semantics<core_parallel>, #tpu.dimension_semantics<subcore_parallel>], iteration_bounds = array<i64: 2, 16>, scalar_prefetch = 0 : i64, scratch_operands = 9 : i64, tpu.core_type = #tpu.core_type<sc_vector_subcore>, window_params = [{transform_indices = #map}, {transform_indices = #map}, {transform_indices = #map1}, {transform_indices = #map1}, {transform_indices = #map1}, {transform_indices = #map1}]} {
    %broadcast_in_dim3A = arith.constant 0.000000e+00 : f32
    %broadcast_in_dim3A_0 = vector.broadcast %broadcast_in_dim3A : f32 to vector<16xf32>
    "tpu.region"() ({
      %run_scoped3A = tpu.sem_alloc : memref<!tpu.dma_semaphore, #tpu.memory_space<semaphore_mem>>
      %dma_start3A = arith.constant 0 : i32
      %dma_start3A_52 = tpu.memref_slice %arg5[%arg0, %dma_start3A] : memref<2x10000xf32, #tpu.memory_space<hbm>> -> memref<1x10000xf32, #tpu.memory_space<hbm>>
      %dma_start3A_53 = tpu.memref_squeeze %dma_start3A_52 : memref<1x10000xf32, #tpu.memory_space<hbm>> -> memref<10000xf32, #tpu.memory_space<hbm>>
      %dma_start3A_54 = arith.constant 0 : i32
      %dma_start3A_55 = tpu.memref_slice %arg5[%arg0, %dma_start3A_54] : memref<2x10000xf32, #tpu.memory_space<hbm>> -> memref<1x10000xf32, #tpu.memory_space<hbm>>
      %dma_start3A_56 = tpu.memref_squeeze %dma_start3A_55 : memref<1x10000xf32, #tpu.memory_space<hbm>> -> memref<10000xf32, #tpu.memory_space<hbm>>
      tpu.enqueue_dma source(%dma_start3A_56 : memref<10000xf32, #tpu.memory_space<hbm>>) target(%arg8 : memref<10000xf32, #tpu.memory_space<vmem>>) target_semaphore(%run_scoped3A : memref<!tpu.dma_semaphore, #tpu.memory_space<semaphore_mem>>)
      %dma_wait3A = arith.constant 0 : i32
      %dma_wait3A_57 = tpu.memref_slice %arg5[%arg0, %dma_wait3A] : memref<2x10000xf32, #tpu.memory_space<hbm>> -> memref<1x10000xf32, #tpu.memory_space<hbm>>
      %dma_wait3A_58 = tpu.memref_squeeze %dma_wait3A_57 : memref<1x10000xf32, #tpu.memory_space<hbm>> -> memref<10000xf32, #tpu.memory_space<hbm>>
      %dma_wait3A_59 = arith.constant 0 : i32
      %dma_wait3A_60 = tpu.memref_slice %arg5[%arg0, %dma_wait3A_59] : memref<2x10000xf32, #tpu.memory_space<hbm>> -> memref<1x10000xf32, #tpu.memory_space<hbm>>
      %dma_wait3A_61 = tpu.memref_squeeze %dma_wait3A_60 : memref<1x10000xf32, #tpu.memory_space<hbm>> -> memref<10000xf32, #tpu.memory_space<hbm>>
      tpu.wait_dma2 semaphore(%run_scoped3A : memref<!tpu.dma_semaphore, #tpu.memory_space<semaphore_mem>>) src(%dma_wait3A_61 : memref<10000xf32, #tpu.memory_space<hbm>>) dst(%arg8 : memref<10000xf32, #tpu.memory_space<vmem>>)
      tpu.yield
    }) : () -> ()
    "tpu.region"() ({
      %run_scoped3A = tpu.sem_alloc : memref<!tpu.dma_semaphore, #tpu.memory_space<semaphore_mem>>
      %dma_start3A = arith.constant 0 : i32
      %dma_start3A_52 = tpu.memref_slice %arg6[%arg0, %dma_start3A] : memref<2x10000xf32, #tpu.memory_space<hbm>> -> memref<1x10000xf32, #tpu.memory_space<hbm>>
      %dma_start3A_53 = tpu.memref_squeeze %dma_start3A_52 : memref<1x10000xf32, #tpu.memory_space<hbm>> -> memref<10000xf32, #tpu.memory_space<hbm>>
      %dma_start3A_54 = arith.constant 0 : i32
      %dma_start3A_55 = tpu.memref_slice %arg6[%arg0, %dma_start3A_54] : memref<2x10000xf32, #tpu.memory_space<hbm>> -> memref<1x10000xf32, #tpu.memory_space<hbm>>
      %dma_start3A_56 = tpu.memref_squeeze %dma_start3A_55 : memref<1x10000xf32, #tpu.memory_space<hbm>> -> memref<10000xf32, #tpu.memory_space<hbm>>
      tpu.enqueue_dma source(%dma_start3A_56 : memref<10000xf32, #tpu.memory_space<hbm>>) target(%arg9 : memref<10000xf32, #tpu.memory_space<vmem>>) target_semaphore(%run_scoped3A : memref<!tpu.dma_semaphore, #tpu.memory_space<semaphore_mem>>)
      %dma_wait3A = arith.constant 0 : i32
      %dma_wait3A_57 = tpu.memref_slice %arg6[%arg0, %dma_wait3A] : memref<2x10000xf32, #tpu.memory_space<hbm>> -> memref<1x10000xf32, #tpu.memory_space<hbm>>
      %dma_wait3A_58 = tpu.memref_squeeze %dma_wait3A_57 : memref<1x10000xf32, #tpu.memory_space<hbm>> -> memref<10000xf32, #tpu.memory_space<hbm>>
      %dma_wait3A_59 = arith.constant 0 : i32
      %dma_wait3A_60 = tpu.memref_slice %arg6[%arg0, %dma_wait3A_59] : memref<2x10000xf32, #tpu.memory_space<hbm>> -> memref<1x10000xf32, #tpu.memory_space<hbm>>
      %dma_wait3A_61 = tpu.memref_squeeze %dma_wait3A_60 : memref<1x10000xf32, #tpu.memory_space<hbm>> -> memref<10000xf32, #tpu.memory_space<hbm>>
      tpu.wait_dma2 semaphore(%run_scoped3A : memref<!tpu.dma_semaphore, #tpu.memory_space<semaphore_mem>>) src(%dma_wait3A_61 : memref<10000xf32, #tpu.memory_space<hbm>>) dst(%arg9 : memref<10000xf32, #tpu.memory_space<vmem>>)
      tpu.yield
    }) : () -> ()
    %scan3A = arith.constant 0 : i32
    %scan3A_1 = arith.constant 0 : i32
    %scan3A_2 = arith.constant 128 : i32
    %scan3A_3 = arith.addi %scan3A_1, %scan3A_2 : i32
    %scan3A_4 = arith.constant 1 : i32
    scf.for %scan3A_52 = %scan3A_1 to %scan3A_3 step %scan3A_4  : i32 {
      %swap3A = arith.index_cast %scan3A_52 : i32 to index
      %swap3A_53 = arith.constant 0 : index
      %swap3A_54 = tpu.vector_load %arg11[%swap3A, %swap3A_53] {strides = array<i32>} : memref<128x80xf32, #tpu.memory_space<vmem>>, vector<16xf32>,
      tpu.vector_store %arg11[%swap3A, %swap3A_53], %broadcast_in_dim3A_0 {strides = array<i32>} : memref<128x80xf32, #tpu.memory_space<vmem>>, vector<16xf32>,
      %swap3A_55 = arith.index_cast %scan3A_52 : i32 to index
      %swap3A_56 = arith.constant 16 : index
      %swap3A_57 = tpu.vector_load %arg11[%swap3A_55, %swap3A_56] {strides = array<i32>} : memref<128x80xf32, #tpu.memory_space<vmem>>, vector<16xf32>,
      tpu.vector_store %arg11[%swap3A_55, %swap3A_56], %broadcast_in_dim3A_0 {strides = array<i32>} : memref<128x80xf32, #tpu.memory_space<vmem>>, vector<16xf32>,
      %swap3A_58 = arith.index_cast %scan3A_52 : i32 to index
      %swap3A_59 = arith.constant 32 : index
      %swap3A_60 = tpu.vector_load %arg11[%swap3A_58, %swap3A_59] {strides = array<i32>} : memref<128x80xf32, #tpu.memory_space<vmem>>, vector<16xf32>,
      tpu.vector_store %arg11[%swap3A_58, %swap3A_59], %broadcast_in_dim3A_0 {strides = array<i32>} : memref<128x80xf32, #tpu.memory_space<vmem>>, vector<16xf32>,
      %swap3A_61 = arith.index_cast %scan3A_52 : i32 to index
      %swap3A_62 = arith.constant 48 : index
      %swap3A_63 = tpu.vector_load %arg11[%swap3A_61, %swap3A_62] {strides = array<i32>} : memref<128x80xf32, #tpu.memory_space<vmem>>, vector<16xf32>,
      tpu.vector_store %arg11[%swap3A_61, %swap3A_62], %broadcast_in_dim3A_0 {strides = array<i32>} : memref<128x80xf32, #tpu.memory_space<vmem>>, vector<16xf32>,
      %swap3A_64 = arith.index_cast %scan3A_52 : i32 to index
      %swap3A_65 = arith.constant 64 : index
      %swap3A_66 = tpu.vector_load %arg11[%swap3A_64, %swap3A_65] {strides = array<i32>} : memref<128x80xf32, #tpu.memory_space<vmem>>, vector<16xf32>,
      tpu.vector_store %arg11[%swap3A_64, %swap3A_65], %broadcast_in_dim3A_0 {strides = array<i32>} : memref<128x80xf32, #tpu.memory_space<vmem>>, vector<16xf32>,
    }
    %scan3A_5 = arith.constant 128 : i32
    %mul3A = arith.constant 640 : i32
    %mul3A_6 = arith.muli %arg1, %mul3A : i32
    %add3A = arith.constant 0 : i32
    %add3A_7 = arith.addi %mul3A_6, %add3A : i32
    "tpu.region"() ({
      %run_scoped3A = tpu.sem_alloc : memref<!tpu.dma_semaphore, #tpu.memory_space<semaphore_mem>>
      %dma_start3A = arith.constant 0 : i32
      %dma_start3A_52 = tpu.memref_slice %arg15[%add3A_7, %dma_start3A] : memref<10240x80xf32, #tpu.memory_space<vmem_shared>> -> memref<128x80xf32, #tpu.memory_space<vmem_shared>>
      %dma_start3A_53 = arith.constant 0 : i32
      %dma_start3A_54 = tpu.memref_slice %arg15[%add3A_7, %dma_start3A_53] : memref<10240x80xf32, #tpu.memory_space<vmem_shared>> -> memref<128x80xf32, #tpu.memory_space<vmem_shared>>
      tpu.enqueue_dma source(%arg11 : memref<128x80xf32, #tpu.memory_space<vmem>>) target(%dma_start3A_54 : memref<128x80xf32, #tpu.memory_space<vmem_shared>>) target_semaphore(%run_scoped3A : memref<!tpu.dma_semaphore, #tpu.memory_space<semaphore_mem>>)
      %dma_wait3A = arith.constant 0 : i32
      %dma_wait3A_55 = tpu.memref_slice %arg15[%add3A_7, %dma_wait3A] : memref<10240x80xf32, #tpu.memory_space<vmem_shared>> -> memref<128x80xf32, #tpu.memory_space<vmem_shared>>
      %dma_wait3A_56 = arith.constant 0 : i32
      %dma_wait3A_57 = tpu.memref_slice %arg15[%add3A_7, %dma_wait3A_56] : memref<10240x80xf32, #tpu.memory_space<vmem_shared>> -> memref<128x80xf32, #tpu.memory_space<vmem_shared>>
      tpu.wait_dma2 semaphore(%run_scoped3A : memref<!tpu.dma_semaphore, #tpu.memory_space<semaphore_mem>>) src(%arg11 : memref<128x80xf32, #tpu.memory_space<vmem>>) dst(%dma_wait3A_57 : memref<128x80xf32, #tpu.memory_space<vmem_shared>>)
      tpu.yield
    }) : () -> ()
    %add3A_8 = arith.constant 128 : i32
    %add3A_9 = arith.addi %mul3A_6, %add3A_8 : i32
    "tpu.region"() ({
      %run_scoped3A = tpu.sem_alloc : memref<!tpu.dma_semaphore, #tpu.memory_space<semaphore_mem>>
      %dma_start3A = arith.constant 0 : i32
      %dma_start3A_52 = tpu.memref_slice %arg15[%add3A_9, %dma_start3A] : memref<10240x80xf32, #tpu.memory_space<vmem_shared>> -> memref<128x80xf32, #tpu.memory_space<vmem_shared>>
      %dma_start3A_53 = arith.constant 0 : i32
      %dma_start3A_54 = tpu.memref_slice %arg15[%add3A_9, %dma_start3A_53] : memref<10240x80xf32, #tpu.memory_space<vmem_shared>> -> memref<128x80xf32, #tpu.memory_space<vmem_shared>>
      tpu.enqueue_dma source(%arg11 : memref<128x80xf32, #tpu.memory_space<vmem>>) target(%dma_start3A_54 : memref<128x80xf32, #tpu.memory_space<vmem_shared>>) target_semaphore(%run_scoped3A : memref<!tpu.dma_semaphore, #tpu.memory_space<semaphore_mem>>)
      %dma_wait3A = arith.constant 0 : i32
      %dma_wait3A_55 = tpu.memref_slice %arg15[%add3A_9, %dma_wait3A] : memref<10240x80xf32, #tpu.memory_space<vmem_shared>> -> memref<128x80xf32, #tpu.memory_space<vmem_shared>>
      %dma_wait3A_56 = arith.constant 0 : i32
      %dma_wait3A_57 = tpu.memref_slice %arg15[%add3A_9, %dma_wait3A_56] : memref<10240x80xf32, #tpu.memory_space<vmem_shared>> -> memref<128x80xf32, #tpu.memory_space<vmem_shared>>
      tpu.wait_dma2 semaphore(%run_scoped3A : memref<!tpu.dma_semaphore, #tpu.memory_space<semaphore_mem>>) src(%arg11 : memref<128x80xf32, #tpu.memory_space<vmem>>) dst(%dma_wait3A_57 : memref<128x80xf32, #tpu.memory_space<vmem_shared>>)
      tpu.yield
    }) : () -> ()
    %add3A_10 = arith.constant 256 : i32
    %add3A_11 = arith.addi %mul3A_6, %add3A_10 : i32
    "tpu.region"() ({
      %run_scoped3A = tpu.sem_alloc : memref<!tpu.dma_semaphore, #tpu.memory_space<semaphore_mem>>
      %dma_start3A = arith.constant 0 : i32
      %dma_start3A_52 = tpu.memref_slice %arg15[%add3A_11, %dma_start3A] : memref<10240x80xf32, #tpu.memory_space<vmem_shared>> -> memref<128x80xf32, #tpu.memory_space<vmem_shared>>
      %dma_start3A_53 = arith.constant 0 : i32
      %dma_start3A_54 = tpu.memref_slice %arg15[%add3A_11, %dma_start3A_53] : memref<10240x80xf32, #tpu.memory_space<vmem_shared>> -> memref<128x80xf32, #tpu.memory_space<vmem_shared>>
      tpu.enqueue_dma source(%arg11 : memref<128x80xf32, #tpu.memory_space<vmem>>) target(%dma_start3A_54 : memref<128x80xf32, #tpu.memory_space<vmem_shared>>) target_semaphore(%run_scoped3A : memref<!tpu.dma_semaphore, #tpu.memory_space<semaphore_mem>>)
      %dma_wait3A = arith.constant 0 : i32
      %dma_wait3A_55 = tpu.memref_slice %arg15[%add3A_11, %dma_wait3A] : memref<10240x80xf32, #tpu.memory_space<vmem_shared>> -> memref<128x80xf32, #tpu.memory_space<vmem_shared>>
      %dma_wait3A_56 = arith.constant 0 : i32
      %dma_wait3A_57 = tpu.memref_slice %arg15[%add3A_11, %dma_wait3A_56] : memref<10240x80xf32, #tpu.memory_space<vmem_shared>> -> memref<128x80xf32, #tpu.memory_space<vmem_shared>>
      tpu.wait_dma2 semaphore(%run_scoped3A : memref<!tpu.dma_semaphore, #tpu.memory_space<semaphore_mem>>) src(%arg11 : memref<128x80xf32, #tpu.memory_space<vmem>>) dst(%dma_wait3A_57 : memref<128x80xf32, #tpu.memory_space<vmem_shared>>)
      tpu.yield
    }) : () -> ()
    %add3A_12 = arith.constant 384 : i32
    %add3A_13 = arith.addi %mul3A_6, %add3A_12 : i32
    "tpu.region"() ({
      %run_scoped3A = tpu.sem_alloc : memref<!tpu.dma_semaphore, #tpu.memory_space<semaphore_mem>>
      %dma_start3A = arith.constant 0 : i32
      %dma_start3A_52 = tpu.memref_slice %arg15[%add3A_13, %dma_start3A] : memref<10240x80xf32, #tpu.memory_space<vmem_shared>> -> memref<128x80xf32, #tpu.memory_space<vmem_shared>>
      %dma_start3A_53 = arith.constant 0 : i32
      %dma_start3A_54 = tpu.memref_slice %arg15[%add3A_13, %dma_start3A_53] : memref<10240x80xf32, #tpu.memory_space<vmem_shared>> -> memref<128x80xf32, #tpu.memory_space<vmem_shared>>
      tpu.enqueue_dma source(%arg11 : memref<128x80xf32, #tpu.memory_space<vmem>>) target(%dma_start3A_54 : memref<128x80xf32, #tpu.memory_space<vmem_shared>>) target_semaphore(%run_scoped3A : memref<!tpu.dma_semaphore, #tpu.memory_space<semaphore_mem>>)
      %dma_wait3A = arith.constant 0 : i32
      %dma_wait3A_55 = tpu.memref_slice %arg15[%add3A_13, %dma_wait3A] : memref<10240x80xf32, #tpu.memory_space<vmem_shared>> -> memref<128x80xf32, #tpu.memory_space<vmem_shared>>
      %dma_wait3A_56 = arith.constant 0 : i32
      %dma_wait3A_57 = tpu.memref_slice %arg15[%add3A_13, %dma_wait3A_56] : memref<10240x80xf32, #tpu.memory_space<vmem_shared>> -> memref<128x80xf32, #tpu.memory_space<vmem_shared>>
      tpu.wait_dma2 semaphore(%run_scoped3A : memref<!tpu.dma_semaphore, #tpu.memory_space<semaphore_mem>>) src(%arg11 : memref<128x80xf32, #tpu.memory_space<vmem>>) dst(%dma_wait3A_57 : memref<128x80xf32, #tpu.memory_space<vmem_shared>>)
      tpu.yield
    }) : () -> ()
    %add3A_14 = arith.constant 512 : i32
    %add3A_15 = arith.addi %mul3A_6, %add3A_14 : i32
    "tpu.region"() ({
      %run_scoped3A = tpu.sem_alloc : memref<!tpu.dma_semaphore, #tpu.memory_space<semaphore_mem>>
      %dma_start3A = arith.constant 0 : i32
      %dma_start3A_52 = tpu.memref_slice %arg15[%add3A_15, %dma_start3A] : memref<10240x80xf32, #tpu.memory_space<vmem_shared>> -> memref<128x80xf32, #tpu.memory_space<vmem_shared>>
      %dma_start3A_53 = arith.constant 0 : i32
      %dma_start3A_54 = tpu.memref_slice %arg15[%add3A_15, %dma_start3A_53] : memref<10240x80xf32, #tpu.memory_space<vmem_shared>> -> memref<128x80xf32, #tpu.memory_space<vmem_shared>>
      tpu.enqueue_dma source(%arg11 : memref<128x80xf32, #tpu.memory_space<vmem>>) target(%dma_start3A_54 : memref<128x80xf32, #tpu.memory_space<vmem_shared>>) target_semaphore(%run_scoped3A : memref<!tpu.dma_semaphore, #tpu.memory_space<semaphore_mem>>)
      %dma_wait3A = arith.constant 0 : i32
      %dma_wait3A_55 = tpu.memref_slice %arg15[%add3A_15, %dma_wait3A] : memref<10240x80xf32, #tpu.memory_space<vmem_shared>> -> memref<128x80xf32, #tpu.memory_space<vmem_shared>>
      %dma_wait3A_56 = arith.constant 0 : i32
      %dma_wait3A_57 = tpu.memref_slice %arg15[%add3A_15, %dma_wait3A_56] : memref<10240x80xf32, #tpu.memory_space<vmem_shared>> -> memref<128x80xf32, #tpu.memory_space<vmem_shared>>
      tpu.wait_dma2 semaphore(%run_scoped3A : memref<!tpu.dma_semaphore, #tpu.memory_space<semaphore_mem>>) src(%arg11 : memref<128x80xf32, #tpu.memory_space<vmem>>) dst(%dma_wait3A_57 : memref<128x80xf32, #tpu.memory_space<vmem_shared>>)
      tpu.yield
    }) : () -> ()
    %barrier3A = arith.constant 0 : index
    tpu.barrier barrier_id(%barrier3A)
    %iota3A = tpu.iota {dimensions = array<i32: 0>} : vector<16xi32>
    %mul3A_16 = arith.constant 20736 : i32
    %mul3A_17 = arith.muli %arg1, %mul3A_16 : i32
    %mul3A_18 = arith.constant 10000 : i32
    %mul3A_19 = arith.muli %arg0, %mul3A_18 : i32
    %scan3A_20 = arith.constant 0 : i32
    %scan3A_21 = arith.constant 0 : i32
    %scan3A_22 = arith.constant 162 : i32
    %scan3A_23 = arith.addi %scan3A_21, %scan3A_22 : i32
    %scan3A_24 = arith.constant 1 : i32
    scf.for %scan3A_52 = %scan3A_21 to %scan3A_23 step %scan3A_24  : i32 {
      %mul3A_53 = arith.constant 128 : i32
      %mul3A_54 = arith.muli %scan3A_52, %mul3A_53 : i32
      %add3A_55 = arith.addi %mul3A_17, %mul3A_54 : i32
      "tpu.region"() ({
        %run_scoped3A = tpu.sem_alloc : memref<!tpu.dma_semaphore, #tpu.memory_space<semaphore_mem>>
        %dma_start3A_245 = tpu.memref_slice %arg2[%add3A_55] : memref<331776xi32, #tpu.memory_space<hbm>> -> memref<128xi32, #tpu.memory_space<hbm>>
        %dma_start3A_246 = tpu.memref_slice %arg2[%add3A_55] : memref<331776xi32, #tpu.memory_space<hbm>> -> memref<128xi32, #tpu.memory_space<hbm>>
        tpu.enqueue_dma source(%dma_start3A_246 : memref<128xi32, #tpu.memory_space<hbm>>) target(%arg12 : memref<128xi32, #tpu.memory_space<vmem>>) target_semaphore(%run_scoped3A : memref<!tpu.dma_semaphore, #tpu.memory_space<semaphore_mem>>)
        %dma_wait3A_247 = tpu.memref_slice %arg2[%add3A_55] : memref<331776xi32, #tpu.memory_space<hbm>> -> memref<128xi32, #tpu.memory_space<hbm>>
        %dma_wait3A_248 = tpu.memref_slice %arg2[%add3A_55] : memref<331776xi32, #tpu.memory_space<hbm>> -> memref<128xi32, #tpu.memory_space<hbm>>
        tpu.wait_dma2 semaphore(%run_scoped3A : memref<!tpu.dma_semaphore, #tpu.memory_space<semaphore_mem>>) src(%dma_wait3A_248 : memref<128xi32, #tpu.memory_space<hbm>>) dst(%arg12 : memref<128xi32, #tpu.memory_space<vmem>>)
        tpu.yield
      }) : () -> ()
      "tpu.region"() ({
        %run_scoped3A = tpu.sem_alloc : memref<!tpu.dma_semaphore, #tpu.memory_space<semaphore_mem>>
        %dma_start3A_245 = tpu.memref_slice %arg3[%add3A_55] : memref<331776xi32, #tpu.memory_space<hbm>> -> memref<128xi32, #tpu.memory_space<hbm>>
        %dma_start3A_246 = tpu.memref_slice %arg3[%add3A_55] : memref<331776xi32, #tpu.memory_space<hbm>> -> memref<128xi32, #tpu.memory_space<hbm>>
        tpu.enqueue_dma source(%dma_start3A_246 : memref<128xi32, #tpu.memory_space<hbm>>) target(%arg14 : memref<128xi32, #tpu.memory_space<vmem>>) target_semaphore(%run_scoped3A : memref<!tpu.dma_semaphore, #tpu.memory_space<semaphore_mem>>)
        %dma_wait3A_247 = tpu.memref_slice %arg3[%add3A_55] : memref<331776xi32, #tpu.memory_space<hbm>> -> memref<128xi32, #tpu.memory_space<hbm>>
        %dma_wait3A_248 = tpu.memref_slice %arg3[%add3A_55] : memref<331776xi32, #tpu.memory_space<hbm>> -> memref<128xi32, #tpu.memory_space<hbm>>
        tpu.wait_dma2 semaphore(%run_scoped3A : memref<!tpu.dma_semaphore, #tpu.memory_space<semaphore_mem>>) src(%dma_wait3A_248 : memref<128xi32, #tpu.memory_space<hbm>>) dst(%arg14 : memref<128xi32, #tpu.memory_space<vmem>>)
        tpu.yield
      }) : () -> ()
      %get3A = arith.constant 0 : index
      %get3A_56 = tpu.vector_load %arg12[%get3A] {strides = array<i32>} : memref<128xi32, #tpu.memory_space<vmem>>, vector<16xi32>,
      %add3A_57 = vector.broadcast %mul3A_19 : i32 to vector<16xi32>
      %add3A_58 = arith.addi %get3A_56, %add3A_57 : vector<16xi32>
      %swap3A = arith.constant 0 : index
      %swap3A_59 = tpu.vector_load %arg13[%swap3A] {strides = array<i32>} : memref<128xi32, #tpu.memory_space<vmem>>, vector<16xi32>,
      tpu.vector_store %arg13[%swap3A], %add3A_58 {strides = array<i32>} : memref<128xi32, #tpu.memory_space<vmem>>, vector<16xi32>,
      %get3A_60 = arith.constant 16 : index
      %get3A_61 = tpu.vector_load %arg12[%get3A_60] {strides = array<i32>} : memref<128xi32, #tpu.memory_space<vmem>>, vector<16xi32>,
      %add3A_62 = vector.broadcast %mul3A_19 : i32 to vector<16xi32>
      %add3A_63 = arith.addi %get3A_61, %add3A_62 : vector<16xi32>
      %swap3A_64 = arith.constant 16 : index
      %swap3A_65 = tpu.vector_load %arg13[%swap3A_64] {strides = array<i32>} : memref<128xi32, #tpu.memory_space<vmem>>, vector<16xi32>,
      tpu.vector_store %arg13[%swap3A_64], %add3A_63 {strides = array<i32>} : memref<128xi32, #tpu.memory_space<vmem>>, vector<16xi32>,
      %get3A_66 = arith.constant 32 : index
      %get3A_67 = tpu.vector_load %arg12[%get3A_66] {strides = array<i32>} : memref<128xi32, #tpu.memory_space<vmem>>, vector<16xi32>,
      %add3A_68 = vector.broadcast %mul3A_19 : i32 to vector<16xi32>
      %add3A_69 = arith.addi %get3A_67, %add3A_68 : vector<16xi32>
      %swap3A_70 = arith.constant 32 : index
      %swap3A_71 = tpu.vector_load %arg13[%swap3A_70] {strides = array<i32>} : memref<128xi32, #tpu.memory_space<vmem>>, vector<16xi32>,
      tpu.vector_store %arg13[%swap3A_70], %add3A_69 {strides = array<i32>} : memref<128xi32, #tpu.memory_space<vmem>>, vector<16xi32>,
      %get3A_72 = arith.constant 48 : index
      %get3A_73 = tpu.vector_load %arg12[%get3A_72] {strides = array<i32>} : memref<128xi32, #tpu.memory_space<vmem>>, vector<16xi32>,
      %add3A_74 = vector.broadcast %mul3A_19 : i32 to vector<16xi32>
      %add3A_75 = arith.addi %get3A_73, %add3A_74 : vector<16xi32>
      %swap3A_76 = arith.constant 48 : index
      %swap3A_77 = tpu.vector_load %arg13[%swap3A_76] {strides = array<i32>} : memref<128xi32, #tpu.memory_space<vmem>>, vector<16xi32>,
      tpu.vector_store %arg13[%swap3A_76], %add3A_75 {strides = array<i32>} : memref<128xi32, #tpu.memory_space<vmem>>, vector<16xi32>,
      %get3A_78 = arith.constant 64 : index
      %get3A_79 = tpu.vector_load %arg12[%get3A_78] {strides = array<i32>} : memref<128xi32, #tpu.memory_space<vmem>>, vector<16xi32>,
      %add3A_80 = vector.broadcast %mul3A_19 : i32 to vector<16xi32>
      %add3A_81 = arith.addi %get3A_79, %add3A_80 : vector<16xi32>
      %swap3A_82 = arith.constant 64 : index
      %swap3A_83 = tpu.vector_load %arg13[%swap3A_82] {strides = array<i32>} : memref<128xi32, #tpu.memory_space<vmem>>, vector<16xi32>,
      tpu.vector_store %arg13[%swap3A_82], %add3A_81 {strides = array<i32>} : memref<128xi32, #tpu.memory_space<vmem>>, vector<16xi32>,
      %get3A_84 = arith.constant 80 : index
      %get3A_85 = tpu.vector_load %arg12[%get3A_84] {strides = array<i32>} : memref<128xi32, #tpu.memory_space<vmem>>, vector<16xi32>,
      %add3A_86 = vector.broadcast %mul3A_19 : i32 to vector<16xi32>
      %add3A_87 = arith.addi %get3A_85, %add3A_86 : vector<16xi32>
      %swap3A_88 = arith.constant 80 : index
      %swap3A_89 = tpu.vector_load %arg13[%swap3A_88] {strides = array<i32>} : memref<128xi32, #tpu.memory_space<vmem>>, vector<16xi32>,
      tpu.vector_store %arg13[%swap3A_88], %add3A_87 {strides = array<i32>} : memref<128xi32, #tpu.memory_space<vmem>>, vector<16xi32>,
      %get3A_90 = arith.constant 96 : index
      %get3A_91 = tpu.vector_load %arg12[%get3A_90] {strides = array<i32>} : memref<128xi32, #tpu.memory_space<vmem>>, vector<16xi32>,
      %add3A_92 = vector.broadcast %mul3A_19 : i32 to vector<16xi32>
      %add3A_93 = arith.addi %get3A_91, %add3A_92 : vector<16xi32>
      %swap3A_94 = arith.constant 96 : index
      %swap3A_95 = tpu.vector_load %arg13[%swap3A_94] {strides = array<i32>} : memref<128xi32, #tpu.memory_space<vmem>>, vector<16xi32>,
      tpu.vector_store %arg13[%swap3A_94], %add3A_93 {strides = array<i32>} : memref<128xi32, #tpu.memory_space<vmem>>, vector<16xi32>,
      %get3A_96 = arith.constant 112 : index
      %get3A_97 = tpu.vector_load %arg12[%get3A_96] {strides = array<i32>} : memref<128xi32, #tpu.memory_space<vmem>>, vector<16xi32>,
      %add3A_98 = vector.broadcast %mul3A_19 : i32 to vector<16xi32>
      %add3A_99 = arith.addi %get3A_97, %add3A_98 : vector<16xi32>
      %swap3A_100 = arith.constant 112 : index
      %swap3A_101 = tpu.vector_load %arg13[%swap3A_100] {strides = array<i32>} : memref<128xi32, #tpu.memory_space<vmem>>, vector<16xi32>,
      tpu.vector_store %arg13[%swap3A_100], %add3A_99 {strides = array<i32>} : memref<128xi32, #tpu.memory_space<vmem>>, vector<16xi32>,
      %dma_start3A = arith.constant 0 : i32
      %dma_start3A_102 = arith.constant 0 : i32
      %dma_start3A_103 = tpu.memref_slice %arg4[%dma_start3A, %dma_start3A_102] : memref<20000x64xf32, #tpu.memory_space<hbm>> -> memref<20000x64xf32, #tpu.memory_space<hbm>>
      tpu.enqueue_indirect_dma source(%dma_start3A_103 : memref<20000x64xf32, #tpu.memory_space<hbm>>) target(%arg10 : memref<128x64xf32, #tpu.memory_space<vmem>>) offsets(%arg13 : memref<128xi32, #tpu.memory_space<vmem>>) semaphore(%arg16 : memref<!tpu.dma_semaphore, #tpu.memory_space<semaphore_mem>>)
      %get3A_104 = arith.constant 0 : index
      %get3A_105 = tpu.vector_load %arg12[%get3A_104] {strides = array<i32>} : memref<128xi32, #tpu.memory_space<vmem>>, vector<16xi32>,
      %get3A_106 = arith.constant 0 : index
      %get3A_107 = tpu.vector_load %arg14[%get3A_106] {strides = array<i32>} : memref<128xi32, #tpu.memory_space<vmem>>, vector<16xi32>,
      %gather3A = tpu.vector_load_idx %arg8[%get3A_105] : memref<10000xf32, #tpu.memory_space<vmem>>[vector<16xi32>], vector<16xf32>,
      %gather3A_108 = tpu.vector_load_idx %arg9[%get3A_107] : memref<10000xf32, #tpu.memory_space<vmem>>[vector<16xi32>], vector<16xf32>,
      %add3A_109 = arith.addf %gather3A, %gather3A_108 : vector<16xf32>
      %mul3A_110 = arith.constant 2.000000e-01 : f32
      %mul3A_111 = vector.broadcast %mul3A_110 : f32 to vector<16xf32>
      %mul3A_112 = arith.mulf %mul3A_111, %add3A_109 : vector<16xf32>
      %max3A = arith.maximumf %add3A_109, %mul3A_112 : vector<16xf32>
      %exp3A = math.exp %max3A : vector<16xf32>
      %add3A_113 = arith.constant 0 : i32
      %add3A_114 = vector.broadcast %add3A_113 : i32 to vector<16xi32>
      %add3A_115 = arith.addi %iota3A, %add3A_114 : vector<16xi32>
      %broadcast_in_dim3A_116 = arith.constant 64 : i32
      %broadcast_in_dim3A_117 = vector.broadcast %broadcast_in_dim3A_116 : i32 to vector<16xi32>
      tpu.vector_store_idx %arg11[%add3A_115, %broadcast_in_dim3A_117], %exp3A : memref<128x80xf32, #tpu.memory_space<vmem>>[vector<16xi32>, vector<16xi32>], vector<16xf32>,
      %get3A_118 = arith.constant 16 : index
      %get3A_119 = tpu.vector_load %arg12[%get3A_118] {strides = array<i32>} : memref<128xi32, #tpu.memory_space<vmem>>, vector<16xi32>,
      %get3A_120 = arith.constant 16 : index
      %get3A_121 = tpu.vector_load %arg14[%get3A_120] {strides = array<i32>} : memref<128xi32, #tpu.memory_space<vmem>>, vector<16xi32>,
      %gather3A_122 = tpu.vector_load_idx %arg8[%get3A_119] : memref<10000xf32, #tpu.memory_space<vmem>>[vector<16xi32>], vector<16xf32>,
      %gather3A_123 = tpu.vector_load_idx %arg9[%get3A_121] : memref<10000xf32, #tpu.memory_space<vmem>>[vector<16xi32>], vector<16xf32>,
      %add3A_124 = arith.addf %gather3A_122, %gather3A_123 : vector<16xf32>
      %mul3A_125 = arith.constant 2.000000e-01 : f32
      %mul3A_126 = vector.broadcast %mul3A_125 : f32 to vector<16xf32>
      %mul3A_127 = arith.mulf %mul3A_126, %add3A_124 : vector<16xf32>
      %max3A_128 = arith.maximumf %add3A_124, %mul3A_127 : vector<16xf32>
      %exp3A_129 = math.exp %max3A_128 : vector<16xf32>
      %add3A_130 = arith.constant 16 : i32
      %add3A_131 = vector.broadcast %add3A_130 : i32 to vector<16xi32>
      %add3A_132 = arith.addi %iota3A, %add3A_131 : vector<16xi32>
      %broadcast_in_dim3A_133 = arith.constant 64 : i32
      %broadcast_in_dim3A_134 = vector.broadcast %broadcast_in_dim3A_133 : i32 to vector<16xi32>
      tpu.vector_store_idx %arg11[%add3A_132, %broadcast_in_dim3A_134], %exp3A_129 : memref<128x80xf32, #tpu.memory_space<vmem>>[vector<16xi32>, vector<16xi32>], vector<16xf32>,
      %get3A_135 = arith.constant 32 : index
      %get3A_136 = tpu.vector_load %arg12[%get3A_135] {strides = array<i32>} : memref<128xi32, #tpu.memory_space<vmem>>, vector<16xi32>,
      %get3A_137 = arith.constant 32 : index
      %get3A_138 = tpu.vector_load %arg14[%get3A_137] {strides = array<i32>} : memref<128xi32, #tpu.memory_space<vmem>>, vector<16xi32>,
      %gather3A_139 = tpu.vector_load_idx %arg8[%get3A_136] : memref<10000xf32, #tpu.memory_space<vmem>>[vector<16xi32>], vector<16xf32>,
      %gather3A_140 = tpu.vector_load_idx %arg9[%get3A_138] : memref<10000xf32, #tpu.memory_space<vmem>>[vector<16xi32>], vector<16xf32>,
      %add3A_141 = arith.addf %gather3A_139, %gather3A_140 : vector<16xf32>
      %mul3A_142 = arith.constant 2.000000e-01 : f32
      %mul3A_143 = vector.broadcast %mul3A_142 : f32 to vector<16xf32>
      %mul3A_144 = arith.mulf %mul3A_143, %add3A_141 : vector<16xf32>
      %max3A_145 = arith.maximumf %add3A_141, %mul3A_144 : vector<16xf32>
      %exp3A_146 = math.exp %max3A_145 : vector<16xf32>
      %add3A_147 = arith.constant 32 : i32
      %add3A_148 = vector.broadcast %add3A_147 : i32 to vector<16xi32>
      %add3A_149 = arith.addi %iota3A, %add3A_148 : vector<16xi32>
      %broadcast_in_dim3A_150 = arith.constant 64 : i32
      %broadcast_in_dim3A_151 = vector.broadcast %broadcast_in_dim3A_150 : i32 to vector<16xi32>
      tpu.vector_store_idx %arg11[%add3A_149, %broadcast_in_dim3A_151], %exp3A_146 : memref<128x80xf32, #tpu.memory_space<vmem>>[vector<16xi32>, vector<16xi32>], vector<16xf32>,
      %get3A_152 = arith.constant 48 : index
      %get3A_153 = tpu.vector_load %arg12[%get3A_152] {strides = array<i32>} : memref<128xi32, #tpu.memory_space<vmem>>, vector<16xi32>,
      %get3A_154 = arith.constant 48 : index
      %get3A_155 = tpu.vector_load %arg14[%get3A_154] {strides = array<i32>} : memref<128xi32, #tpu.memory_space<vmem>>, vector<16xi32>,
      %gather3A_156 = tpu.vector_load_idx %arg8[%get3A_153] : memref<10000xf32, #tpu.memory_space<vmem>>[vector<16xi32>], vector<16xf32>,
      %gather3A_157 = tpu.vector_load_idx %arg9[%get3A_155] : memref<10000xf32, #tpu.memory_space<vmem>>[vector<16xi32>], vector<16xf32>,
      %add3A_158 = arith.addf %gather3A_156, %gather3A_157 : vector<16xf32>
      %mul3A_159 = arith.constant 2.000000e-01 : f32
      %mul3A_160 = vector.broadcast %mul3A_159 : f32 to vector<16xf32>
      %mul3A_161 = arith.mulf %mul3A_160, %add3A_158 : vector<16xf32>
      %max3A_162 = arith.maximumf %add3A_158, %mul3A_161 : vector<16xf32>
      %exp3A_163 = math.exp %max3A_162 : vector<16xf32>
      %add3A_164 = arith.constant 48 : i32
      %add3A_165 = vector.broadcast %add3A_164 : i32 to vector<16xi32>
      %add3A_166 = arith.addi %iota3A, %add3A_165 : vector<16xi32>
      %broadcast_in_dim3A_167 = arith.constant 64 : i32
      %broadcast_in_dim3A_168 = vector.broadcast %broadcast_in_dim3A_167 : i32 to vector<16xi32>
      tpu.vector_store_idx %arg11[%add3A_166, %broadcast_in_dim3A_168], %exp3A_163 : memref<128x80xf32, #tpu.memory_space<vmem>>[vector<16xi32>, vector<16xi32>], vector<16xf32>,
      %get3A_169 = arith.constant 64 : index
      %get3A_170 = tpu.vector_load %arg12[%get3A_169] {strides = array<i32>} : memref<128xi32, #tpu.memory_space<vmem>>, vector<16xi32>,
      %get3A_171 = arith.constant 64 : index
      %get3A_172 = tpu.vector_load %arg14[%get3A_171] {strides = array<i32>} : memref<128xi32, #tpu.memory_space<vmem>>, vector<16xi32>,
      %gather3A_173 = tpu.vector_load_idx %arg8[%get3A_170] : memref<10000xf32, #tpu.memory_space<vmem>>[vector<16xi32>], vector<16xf32>,
      %gather3A_174 = tpu.vector_load_idx %arg9[%get3A_172] : memref<10000xf32, #tpu.memory_space<vmem>>[vector<16xi32>], vector<16xf32>,
      %add3A_175 = arith.addf %gather3A_173, %gather3A_174 : vector<16xf32>
      %mul3A_176 = arith.constant 2.000000e-01 : f32
      %mul3A_177 = vector.broadcast %mul3A_176 : f32 to vector<16xf32>
      %mul3A_178 = arith.mulf %mul3A_177, %add3A_175 : vector<16xf32>
      %max3A_179 = arith.maximumf %add3A_175, %mul3A_178 : vector<16xf32>
      %exp3A_180 = math.exp %max3A_179 : vector<16xf32>
      %add3A_181 = arith.constant 64 : i32
      %add3A_182 = vector.broadcast %add3A_181 : i32 to vector<16xi32>
      %add3A_183 = arith.addi %iota3A, %add3A_182 : vector<16xi32>
      %broadcast_in_dim3A_184 = arith.constant 64 : i32
      %broadcast_in_dim3A_185 = vector.broadcast %broadcast_in_dim3A_184 : i32 to vector<16xi32>
      tpu.vector_store_idx %arg11[%add3A_183, %broadcast_in_dim3A_185], %exp3A_180 : memref<128x80xf32, #tpu.memory_space<vmem>>[vector<16xi32>, vector<16xi32>], vector<16xf32>,
      %get3A_186 = arith.constant 80 : index
      %get3A_187 = tpu.vector_load %arg12[%get3A_186] {strides = array<i32>} : memref<128xi32, #tpu.memory_space<vmem>>, vector<16xi32>,
      %get3A_188 = arith.constant 80 : index
      %get3A_189 = tpu.vector_load %arg14[%get3A_188] {strides = array<i32>} : memref<128xi32, #tpu.memory_space<vmem>>, vector<16xi32>,
      %gather3A_190 = tpu.vector_load_idx %arg8[%get3A_187] : memref<10000xf32, #tpu.memory_space<vmem>>[vector<16xi32>], vector<16xf32>,
      %gather3A_191 = tpu.vector_load_idx %arg9[%get3A_189] : memref<10000xf32, #tpu.memory_space<vmem>>[vector<16xi32>], vector<16xf32>,
      %add3A_192 = arith.addf %gather3A_190, %gather3A_191 : vector<16xf32>
      %mul3A_193 = arith.constant 2.000000e-01 : f32
      %mul3A_194 = vector.broadcast %mul3A_193 : f32 to vector<16xf32>
      %mul3A_195 = arith.mulf %mul3A_194, %add3A_192 : vector<16xf32>
      %max3A_196 = arith.maximumf %add3A_192, %mul3A_195 : vector<16xf32>
      %exp3A_197 = math.exp %max3A_196 : vector<16xf32>
      %add3A_198 = arith.constant 80 : i32
      %add3A_199 = vector.broadcast %add3A_198 : i32 to vector<16xi32>
      %add3A_200 = arith.addi %iota3A, %add3A_199 : vector<16xi32>
      %broadcast_in_dim3A_201 = arith.constant 64 : i32
      %broadcast_in_dim3A_202 = vector.broadcast %broadcast_in_dim3A_201 : i32 to vector<16xi32>
      tpu.vector_store_idx %arg11[%add3A_200, %broadcast_in_dim3A_202], %exp3A_197 : memref<128x80xf32, #tpu.memory_space<vmem>>[vector<16xi32>, vector<16xi32>], vector<16xf32>,
      %get3A_203 = arith.constant 96 : index
      %get3A_204 = tpu.vector_load %arg12[%get3A_203] {strides = array<i32>} : memref<128xi32, #tpu.memory_space<vmem>>, vector<16xi32>,
      %get3A_205 = arith.constant 96 : index
      %get3A_206 = tpu.vector_load %arg14[%get3A_205] {strides = array<i32>} : memref<128xi32, #tpu.memory_space<vmem>>, vector<16xi32>,
      %gather3A_207 = tpu.vector_load_idx %arg8[%get3A_204] : memref<10000xf32, #tpu.memory_space<vmem>>[vector<16xi32>], vector<16xf32>,
      %gather3A_208 = tpu.vector_load_idx %arg9[%get3A_206] : memref<10000xf32, #tpu.memory_space<vmem>>[vector<16xi32>], vector<16xf32>,
      %add3A_209 = arith.addf %gather3A_207, %gather3A_208 : vector<16xf32>
      %mul3A_210 = arith.constant 2.000000e-01 : f32
      %mul3A_211 = vector.broadcast %mul3A_210 : f32 to vector<16xf32>
      %mul3A_212 = arith.mulf %mul3A_211, %add3A_209 : vector<16xf32>
      %max3A_213 = arith.maximumf %add3A_209, %mul3A_212 : vector<16xf32>
      %exp3A_214 = math.exp %max3A_213 : vector<16xf32>
      %add3A_215 = arith.constant 96 : i32
      %add3A_216 = vector.broadcast %add3A_215 : i32 to vector<16xi32>
      %add3A_217 = arith.addi %iota3A, %add3A_216 : vector<16xi32>
      %broadcast_in_dim3A_218 = arith.constant 64 : i32
      %broadcast_in_dim3A_219 = vector.broadcast %broadcast_in_dim3A_218 : i32 to vector<16xi32>
      tpu.vector_store_idx %arg11[%add3A_217, %broadcast_in_dim3A_219], %exp3A_214 : memref<128x80xf32, #tpu.memory_space<vmem>>[vector<16xi32>, vector<16xi32>], vector<16xf32>,
      %get3A_220 = arith.constant 112 : index
      %get3A_221 = tpu.vector_load %arg12[%get3A_220] {strides = array<i32>} : memref<128xi32, #tpu.memory_space<vmem>>, vector<16xi32>,
      %get3A_222 = arith.constant 112 : index
      %get3A_223 = tpu.vector_load %arg14[%get3A_222] {strides = array<i32>} : memref<128xi32, #tpu.memory_space<vmem>>, vector<16xi32>,
      %gather3A_224 = tpu.vector_load_idx %arg8[%get3A_221] : memref<10000xf32, #tpu.memory_space<vmem>>[vector<16xi32>], vector<16xf32>,
      %gather3A_225 = tpu.vector_load_idx %arg9[%get3A_223] : memref<10000xf32, #tpu.memory_space<vmem>>[vector<16xi32>], vector<16xf32>,
      %add3A_226 = arith.addf %gather3A_224, %gather3A_225 : vector<16xf32>
      %mul3A_227 = arith.constant 2.000000e-01 : f32
      %mul3A_228 = vector.broadcast %mul3A_227 : f32 to vector<16xf32>
      %mul3A_229 = arith.mulf %mul3A_228, %add3A_226 : vector<16xf32>
      %max3A_230 = arith.maximumf %add3A_226, %mul3A_229 : vector<16xf32>
      %exp3A_231 = math.exp %max3A_230 : vector<16xf32>
      %add3A_232 = arith.constant 112 : i32
      %add3A_233 = vector.broadcast %add3A_232 : i32 to vector<16xi32>
      %add3A_234 = arith.addi %iota3A, %add3A_233 : vector<16xi32>
      %broadcast_in_dim3A_235 = arith.constant 64 : i32
      %broadcast_in_dim3A_236 = vector.broadcast %broadcast_in_dim3A_235 : i32 to vector<16xi32>
      tpu.vector_store_idx %arg11[%add3A_234, %broadcast_in_dim3A_236], %exp3A_231 : memref<128x80xf32, #tpu.memory_space<vmem>>[vector<16xi32>, vector<16xi32>], vector<16xf32>,
      %dma_wait3A = arith.constant 0 : i32
      %dma_wait3A_237 = arith.constant 0 : i32
      %dma_wait3A_238 = tpu.memref_slice %arg4[%dma_wait3A, %dma_wait3A_237] : memref<20000x64xf32, #tpu.memory_space<hbm>> -> memref<20000x64xf32, #tpu.memory_space<hbm>>
      tpu.wait_indirect_dma semaphore(%arg16 : memref<!tpu.dma_semaphore, #tpu.memory_space<semaphore_mem>>) src(%dma_wait3A_238 : memref<20000x64xf32, #tpu.memory_space<hbm>>) dst(%arg10 : memref<128x64xf32, #tpu.memory_space<vmem>>)
      %scan3A_239 = arith.constant 0 : i32
      %scan3A_240 = arith.constant 0 : i32
      %scan3A_241 = arith.constant 128 : i32
      %scan3A_242 = arith.addi %scan3A_240, %scan3A_241 : i32
      %scan3A_243 = arith.constant 1 : i32
      scf.for %scan3A_245 = %scan3A_240 to %scan3A_242 step %scan3A_243  : i32 {
        %get3A_246 = arith.index_cast %scan3A_245 : i32 to index
        %get3A_247 = arith.constant 64 : index
        %get3A_248 = tpu.vector_load %arg11[%get3A_246, %get3A_247] {strides = array<i32>} : memref<128x80xf32, #tpu.memory_space<vmem>>, vector<16xf32>,
        %slice3A = vector.extract_strided_slice %get3A_248 {offsets = [0], sizes = [1], strides = [1]} : vector<16xf32> to vector<1xf32>
        %squeeze3A = vector.extract %slice3A[0] : f32 from vector<1xf32>
        %broadcast_in_dim3A_249 = vector.broadcast %squeeze3A : f32 to vector<16xf32>
        %get3A_250 = arith.index_cast %scan3A_245 : i32 to index
        %get3A_251 = arith.constant 0 : index
        %get3A_252 = tpu.vector_load %arg10[%get3A_250, %get3A_251] {strides = array<i32>} : memref<128x64xf32, #tpu.memory_space<vmem>>, vector<16xf32>,
        %mul3A_253 = arith.mulf %get3A_252, %broadcast_in_dim3A_249 : vector<16xf32>
        %swap3A_254 = arith.index_cast %scan3A_245 : i32 to index
        %swap3A_255 = arith.constant 0 : index
        %swap3A_256 = tpu.vector_load %arg11[%swap3A_254, %swap3A_255] {strides = array<i32>} : memref<128x80xf32, #tpu.memory_space<vmem>>, vector<16xf32>,
        tpu.vector_store %arg11[%swap3A_254, %swap3A_255], %mul3A_253 {strides = array<i32>} : memref<128x80xf32, #tpu.memory_space<vmem>>, vector<16xf32>,
        %get3A_257 = arith.index_cast %scan3A_245 : i32 to index
        %get3A_258 = arith.constant 16 : index
        %get3A_259 = tpu.vector_load %arg10[%get3A_257, %get3A_258] {strides = array<i32>} : memref<128x64xf32, #tpu.memory_space<vmem>>, vector<16xf32>,
        %mul3A_260 = arith.mulf %get3A_259, %broadcast_in_dim3A_249 : vector<16xf32>
        %swap3A_261 = arith.index_cast %scan3A_245 : i32 to index
        %swap3A_262 = arith.constant 16 : index
        %swap3A_263 = tpu.vector_load %arg11[%swap3A_261, %swap3A_262] {strides = array<i32>} : memref<128x80xf32, #tpu.memory_space<vmem>>, vector<16xf32>,
        tpu.vector_store %arg11[%swap3A_261, %swap3A_262], %mul3A_260 {strides = array<i32>} : memref<128x80xf32, #tpu.memory_space<vmem>>, vector<16xf32>,
        %get3A_264 = arith.index_cast %scan3A_245 : i32 to index
        %get3A_265 = arith.constant 32 : index
        %get3A_266 = tpu.vector_load %arg10[%get3A_264, %get3A_265] {strides = array<i32>} : memref<128x64xf32, #tpu.memory_space<vmem>>, vector<16xf32>,
        %mul3A_267 = arith.mulf %get3A_266, %broadcast_in_dim3A_249 : vector<16xf32>
        %swap3A_268 = arith.index_cast %scan3A_245 : i32 to index
        %swap3A_269 = arith.constant 32 : index
        %swap3A_270 = tpu.vector_load %arg11[%swap3A_268, %swap3A_269] {strides = array<i32>} : memref<128x80xf32, #tpu.memory_space<vmem>>, vector<16xf32>,
        tpu.vector_store %arg11[%swap3A_268, %swap3A_269], %mul3A_267 {strides = array<i32>} : memref<128x80xf32, #tpu.memory_space<vmem>>, vector<16xf32>,
        %get3A_271 = arith.index_cast %scan3A_245 : i32 to index
        %get3A_272 = arith.constant 48 : index
        %get3A_273 = tpu.vector_load %arg10[%get3A_271, %get3A_272] {strides = array<i32>} : memref<128x64xf32, #tpu.memory_space<vmem>>, vector<16xf32>,
        %mul3A_274 = arith.mulf %get3A_273, %broadcast_in_dim3A_249 : vector<16xf32>
        %swap3A_275 = arith.index_cast %scan3A_245 : i32 to index
        %swap3A_276 = arith.constant 48 : index
        %swap3A_277 = tpu.vector_load %arg11[%swap3A_275, %swap3A_276] {strides = array<i32>} : memref<128x80xf32, #tpu.memory_space<vmem>>, vector<16xf32>,
        tpu.vector_store %arg11[%swap3A_275, %swap3A_276], %mul3A_274 {strides = array<i32>} : memref<128x80xf32, #tpu.memory_space<vmem>>, vector<16xf32>,
      }
      %scan3A_244 = arith.constant 128 : i32
      "tpu.region"() ({
        %run_scoped3A = tpu.sem_alloc : memref<!tpu.dma_semaphore, #tpu.memory_space<semaphore_mem>>
        %dma_start3A_245 = arith.constant 0 : i32
        %dma_start3A_246 = arith.constant 0 : i32
        %dma_start3A_247 = tpu.memref_slice %arg15[%dma_start3A_245, %dma_start3A_246] : memref<10240x80xf32, #tpu.memory_space<vmem_shared>> -> memref<10240x80xf32, #tpu.memory_space<vmem_shared>>
        tpu.enqueue_indirect_dma source(%arg11 : memref<128x80xf32, #tpu.memory_space<vmem>>) target(%dma_start3A_247 : memref<10240x80xf32, #tpu.memory_space<vmem_shared>>) offsets(%arg14 : memref<128xi32, #tpu.memory_space<vmem>>) semaphore(%run_scoped3A : memref<!tpu.dma_semaphore, #tpu.memory_space<semaphore_mem>>) {add = true}
        %dma_wait3A_248 = arith.constant 0 : i32
        %dma_wait3A_249 = arith.constant 0 : i32
        %dma_wait3A_250 = tpu.memref_slice %arg15[%dma_wait3A_248, %dma_wait3A_249] : memref<10240x80xf32, #tpu.memory_space<vmem_shared>> -> memref<10240x80xf32, #tpu.memory_space<vmem_shared>>
        tpu.wait_indirect_dma semaphore(%run_scoped3A : memref<!tpu.dma_semaphore, #tpu.memory_space<semaphore_mem>>) src(%arg11 : memref<128x80xf32, #tpu.memory_space<vmem>>) dst(%dma_wait3A_250 : memref<10240x80xf32, #tpu.memory_space<vmem_shared>>)
        tpu.yield
      }) : () -> ()
    }
    %scan3A_25 = arith.constant 162 : i32
    %barrier3A_26 = arith.constant 0 : index
    tpu.barrier barrier_id(%barrier3A_26)
    %add3A_27 = arith.constant 0 : i32
    %add3A_28 = arith.addi %mul3A_6, %add3A_27 : i32
    "tpu.region"() ({
      %run_scoped3A = tpu.sem_alloc : memref<!tpu.dma_semaphore, #tpu.memory_space<semaphore_mem>>
      %dma_start3A = arith.constant 0 : i32
      %dma_start3A_52 = tpu.memref_slice %arg15[%add3A_28, %dma_start3A] : memref<10240x80xf32, #tpu.memory_space<vmem_shared>> -> memref<128x80xf32, #tpu.memory_space<vmem_shared>>
      %dma_start3A_53 = arith.constant 0 : i32
      %dma_start3A_54 = tpu.memref_slice %arg15[%add3A_28, %dma_start3A_53] : memref<10240x80xf32, #tpu.memory_space<vmem_shared>> -> memref<128x80xf32, #tpu.memory_space<vmem_shared>>
      tpu.enqueue_dma source(%dma_start3A_54 : memref<128x80xf32, #tpu.memory_space<vmem_shared>>) target(%arg11 : memref<128x80xf32, #tpu.memory_space<vmem>>) target_semaphore(%run_scoped3A : memref<!tpu.dma_semaphore, #tpu.memory_space<semaphore_mem>>)
      %dma_wait3A = arith.constant 0 : i32
      %dma_wait3A_55 = tpu.memref_slice %arg15[%add3A_28, %dma_wait3A] : memref<10240x80xf32, #tpu.memory_space<vmem_shared>> -> memref<128x80xf32, #tpu.memory_space<vmem_shared>>
      %dma_wait3A_56 = arith.constant 0 : i32
      %dma_wait3A_57 = tpu.memref_slice %arg15[%add3A_28, %dma_wait3A_56] : memref<10240x80xf32, #tpu.memory_space<vmem_shared>> -> memref<128x80xf32, #tpu.memory_space<vmem_shared>>
      tpu.wait_dma2 semaphore(%run_scoped3A : memref<!tpu.dma_semaphore, #tpu.memory_space<semaphore_mem>>) src(%dma_wait3A_57 : memref<128x80xf32, #tpu.memory_space<vmem_shared>>) dst(%arg11 : memref<128x80xf32, #tpu.memory_space<vmem>>)
      tpu.yield
    }) : () -> ()
    %mul3A_29 = arith.constant 10240 : i32
    %mul3A_30 = arith.muli %arg0, %mul3A_29 : i32
    %add3A_31 = arith.addi %mul3A_30, %add3A_28 : i32
    "tpu.region"() ({
      %run_scoped3A = tpu.sem_alloc : memref<!tpu.dma_semaphore, #tpu.memory_space<semaphore_mem>>
      %dma_start3A = arith.constant 0 : i32
      %dma_start3A_52 = tpu.memref_slice %arg7[%add3A_31, %dma_start3A] : memref<20480x80xf32, #tpu.memory_space<hbm>> -> memref<128x80xf32, #tpu.memory_space<hbm>>
      %dma_start3A_53 = arith.constant 0 : i32
      %dma_start3A_54 = tpu.memref_slice %arg7[%add3A_31, %dma_start3A_53] : memref<20480x80xf32, #tpu.memory_space<hbm>> -> memref<128x80xf32, #tpu.memory_space<hbm>>
      tpu.enqueue_dma source(%arg11 : memref<128x80xf32, #tpu.memory_space<vmem>>) target(%dma_start3A_54 : memref<128x80xf32, #tpu.memory_space<hbm>>) target_semaphore(%run_scoped3A : memref<!tpu.dma_semaphore, #tpu.memory_space<semaphore_mem>>)
      %dma_wait3A = arith.constant 0 : i32
      %dma_wait3A_55 = tpu.memref_slice %arg7[%add3A_31, %dma_wait3A] : memref<20480x80xf32, #tpu.memory_space<hbm>> -> memref<128x80xf32, #tpu.memory_space<hbm>>
      %dma_wait3A_56 = arith.constant 0 : i32
      %dma_wait3A_57 = tpu.memref_slice %arg7[%add3A_31, %dma_wait3A_56] : memref<20480x80xf32, #tpu.memory_space<hbm>> -> memref<128x80xf32, #tpu.memory_space<hbm>>
      tpu.wait_dma2 semaphore(%run_scoped3A : memref<!tpu.dma_semaphore, #tpu.memory_space<semaphore_mem>>) src(%arg11 : memref<128x80xf32, #tpu.memory_space<vmem>>) dst(%dma_wait3A_57 : memref<128x80xf32, #tpu.memory_space<hbm>>)
      tpu.yield
    }) : () -> ()
    %add3A_32 = arith.constant 128 : i32
    %add3A_33 = arith.addi %mul3A_6, %add3A_32 : i32
    "tpu.region"() ({
      %run_scoped3A = tpu.sem_alloc : memref<!tpu.dma_semaphore, #tpu.memory_space<semaphore_mem>>
      %dma_start3A = arith.constant 0 : i32
      %dma_start3A_52 = tpu.memref_slice %arg15[%add3A_33, %dma_start3A] : memref<10240x80xf32, #tpu.memory_space<vmem_shared>> -> memref<128x80xf32, #tpu.memory_space<vmem_shared>>
      %dma_start3A_53 = arith.constant 0 : i32
      %dma_start3A_54 = tpu.memref_slice %arg15[%add3A_33, %dma_start3A_53] : memref<10240x80xf32, #tpu.memory_space<vmem_shared>> -> memref<128x80xf32, #tpu.memory_space<vmem_shared>>
      tpu.enqueue_dma source(%dma_start3A_54 : memref<128x80xf32, #tpu.memory_space<vmem_shared>>) target(%arg11 : memref<128x80xf32, #tpu.memory_space<vmem>>) target_semaphore(%run_scoped3A : memref<!tpu.dma_semaphore, #tpu.memory_space<semaphore_mem>>)
      %dma_wait3A = arith.constant 0 : i32
      %dma_wait3A_55 = tpu.memref_slice %arg15[%add3A_33, %dma_wait3A] : memref<10240x80xf32, #tpu.memory_space<vmem_shared>> -> memref<128x80xf32, #tpu.memory_space<vmem_shared>>
      %dma_wait3A_56 = arith.constant 0 : i32
      %dma_wait3A_57 = tpu.memref_slice %arg15[%add3A_33, %dma_wait3A_56] : memref<10240x80xf32, #tpu.memory_space<vmem_shared>> -> memref<128x80xf32, #tpu.memory_space<vmem_shared>>
      tpu.wait_dma2 semaphore(%run_scoped3A : memref<!tpu.dma_semaphore, #tpu.memory_space<semaphore_mem>>) src(%dma_wait3A_57 : memref<128x80xf32, #tpu.memory_space<vmem_shared>>) dst(%arg11 : memref<128x80xf32, #tpu.memory_space<vmem>>)
      tpu.yield
    }) : () -> ()
    %mul3A_34 = arith.constant 10240 : i32
    %mul3A_35 = arith.muli %arg0, %mul3A_34 : i32
    %add3A_36 = arith.addi %mul3A_35, %add3A_33 : i32
    "tpu.region"() ({
      %run_scoped3A = tpu.sem_alloc : memref<!tpu.dma_semaphore, #tpu.memory_space<semaphore_mem>>
      %dma_start3A = arith.constant 0 : i32
      %dma_start3A_52 = tpu.memref_slice %arg7[%add3A_36, %dma_start3A] : memref<20480x80xf32, #tpu.memory_space<hbm>> -> memref<128x80xf32, #tpu.memory_space<hbm>>
      %dma_start3A_53 = arith.constant 0 : i32
      %dma_start3A_54 = tpu.memref_slice %arg7[%add3A_36, %dma_start3A_53] : memref<20480x80xf32, #tpu.memory_space<hbm>> -> memref<128x80xf32, #tpu.memory_space<hbm>>
      tpu.enqueue_dma source(%arg11 : memref<128x80xf32, #tpu.memory_space<vmem>>) target(%dma_start3A_54 : memref<128x80xf32, #tpu.memory_space<hbm>>) target_semaphore(%run_scoped3A : memref<!tpu.dma_semaphore, #tpu.memory_space<semaphore_mem>>)
      %dma_wait3A = arith.constant 0 : i32
      %dma_wait3A_55 = tpu.memref_slice %arg7[%add3A_36, %dma_wait3A] : memref<20480x80xf32, #tpu.memory_space<hbm>> -> memref<128x80xf32, #tpu.memory_space<hbm>>
      %dma_wait3A_56 = arith.constant 0 : i32
      %dma_wait3A_57 = tpu.memref_slice %arg7[%add3A_36, %dma_wait3A_56] : memref<20480x80xf32, #tpu.memory_space<hbm>> -> memref<128x80xf32, #tpu.memory_space<hbm>>
      tpu.wait_dma2 semaphore(%run_scoped3A : memref<!tpu.dma_semaphore, #tpu.memory_space<semaphore_mem>>) src(%arg11 : memref<128x80xf32, #tpu.memory_space<vmem>>) dst(%dma_wait3A_57 : memref<128x80xf32, #tpu.memory_space<hbm>>)
      tpu.yield
    }) : () -> ()
    %add3A_37 = arith.constant 256 : i32
    %add3A_38 = arith.addi %mul3A_6, %add3A_37 : i32
    "tpu.region"() ({
      %run_scoped3A = tpu.sem_alloc : memref<!tpu.dma_semaphore, #tpu.memory_space<semaphore_mem>>
      %dma_start3A = arith.constant 0 : i32
      %dma_start3A_52 = tpu.memref_slice %arg15[%add3A_38, %dma_start3A] : memref<10240x80xf32, #tpu.memory_space<vmem_shared>> -> memref<128x80xf32, #tpu.memory_space<vmem_shared>>
      %dma_start3A_53 = arith.constant 0 : i32
      %dma_start3A_54 = tpu.memref_slice %arg15[%add3A_38, %dma_start3A_53] : memref<10240x80xf32, #tpu.memory_space<vmem_shared>> -> memref<128x80xf32, #tpu.memory_space<vmem_shared>>
      tpu.enqueue_dma source(%dma_start3A_54 : memref<128x80xf32, #tpu.memory_space<vmem_shared>>) target(%arg11 : memref<128x80xf32, #tpu.memory_space<vmem>>) target_semaphore(%run_scoped3A : memref<!tpu.dma_semaphore, #tpu.memory_space<semaphore_mem>>)
      %dma_wait3A = arith.constant 0 : i32
      %dma_wait3A_55 = tpu.memref_slice %arg15[%add3A_38, %dma_wait3A] : memref<10240x80xf32, #tpu.memory_space<vmem_shared>> -> memref<128x80xf32, #tpu.memory_space<vmem_shared>>
      %dma_wait3A_56 = arith.constant 0 : i32
      %dma_wait3A_57 = tpu.memref_slice %arg15[%add3A_38, %dma_wait3A_56] : memref<10240x80xf32, #tpu.memory_space<vmem_shared>> -> memref<128x80xf32, #tpu.memory_space<vmem_shared>>
      tpu.wait_dma2 semaphore(%run_scoped3A : memref<!tpu.dma_semaphore, #tpu.memory_space<semaphore_mem>>) src(%dma_wait3A_57 : memref<128x80xf32, #tpu.memory_space<vmem_shared>>) dst(%arg11 : memref<128x80xf32, #tpu.memory_space<vmem>>)
      tpu.yield
    }) : () -> ()
    %mul3A_39 = arith.constant 10240 : i32
    %mul3A_40 = arith.muli %arg0, %mul3A_39 : i32
    %add3A_41 = arith.addi %mul3A_40, %add3A_38 : i32
    "tpu.region"() ({
      %run_scoped3A = tpu.sem_alloc : memref<!tpu.dma_semaphore, #tpu.memory_space<semaphore_mem>>
      %dma_start3A = arith.constant 0 : i32
      %dma_start3A_52 = tpu.memref_slice %arg7[%add3A_41, %dma_start3A] : memref<20480x80xf32, #tpu.memory_space<hbm>> -> memref<128x80xf32, #tpu.memory_space<hbm>>
      %dma_start3A_53 = arith.constant 0 : i32
      %dma_start3A_54 = tpu.memref_slice %arg7[%add3A_41, %dma_start3A_53] : memref<20480x80xf32, #tpu.memory_space<hbm>> -> memref<128x80xf32, #tpu.memory_space<hbm>>
      tpu.enqueue_dma source(%arg11 : memref<128x80xf32, #tpu.memory_space<vmem>>) target(%dma_start3A_54 : memref<128x80xf32, #tpu.memory_space<hbm>>) target_semaphore(%run_scoped3A : memref<!tpu.dma_semaphore, #tpu.memory_space<semaphore_mem>>)
      %dma_wait3A = arith.constant 0 : i32
      %dma_wait3A_55 = tpu.memref_slice %arg7[%add3A_41, %dma_wait3A] : memref<20480x80xf32, #tpu.memory_space<hbm>> -> memref<128x80xf32, #tpu.memory_space<hbm>>
      %dma_wait3A_56 = arith.constant 0 : i32
      %dma_wait3A_57 = tpu.memref_slice %arg7[%add3A_41, %dma_wait3A_56] : memref<20480x80xf32, #tpu.memory_space<hbm>> -> memref<128x80xf32, #tpu.memory_space<hbm>>
      tpu.wait_dma2 semaphore(%run_scoped3A : memref<!tpu.dma_semaphore, #tpu.memory_space<semaphore_mem>>) src(%arg11 : memref<128x80xf32, #tpu.memory_space<vmem>>) dst(%dma_wait3A_57 : memref<128x80xf32, #tpu.memory_space<hbm>>)
      tpu.yield
    }) : () -> ()
    %add3A_42 = arith.constant 384 : i32
    %add3A_43 = arith.addi %mul3A_6, %add3A_42 : i32
    "tpu.region"() ({
      %run_scoped3A = tpu.sem_alloc : memref<!tpu.dma_semaphore, #tpu.memory_space<semaphore_mem>>
      %dma_start3A = arith.constant 0 : i32
      %dma_start3A_52 = tpu.memref_slice %arg15[%add3A_43, %dma_start3A] : memref<10240x80xf32, #tpu.memory_space<vmem_shared>> -> memref<128x80xf32, #tpu.memory_space<vmem_shared>>
      %dma_start3A_53 = arith.constant 0 : i32
      %dma_start3A_54 = tpu.memref_slice %arg15[%add3A_43, %dma_start3A_53] : memref<10240x80xf32, #tpu.memory_space<vmem_shared>> -> memref<128x80xf32, #tpu.memory_space<vmem_shared>>
      tpu.enqueue_dma source(%dma_start3A_54 : memref<128x80xf32, #tpu.memory_space<vmem_shared>>) target(%arg11 : memref<128x80xf32, #tpu.memory_space<vmem>>) target_semaphore(%run_scoped3A : memref<!tpu.dma_semaphore, #tpu.memory_space<semaphore_mem>>)
      %dma_wait3A = arith.constant 0 : i32
      %dma_wait3A_55 = tpu.memref_slice %arg15[%add3A_43, %dma_wait3A] : memref<10240x80xf32, #tpu.memory_space<vmem_shared>> -> memref<128x80xf32, #tpu.memory_space<vmem_shared>>
      %dma_wait3A_56 = arith.constant 0 : i32
      %dma_wait3A_57 = tpu.memref_slice %arg15[%add3A_43, %dma_wait3A_56] : memref<10240x80xf32, #tpu.memory_space<vmem_shared>> -> memref<128x80xf32, #tpu.memory_space<vmem_shared>>
      tpu.wait_dma2 semaphore(%run_scoped3A : memref<!tpu.dma_semaphore, #tpu.memory_space<semaphore_mem>>) src(%dma_wait3A_57 : memref<128x80xf32, #tpu.memory_space<vmem_shared>>) dst(%arg11 : memref<128x80xf32, #tpu.memory_space<vmem>>)
      tpu.yield
    }) : () -> ()
    %mul3A_44 = arith.constant 10240 : i32
    %mul3A_45 = arith.muli %arg0, %mul3A_44 : i32
    %add3A_46 = arith.addi %mul3A_45, %add3A_43 : i32
    "tpu.region"() ({
      %run_scoped3A = tpu.sem_alloc : memref<!tpu.dma_semaphore, #tpu.memory_space<semaphore_mem>>
      %dma_start3A = arith.constant 0 : i32
      %dma_start3A_52 = tpu.memref_slice %arg7[%add3A_46, %dma_start3A] : memref<20480x80xf32, #tpu.memory_space<hbm>> -> memref<128x80xf32, #tpu.memory_space<hbm>>
      %dma_start3A_53 = arith.constant 0 : i32
      %dma_start3A_54 = tpu.memref_slice %arg7[%add3A_46, %dma_start3A_53] : memref<20480x80xf32, #tpu.memory_space<hbm>> -> memref<128x80xf32, #tpu.memory_space<hbm>>
      tpu.enqueue_dma source(%arg11 : memref<128x80xf32, #tpu.memory_space<vmem>>) target(%dma_start3A_54 : memref<128x80xf32, #tpu.memory_space<hbm>>) target_semaphore(%run_scoped3A : memref<!tpu.dma_semaphore, #tpu.memory_space<semaphore_mem>>)
      %dma_wait3A = arith.constant 0 : i32
      %dma_wait3A_55 = tpu.memref_slice %arg7[%add3A_46, %dma_wait3A] : memref<20480x80xf32, #tpu.memory_space<hbm>> -> memref<128x80xf32, #tpu.memory_space<hbm>>
      %dma_wait3A_56 = arith.constant 0 : i32
      %dma_wait3A_57 = tpu.memref_slice %arg7[%add3A_46, %dma_wait3A_56] : memref<20480x80xf32, #tpu.memory_space<hbm>> -> memref<128x80xf32, #tpu.memory_space<hbm>>
      tpu.wait_dma2 semaphore(%run_scoped3A : memref<!tpu.dma_semaphore, #tpu.memory_space<semaphore_mem>>) src(%arg11 : memref<128x80xf32, #tpu.memory_space<vmem>>) dst(%dma_wait3A_57 : memref<128x80xf32, #tpu.memory_space<hbm>>)
      tpu.yield
    }) : () -> ()
    %add3A_47 = arith.constant 512 : i32
    %add3A_48 = arith.addi %mul3A_6, %add3A_47 : i32
    "tpu.region"() ({
      %run_scoped3A = tpu.sem_alloc : memref<!tpu.dma_semaphore, #tpu.memory_space<semaphore_mem>>
      %dma_start3A = arith.constant 0 : i32
      %dma_start3A_52 = tpu.memref_slice %arg15[%add3A_48, %dma_start3A] : memref<10240x80xf32, #tpu.memory_space<vmem_shared>> -> memref<128x80xf32, #tpu.memory_space<vmem_shared>>
      %dma_start3A_53 = arith.constant 0 : i32
      %dma_start3A_54 = tpu.memref_slice %arg15[%add3A_48, %dma_start3A_53] : memref<10240x80xf32, #tpu.memory_space<vmem_shared>> -> memref<128x80xf32, #tpu.memory_space<vmem_shared>>
      tpu.enqueue_dma source(%dma_start3A_54 : memref<128x80xf32, #tpu.memory_space<vmem_shared>>) target(%arg11 : memref<128x80xf32, #tpu.memory_space<vmem>>) target_semaphore(%run_scoped3A : memref<!tpu.dma_semaphore, #tpu.memory_space<semaphore_mem>>)
      %dma_wait3A = arith.constant 0 : i32
      %dma_wait3A_55 = tpu.memref_slice %arg15[%add3A_48, %dma_wait3A] : memref<10240x80xf32, #tpu.memory_space<vmem_shared>> -> memref<128x80xf32, #tpu.memory_space<vmem_shared>>
      %dma_wait3A_56 = arith.constant 0 : i32
      %dma_wait3A_57 = tpu.memref_slice %arg15[%add3A_48, %dma_wait3A_56] : memref<10240x80xf32, #tpu.memory_space<vmem_shared>> -> memref<128x80xf32, #tpu.memory_space<vmem_shared>>
      tpu.wait_dma2 semaphore(%run_scoped3A : memref<!tpu.dma_semaphore, #tpu.memory_space<semaphore_mem>>) src(%dma_wait3A_57 : memref<128x80xf32, #tpu.memory_space<vmem_shared>>) dst(%arg11 : memref<128x80xf32, #tpu.memory_space<vmem>>)
      tpu.yield
    }) : () -> ()
    %mul3A_49 = arith.constant 10240 : i32
    %mul3A_50 = arith.muli %arg0, %mul3A_49 : i32
    %add3A_51 = arith.addi %mul3A_50, %add3A_48 : i32
    "tpu.region"() ({
      %run_scoped3A = tpu.sem_alloc : memref<!tpu.dma_semaphore, #tpu.memory_space<semaphore_mem>>
      %dma_start3A = arith.constant 0 : i32
      %dma_start3A_52 = tpu.memref_slice %arg7[%add3A_51, %dma_start3A] : memref<20480x80xf32, #tpu.memory_space<hbm>> -> memref<128x80xf32, #tpu.memory_space<hbm>>
      %dma_start3A_53 = arith.constant 0 : i32
      %dma_start3A_54 = tpu.memref_slice %arg7[%add3A_51, %dma_start3A_53] : memref<20480x80xf32, #tpu.memory_space<hbm>> -> memref<128x80xf32, #tpu.memory_space<hbm>>
      tpu.enqueue_dma source(%arg11 : memref<128x80xf32, #tpu.memory_space<vmem>>) target(%dma_start3A_54 : memref<128x80xf32, #tpu.memory_space<hbm>>) target_semaphore(%run_scoped3A : memref<!tpu.dma_semaphore, #tpu.memory_space<semaphore_mem>>)
      %dma_wait3A = arith.constant 0 : i32
      %dma_wait3A_55 = tpu.memref_slice %arg7[%add3A_51, %dma_wait3A] : memref<20480x80xf32, #tpu.memory_space<hbm>> -> memref<128x80xf32, #tpu.memory_space<hbm>>
      %dma_wait3A_56 = arith.constant 0 : i32
      %dma_wait3A_57 = tpu.memref_slice %arg7[%add3A_51, %dma_wait3A_56] : memref<20480x80xf32, #tpu.memory_space<hbm>> -> memref<128x80xf32, #tpu.memory_space<hbm>>
      tpu.wait_dma2 semaphore(%run_scoped3A : memref<!tpu.dma_semaphore, #tpu.memory_space<semaphore_mem>>) src(%arg11 : memref<128x80xf32, #tpu.memory_space<vmem>>) dst(%dma_wait3A_57 : memref<128x80xf32, #tpu.memory_space<hbm>>)
      tpu.yield
    }) : () -> ()
    return
  }
}

#map = affine_map<(d0, d1) -> (0)>
#map1 = affine_map<(d0, d1) -> (0, 0)>
module attributes {stable_mosaic.version = 14 : i64} {
  func.func @_edge_body(%arg0: i32, %arg1: i32, %arg2: memref<331776xi32, #tpu.memory_space<hbm>>, %arg3: memref<331776xi32, #tpu.memory_space<hbm>>, %arg4: memref<20000x64xf32, #tpu.memory_space<hbm>>, %arg5: memref<2x10000xf32, #tpu.memory_space<hbm>>, %arg6: memref<2x10000xf32, #tpu.memory_space<hbm>>, %arg7: memref<20480x80xf32, #tpu.memory_space<hbm>>, %arg8: memref<10000xf32, #tpu.memory_space<vmem>>, %arg9: memref<10000xf32, #tpu.memory_space<vmem>>, %arg10: memref<128x64xf32, #tpu.memory_space<vmem>>, %arg11: memref<128x80xf32, #tpu.memory_space<vmem>>, %arg12: memref<128xi32, #tpu.memory_space<vmem>>, %arg13: memref<128xi32, #tpu.memory_space<vmem>>, %arg14: memref<128xi32, #tpu.memory_space<vmem>>, %arg15: memref<10240x80xf32, #tpu.memory_space<vmem_shared>>, %arg16: memref<!tpu.dma_semaphore, #tpu.memory_space<semaphore_mem>>) attributes {dimension_semantics = [#tpu.dimension_semantics<core_parallel>, #tpu.dimension_semantics<subcore_parallel>], iteration_bounds = array<i64: 2, 16>, scalar_prefetch = 0 : i64, scratch_operands = 9 : i64, tpu.core_type = #tpu.core_type<sc_vector_subcore>, window_params = [{transform_indices = #map}, {transform_indices = #map}, {transform_indices = #map1}, {transform_indices = #map1}, {transform_indices = #map1}, {transform_indices = #map1}]} {
    %broadcast_in_dim3A = arith.constant 0.000000e+00 : f32
    %broadcast_in_dim3A_0 = vector.broadcast %broadcast_in_dim3A : f32 to vector<16xf32>
    "tpu.region"() ({
      %run_scoped3A = tpu.sem_alloc : memref<!tpu.dma_semaphore, #tpu.memory_space<semaphore_mem>>
      %dma_start3A = arith.constant 0 : i32
      %dma_start3A_52 = tpu.memref_slice %arg5[%arg0, %dma_start3A] : memref<2x10000xf32, #tpu.memory_space<hbm>> -> memref<1x10000xf32, #tpu.memory_space<hbm>>
      %dma_start3A_53 = tpu.memref_squeeze %dma_start3A_52 : memref<1x10000xf32, #tpu.memory_space<hbm>> -> memref<10000xf32, #tpu.memory_space<hbm>>
      %dma_start3A_54 = arith.constant 0 : i32
      %dma_start3A_55 = tpu.memref_slice %arg5[%arg0, %dma_start3A_54] : memref<2x10000xf32, #tpu.memory_space<hbm>> -> memref<1x10000xf32, #tpu.memory_space<hbm>>
      %dma_start3A_56 = tpu.memref_squeeze %dma_start3A_55 : memref<1x10000xf32, #tpu.memory_space<hbm>> -> memref<10000xf32, #tpu.memory_space<hbm>>
      tpu.enqueue_dma source(%dma_start3A_56 : memref<10000xf32, #tpu.memory_space<hbm>>) target(%arg8 : memref<10000xf32, #tpu.memory_space<vmem>>) target_semaphore(%run_scoped3A : memref<!tpu.dma_semaphore, #tpu.memory_space<semaphore_mem>>)
      %dma_wait3A = arith.constant 0 : i32
      %dma_wait3A_57 = tpu.memref_slice %arg5[%arg0, %dma_wait3A] : memref<2x10000xf32, #tpu.memory_space<hbm>> -> memref<1x10000xf32, #tpu.memory_space<hbm>>
      %dma_wait3A_58 = tpu.memref_squeeze %dma_wait3A_57 : memref<1x10000xf32, #tpu.memory_space<hbm>> -> memref<10000xf32, #tpu.memory_space<hbm>>
      %dma_wait3A_59 = arith.constant 0 : i32
      %dma_wait3A_60 = tpu.memref_slice %arg5[%arg0, %dma_wait3A_59] : memref<2x10000xf32, #tpu.memory_space<hbm>> -> memref<1x10000xf32, #tpu.memory_space<hbm>>
      %dma_wait3A_61 = tpu.memref_squeeze %dma_wait3A_60 : memref<1x10000xf32, #tpu.memory_space<hbm>> -> memref<10000xf32, #tpu.memory_space<hbm>>
      tpu.wait_dma2 semaphore(%run_scoped3A : memref<!tpu.dma_semaphore, #tpu.memory_space<semaphore_mem>>) src(%dma_wait3A_61 : memref<10000xf32, #tpu.memory_space<hbm>>) dst(%arg8 : memref<10000xf32, #tpu.memory_space<vmem>>)
      tpu.yield
    }) : () -> ()
    "tpu.region"() ({
      %run_scoped3A = tpu.sem_alloc : memref<!tpu.dma_semaphore, #tpu.memory_space<semaphore_mem>>
      %dma_start3A = arith.constant 0 : i32
      %dma_start3A_52 = tpu.memref_slice %arg6[%arg0, %dma_start3A] : memref<2x10000xf32, #tpu.memory_space<hbm>> -> memref<1x10000xf32, #tpu.memory_space<hbm>>
      %dma_start3A_53 = tpu.memref_squeeze %dma_start3A_52 : memref<1x10000xf32, #tpu.memory_space<hbm>> -> memref<10000xf32, #tpu.memory_space<hbm>>
      %dma_start3A_54 = arith.constant 0 : i32
      %dma_start3A_55 = tpu.memref_slice %arg6[%arg0, %dma_start3A_54] : memref<2x10000xf32, #tpu.memory_space<hbm>> -> memref<1x10000xf32, #tpu.memory_space<hbm>>
      %dma_start3A_56 = tpu.memref_squeeze %dma_start3A_55 : memref<1x10000xf32, #tpu.memory_space<hbm>> -> memref<10000xf32, #tpu.memory_space<hbm>>
      tpu.enqueue_dma source(%dma_start3A_56 : memref<10000xf32, #tpu.memory_space<hbm>>) target(%arg9 : memref<10000xf32, #tpu.memory_space<vmem>>) target_semaphore(%run_scoped3A : memref<!tpu.dma_semaphore, #tpu.memory_space<semaphore_mem>>)
      %dma_wait3A = arith.constant 0 : i32
      %dma_wait3A_57 = tpu.memref_slice %arg6[%arg0, %dma_wait3A] : memref<2x10000xf32, #tpu.memory_space<hbm>> -> memref<1x10000xf32, #tpu.memory_space<hbm>>
      %dma_wait3A_58 = tpu.memref_squeeze %dma_wait3A_57 : memref<1x10000xf32, #tpu.memory_space<hbm>> -> memref<10000xf32, #tpu.memory_space<hbm>>
      %dma_wait3A_59 = arith.constant 0 : i32
      %dma_wait3A_60 = tpu.memref_slice %arg6[%arg0, %dma_wait3A_59] : memref<2x10000xf32, #tpu.memory_space<hbm>> -> memref<1x10000xf32, #tpu.memory_space<hbm>>
      %dma_wait3A_61 = tpu.memref_squeeze %dma_wait3A_60 : memref<1x10000xf32, #tpu.memory_space<hbm>> -> memref<10000xf32, #tpu.memory_space<hbm>>
      tpu.wait_dma2 semaphore(%run_scoped3A : memref<!tpu.dma_semaphore, #tpu.memory_space<semaphore_mem>>) src(%dma_wait3A_61 : memref<10000xf32, #tpu.memory_space<hbm>>) dst(%arg9 : memref<10000xf32, #tpu.memory_space<vmem>>)
      tpu.yield
    }) : () -> ()
    %scan3A = arith.constant 0 : i32
    %scan3A_1 = arith.constant 0 : i32
    %scan3A_2 = arith.constant 128 : i32
    %scan3A_3 = arith.addi %scan3A_1, %scan3A_2 : i32
    %scan3A_4 = arith.constant 1 : i32
    scf.for %scan3A_52 = %scan3A_1 to %scan3A_3 step %scan3A_4  : i32 {
      %swap3A = arith.index_cast %scan3A_52 : i32 to index
      %swap3A_53 = arith.constant 0 : index
      %swap3A_54 = tpu.vector_load %arg11[%swap3A, %swap3A_53] {strides = array<i32>} : memref<128x80xf32, #tpu.memory_space<vmem>>, vector<16xf32>,
      tpu.vector_store %arg11[%swap3A, %swap3A_53], %broadcast_in_dim3A_0 {strides = array<i32>} : memref<128x80xf32, #tpu.memory_space<vmem>>, vector<16xf32>,
      %swap3A_55 = arith.index_cast %scan3A_52 : i32 to index
      %swap3A_56 = arith.constant 16 : index
      %swap3A_57 = tpu.vector_load %arg11[%swap3A_55, %swap3A_56] {strides = array<i32>} : memref<128x80xf32, #tpu.memory_space<vmem>>, vector<16xf32>,
      tpu.vector_store %arg11[%swap3A_55, %swap3A_56], %broadcast_in_dim3A_0 {strides = array<i32>} : memref<128x80xf32, #tpu.memory_space<vmem>>, vector<16xf32>,
      %swap3A_58 = arith.index_cast %scan3A_52 : i32 to index
      %swap3A_59 = arith.constant 32 : index
      %swap3A_60 = tpu.vector_load %arg11[%swap3A_58, %swap3A_59] {strides = array<i32>} : memref<128x80xf32, #tpu.memory_space<vmem>>, vector<16xf32>,
      tpu.vector_store %arg11[%swap3A_58, %swap3A_59], %broadcast_in_dim3A_0 {strides = array<i32>} : memref<128x80xf32, #tpu.memory_space<vmem>>, vector<16xf32>,
      %swap3A_61 = arith.index_cast %scan3A_52 : i32 to index
      %swap3A_62 = arith.constant 48 : index
      %swap3A_63 = tpu.vector_load %arg11[%swap3A_61, %swap3A_62] {strides = array<i32>} : memref<128x80xf32, #tpu.memory_space<vmem>>, vector<16xf32>,
      tpu.vector_store %arg11[%swap3A_61, %swap3A_62], %broadcast_in_dim3A_0 {strides = array<i32>} : memref<128x80xf32, #tpu.memory_space<vmem>>, vector<16xf32>,
      %swap3A_64 = arith.index_cast %scan3A_52 : i32 to index
      %swap3A_65 = arith.constant 64 : index
      %swap3A_66 = tpu.vector_load %arg11[%swap3A_64, %swap3A_65] {strides = array<i32>} : memref<128x80xf32, #tpu.memory_space<vmem>>, vector<16xf32>,
      tpu.vector_store %arg11[%swap3A_64, %swap3A_65], %broadcast_in_dim3A_0 {strides = array<i32>} : memref<128x80xf32, #tpu.memory_space<vmem>>, vector<16xf32>,
    }
    %scan3A_5 = arith.constant 128 : i32
    %mul3A = arith.constant 640 : i32
    %mul3A_6 = arith.muli %arg1, %mul3A : i32
    %add3A = arith.constant 0 : i32
    %add3A_7 = arith.addi %mul3A_6, %add3A : i32
    "tpu.region"() ({
      %run_scoped3A = tpu.sem_alloc : memref<!tpu.dma_semaphore, #tpu.memory_space<semaphore_mem>>
      %dma_start3A = arith.constant 0 : i32
      %dma_start3A_52 = tpu.memref_slice %arg15[%add3A_7, %dma_start3A] : memref<10240x80xf32, #tpu.memory_space<vmem_shared>> -> memref<128x80xf32, #tpu.memory_space<vmem_shared>>
      %dma_start3A_53 = arith.constant 0 : i32
      %dma_start3A_54 = tpu.memref_slice %arg15[%add3A_7, %dma_start3A_53] : memref<10240x80xf32, #tpu.memory_space<vmem_shared>> -> memref<128x80xf32, #tpu.memory_space<vmem_shared>>
      tpu.enqueue_dma source(%arg11 : memref<128x80xf32, #tpu.memory_space<vmem>>) target(%dma_start3A_54 : memref<128x80xf32, #tpu.memory_space<vmem_shared>>) target_semaphore(%run_scoped3A : memref<!tpu.dma_semaphore, #tpu.memory_space<semaphore_mem>>)
      %dma_wait3A = arith.constant 0 : i32
      %dma_wait3A_55 = tpu.memref_slice %arg15[%add3A_7, %dma_wait3A] : memref<10240x80xf32, #tpu.memory_space<vmem_shared>> -> memref<128x80xf32, #tpu.memory_space<vmem_shared>>
      %dma_wait3A_56 = arith.constant 0 : i32
      %dma_wait3A_57 = tpu.memref_slice %arg15[%add3A_7, %dma_wait3A_56] : memref<10240x80xf32, #tpu.memory_space<vmem_shared>> -> memref<128x80xf32, #tpu.memory_space<vmem_shared>>
      tpu.wait_dma2 semaphore(%run_scoped3A : memref<!tpu.dma_semaphore, #tpu.memory_space<semaphore_mem>>) src(%arg11 : memref<128x80xf32, #tpu.memory_space<vmem>>) dst(%dma_wait3A_57 : memref<128x80xf32, #tpu.memory_space<vmem_shared>>)
      tpu.yield
    }) : () -> ()
    %add3A_8 = arith.constant 128 : i32
    %add3A_9 = arith.addi %mul3A_6, %add3A_8 : i32
    "tpu.region"() ({
      %run_scoped3A = tpu.sem_alloc : memref<!tpu.dma_semaphore, #tpu.memory_space<semaphore_mem>>
      %dma_start3A = arith.constant 0 : i32
      %dma_start3A_52 = tpu.memref_slice %arg15[%add3A_9, %dma_start3A] : memref<10240x80xf32, #tpu.memory_space<vmem_shared>> -> memref<128x80xf32, #tpu.memory_space<vmem_shared>>
      %dma_start3A_53 = arith.constant 0 : i32
      %dma_start3A_54 = tpu.memref_slice %arg15[%add3A_9, %dma_start3A_53] : memref<10240x80xf32, #tpu.memory_space<vmem_shared>> -> memref<128x80xf32, #tpu.memory_space<vmem_shared>>
      tpu.enqueue_dma source(%arg11 : memref<128x80xf32, #tpu.memory_space<vmem>>) target(%dma_start3A_54 : memref<128x80xf32, #tpu.memory_space<vmem_shared>>) target_semaphore(%run_scoped3A : memref<!tpu.dma_semaphore, #tpu.memory_space<semaphore_mem>>)
      %dma_wait3A = arith.constant 0 : i32
      %dma_wait3A_55 = tpu.memref_slice %arg15[%add3A_9, %dma_wait3A] : memref<10240x80xf32, #tpu.memory_space<vmem_shared>> -> memref<128x80xf32, #tpu.memory_space<vmem_shared>>
      %dma_wait3A_56 = arith.constant 0 : i32
      %dma_wait3A_57 = tpu.memref_slice %arg15[%add3A_9, %dma_wait3A_56] : memref<10240x80xf32, #tpu.memory_space<vmem_shared>> -> memref<128x80xf32, #tpu.memory_space<vmem_shared>>
      tpu.wait_dma2 semaphore(%run_scoped3A : memref<!tpu.dma_semaphore, #tpu.memory_space<semaphore_mem>>) src(%arg11 : memref<128x80xf32, #tpu.memory_space<vmem>>) dst(%dma_wait3A_57 : memref<128x80xf32, #tpu.memory_space<vmem_shared>>)
      tpu.yield
    }) : () -> ()
    %add3A_10 = arith.constant 256 : i32
    %add3A_11 = arith.addi %mul3A_6, %add3A_10 : i32
    "tpu.region"() ({
      %run_scoped3A = tpu.sem_alloc : memref<!tpu.dma_semaphore, #tpu.memory_space<semaphore_mem>>
      %dma_start3A = arith.constant 0 : i32
      %dma_start3A_52 = tpu.memref_slice %arg15[%add3A_11, %dma_start3A] : memref<10240x80xf32, #tpu.memory_space<vmem_shared>> -> memref<128x80xf32, #tpu.memory_space<vmem_shared>>
      %dma_start3A_53 = arith.constant 0 : i32
      %dma_start3A_54 = tpu.memref_slice %arg15[%add3A_11, %dma_start3A_53] : memref<10240x80xf32, #tpu.memory_space<vmem_shared>> -> memref<128x80xf32, #tpu.memory_space<vmem_shared>>
      tpu.enqueue_dma source(%arg11 : memref<128x80xf32, #tpu.memory_space<vmem>>) target(%dma_start3A_54 : memref<128x80xf32, #tpu.memory_space<vmem_shared>>) target_semaphore(%run_scoped3A : memref<!tpu.dma_semaphore, #tpu.memory_space<semaphore_mem>>)
      %dma_wait3A = arith.constant 0 : i32
      %dma_wait3A_55 = tpu.memref_slice %arg15[%add3A_11, %dma_wait3A] : memref<10240x80xf32, #tpu.memory_space<vmem_shared>> -> memref<128x80xf32, #tpu.memory_space<vmem_shared>>
      %dma_wait3A_56 = arith.constant 0 : i32
      %dma_wait3A_57 = tpu.memref_slice %arg15[%add3A_11, %dma_wait3A_56] : memref<10240x80xf32, #tpu.memory_space<vmem_shared>> -> memref<128x80xf32, #tpu.memory_space<vmem_shared>>
      tpu.wait_dma2 semaphore(%run_scoped3A : memref<!tpu.dma_semaphore, #tpu.memory_space<semaphore_mem>>) src(%arg11 : memref<128x80xf32, #tpu.memory_space<vmem>>) dst(%dma_wait3A_57 : memref<128x80xf32, #tpu.memory_space<vmem_shared>>)
      tpu.yield
    }) : () -> ()
    %add3A_12 = arith.constant 384 : i32
    %add3A_13 = arith.addi %mul3A_6, %add3A_12 : i32
    "tpu.region"() ({
      %run_scoped3A = tpu.sem_alloc : memref<!tpu.dma_semaphore, #tpu.memory_space<semaphore_mem>>
      %dma_start3A = arith.constant 0 : i32
      %dma_start3A_52 = tpu.memref_slice %arg15[%add3A_13, %dma_start3A] : memref<10240x80xf32, #tpu.memory_space<vmem_shared>> -> memref<128x80xf32, #tpu.memory_space<vmem_shared>>
      %dma_start3A_53 = arith.constant 0 : i32
      %dma_start3A_54 = tpu.memref_slice %arg15[%add3A_13, %dma_start3A_53] : memref<10240x80xf32, #tpu.memory_space<vmem_shared>> -> memref<128x80xf32, #tpu.memory_space<vmem_shared>>
      tpu.enqueue_dma source(%arg11 : memref<128x80xf32, #tpu.memory_space<vmem>>) target(%dma_start3A_54 : memref<128x80xf32, #tpu.memory_space<vmem_shared>>) target_semaphore(%run_scoped3A : memref<!tpu.dma_semaphore, #tpu.memory_space<semaphore_mem>>)
      %dma_wait3A = arith.constant 0 : i32
      %dma_wait3A_55 = tpu.memref_slice %arg15[%add3A_13, %dma_wait3A] : memref<10240x80xf32, #tpu.memory_space<vmem_shared>> -> memref<128x80xf32, #tpu.memory_space<vmem_shared>>
      %dma_wait3A_56 = arith.constant 0 : i32
      %dma_wait3A_57 = tpu.memref_slice %arg15[%add3A_13, %dma_wait3A_56] : memref<10240x80xf32, #tpu.memory_space<vmem_shared>> -> memref<128x80xf32, #tpu.memory_space<vmem_shared>>
      tpu.wait_dma2 semaphore(%run_scoped3A : memref<!tpu.dma_semaphore, #tpu.memory_space<semaphore_mem>>) src(%arg11 : memref<128x80xf32, #tpu.memory_space<vmem>>) dst(%dma_wait3A_57 : memref<128x80xf32, #tpu.memory_space<vmem_shared>>)
      tpu.yield
    }) : () -> ()
    %add3A_14 = arith.constant 512 : i32
    %add3A_15 = arith.addi %mul3A_6, %add3A_14 : i32
    "tpu.region"() ({
      %run_scoped3A = tpu.sem_alloc : memref<!tpu.dma_semaphore, #tpu.memory_space<semaphore_mem>>
      %dma_start3A = arith.constant 0 : i32
      %dma_start3A_52 = tpu.memref_slice %arg15[%add3A_15, %dma_start3A] : memref<10240x80xf32, #tpu.memory_space<vmem_shared>> -> memref<128x80xf32, #tpu.memory_space<vmem_shared>>
      %dma_start3A_53 = arith.constant 0 : i32
      %dma_start3A_54 = tpu.memref_slice %arg15[%add3A_15, %dma_start3A_53] : memref<10240x80xf32, #tpu.memory_space<vmem_shared>> -> memref<128x80xf32, #tpu.memory_space<vmem_shared>>
      tpu.enqueue_dma source(%arg11 : memref<128x80xf32, #tpu.memory_space<vmem>>) target(%dma_start3A_54 : memref<128x80xf32, #tpu.memory_space<vmem_shared>>) target_semaphore(%run_scoped3A : memref<!tpu.dma_semaphore, #tpu.memory_space<semaphore_mem>>)
      %dma_wait3A = arith.constant 0 : i32
      %dma_wait3A_55 = tpu.memref_slice %arg15[%add3A_15, %dma_wait3A] : memref<10240x80xf32, #tpu.memory_space<vmem_shared>> -> memref<128x80xf32, #tpu.memory_space<vmem_shared>>
      %dma_wait3A_56 = arith.constant 0 : i32
      %dma_wait3A_57 = tpu.memref_slice %arg15[%add3A_15, %dma_wait3A_56] : memref<10240x80xf32, #tpu.memory_space<vmem_shared>> -> memref<128x80xf32, #tpu.memory_space<vmem_shared>>
      tpu.wait_dma2 semaphore(%run_scoped3A : memref<!tpu.dma_semaphore, #tpu.memory_space<semaphore_mem>>) src(%arg11 : memref<128x80xf32, #tpu.memory_space<vmem>>) dst(%dma_wait3A_57 : memref<128x80xf32, #tpu.memory_space<vmem_shared>>)
      tpu.yield
    }) : () -> ()
    %barrier3A = arith.constant 0 : index
    tpu.barrier barrier_id(%barrier3A)
    %iota3A = tpu.iota {dimensions = array<i32: 0>} : vector<16xi32>
    %mul3A_16 = arith.constant 20736 : i32
    %mul3A_17 = arith.muli %arg1, %mul3A_16 : i32
    %mul3A_18 = arith.constant 10000 : i32
    %mul3A_19 = arith.muli %arg0, %mul3A_18 : i32
    %scan3A_20 = arith.constant 0 : i32
    %scan3A_21 = arith.constant 0 : i32
    %scan3A_22 = arith.constant 162 : i32
    %scan3A_23 = arith.addi %scan3A_21, %scan3A_22 : i32
    %scan3A_24 = arith.constant 1 : i32
    scf.for %scan3A_52 = %scan3A_21 to %scan3A_23 step %scan3A_24  : i32 {
      %mul3A_53 = arith.constant 128 : i32
      %mul3A_54 = arith.muli %scan3A_52, %mul3A_53 : i32
      %add3A_55 = arith.addi %mul3A_17, %mul3A_54 : i32
      "tpu.region"() ({
        %run_scoped3A = tpu.sem_alloc : memref<!tpu.dma_semaphore, #tpu.memory_space<semaphore_mem>>
        %dma_start3A_245 = tpu.memref_slice %arg2[%add3A_55] : memref<331776xi32, #tpu.memory_space<hbm>> -> memref<128xi32, #tpu.memory_space<hbm>>
        %dma_start3A_246 = tpu.memref_slice %arg2[%add3A_55] : memref<331776xi32, #tpu.memory_space<hbm>> -> memref<128xi32, #tpu.memory_space<hbm>>
        tpu.enqueue_dma source(%dma_start3A_246 : memref<128xi32, #tpu.memory_space<hbm>>) target(%arg12 : memref<128xi32, #tpu.memory_space<vmem>>) target_semaphore(%run_scoped3A : memref<!tpu.dma_semaphore, #tpu.memory_space<semaphore_mem>>)
        %dma_wait3A_247 = tpu.memref_slice %arg2[%add3A_55] : memref<331776xi32, #tpu.memory_space<hbm>> -> memref<128xi32, #tpu.memory_space<hbm>>
        %dma_wait3A_248 = tpu.memref_slice %arg2[%add3A_55] : memref<331776xi32, #tpu.memory_space<hbm>> -> memref<128xi32, #tpu.memory_space<hbm>>
        tpu.wait_dma2 semaphore(%run_scoped3A : memref<!tpu.dma_semaphore, #tpu.memory_space<semaphore_mem>>) src(%dma_wait3A_248 : memref<128xi32, #tpu.memory_space<hbm>>) dst(%arg12 : memref<128xi32, #tpu.memory_space<vmem>>)
        tpu.yield
      }) : () -> ()
      "tpu.region"() ({
        %run_scoped3A = tpu.sem_alloc : memref<!tpu.dma_semaphore, #tpu.memory_space<semaphore_mem>>
        %dma_start3A_245 = tpu.memref_slice %arg3[%add3A_55] : memref<331776xi32, #tpu.memory_space<hbm>> -> memref<128xi32, #tpu.memory_space<hbm>>
        %dma_start3A_246 = tpu.memref_slice %arg3[%add3A_55] : memref<331776xi32, #tpu.memory_space<hbm>> -> memref<128xi32, #tpu.memory_space<hbm>>
        tpu.enqueue_dma source(%dma_start3A_246 : memref<128xi32, #tpu.memory_space<hbm>>) target(%arg14 : memref<128xi32, #tpu.memory_space<vmem>>) target_semaphore(%run_scoped3A : memref<!tpu.dma_semaphore, #tpu.memory_space<semaphore_mem>>)
        %dma_wait3A_247 = tpu.memref_slice %arg3[%add3A_55] : memref<331776xi32, #tpu.memory_space<hbm>> -> memref<128xi32, #tpu.memory_space<hbm>>
        %dma_wait3A_248 = tpu.memref_slice %arg3[%add3A_55] : memref<331776xi32, #tpu.memory_space<hbm>> -> memref<128xi32, #tpu.memory_space<hbm>>
        tpu.wait_dma2 semaphore(%run_scoped3A : memref<!tpu.dma_semaphore, #tpu.memory_space<semaphore_mem>>) src(%dma_wait3A_248 : memref<128xi32, #tpu.memory_space<hbm>>) dst(%arg14 : memref<128xi32, #tpu.memory_space<vmem>>)
        tpu.yield
      }) : () -> ()
      %get3A = arith.constant 0 : index
      %get3A_56 = tpu.vector_load %arg12[%get3A] {strides = array<i32>} : memref<128xi32, #tpu.memory_space<vmem>>, vector<16xi32>,
      %add3A_57 = vector.broadcast %mul3A_19 : i32 to vector<16xi32>
      %add3A_58 = arith.addi %get3A_56, %add3A_57 : vector<16xi32>
      %swap3A = arith.constant 0 : index
      %swap3A_59 = tpu.vector_load %arg13[%swap3A] {strides = array<i32>} : memref<128xi32, #tpu.memory_space<vmem>>, vector<16xi32>,
      tpu.vector_store %arg13[%swap3A], %add3A_58 {strides = array<i32>} : memref<128xi32, #tpu.memory_space<vmem>>, vector<16xi32>,
      %get3A_60 = arith.constant 16 : index
      %get3A_61 = tpu.vector_load %arg12[%get3A_60] {strides = array<i32>} : memref<128xi32, #tpu.memory_space<vmem>>, vector<16xi32>,
      %add3A_62 = vector.broadcast %mul3A_19 : i32 to vector<16xi32>
      %add3A_63 = arith.addi %get3A_61, %add3A_62 : vector<16xi32>
      %swap3A_64 = arith.constant 16 : index
      %swap3A_65 = tpu.vector_load %arg13[%swap3A_64] {strides = array<i32>} : memref<128xi32, #tpu.memory_space<vmem>>, vector<16xi32>,
      tpu.vector_store %arg13[%swap3A_64], %add3A_63 {strides = array<i32>} : memref<128xi32, #tpu.memory_space<vmem>>, vector<16xi32>,
      %get3A_66 = arith.constant 32 : index
      %get3A_67 = tpu.vector_load %arg12[%get3A_66] {strides = array<i32>} : memref<128xi32, #tpu.memory_space<vmem>>, vector<16xi32>,
      %add3A_68 = vector.broadcast %mul3A_19 : i32 to vector<16xi32>
      %add3A_69 = arith.addi %get3A_67, %add3A_68 : vector<16xi32>
      %swap3A_70 = arith.constant 32 : index
      %swap3A_71 = tpu.vector_load %arg13[%swap3A_70] {strides = array<i32>} : memref<128xi32, #tpu.memory_space<vmem>>, vector<16xi32>,
      tpu.vector_store %arg13[%swap3A_70], %add3A_69 {strides = array<i32>} : memref<128xi32, #tpu.memory_space<vmem>>, vector<16xi32>,
      %get3A_72 = arith.constant 48 : index
      %get3A_73 = tpu.vector_load %arg12[%get3A_72] {strides = array<i32>} : memref<128xi32, #tpu.memory_space<vmem>>, vector<16xi32>,
      %add3A_74 = vector.broadcast %mul3A_19 : i32 to vector<16xi32>
      %add3A_75 = arith.addi %get3A_73, %add3A_74 : vector<16xi32>
      %swap3A_76 = arith.constant 48 : index
      %swap3A_77 = tpu.vector_load %arg13[%swap3A_76] {strides = array<i32>} : memref<128xi32, #tpu.memory_space<vmem>>, vector<16xi32>,
      tpu.vector_store %arg13[%swap3A_76], %add3A_75 {strides = array<i32>} : memref<128xi32, #tpu.memory_space<vmem>>, vector<16xi32>,
      %get3A_78 = arith.constant 64 : index
      %get3A_79 = tpu.vector_load %arg12[%get3A_78] {strides = array<i32>} : memref<128xi32, #tpu.memory_space<vmem>>, vector<16xi32>,
      %add3A_80 = vector.broadcast %mul3A_19 : i32 to vector<16xi32>
      %add3A_81 = arith.addi %get3A_79, %add3A_80 : vector<16xi32>
      %swap3A_82 = arith.constant 64 : index
      %swap3A_83 = tpu.vector_load %arg13[%swap3A_82] {strides = array<i32>} : memref<128xi32, #tpu.memory_space<vmem>>, vector<16xi32>,
      tpu.vector_store %arg13[%swap3A_82], %add3A_81 {strides = array<i32>} : memref<128xi32, #tpu.memory_space<vmem>>, vector<16xi32>,
      %get3A_84 = arith.constant 80 : index
      %get3A_85 = tpu.vector_load %arg12[%get3A_84] {strides = array<i32>} : memref<128xi32, #tpu.memory_space<vmem>>, vector<16xi32>,
      %add3A_86 = vector.broadcast %mul3A_19 : i32 to vector<16xi32>
      %add3A_87 = arith.addi %get3A_85, %add3A_86 : vector<16xi32>
      %swap3A_88 = arith.constant 80 : index
      %swap3A_89 = tpu.vector_load %arg13[%swap3A_88] {strides = array<i32>} : memref<128xi32, #tpu.memory_space<vmem>>, vector<16xi32>,
      tpu.vector_store %arg13[%swap3A_88], %add3A_87 {strides = array<i32>} : memref<128xi32, #tpu.memory_space<vmem>>, vector<16xi32>,
      %get3A_90 = arith.constant 96 : index
      %get3A_91 = tpu.vector_load %arg12[%get3A_90] {strides = array<i32>} : memref<128xi32, #tpu.memory_space<vmem>>, vector<16xi32>,
      %add3A_92 = vector.broadcast %mul3A_19 : i32 to vector<16xi32>
      %add3A_93 = arith.addi %get3A_91, %add3A_92 : vector<16xi32>
      %swap3A_94 = arith.constant 96 : index
      %swap3A_95 = tpu.vector_load %arg13[%swap3A_94] {strides = array<i32>} : memref<128xi32, #tpu.memory_space<vmem>>, vector<16xi32>,
      tpu.vector_store %arg13[%swap3A_94], %add3A_93 {strides = array<i32>} : memref<128xi32, #tpu.memory_space<vmem>>, vector<16xi32>,
      %get3A_96 = arith.constant 112 : index
      %get3A_97 = tpu.vector_load %arg12[%get3A_96] {strides = array<i32>} : memref<128xi32, #tpu.memory_space<vmem>>, vector<16xi32>,
      %add3A_98 = vector.broadcast %mul3A_19 : i32 to vector<16xi32>
      %add3A_99 = arith.addi %get3A_97, %add3A_98 : vector<16xi32>
      %swap3A_100 = arith.constant 112 : index
      %swap3A_101 = tpu.vector_load %arg13[%swap3A_100] {strides = array<i32>} : memref<128xi32, #tpu.memory_space<vmem>>, vector<16xi32>,
      tpu.vector_store %arg13[%swap3A_100], %add3A_99 {strides = array<i32>} : memref<128xi32, #tpu.memory_space<vmem>>, vector<16xi32>,
      %dma_start3A = arith.constant 0 : i32
      %dma_start3A_102 = arith.constant 0 : i32
      %dma_start3A_103 = tpu.memref_slice %arg4[%dma_start3A, %dma_start3A_102] : memref<20000x64xf32, #tpu.memory_space<hbm>> -> memref<20000x64xf32, #tpu.memory_space<hbm>>
      tpu.enqueue_indirect_dma source(%dma_start3A_103 : memref<20000x64xf32, #tpu.memory_space<hbm>>) target(%arg10 : memref<128x64xf32, #tpu.memory_space<vmem>>) offsets(%arg13 : memref<128xi32, #tpu.memory_space<vmem>>) semaphore(%arg16 : memref<!tpu.dma_semaphore, #tpu.memory_space<semaphore_mem>>)
      %get3A_104 = arith.constant 0 : index
      %get3A_105 = tpu.vector_load %arg12[%get3A_104] {strides = array<i32>} : memref<128xi32, #tpu.memory_space<vmem>>, vector<16xi32>,
      %get3A_106 = arith.constant 0 : index
      %get3A_107 = tpu.vector_load %arg14[%get3A_106] {strides = array<i32>} : memref<128xi32, #tpu.memory_space<vmem>>, vector<16xi32>,
      %gather3A = tpu.vector_load_idx %arg8[%get3A_105] : memref<10000xf32, #tpu.memory_space<vmem>>[vector<16xi32>], vector<16xf32>,
      %gather3A_108 = tpu.vector_load_idx %arg9[%get3A_107] : memref<10000xf32, #tpu.memory_space<vmem>>[vector<16xi32>], vector<16xf32>,
      %add3A_109 = arith.addf %gather3A, %gather3A_108 : vector<16xf32>
      %mul3A_110 = arith.constant 2.000000e-01 : f32
      %mul3A_111 = vector.broadcast %mul3A_110 : f32 to vector<16xf32>
      %mul3A_112 = arith.mulf %mul3A_111, %add3A_109 : vector<16xf32>
      %max3A = arith.maximumf %add3A_109, %mul3A_112 : vector<16xf32>
      %exp3A = math.exp %max3A : vector<16xf32>
      %add3A_113 = arith.constant 0 : i32
      %add3A_114 = vector.broadcast %add3A_113 : i32 to vector<16xi32>
      %add3A_115 = arith.addi %iota3A, %add3A_114 : vector<16xi32>
      %broadcast_in_dim3A_116 = arith.constant 64 : i32
      %broadcast_in_dim3A_117 = vector.broadcast %broadcast_in_dim3A_116 : i32 to vector<16xi32>
      tpu.vector_store_idx %arg11[%add3A_115, %broadcast_in_dim3A_117], %exp3A : memref<128x80xf32, #tpu.memory_space<vmem>>[vector<16xi32>, vector<16xi32>], vector<16xf32>,
      %get3A_118 = arith.constant 16 : index
      %get3A_119 = tpu.vector_load %arg12[%get3A_118] {strides = array<i32>} : memref<128xi32, #tpu.memory_space<vmem>>, vector<16xi32>,
      %get3A_120 = arith.constant 16 : index
      %get3A_121 = tpu.vector_load %arg14[%get3A_120] {strides = array<i32>} : memref<128xi32, #tpu.memory_space<vmem>>, vector<16xi32>,
      %gather3A_122 = tpu.vector_load_idx %arg8[%get3A_119] : memref<10000xf32, #tpu.memory_space<vmem>>[vector<16xi32>], vector<16xf32>,
      %gather3A_123 = tpu.vector_load_idx %arg9[%get3A_121] : memref<10000xf32, #tpu.memory_space<vmem>>[vector<16xi32>], vector<16xf32>,
      %add3A_124 = arith.addf %gather3A_122, %gather3A_123 : vector<16xf32>
      %mul3A_125 = arith.constant 2.000000e-01 : f32
      %mul3A_126 = vector.broadcast %mul3A_125 : f32 to vector<16xf32>
      %mul3A_127 = arith.mulf %mul3A_126, %add3A_124 : vector<16xf32>
      %max3A_128 = arith.maximumf %add3A_124, %mul3A_127 : vector<16xf32>
      %exp3A_129 = math.exp %max3A_128 : vector<16xf32>
      %add3A_130 = arith.constant 16 : i32
      %add3A_131 = vector.broadcast %add3A_130 : i32 to vector<16xi32>
      %add3A_132 = arith.addi %iota3A, %add3A_131 : vector<16xi32>
      %broadcast_in_dim3A_133 = arith.constant 64 : i32
      %broadcast_in_dim3A_134 = vector.broadcast %broadcast_in_dim3A_133 : i32 to vector<16xi32>
      tpu.vector_store_idx %arg11[%add3A_132, %broadcast_in_dim3A_134], %exp3A_129 : memref<128x80xf32, #tpu.memory_space<vmem>>[vector<16xi32>, vector<16xi32>], vector<16xf32>,
      %get3A_135 = arith.constant 32 : index
      %get3A_136 = tpu.vector_load %arg12[%get3A_135] {strides = array<i32>} : memref<128xi32, #tpu.memory_space<vmem>>, vector<16xi32>,
      %get3A_137 = arith.constant 32 : index
      %get3A_138 = tpu.vector_load %arg14[%get3A_137] {strides = array<i32>} : memref<128xi32, #tpu.memory_space<vmem>>, vector<16xi32>,
      %gather3A_139 = tpu.vector_load_idx %arg8[%get3A_136] : memref<10000xf32, #tpu.memory_space<vmem>>[vector<16xi32>], vector<16xf32>,
      %gather3A_140 = tpu.vector_load_idx %arg9[%get3A_138] : memref<10000xf32, #tpu.memory_space<vmem>>[vector<16xi32>], vector<16xf32>,
      %add3A_141 = arith.addf %gather3A_139, %gather3A_140 : vector<16xf32>
      %mul3A_142 = arith.constant 2.000000e-01 : f32
      %mul3A_143 = vector.broadcast %mul3A_142 : f32 to vector<16xf32>
      %mul3A_144 = arith.mulf %mul3A_143, %add3A_141 : vector<16xf32>
      %max3A_145 = arith.maximumf %add3A_141, %mul3A_144 : vector<16xf32>
      %exp3A_146 = math.exp %max3A_145 : vector<16xf32>
      %add3A_147 = arith.constant 32 : i32
      %add3A_148 = vector.broadcast %add3A_147 : i32 to vector<16xi32>
      %add3A_149 = arith.addi %iota3A, %add3A_148 : vector<16xi32>
      %broadcast_in_dim3A_150 = arith.constant 64 : i32
      %broadcast_in_dim3A_151 = vector.broadcast %broadcast_in_dim3A_150 : i32 to vector<16xi32>
      tpu.vector_store_idx %arg11[%add3A_149, %broadcast_in_dim3A_151], %exp3A_146 : memref<128x80xf32, #tpu.memory_space<vmem>>[vector<16xi32>, vector<16xi32>], vector<16xf32>,
      %get3A_152 = arith.constant 48 : index
      %get3A_153 = tpu.vector_load %arg12[%get3A_152] {strides = array<i32>} : memref<128xi32, #tpu.memory_space<vmem>>, vector<16xi32>,
      %get3A_154 = arith.constant 48 : index
      %get3A_155 = tpu.vector_load %arg14[%get3A_154] {strides = array<i32>} : memref<128xi32, #tpu.memory_space<vmem>>, vector<16xi32>,
      %gather3A_156 = tpu.vector_load_idx %arg8[%get3A_153] : memref<10000xf32, #tpu.memory_space<vmem>>[vector<16xi32>], vector<16xf32>,
      %gather3A_157 = tpu.vector_load_idx %arg9[%get3A_155] : memref<10000xf32, #tpu.memory_space<vmem>>[vector<16xi32>], vector<16xf32>,
      %add3A_158 = arith.addf %gather3A_156, %gather3A_157 : vector<16xf32>
      %mul3A_159 = arith.constant 2.000000e-01 : f32
      %mul3A_160 = vector.broadcast %mul3A_159 : f32 to vector<16xf32>
      %mul3A_161 = arith.mulf %mul3A_160, %add3A_158 : vector<16xf32>
      %max3A_162 = arith.maximumf %add3A_158, %mul3A_161 : vector<16xf32>
      %exp3A_163 = math.exp %max3A_162 : vector<16xf32>
      %add3A_164 = arith.constant 48 : i32
      %add3A_165 = vector.broadcast %add3A_164 : i32 to vector<16xi32>
      %add3A_166 = arith.addi %iota3A, %add3A_165 : vector<16xi32>
      %broadcast_in_dim3A_167 = arith.constant 64 : i32
      %broadcast_in_dim3A_168 = vector.broadcast %broadcast_in_dim3A_167 : i32 to vector<16xi32>
      tpu.vector_store_idx %arg11[%add3A_166, %broadcast_in_dim3A_168], %exp3A_163 : memref<128x80xf32, #tpu.memory_space<vmem>>[vector<16xi32>, vector<16xi32>], vector<16xf32>,
      %get3A_169 = arith.constant 64 : index
      %get3A_170 = tpu.vector_load %arg12[%get3A_169] {strides = array<i32>} : memref<128xi32, #tpu.memory_space<vmem>>, vector<16xi32>,
      %get3A_171 = arith.constant 64 : index
      %get3A_172 = tpu.vector_load %arg14[%get3A_171] {strides = array<i32>} : memref<128xi32, #tpu.memory_space<vmem>>, vector<16xi32>,
      %gather3A_173 = tpu.vector_load_idx %arg8[%get3A_170] : memref<10000xf32, #tpu.memory_space<vmem>>[vector<16xi32>], vector<16xf32>,
      %gather3A_174 = tpu.vector_load_idx %arg9[%get3A_172] : memref<10000xf32, #tpu.memory_space<vmem>>[vector<16xi32>], vector<16xf32>,
      %add3A_175 = arith.addf %gather3A_173, %gather3A_174 : vector<16xf32>
      %mul3A_176 = arith.constant 2.000000e-01 : f32
      %mul3A_177 = vector.broadcast %mul3A_176 : f32 to vector<16xf32>
      %mul3A_178 = arith.mulf %mul3A_177, %add3A_175 : vector<16xf32>
      %max3A_179 = arith.maximumf %add3A_175, %mul3A_178 : vector<16xf32>
      %exp3A_180 = math.exp %max3A_179 : vector<16xf32>
      %add3A_181 = arith.constant 64 : i32
      %add3A_182 = vector.broadcast %add3A_181 : i32 to vector<16xi32>
      %add3A_183 = arith.addi %iota3A, %add3A_182 : vector<16xi32>
      %broadcast_in_dim3A_184 = arith.constant 64 : i32
      %broadcast_in_dim3A_185 = vector.broadcast %broadcast_in_dim3A_184 : i32 to vector<16xi32>
      tpu.vector_store_idx %arg11[%add3A_183, %broadcast_in_dim3A_185], %exp3A_180 : memref<128x80xf32, #tpu.memory_space<vmem>>[vector<16xi32>, vector<16xi32>], vector<16xf32>,
      %get3A_186 = arith.constant 80 : index
      %get3A_187 = tpu.vector_load %arg12[%get3A_186] {strides = array<i32>} : memref<128xi32, #tpu.memory_space<vmem>>, vector<16xi32>,
      %get3A_188 = arith.constant 80 : index
      %get3A_189 = tpu.vector_load %arg14[%get3A_188] {strides = array<i32>} : memref<128xi32, #tpu.memory_space<vmem>>, vector<16xi32>,
      %gather3A_190 = tpu.vector_load_idx %arg8[%get3A_187] : memref<10000xf32, #tpu.memory_space<vmem>>[vector<16xi32>], vector<16xf32>,
      %gather3A_191 = tpu.vector_load_idx %arg9[%get3A_189] : memref<10000xf32, #tpu.memory_space<vmem>>[vector<16xi32>], vector<16xf32>,
      %add3A_192 = arith.addf %gather3A_190, %gather3A_191 : vector<16xf32>
      %mul3A_193 = arith.constant 2.000000e-01 : f32
      %mul3A_194 = vector.broadcast %mul3A_193 : f32 to vector<16xf32>
      %mul3A_195 = arith.mulf %mul3A_194, %add3A_192 : vector<16xf32>
      %max3A_196 = arith.maximumf %add3A_192, %mul3A_195 : vector<16xf32>
      %exp3A_197 = math.exp %max3A_196 : vector<16xf32>
      %add3A_198 = arith.constant 80 : i32
      %add3A_199 = vector.broadcast %add3A_198 : i32 to vector<16xi32>
      %add3A_200 = arith.addi %iota3A, %add3A_199 : vector<16xi32>
      %broadcast_in_dim3A_201 = arith.constant 64 : i32
      %broadcast_in_dim3A_202 = vector.broadcast %broadcast_in_dim3A_201 : i32 to vector<16xi32>
      tpu.vector_store_idx %arg11[%add3A_200, %broadcast_in_dim3A_202], %exp3A_197 : memref<128x80xf32, #tpu.memory_space<vmem>>[vector<16xi32>, vector<16xi32>], vector<16xf32>,
      %get3A_203 = arith.constant 96 : index
      %get3A_204 = tpu.vector_load %arg12[%get3A_203] {strides = array<i32>} : memref<128xi32, #tpu.memory_space<vmem>>, vector<16xi32>,
      %get3A_205 = arith.constant 96 : index
      %get3A_206 = tpu.vector_load %arg14[%get3A_205] {strides = array<i32>} : memref<128xi32, #tpu.memory_space<vmem>>, vector<16xi32>,
      %gather3A_207 = tpu.vector_load_idx %arg8[%get3A_204] : memref<10000xf32, #tpu.memory_space<vmem>>[vector<16xi32>], vector<16xf32>,
      %gather3A_208 = tpu.vector_load_idx %arg9[%get3A_206] : memref<10000xf32, #tpu.memory_space<vmem>>[vector<16xi32>], vector<16xf32>,
      %add3A_209 = arith.addf %gather3A_207, %gather3A_208 : vector<16xf32>
      %mul3A_210 = arith.constant 2.000000e-01 : f32
      %mul3A_211 = vector.broadcast %mul3A_210 : f32 to vector<16xf32>
      %mul3A_212 = arith.mulf %mul3A_211, %add3A_209 : vector<16xf32>
      %max3A_213 = arith.maximumf %add3A_209, %mul3A_212 : vector<16xf32>
      %exp3A_214 = math.exp %max3A_213 : vector<16xf32>
      %add3A_215 = arith.constant 96 : i32
      %add3A_216 = vector.broadcast %add3A_215 : i32 to vector<16xi32>
      %add3A_217 = arith.addi %iota3A, %add3A_216 : vector<16xi32>
      %broadcast_in_dim3A_218 = arith.constant 64 : i32
      %broadcast_in_dim3A_219 = vector.broadcast %broadcast_in_dim3A_218 : i32 to vector<16xi32>
      tpu.vector_store_idx %arg11[%add3A_217, %broadcast_in_dim3A_219], %exp3A_214 : memref<128x80xf32, #tpu.memory_space<vmem>>[vector<16xi32>, vector<16xi32>], vector<16xf32>,
      %get3A_220 = arith.constant 112 : index
      %get3A_221 = tpu.vector_load %arg12[%get3A_220] {strides = array<i32>} : memref<128xi32, #tpu.memory_space<vmem>>, vector<16xi32>,
      %get3A_222 = arith.constant 112 : index
      %get3A_223 = tpu.vector_load %arg14[%get3A_222] {strides = array<i32>} : memref<128xi32, #tpu.memory_space<vmem>>, vector<16xi32>,
      %gather3A_224 = tpu.vector_load_idx %arg8[%get3A_221] : memref<10000xf32, #tpu.memory_space<vmem>>[vector<16xi32>], vector<16xf32>,
      %gather3A_225 = tpu.vector_load_idx %arg9[%get3A_223] : memref<10000xf32, #tpu.memory_space<vmem>>[vector<16xi32>], vector<16xf32>,
      %add3A_226 = arith.addf %gather3A_224, %gather3A_225 : vector<16xf32>
      %mul3A_227 = arith.constant 2.000000e-01 : f32
      %mul3A_228 = vector.broadcast %mul3A_227 : f32 to vector<16xf32>
      %mul3A_229 = arith.mulf %mul3A_228, %add3A_226 : vector<16xf32>
      %max3A_230 = arith.maximumf %add3A_226, %mul3A_229 : vector<16xf32>
      %exp3A_231 = math.exp %max3A_230 : vector<16xf32>
      %add3A_232 = arith.constant 112 : i32
      %add3A_233 = vector.broadcast %add3A_232 : i32 to vector<16xi32>
      %add3A_234 = arith.addi %iota3A, %add3A_233 : vector<16xi32>
      %broadcast_in_dim3A_235 = arith.constant 64 : i32
      %broadcast_in_dim3A_236 = vector.broadcast %broadcast_in_dim3A_235 : i32 to vector<16xi32>
      tpu.vector_store_idx %arg11[%add3A_234, %broadcast_in_dim3A_236], %exp3A_231 : memref<128x80xf32, #tpu.memory_space<vmem>>[vector<16xi32>, vector<16xi32>], vector<16xf32>,
      %dma_wait3A = arith.constant 0 : i32
      %dma_wait3A_237 = arith.constant 0 : i32
      %dma_wait3A_238 = tpu.memref_slice %arg4[%dma_wait3A, %dma_wait3A_237] : memref<20000x64xf32, #tpu.memory_space<hbm>> -> memref<20000x64xf32, #tpu.memory_space<hbm>>
      tpu.wait_indirect_dma semaphore(%arg16 : memref<!tpu.dma_semaphore, #tpu.memory_space<semaphore_mem>>) src(%dma_wait3A_238 : memref<20000x64xf32, #tpu.memory_space<hbm>>) dst(%arg10 : memref<128x64xf32, #tpu.memory_space<vmem>>)
      %scan3A_239 = arith.constant 0 : i32
      %scan3A_240 = arith.constant 0 : i32
      %scan3A_241 = arith.constant 128 : i32
      %scan3A_242 = arith.addi %scan3A_240, %scan3A_241 : i32
      %scan3A_243 = arith.constant 1 : i32
      scf.for %scan3A_245 = %scan3A_240 to %scan3A_242 step %scan3A_243  : i32 {
        %get3A_246 = arith.index_cast %scan3A_245 : i32 to index
        %get3A_247 = arith.constant 64 : index
        %get3A_248 = tpu.vector_load %arg11[%get3A_246, %get3A_247] {strides = array<i32>} : memref<128x80xf32, #tpu.memory_space<vmem>>, vector<16xf32>,
        %slice3A = vector.extract_strided_slice %get3A_248 {offsets = [0], sizes = [1], strides = [1]} : vector<16xf32> to vector<1xf32>
        %squeeze3A = vector.extract %slice3A[0] : f32 from vector<1xf32>
        %broadcast_in_dim3A_249 = vector.broadcast %squeeze3A : f32 to vector<16xf32>
        %get3A_250 = arith.index_cast %scan3A_245 : i32 to index
        %get3A_251 = arith.constant 0 : index
        %get3A_252 = tpu.vector_load %arg10[%get3A_250, %get3A_251] {strides = array<i32>} : memref<128x64xf32, #tpu.memory_space<vmem>>, vector<16xf32>,
        %mul3A_253 = arith.mulf %get3A_252, %broadcast_in_dim3A_249 : vector<16xf32>
        %swap3A_254 = arith.index_cast %scan3A_245 : i32 to index
        %swap3A_255 = arith.constant 0 : index
        %swap3A_256 = tpu.vector_load %arg11[%swap3A_254, %swap3A_255] {strides = array<i32>} : memref<128x80xf32, #tpu.memory_space<vmem>>, vector<16xf32>,
        tpu.vector_store %arg11[%swap3A_254, %swap3A_255], %mul3A_253 {strides = array<i32>} : memref<128x80xf32, #tpu.memory_space<vmem>>, vector<16xf32>,
        %get3A_257 = arith.index_cast %scan3A_245 : i32 to index
        %get3A_258 = arith.constant 16 : index
        %get3A_259 = tpu.vector_load %arg10[%get3A_257, %get3A_258] {strides = array<i32>} : memref<128x64xf32, #tpu.memory_space<vmem>>, vector<16xf32>,
        %mul3A_260 = arith.mulf %get3A_259, %broadcast_in_dim3A_249 : vector<16xf32>
        %swap3A_261 = arith.index_cast %scan3A_245 : i32 to index
        %swap3A_262 = arith.constant 16 : index
        %swap3A_263 = tpu.vector_load %arg11[%swap3A_261, %swap3A_262] {strides = array<i32>} : memref<128x80xf32, #tpu.memory_space<vmem>>, vector<16xf32>,
        tpu.vector_store %arg11[%swap3A_261, %swap3A_262], %mul3A_260 {strides = array<i32>} : memref<128x80xf32, #tpu.memory_space<vmem>>, vector<16xf32>,
        %get3A_264 = arith.index_cast %scan3A_245 : i32 to index
        %get3A_265 = arith.constant 32 : index
        %get3A_266 = tpu.vector_load %arg10[%get3A_264, %get3A_265] {strides = array<i32>} : memref<128x64xf32, #tpu.memory_space<vmem>>, vector<16xf32>,
        %mul3A_267 = arith.mulf %get3A_266, %broadcast_in_dim3A_249 : vector<16xf32>
        %swap3A_268 = arith.index_cast %scan3A_245 : i32 to index
        %swap3A_269 = arith.constant 32 : index
        %swap3A_270 = tpu.vector_load %arg11[%swap3A_268, %swap3A_269] {strides = array<i32>} : memref<128x80xf32, #tpu.memory_space<vmem>>, vector<16xf32>,
        tpu.vector_store %arg11[%swap3A_268, %swap3A_269], %mul3A_267 {strides = array<i32>} : memref<128x80xf32, #tpu.memory_space<vmem>>, vector<16xf32>,
        %get3A_271 = arith.index_cast %scan3A_245 : i32 to index
        %get3A_272 = arith.constant 48 : index
        %get3A_273 = tpu.vector_load %arg10[%get3A_271, %get3A_272] {strides = array<i32>} : memref<128x64xf32, #tpu.memory_space<vmem>>, vector<16xf32>,
        %mul3A_274 = arith.mulf %get3A_273, %broadcast_in_dim3A_249 : vector<16xf32>
        %swap3A_275 = arith.index_cast %scan3A_245 : i32 to index
        %swap3A_276 = arith.constant 48 : index
        %swap3A_277 = tpu.vector_load %arg11[%swap3A_275, %swap3A_276] {strides = array<i32>} : memref<128x80xf32, #tpu.memory_space<vmem>>, vector<16xf32>,
        tpu.vector_store %arg11[%swap3A_275, %swap3A_276], %mul3A_274 {strides = array<i32>} : memref<128x80xf32, #tpu.memory_space<vmem>>, vector<16xf32>,
      }
      %scan3A_244 = arith.constant 128 : i32
      "tpu.region"() ({
        %run_scoped3A = tpu.sem_alloc : memref<!tpu.dma_semaphore, #tpu.memory_space<semaphore_mem>>
        %dma_start3A_245 = arith.constant 0 : i32
        %dma_start3A_246 = arith.constant 0 : i32
        %dma_start3A_247 = tpu.memref_slice %arg15[%dma_start3A_245, %dma_start3A_246] : memref<10240x80xf32, #tpu.memory_space<vmem_shared>> -> memref<10240x80xf32, #tpu.memory_space<vmem_shared>>
        tpu.enqueue_indirect_dma source(%arg11 : memref<128x80xf32, #tpu.memory_space<vmem>>) target(%dma_start3A_247 : memref<10240x80xf32, #tpu.memory_space<vmem_shared>>) offsets(%arg14 : memref<128xi32, #tpu.memory_space<vmem>>) semaphore(%run_scoped3A : memref<!tpu.dma_semaphore, #tpu.memory_space<semaphore_mem>>) {add = true}
        %dma_wait3A_248 = arith.constant 0 : i32
        %dma_wait3A_249 = arith.constant 0 : i32
        %dma_wait3A_250 = tpu.memref_slice %arg15[%dma_wait3A_248, %dma_wait3A_249] : memref<10240x80xf32, #tpu.memory_space<vmem_shared>> -> memref<10240x80xf32, #tpu.memory_space<vmem_shared>>
        tpu.wait_indirect_dma semaphore(%run_scoped3A : memref<!tpu.dma_semaphore, #tpu.memory_space<semaphore_mem>>) src(%arg11 : memref<128x80xf32, #tpu.memory_space<vmem>>) dst(%dma_wait3A_250 : memref<10240x80xf32, #tpu.memory_space<vmem_shared>>)
        tpu.yield
      }) : () -> ()
    }
    %scan3A_25 = arith.constant 162 : i32
    %barrier3A_26 = arith.constant 0 : index
    tpu.barrier barrier_id(%barrier3A_26)
    %add3A_27 = arith.constant 0 : i32
    %add3A_28 = arith.addi %mul3A_6, %add3A_27 : i32
    "tpu.region"() ({
      %run_scoped3A = tpu.sem_alloc : memref<!tpu.dma_semaphore, #tpu.memory_space<semaphore_mem>>
      %dma_start3A = arith.constant 0 : i32
      %dma_start3A_52 = tpu.memref_slice %arg15[%add3A_28, %dma_start3A] : memref<10240x80xf32, #tpu.memory_space<vmem_shared>> -> memref<128x80xf32, #tpu.memory_space<vmem_shared>>
      %dma_start3A_53 = arith.constant 0 : i32
      %dma_start3A_54 = tpu.memref_slice %arg15[%add3A_28, %dma_start3A_53] : memref<10240x80xf32, #tpu.memory_space<vmem_shared>> -> memref<128x80xf32, #tpu.memory_space<vmem_shared>>
      tpu.enqueue_dma source(%dma_start3A_54 : memref<128x80xf32, #tpu.memory_space<vmem_shared>>) target(%arg11 : memref<128x80xf32, #tpu.memory_space<vmem>>) target_semaphore(%run_scoped3A : memref<!tpu.dma_semaphore, #tpu.memory_space<semaphore_mem>>)
      %dma_wait3A = arith.constant 0 : i32
      %dma_wait3A_55 = tpu.memref_slice %arg15[%add3A_28, %dma_wait3A] : memref<10240x80xf32, #tpu.memory_space<vmem_shared>> -> memref<128x80xf32, #tpu.memory_space<vmem_shared>>
      %dma_wait3A_56 = arith.constant 0 : i32
      %dma_wait3A_57 = tpu.memref_slice %arg15[%add3A_28, %dma_wait3A_56] : memref<10240x80xf32, #tpu.memory_space<vmem_shared>> -> memref<128x80xf32, #tpu.memory_space<vmem_shared>>
      tpu.wait_dma2 semaphore(%run_scoped3A : memref<!tpu.dma_semaphore, #tpu.memory_space<semaphore_mem>>) src(%dma_wait3A_57 : memref<128x80xf32, #tpu.memory_space<vmem_shared>>) dst(%arg11 : memref<128x80xf32, #tpu.memory_space<vmem>>)
      tpu.yield
    }) : () -> ()
    %mul3A_29 = arith.constant 10240 : i32
    %mul3A_30 = arith.muli %arg0, %mul3A_29 : i32
    %add3A_31 = arith.addi %mul3A_30, %add3A_28 : i32
    "tpu.region"() ({
      %run_scoped3A = tpu.sem_alloc : memref<!tpu.dma_semaphore, #tpu.memory_space<semaphore_mem>>
      %dma_start3A = arith.constant 0 : i32
      %dma_start3A_52 = tpu.memref_slice %arg7[%add3A_31, %dma_start3A] : memref<20480x80xf32, #tpu.memory_space<hbm>> -> memref<128x80xf32, #tpu.memory_space<hbm>>
      %dma_start3A_53 = arith.constant 0 : i32
      %dma_start3A_54 = tpu.memref_slice %arg7[%add3A_31, %dma_start3A_53] : memref<20480x80xf32, #tpu.memory_space<hbm>> -> memref<128x80xf32, #tpu.memory_space<hbm>>
      tpu.enqueue_dma source(%arg11 : memref<128x80xf32, #tpu.memory_space<vmem>>) target(%dma_start3A_54 : memref<128x80xf32, #tpu.memory_space<hbm>>) target_semaphore(%run_scoped3A : memref<!tpu.dma_semaphore, #tpu.memory_space<semaphore_mem>>)
      %dma_wait3A = arith.constant 0 : i32
      %dma_wait3A_55 = tpu.memref_slice %arg7[%add3A_31, %dma_wait3A] : memref<20480x80xf32, #tpu.memory_space<hbm>> -> memref<128x80xf32, #tpu.memory_space<hbm>>
      %dma_wait3A_56 = arith.constant 0 : i32
      %dma_wait3A_57 = tpu.memref_slice %arg7[%add3A_31, %dma_wait3A_56] : memref<20480x80xf32, #tpu.memory_space<hbm>> -> memref<128x80xf32, #tpu.memory_space<hbm>>
      tpu.wait_dma2 semaphore(%run_scoped3A : memref<!tpu.dma_semaphore, #tpu.memory_space<semaphore_mem>>) src(%arg11 : memref<128x80xf32, #tpu.memory_space<vmem>>) dst(%dma_wait3A_57 : memref<128x80xf32, #tpu.memory_space<hbm>>)
      tpu.yield
    }) : () -> ()
    %add3A_32 = arith.constant 128 : i32
    %add3A_33 = arith.addi %mul3A_6, %add3A_32 : i32
    "tpu.region"() ({
      %run_scoped3A = tpu.sem_alloc : memref<!tpu.dma_semaphore, #tpu.memory_space<semaphore_mem>>
      %dma_start3A = arith.constant 0 : i32
      %dma_start3A_52 = tpu.memref_slice %arg15[%add3A_33, %dma_start3A] : memref<10240x80xf32, #tpu.memory_space<vmem_shared>> -> memref<128x80xf32, #tpu.memory_space<vmem_shared>>
      %dma_start3A_53 = arith.constant 0 : i32
      %dma_start3A_54 = tpu.memref_slice %arg15[%add3A_33, %dma_start3A_53] : memref<10240x80xf32, #tpu.memory_space<vmem_shared>> -> memref<128x80xf32, #tpu.memory_space<vmem_shared>>
      tpu.enqueue_dma source(%dma_start3A_54 : memref<128x80xf32, #tpu.memory_space<vmem_shared>>) target(%arg11 : memref<128x80xf32, #tpu.memory_space<vmem>>) target_semaphore(%run_scoped3A : memref<!tpu.dma_semaphore, #tpu.memory_space<semaphore_mem>>)
      %dma_wait3A = arith.constant 0 : i32
      %dma_wait3A_55 = tpu.memref_slice %arg15[%add3A_33, %dma_wait3A] : memref<10240x80xf32, #tpu.memory_space<vmem_shared>> -> memref<128x80xf32, #tpu.memory_space<vmem_shared>>
      %dma_wait3A_56 = arith.constant 0 : i32
      %dma_wait3A_57 = tpu.memref_slice %arg15[%add3A_33, %dma_wait3A_56] : memref<10240x80xf32, #tpu.memory_space<vmem_shared>> -> memref<128x80xf32, #tpu.memory_space<vmem_shared>>
      tpu.wait_dma2 semaphore(%run_scoped3A : memref<!tpu.dma_semaphore, #tpu.memory_space<semaphore_mem>>) src(%dma_wait3A_57 : memref<128x80xf32, #tpu.memory_space<vmem_shared>>) dst(%arg11 : memref<128x80xf32, #tpu.memory_space<vmem>>)
      tpu.yield
    }) : () -> ()
    %mul3A_34 = arith.constant 10240 : i32
    %mul3A_35 = arith.muli %arg0, %mul3A_34 : i32
    %add3A_36 = arith.addi %mul3A_35, %add3A_33 : i32
    "tpu.region"() ({
      %run_scoped3A = tpu.sem_alloc : memref<!tpu.dma_semaphore, #tpu.memory_space<semaphore_mem>>
      %dma_start3A = arith.constant 0 : i32
      %dma_start3A_52 = tpu.memref_slice %arg7[%add3A_36, %dma_start3A] : memref<20480x80xf32, #tpu.memory_space<hbm>> -> memref<128x80xf32, #tpu.memory_space<hbm>>
      %dma_start3A_53 = arith.constant 0 : i32
      %dma_start3A_54 = tpu.memref_slice %arg7[%add3A_36, %dma_start3A_53] : memref<20480x80xf32, #tpu.memory_space<hbm>> -> memref<128x80xf32, #tpu.memory_space<hbm>>
      tpu.enqueue_dma source(%arg11 : memref<128x80xf32, #tpu.memory_space<vmem>>) target(%dma_start3A_54 : memref<128x80xf32, #tpu.memory_space<hbm>>) target_semaphore(%run_scoped3A : memref<!tpu.dma_semaphore, #tpu.memory_space<semaphore_mem>>)
      %dma_wait3A = arith.constant 0 : i32
      %dma_wait3A_55 = tpu.memref_slice %arg7[%add3A_36, %dma_wait3A] : memref<20480x80xf32, #tpu.memory_space<hbm>> -> memref<128x80xf32, #tpu.memory_space<hbm>>
      %dma_wait3A_56 = arith.constant 0 : i32
      %dma_wait3A_57 = tpu.memref_slice %arg7[%add3A_36, %dma_wait3A_56] : memref<20480x80xf32, #tpu.memory_space<hbm>> -> memref<128x80xf32, #tpu.memory_space<hbm>>
      tpu.wait_dma2 semaphore(%run_scoped3A : memref<!tpu.dma_semaphore, #tpu.memory_space<semaphore_mem>>) src(%arg11 : memref<128x80xf32, #tpu.memory_space<vmem>>) dst(%dma_wait3A_57 : memref<128x80xf32, #tpu.memory_space<hbm>>)
      tpu.yield
    }) : () -> ()
    %add3A_37 = arith.constant 256 : i32
    %add3A_38 = arith.addi %mul3A_6, %add3A_37 : i32
    "tpu.region"() ({
      %run_scoped3A = tpu.sem_alloc : memref<!tpu.dma_semaphore, #tpu.memory_space<semaphore_mem>>
      %dma_start3A = arith.constant 0 : i32
      %dma_start3A_52 = tpu.memref_slice %arg15[%add3A_38, %dma_start3A] : memref<10240x80xf32, #tpu.memory_space<vmem_shared>> -> memref<128x80xf32, #tpu.memory_space<vmem_shared>>
      %dma_start3A_53 = arith.constant 0 : i32
      %dma_start3A_54 = tpu.memref_slice %arg15[%add3A_38, %dma_start3A_53] : memref<10240x80xf32, #tpu.memory_space<vmem_shared>> -> memref<128x80xf32, #tpu.memory_space<vmem_shared>>
      tpu.enqueue_dma source(%dma_start3A_54 : memref<128x80xf32, #tpu.memory_space<vmem_shared>>) target(%arg11 : memref<128x80xf32, #tpu.memory_space<vmem>>) target_semaphore(%run_scoped3A : memref<!tpu.dma_semaphore, #tpu.memory_space<semaphore_mem>>)
      %dma_wait3A = arith.constant 0 : i32
      %dma_wait3A_55 = tpu.memref_slice %arg15[%add3A_38, %dma_wait3A] : memref<10240x80xf32, #tpu.memory_space<vmem_shared>> -> memref<128x80xf32, #tpu.memory_space<vmem_shared>>
      %dma_wait3A_56 = arith.constant 0 : i32
      %dma_wait3A_57 = tpu.memref_slice %arg15[%add3A_38, %dma_wait3A_56] : memref<10240x80xf32, #tpu.memory_space<vmem_shared>> -> memref<128x80xf32, #tpu.memory_space<vmem_shared>>
      tpu.wait_dma2 semaphore(%run_scoped3A : memref<!tpu.dma_semaphore, #tpu.memory_space<semaphore_mem>>) src(%dma_wait3A_57 : memref<128x80xf32, #tpu.memory_space<vmem_shared>>) dst(%arg11 : memref<128x80xf32, #tpu.memory_space<vmem>>)
      tpu.yield
    }) : () -> ()
    %mul3A_39 = arith.constant 10240 : i32
    %mul3A_40 = arith.muli %arg0, %mul3A_39 : i32
    %add3A_41 = arith.addi %mul3A_40, %add3A_38 : i32
    "tpu.region"() ({
      %run_scoped3A = tpu.sem_alloc : memref<!tpu.dma_semaphore, #tpu.memory_space<semaphore_mem>>
      %dma_start3A = arith.constant 0 : i32
      %dma_start3A_52 = tpu.memref_slice %arg7[%add3A_41, %dma_start3A] : memref<20480x80xf32, #tpu.memory_space<hbm>> -> memref<128x80xf32, #tpu.memory_space<hbm>>
      %dma_start3A_53 = arith.constant 0 : i32
      %dma_start3A_54 = tpu.memref_slice %arg7[%add3A_41, %dma_start3A_53] : memref<20480x80xf32, #tpu.memory_space<hbm>> -> memref<128x80xf32, #tpu.memory_space<hbm>>
      tpu.enqueue_dma source(%arg11 : memref<128x80xf32, #tpu.memory_space<vmem>>) target(%dma_start3A_54 : memref<128x80xf32, #tpu.memory_space<hbm>>) target_semaphore(%run_scoped3A : memref<!tpu.dma_semaphore, #tpu.memory_space<semaphore_mem>>)
      %dma_wait3A = arith.constant 0 : i32
      %dma_wait3A_55 = tpu.memref_slice %arg7[%add3A_41, %dma_wait3A] : memref<20480x80xf32, #tpu.memory_space<hbm>> -> memref<128x80xf32, #tpu.memory_space<hbm>>
      %dma_wait3A_56 = arith.constant 0 : i32
      %dma_wait3A_57 = tpu.memref_slice %arg7[%add3A_41, %dma_wait3A_56] : memref<20480x80xf32, #tpu.memory_space<hbm>> -> memref<128x80xf32, #tpu.memory_space<hbm>>
      tpu.wait_dma2 semaphore(%run_scoped3A : memref<!tpu.dma_semaphore, #tpu.memory_space<semaphore_mem>>) src(%arg11 : memref<128x80xf32, #tpu.memory_space<vmem>>) dst(%dma_wait3A_57 : memref<128x80xf32, #tpu.memory_space<hbm>>)
      tpu.yield
    }) : () -> ()
    %add3A_42 = arith.constant 384 : i32
    %add3A_43 = arith.addi %mul3A_6, %add3A_42 : i32
    "tpu.region"() ({
      %run_scoped3A = tpu.sem_alloc : memref<!tpu.dma_semaphore, #tpu.memory_space<semaphore_mem>>
      %dma_start3A = arith.constant 0 : i32
      %dma_start3A_52 = tpu.memref_slice %arg15[%add3A_43, %dma_start3A] : memref<10240x80xf32, #tpu.memory_space<vmem_shared>> -> memref<128x80xf32, #tpu.memory_space<vmem_shared>>
      %dma_start3A_53 = arith.constant 0 : i32
      %dma_start3A_54 = tpu.memref_slice %arg15[%add3A_43, %dma_start3A_53] : memref<10240x80xf32, #tpu.memory_space<vmem_shared>> -> memref<128x80xf32, #tpu.memory_space<vmem_shared>>
      tpu.enqueue_dma source(%dma_start3A_54 : memref<128x80xf32, #tpu.memory_space<vmem_shared>>) target(%arg11 : memref<128x80xf32, #tpu.memory_space<vmem>>) target_semaphore(%run_scoped3A : memref<!tpu.dma_semaphore, #tpu.memory_space<semaphore_mem>>)
      %dma_wait3A = arith.constant 0 : i32
      %dma_wait3A_55 = tpu.memref_slice %arg15[%add3A_43, %dma_wait3A] : memref<10240x80xf32, #tpu.memory_space<vmem_shared>> -> memref<128x80xf32, #tpu.memory_space<vmem_shared>>
      %dma_wait3A_56 = arith.constant 0 : i32
      %dma_wait3A_57 = tpu.memref_slice %arg15[%add3A_43, %dma_wait3A_56] : memref<10240x80xf32, #tpu.memory_space<vmem_shared>> -> memref<128x80xf32, #tpu.memory_space<vmem_shared>>
      tpu.wait_dma2 semaphore(%run_scoped3A : memref<!tpu.dma_semaphore, #tpu.memory_space<semaphore_mem>>) src(%dma_wait3A_57 : memref<128x80xf32, #tpu.memory_space<vmem_shared>>) dst(%arg11 : memref<128x80xf32, #tpu.memory_space<vmem>>)
      tpu.yield
    }) : () -> ()
    %mul3A_44 = arith.constant 10240 : i32
    %mul3A_45 = arith.muli %arg0, %mul3A_44 : i32
    %add3A_46 = arith.addi %mul3A_45, %add3A_43 : i32
    "tpu.region"() ({
      %run_scoped3A = tpu.sem_alloc : memref<!tpu.dma_semaphore, #tpu.memory_space<semaphore_mem>>
      %dma_start3A = arith.constant 0 : i32
      %dma_start3A_52 = tpu.memref_slice %arg7[%add3A_46, %dma_start3A] : memref<20480x80xf32, #tpu.memory_space<hbm>> -> memref<128x80xf32, #tpu.memory_space<hbm>>
      %dma_start3A_53 = arith.constant 0 : i32
      %dma_start3A_54 = tpu.memref_slice %arg7[%add3A_46, %dma_start3A_53] : memref<20480x80xf32, #tpu.memory_space<hbm>> -> memref<128x80xf32, #tpu.memory_space<hbm>>
      tpu.enqueue_dma source(%arg11 : memref<128x80xf32, #tpu.memory_space<vmem>>) target(%dma_start3A_54 : memref<128x80xf32, #tpu.memory_space<hbm>>) target_semaphore(%run_scoped3A : memref<!tpu.dma_semaphore, #tpu.memory_space<semaphore_mem>>)
      %dma_wait3A = arith.constant 0 : i32
      %dma_wait3A_55 = tpu.memref_slice %arg7[%add3A_46, %dma_wait3A] : memref<20480x80xf32, #tpu.memory_space<hbm>> -> memref<128x80xf32, #tpu.memory_space<hbm>>
      %dma_wait3A_56 = arith.constant 0 : i32
      %dma_wait3A_57 = tpu.memref_slice %arg7[%add3A_46, %dma_wait3A_56] : memref<20480x80xf32, #tpu.memory_space<hbm>> -> memref<128x80xf32, #tpu.memory_space<hbm>>
      tpu.wait_dma2 semaphore(%run_scoped3A : memref<!tpu.dma_semaphore, #tpu.memory_space<semaphore_mem>>) src(%arg11 : memref<128x80xf32, #tpu.memory_space<vmem>>) dst(%dma_wait3A_57 : memref<128x80xf32, #tpu.memory_space<hbm>>)
      tpu.yield
    }) : () -> ()
    %add3A_47 = arith.constant 512 : i32
    %add3A_48 = arith.addi %mul3A_6, %add3A_47 : i32
    "tpu.region"() ({
      %run_scoped3A = tpu.sem_alloc : memref<!tpu.dma_semaphore, #tpu.memory_space<semaphore_mem>>
      %dma_start3A = arith.constant 0 : i32
      %dma_start3A_52 = tpu.memref_slice %arg15[%add3A_48, %dma_start3A] : memref<10240x80xf32, #tpu.memory_space<vmem_shared>> -> memref<128x80xf32, #tpu.memory_space<vmem_shared>>
      %dma_start3A_53 = arith.constant 0 : i32
      %dma_start3A_54 = tpu.memref_slice %arg15[%add3A_48, %dma_start3A_53] : memref<10240x80xf32, #tpu.memory_space<vmem_shared>> -> memref<128x80xf32, #tpu.memory_space<vmem_shared>>
      tpu.enqueue_dma source(%dma_start3A_54 : memref<128x80xf32, #tpu.memory_space<vmem_shared>>) target(%arg11 : memref<128x80xf32, #tpu.memory_space<vmem>>) target_semaphore(%run_scoped3A : memref<!tpu.dma_semaphore, #tpu.memory_space<semaphore_mem>>)
      %dma_wait3A = arith.constant 0 : i32
      %dma_wait3A_55 = tpu.memref_slice %arg15[%add3A_48, %dma_wait3A] : memref<10240x80xf32, #tpu.memory_space<vmem_shared>> -> memref<128x80xf32, #tpu.memory_space<vmem_shared>>
      %dma_wait3A_56 = arith.constant 0 : i32
      %dma_wait3A_57 = tpu.memref_slice %arg15[%add3A_48, %dma_wait3A_56] : memref<10240x80xf32, #tpu.memory_space<vmem_shared>> -> memref<128x80xf32, #tpu.memory_space<vmem_shared>>
      tpu.wait_dma2 semaphore(%run_scoped3A : memref<!tpu.dma_semaphore, #tpu.memory_space<semaphore_mem>>) src(%dma_wait3A_57 : memref<128x80xf32, #tpu.memory_space<vmem_shared>>) dst(%arg11 : memref<128x80xf32, #tpu.memory_space<vmem>>)
      tpu.yield
    }) : () -> ()
    %mul3A_49 = arith.constant 10240 : i32
    %mul3A_50 = arith.muli %arg0, %mul3A_49 : i32
    %add3A_51 = arith.addi %mul3A_50, %add3A_48 : i32
    "tpu.region"() ({
      %run_scoped3A = tpu.sem_alloc : memref<!tpu.dma_semaphore, #tpu.memory_space<semaphore_mem>>
      %dma_start3A = arith.constant 0 : i32
      %dma_start3A_52 = tpu.memref_slice %arg7[%add3A_51, %dma_start3A] : memref<20480x80xf32, #tpu.memory_space<hbm>> -> memref<128x80xf32, #tpu.memory_space<hbm>>
      %dma_start3A_53 = arith.constant 0 : i32
      %dma_start3A_54 = tpu.memref_slice %arg7[%add3A_51, %dma_start3A_53] : memref<20480x80xf32, #tpu.memory_space<hbm>> -> memref<128x80xf32, #tpu.memory_space<hbm>>
      tpu.enqueue_dma source(%arg11 : memref<128x80xf32, #tpu.memory_space<vmem>>) target(%dma_start3A_54 : memref<128x80xf32, #tpu.memory_space<hbm>>) target_semaphore(%run_scoped3A : memref<!tpu.dma_semaphore, #tpu.memory_space<semaphore_mem>>)
      %dma_wait3A = arith.constant 0 : i32
      %dma_wait3A_55 = tpu.memref_slice %arg7[%add3A_51, %dma_wait3A] : memref<20480x80xf32, #tpu.memory_space<hbm>> -> memref<128x80xf32, #tpu.memory_space<hbm>>
      %dma_wait3A_56 = arith.constant 0 : i32
      %dma_wait3A_57 = tpu.memref_slice %arg7[%add3A_51, %dma_wait3A_56] : memref<20480x80xf32, #tpu.memory_space<hbm>> -> memref<128x80xf32, #tpu.memory_space<hbm>>
      tpu.wait_dma2 semaphore(%run_scoped3A : memref<!tpu.dma_semaphore, #tpu.memory_space<semaphore_mem>>) src(%arg11 : memref<128x80xf32, #tpu.memory_space<vmem>>) dst(%dma_wait3A_57 : memref<128x80xf32, #tpu.memory_space<hbm>>)
      tpu.yield
    }) : () -> ()
    return
  }
}

#map = affine_map<(d0, d1) -> (0)>
#map1 = affine_map<(d0, d1) -> (0, 0)>
module attributes {stable_mosaic.version = 14 : i64} {
  func.func @_edge_body(%arg0: i32, %arg1: i32, %arg2: memref<331776xi32, #tpu.memory_space<hbm>>, %arg3: memref<331776xi32, #tpu.memory_space<hbm>>, %arg4: memref<20000x64xf32, #tpu.memory_space<hbm>>, %arg5: memref<2x10000xf32, #tpu.memory_space<hbm>>, %arg6: memref<2x10000xf32, #tpu.memory_space<hbm>>, %arg7: memref<20480x80xf32, #tpu.memory_space<hbm>>, %arg8: memref<10000xf32, #tpu.memory_space<vmem>>, %arg9: memref<10000xf32, #tpu.memory_space<vmem>>, %arg10: memref<128x64xf32, #tpu.memory_space<vmem>>, %arg11: memref<128x80xf32, #tpu.memory_space<vmem>>, %arg12: memref<128xi32, #tpu.memory_space<vmem>>, %arg13: memref<128xi32, #tpu.memory_space<vmem>>, %arg14: memref<128xi32, #tpu.memory_space<vmem>>, %arg15: memref<10240x80xf32, #tpu.memory_space<vmem_shared>>, %arg16: memref<!tpu.dma_semaphore, #tpu.memory_space<semaphore_mem>>) attributes {dimension_semantics = [#tpu.dimension_semantics<core_parallel>, #tpu.dimension_semantics<subcore_parallel>], iteration_bounds = array<i64: 2, 16>, scalar_prefetch = 0 : i64, scratch_operands = 9 : i64, tpu.core_type = #tpu.core_type<sc_vector_subcore>, window_params = [{transform_indices = #map}, {transform_indices = #map}, {transform_indices = #map1}, {transform_indices = #map1}, {transform_indices = #map1}, {transform_indices = #map1}]} {
    %broadcast_in_dim3A = arith.constant 0.000000e+00 : f32
    %broadcast_in_dim3A_0 = vector.broadcast %broadcast_in_dim3A : f32 to vector<16xf32>
    "tpu.region"() ({
      %run_scoped3A = tpu.sem_alloc : memref<!tpu.dma_semaphore, #tpu.memory_space<semaphore_mem>>
      %dma_start3A = arith.constant 0 : i32
      %dma_start3A_52 = tpu.memref_slice %arg5[%arg0, %dma_start3A] : memref<2x10000xf32, #tpu.memory_space<hbm>> -> memref<1x10000xf32, #tpu.memory_space<hbm>>
      %dma_start3A_53 = tpu.memref_squeeze %dma_start3A_52 : memref<1x10000xf32, #tpu.memory_space<hbm>> -> memref<10000xf32, #tpu.memory_space<hbm>>
      %dma_start3A_54 = arith.constant 0 : i32
      %dma_start3A_55 = tpu.memref_slice %arg5[%arg0, %dma_start3A_54] : memref<2x10000xf32, #tpu.memory_space<hbm>> -> memref<1x10000xf32, #tpu.memory_space<hbm>>
      %dma_start3A_56 = tpu.memref_squeeze %dma_start3A_55 : memref<1x10000xf32, #tpu.memory_space<hbm>> -> memref<10000xf32, #tpu.memory_space<hbm>>
      tpu.enqueue_dma source(%dma_start3A_56 : memref<10000xf32, #tpu.memory_space<hbm>>) target(%arg8 : memref<10000xf32, #tpu.memory_space<vmem>>) target_semaphore(%run_scoped3A : memref<!tpu.dma_semaphore, #tpu.memory_space<semaphore_mem>>)
      %dma_wait3A = arith.constant 0 : i32
      %dma_wait3A_57 = tpu.memref_slice %arg5[%arg0, %dma_wait3A] : memref<2x10000xf32, #tpu.memory_space<hbm>> -> memref<1x10000xf32, #tpu.memory_space<hbm>>
      %dma_wait3A_58 = tpu.memref_squeeze %dma_wait3A_57 : memref<1x10000xf32, #tpu.memory_space<hbm>> -> memref<10000xf32, #tpu.memory_space<hbm>>
      %dma_wait3A_59 = arith.constant 0 : i32
      %dma_wait3A_60 = tpu.memref_slice %arg5[%arg0, %dma_wait3A_59] : memref<2x10000xf32, #tpu.memory_space<hbm>> -> memref<1x10000xf32, #tpu.memory_space<hbm>>
      %dma_wait3A_61 = tpu.memref_squeeze %dma_wait3A_60 : memref<1x10000xf32, #tpu.memory_space<hbm>> -> memref<10000xf32, #tpu.memory_space<hbm>>
      tpu.wait_dma2 semaphore(%run_scoped3A : memref<!tpu.dma_semaphore, #tpu.memory_space<semaphore_mem>>) src(%dma_wait3A_61 : memref<10000xf32, #tpu.memory_space<hbm>>) dst(%arg8 : memref<10000xf32, #tpu.memory_space<vmem>>)
      tpu.yield
    }) : () -> ()
    "tpu.region"() ({
      %run_scoped3A = tpu.sem_alloc : memref<!tpu.dma_semaphore, #tpu.memory_space<semaphore_mem>>
      %dma_start3A = arith.constant 0 : i32
      %dma_start3A_52 = tpu.memref_slice %arg6[%arg0, %dma_start3A] : memref<2x10000xf32, #tpu.memory_space<hbm>> -> memref<1x10000xf32, #tpu.memory_space<hbm>>
      %dma_start3A_53 = tpu.memref_squeeze %dma_start3A_52 : memref<1x10000xf32, #tpu.memory_space<hbm>> -> memref<10000xf32, #tpu.memory_space<hbm>>
      %dma_start3A_54 = arith.constant 0 : i32
      %dma_start3A_55 = tpu.memref_slice %arg6[%arg0, %dma_start3A_54] : memref<2x10000xf32, #tpu.memory_space<hbm>> -> memref<1x10000xf32, #tpu.memory_space<hbm>>
      %dma_start3A_56 = tpu.memref_squeeze %dma_start3A_55 : memref<1x10000xf32, #tpu.memory_space<hbm>> -> memref<10000xf32, #tpu.memory_space<hbm>>
      tpu.enqueue_dma source(%dma_start3A_56 : memref<10000xf32, #tpu.memory_space<hbm>>) target(%arg9 : memref<10000xf32, #tpu.memory_space<vmem>>) target_semaphore(%run_scoped3A : memref<!tpu.dma_semaphore, #tpu.memory_space<semaphore_mem>>)
      %dma_wait3A = arith.constant 0 : i32
      %dma_wait3A_57 = tpu.memref_slice %arg6[%arg0, %dma_wait3A] : memref<2x10000xf32, #tpu.memory_space<hbm>> -> memref<1x10000xf32, #tpu.memory_space<hbm>>
      %dma_wait3A_58 = tpu.memref_squeeze %dma_wait3A_57 : memref<1x10000xf32, #tpu.memory_space<hbm>> -> memref<10000xf32, #tpu.memory_space<hbm>>
      %dma_wait3A_59 = arith.constant 0 : i32
      %dma_wait3A_60 = tpu.memref_slice %arg6[%arg0, %dma_wait3A_59] : memref<2x10000xf32, #tpu.memory_space<hbm>> -> memref<1x10000xf32, #tpu.memory_space<hbm>>
      %dma_wait3A_61 = tpu.memref_squeeze %dma_wait3A_60 : memref<1x10000xf32, #tpu.memory_space<hbm>> -> memref<10000xf32, #tpu.memory_space<hbm>>
      tpu.wait_dma2 semaphore(%run_scoped3A : memref<!tpu.dma_semaphore, #tpu.memory_space<semaphore_mem>>) src(%dma_wait3A_61 : memref<10000xf32, #tpu.memory_space<hbm>>) dst(%arg9 : memref<10000xf32, #tpu.memory_space<vmem>>)
      tpu.yield
    }) : () -> ()
    %scan3A = arith.constant 0 : i32
    %scan3A_1 = arith.constant 0 : i32
    %scan3A_2 = arith.constant 128 : i32
    %scan3A_3 = arith.addi %scan3A_1, %scan3A_2 : i32
    %scan3A_4 = arith.constant 1 : i32
    scf.for %scan3A_52 = %scan3A_1 to %scan3A_3 step %scan3A_4  : i32 {
      %swap3A = arith.index_cast %scan3A_52 : i32 to index
      %swap3A_53 = arith.constant 0 : index
      %swap3A_54 = tpu.vector_load %arg11[%swap3A, %swap3A_53] {strides = array<i32>} : memref<128x80xf32, #tpu.memory_space<vmem>>, vector<16xf32>,
      tpu.vector_store %arg11[%swap3A, %swap3A_53], %broadcast_in_dim3A_0 {strides = array<i32>} : memref<128x80xf32, #tpu.memory_space<vmem>>, vector<16xf32>,
      %swap3A_55 = arith.index_cast %scan3A_52 : i32 to index
      %swap3A_56 = arith.constant 16 : index
      %swap3A_57 = tpu.vector_load %arg11[%swap3A_55, %swap3A_56] {strides = array<i32>} : memref<128x80xf32, #tpu.memory_space<vmem>>, vector<16xf32>,
      tpu.vector_store %arg11[%swap3A_55, %swap3A_56], %broadcast_in_dim3A_0 {strides = array<i32>} : memref<128x80xf32, #tpu.memory_space<vmem>>, vector<16xf32>,
      %swap3A_58 = arith.index_cast %scan3A_52 : i32 to index
      %swap3A_59 = arith.constant 32 : index
      %swap3A_60 = tpu.vector_load %arg11[%swap3A_58, %swap3A_59] {strides = array<i32>} : memref<128x80xf32, #tpu.memory_space<vmem>>, vector<16xf32>,
      tpu.vector_store %arg11[%swap3A_58, %swap3A_59], %broadcast_in_dim3A_0 {strides = array<i32>} : memref<128x80xf32, #tpu.memory_space<vmem>>, vector<16xf32>,
      %swap3A_61 = arith.index_cast %scan3A_52 : i32 to index
      %swap3A_62 = arith.constant 48 : index
      %swap3A_63 = tpu.vector_load %arg11[%swap3A_61, %swap3A_62] {strides = array<i32>} : memref<128x80xf32, #tpu.memory_space<vmem>>, vector<16xf32>,
      tpu.vector_store %arg11[%swap3A_61, %swap3A_62], %broadcast_in_dim3A_0 {strides = array<i32>} : memref<128x80xf32, #tpu.memory_space<vmem>>, vector<16xf32>,
      %swap3A_64 = arith.index_cast %scan3A_52 : i32 to index
      %swap3A_65 = arith.constant 64 : index
      %swap3A_66 = tpu.vector_load %arg11[%swap3A_64, %swap3A_65] {strides = array<i32>} : memref<128x80xf32, #tpu.memory_space<vmem>>, vector<16xf32>,
      tpu.vector_store %arg11[%swap3A_64, %swap3A_65], %broadcast_in_dim3A_0 {strides = array<i32>} : memref<128x80xf32, #tpu.memory_space<vmem>>, vector<16xf32>,
    }
    %scan3A_5 = arith.constant 128 : i32
    %mul3A = arith.constant 640 : i32
    %mul3A_6 = arith.muli %arg1, %mul3A : i32
    %add3A = arith.constant 0 : i32
    %add3A_7 = arith.addi %mul3A_6, %add3A : i32
    "tpu.region"() ({
      %run_scoped3A = tpu.sem_alloc : memref<!tpu.dma_semaphore, #tpu.memory_space<semaphore_mem>>
      %dma_start3A = arith.constant 0 : i32
      %dma_start3A_52 = tpu.memref_slice %arg15[%add3A_7, %dma_start3A] : memref<10240x80xf32, #tpu.memory_space<vmem_shared>> -> memref<128x80xf32, #tpu.memory_space<vmem_shared>>
      %dma_start3A_53 = arith.constant 0 : i32
      %dma_start3A_54 = tpu.memref_slice %arg15[%add3A_7, %dma_start3A_53] : memref<10240x80xf32, #tpu.memory_space<vmem_shared>> -> memref<128x80xf32, #tpu.memory_space<vmem_shared>>
      tpu.enqueue_dma source(%arg11 : memref<128x80xf32, #tpu.memory_space<vmem>>) target(%dma_start3A_54 : memref<128x80xf32, #tpu.memory_space<vmem_shared>>) target_semaphore(%run_scoped3A : memref<!tpu.dma_semaphore, #tpu.memory_space<semaphore_mem>>)
      %dma_wait3A = arith.constant 0 : i32
      %dma_wait3A_55 = tpu.memref_slice %arg15[%add3A_7, %dma_wait3A] : memref<10240x80xf32, #tpu.memory_space<vmem_shared>> -> memref<128x80xf32, #tpu.memory_space<vmem_shared>>
      %dma_wait3A_56 = arith.constant 0 : i32
      %dma_wait3A_57 = tpu.memref_slice %arg15[%add3A_7, %dma_wait3A_56] : memref<10240x80xf32, #tpu.memory_space<vmem_shared>> -> memref<128x80xf32, #tpu.memory_space<vmem_shared>>
      tpu.wait_dma2 semaphore(%run_scoped3A : memref<!tpu.dma_semaphore, #tpu.memory_space<semaphore_mem>>) src(%arg11 : memref<128x80xf32, #tpu.memory_space<vmem>>) dst(%dma_wait3A_57 : memref<128x80xf32, #tpu.memory_space<vmem_shared>>)
      tpu.yield
    }) : () -> ()
    %add3A_8 = arith.constant 128 : i32
    %add3A_9 = arith.addi %mul3A_6, %add3A_8 : i32
    "tpu.region"() ({
      %run_scoped3A = tpu.sem_alloc : memref<!tpu.dma_semaphore, #tpu.memory_space<semaphore_mem>>
      %dma_start3A = arith.constant 0 : i32
      %dma_start3A_52 = tpu.memref_slice %arg15[%add3A_9, %dma_start3A] : memref<10240x80xf32, #tpu.memory_space<vmem_shared>> -> memref<128x80xf32, #tpu.memory_space<vmem_shared>>
      %dma_start3A_53 = arith.constant 0 : i32
      %dma_start3A_54 = tpu.memref_slice %arg15[%add3A_9, %dma_start3A_53] : memref<10240x80xf32, #tpu.memory_space<vmem_shared>> -> memref<128x80xf32, #tpu.memory_space<vmem_shared>>
      tpu.enqueue_dma source(%arg11 : memref<128x80xf32, #tpu.memory_space<vmem>>) target(%dma_start3A_54 : memref<128x80xf32, #tpu.memory_space<vmem_shared>>) target_semaphore(%run_scoped3A : memref<!tpu.dma_semaphore, #tpu.memory_space<semaphore_mem>>)
      %dma_wait3A = arith.constant 0 : i32
      %dma_wait3A_55 = tpu.memref_slice %arg15[%add3A_9, %dma_wait3A] : memref<10240x80xf32, #tpu.memory_space<vmem_shared>> -> memref<128x80xf32, #tpu.memory_space<vmem_shared>>
      %dma_wait3A_56 = arith.constant 0 : i32
      %dma_wait3A_57 = tpu.memref_slice %arg15[%add3A_9, %dma_wait3A_56] : memref<10240x80xf32, #tpu.memory_space<vmem_shared>> -> memref<128x80xf32, #tpu.memory_space<vmem_shared>>
      tpu.wait_dma2 semaphore(%run_scoped3A : memref<!tpu.dma_semaphore, #tpu.memory_space<semaphore_mem>>) src(%arg11 : memref<128x80xf32, #tpu.memory_space<vmem>>) dst(%dma_wait3A_57 : memref<128x80xf32, #tpu.memory_space<vmem_shared>>)
      tpu.yield
    }) : () -> ()
    %add3A_10 = arith.constant 256 : i32
    %add3A_11 = arith.addi %mul3A_6, %add3A_10 : i32
    "tpu.region"() ({
      %run_scoped3A = tpu.sem_alloc : memref<!tpu.dma_semaphore, #tpu.memory_space<semaphore_mem>>
      %dma_start3A = arith.constant 0 : i32
      %dma_start3A_52 = tpu.memref_slice %arg15[%add3A_11, %dma_start3A] : memref<10240x80xf32, #tpu.memory_space<vmem_shared>> -> memref<128x80xf32, #tpu.memory_space<vmem_shared>>
      %dma_start3A_53 = arith.constant 0 : i32
      %dma_start3A_54 = tpu.memref_slice %arg15[%add3A_11, %dma_start3A_53] : memref<10240x80xf32, #tpu.memory_space<vmem_shared>> -> memref<128x80xf32, #tpu.memory_space<vmem_shared>>
      tpu.enqueue_dma source(%arg11 : memref<128x80xf32, #tpu.memory_space<vmem>>) target(%dma_start3A_54 : memref<128x80xf32, #tpu.memory_space<vmem_shared>>) target_semaphore(%run_scoped3A : memref<!tpu.dma_semaphore, #tpu.memory_space<semaphore_mem>>)
      %dma_wait3A = arith.constant 0 : i32
      %dma_wait3A_55 = tpu.memref_slice %arg15[%add3A_11, %dma_wait3A] : memref<10240x80xf32, #tpu.memory_space<vmem_shared>> -> memref<128x80xf32, #tpu.memory_space<vmem_shared>>
      %dma_wait3A_56 = arith.constant 0 : i32
      %dma_wait3A_57 = tpu.memref_slice %arg15[%add3A_11, %dma_wait3A_56] : memref<10240x80xf32, #tpu.memory_space<vmem_shared>> -> memref<128x80xf32, #tpu.memory_space<vmem_shared>>
      tpu.wait_dma2 semaphore(%run_scoped3A : memref<!tpu.dma_semaphore, #tpu.memory_space<semaphore_mem>>) src(%arg11 : memref<128x80xf32, #tpu.memory_space<vmem>>) dst(%dma_wait3A_57 : memref<128x80xf32, #tpu.memory_space<vmem_shared>>)
      tpu.yield
    }) : () -> ()
    %add3A_12 = arith.constant 384 : i32
    %add3A_13 = arith.addi %mul3A_6, %add3A_12 : i32
    "tpu.region"() ({
      %run_scoped3A = tpu.sem_alloc : memref<!tpu.dma_semaphore, #tpu.memory_space<semaphore_mem>>
      %dma_start3A = arith.constant 0 : i32
      %dma_start3A_52 = tpu.memref_slice %arg15[%add3A_13, %dma_start3A] : memref<10240x80xf32, #tpu.memory_space<vmem_shared>> -> memref<128x80xf32, #tpu.memory_space<vmem_shared>>
      %dma_start3A_53 = arith.constant 0 : i32
      %dma_start3A_54 = tpu.memref_slice %arg15[%add3A_13, %dma_start3A_53] : memref<10240x80xf32, #tpu.memory_space<vmem_shared>> -> memref<128x80xf32, #tpu.memory_space<vmem_shared>>
      tpu.enqueue_dma source(%arg11 : memref<128x80xf32, #tpu.memory_space<vmem>>) target(%dma_start3A_54 : memref<128x80xf32, #tpu.memory_space<vmem_shared>>) target_semaphore(%run_scoped3A : memref<!tpu.dma_semaphore, #tpu.memory_space<semaphore_mem>>)
      %dma_wait3A = arith.constant 0 : i32
      %dma_wait3A_55 = tpu.memref_slice %arg15[%add3A_13, %dma_wait3A] : memref<10240x80xf32, #tpu.memory_space<vmem_shared>> -> memref<128x80xf32, #tpu.memory_space<vmem_shared>>
      %dma_wait3A_56 = arith.constant 0 : i32
      %dma_wait3A_57 = tpu.memref_slice %arg15[%add3A_13, %dma_wait3A_56] : memref<10240x80xf32, #tpu.memory_space<vmem_shared>> -> memref<128x80xf32, #tpu.memory_space<vmem_shared>>
      tpu.wait_dma2 semaphore(%run_scoped3A : memref<!tpu.dma_semaphore, #tpu.memory_space<semaphore_mem>>) src(%arg11 : memref<128x80xf32, #tpu.memory_space<vmem>>) dst(%dma_wait3A_57 : memref<128x80xf32, #tpu.memory_space<vmem_shared>>)
      tpu.yield
    }) : () -> ()
    %add3A_14 = arith.constant 512 : i32
    %add3A_15 = arith.addi %mul3A_6, %add3A_14 : i32
    "tpu.region"() ({
      %run_scoped3A = tpu.sem_alloc : memref<!tpu.dma_semaphore, #tpu.memory_space<semaphore_mem>>
      %dma_start3A = arith.constant 0 : i32
      %dma_start3A_52 = tpu.memref_slice %arg15[%add3A_15, %dma_start3A] : memref<10240x80xf32, #tpu.memory_space<vmem_shared>> -> memref<128x80xf32, #tpu.memory_space<vmem_shared>>
      %dma_start3A_53 = arith.constant 0 : i32
      %dma_start3A_54 = tpu.memref_slice %arg15[%add3A_15, %dma_start3A_53] : memref<10240x80xf32, #tpu.memory_space<vmem_shared>> -> memref<128x80xf32, #tpu.memory_space<vmem_shared>>
      tpu.enqueue_dma source(%arg11 : memref<128x80xf32, #tpu.memory_space<vmem>>) target(%dma_start3A_54 : memref<128x80xf32, #tpu.memory_space<vmem_shared>>) target_semaphore(%run_scoped3A : memref<!tpu.dma_semaphore, #tpu.memory_space<semaphore_mem>>)
      %dma_wait3A = arith.constant 0 : i32
      %dma_wait3A_55 = tpu.memref_slice %arg15[%add3A_15, %dma_wait3A] : memref<10240x80xf32, #tpu.memory_space<vmem_shared>> -> memref<128x80xf32, #tpu.memory_space<vmem_shared>>
      %dma_wait3A_56 = arith.constant 0 : i32
      %dma_wait3A_57 = tpu.memref_slice %arg15[%add3A_15, %dma_wait3A_56] : memref<10240x80xf32, #tpu.memory_space<vmem_shared>> -> memref<128x80xf32, #tpu.memory_space<vmem_shared>>
      tpu.wait_dma2 semaphore(%run_scoped3A : memref<!tpu.dma_semaphore, #tpu.memory_space<semaphore_mem>>) src(%arg11 : memref<128x80xf32, #tpu.memory_space<vmem>>) dst(%dma_wait3A_57 : memref<128x80xf32, #tpu.memory_space<vmem_shared>>)
      tpu.yield
    }) : () -> ()
    %barrier3A = arith.constant 0 : index
    tpu.barrier barrier_id(%barrier3A)
    %iota3A = tpu.iota {dimensions = array<i32: 0>} : vector<16xi32>
    %mul3A_16 = arith.constant 20736 : i32
    %mul3A_17 = arith.muli %arg1, %mul3A_16 : i32
    %mul3A_18 = arith.constant 10000 : i32
    %mul3A_19 = arith.muli %arg0, %mul3A_18 : i32
    %scan3A_20 = arith.constant 0 : i32
    %scan3A_21 = arith.constant 0 : i32
    %scan3A_22 = arith.constant 162 : i32
    %scan3A_23 = arith.addi %scan3A_21, %scan3A_22 : i32
    %scan3A_24 = arith.constant 1 : i32
    scf.for %scan3A_52 = %scan3A_21 to %scan3A_23 step %scan3A_24  : i32 {
      %mul3A_53 = arith.constant 128 : i32
      %mul3A_54 = arith.muli %scan3A_52, %mul3A_53 : i32
      %add3A_55 = arith.addi %mul3A_17, %mul3A_54 : i32
      "tpu.region"() ({
        %run_scoped3A = tpu.sem_alloc : memref<!tpu.dma_semaphore, #tpu.memory_space<semaphore_mem>>
        %dma_start3A_245 = tpu.memref_slice %arg2[%add3A_55] : memref<331776xi32, #tpu.memory_space<hbm>> -> memref<128xi32, #tpu.memory_space<hbm>>
        %dma_start3A_246 = tpu.memref_slice %arg2[%add3A_55] : memref<331776xi32, #tpu.memory_space<hbm>> -> memref<128xi32, #tpu.memory_space<hbm>>
        tpu.enqueue_dma source(%dma_start3A_246 : memref<128xi32, #tpu.memory_space<hbm>>) target(%arg12 : memref<128xi32, #tpu.memory_space<vmem>>) target_semaphore(%run_scoped3A : memref<!tpu.dma_semaphore, #tpu.memory_space<semaphore_mem>>)
        %dma_wait3A_247 = tpu.memref_slice %arg2[%add3A_55] : memref<331776xi32, #tpu.memory_space<hbm>> -> memref<128xi32, #tpu.memory_space<hbm>>
        %dma_wait3A_248 = tpu.memref_slice %arg2[%add3A_55] : memref<331776xi32, #tpu.memory_space<hbm>> -> memref<128xi32, #tpu.memory_space<hbm>>
        tpu.wait_dma2 semaphore(%run_scoped3A : memref<!tpu.dma_semaphore, #tpu.memory_space<semaphore_mem>>) src(%dma_wait3A_248 : memref<128xi32, #tpu.memory_space<hbm>>) dst(%arg12 : memref<128xi32, #tpu.memory_space<vmem>>)
        tpu.yield
      }) : () -> ()
      "tpu.region"() ({
        %run_scoped3A = tpu.sem_alloc : memref<!tpu.dma_semaphore, #tpu.memory_space<semaphore_mem>>
        %dma_start3A_245 = tpu.memref_slice %arg3[%add3A_55] : memref<331776xi32, #tpu.memory_space<hbm>> -> memref<128xi32, #tpu.memory_space<hbm>>
        %dma_start3A_246 = tpu.memref_slice %arg3[%add3A_55] : memref<331776xi32, #tpu.memory_space<hbm>> -> memref<128xi32, #tpu.memory_space<hbm>>
        tpu.enqueue_dma source(%dma_start3A_246 : memref<128xi32, #tpu.memory_space<hbm>>) target(%arg14 : memref<128xi32, #tpu.memory_space<vmem>>) target_semaphore(%run_scoped3A : memref<!tpu.dma_semaphore, #tpu.memory_space<semaphore_mem>>)
        %dma_wait3A_247 = tpu.memref_slice %arg3[%add3A_55] : memref<331776xi32, #tpu.memory_space<hbm>> -> memref<128xi32, #tpu.memory_space<hbm>>
        %dma_wait3A_248 = tpu.memref_slice %arg3[%add3A_55] : memref<331776xi32, #tpu.memory_space<hbm>> -> memref<128xi32, #tpu.memory_space<hbm>>
        tpu.wait_dma2 semaphore(%run_scoped3A : memref<!tpu.dma_semaphore, #tpu.memory_space<semaphore_mem>>) src(%dma_wait3A_248 : memref<128xi32, #tpu.memory_space<hbm>>) dst(%arg14 : memref<128xi32, #tpu.memory_space<vmem>>)
        tpu.yield
      }) : () -> ()
      %get3A = arith.constant 0 : index
      %get3A_56 = tpu.vector_load %arg12[%get3A] {strides = array<i32>} : memref<128xi32, #tpu.memory_space<vmem>>, vector<16xi32>,
      %add3A_57 = vector.broadcast %mul3A_19 : i32 to vector<16xi32>
      %add3A_58 = arith.addi %get3A_56, %add3A_57 : vector<16xi32>
      %swap3A = arith.constant 0 : index
      %swap3A_59 = tpu.vector_load %arg13[%swap3A] {strides = array<i32>} : memref<128xi32, #tpu.memory_space<vmem>>, vector<16xi32>,
      tpu.vector_store %arg13[%swap3A], %add3A_58 {strides = array<i32>} : memref<128xi32, #tpu.memory_space<vmem>>, vector<16xi32>,
      %get3A_60 = arith.constant 16 : index
      %get3A_61 = tpu.vector_load %arg12[%get3A_60] {strides = array<i32>} : memref<128xi32, #tpu.memory_space<vmem>>, vector<16xi32>,
      %add3A_62 = vector.broadcast %mul3A_19 : i32 to vector<16xi32>
      %add3A_63 = arith.addi %get3A_61, %add3A_62 : vector<16xi32>
      %swap3A_64 = arith.constant 16 : index
      %swap3A_65 = tpu.vector_load %arg13[%swap3A_64] {strides = array<i32>} : memref<128xi32, #tpu.memory_space<vmem>>, vector<16xi32>,
      tpu.vector_store %arg13[%swap3A_64], %add3A_63 {strides = array<i32>} : memref<128xi32, #tpu.memory_space<vmem>>, vector<16xi32>,
      %get3A_66 = arith.constant 32 : index
      %get3A_67 = tpu.vector_load %arg12[%get3A_66] {strides = array<i32>} : memref<128xi32, #tpu.memory_space<vmem>>, vector<16xi32>,
      %add3A_68 = vector.broadcast %mul3A_19 : i32 to vector<16xi32>
      %add3A_69 = arith.addi %get3A_67, %add3A_68 : vector<16xi32>
      %swap3A_70 = arith.constant 32 : index
      %swap3A_71 = tpu.vector_load %arg13[%swap3A_70] {strides = array<i32>} : memref<128xi32, #tpu.memory_space<vmem>>, vector<16xi32>,
      tpu.vector_store %arg13[%swap3A_70], %add3A_69 {strides = array<i32>} : memref<128xi32, #tpu.memory_space<vmem>>, vector<16xi32>,
      %get3A_72 = arith.constant 48 : index
      %get3A_73 = tpu.vector_load %arg12[%get3A_72] {strides = array<i32>} : memref<128xi32, #tpu.memory_space<vmem>>, vector<16xi32>,
      %add3A_74 = vector.broadcast %mul3A_19 : i32 to vector<16xi32>
      %add3A_75 = arith.addi %get3A_73, %add3A_74 : vector<16xi32>
      %swap3A_76 = arith.constant 48 : index
      %swap3A_77 = tpu.vector_load %arg13[%swap3A_76] {strides = array<i32>} : memref<128xi32, #tpu.memory_space<vmem>>, vector<16xi32>,
      tpu.vector_store %arg13[%swap3A_76], %add3A_75 {strides = array<i32>} : memref<128xi32, #tpu.memory_space<vmem>>, vector<16xi32>,
      %get3A_78 = arith.constant 64 : index
      %get3A_79 = tpu.vector_load %arg12[%get3A_78] {strides = array<i32>} : memref<128xi32, #tpu.memory_space<vmem>>, vector<16xi32>,
      %add3A_80 = vector.broadcast %mul3A_19 : i32 to vector<16xi32>
      %add3A_81 = arith.addi %get3A_79, %add3A_80 : vector<16xi32>
      %swap3A_82 = arith.constant 64 : index
      %swap3A_83 = tpu.vector_load %arg13[%swap3A_82] {strides = array<i32>} : memref<128xi32, #tpu.memory_space<vmem>>, vector<16xi32>,
      tpu.vector_store %arg13[%swap3A_82], %add3A_81 {strides = array<i32>} : memref<128xi32, #tpu.memory_space<vmem>>, vector<16xi32>,
      %get3A_84 = arith.constant 80 : index
      %get3A_85 = tpu.vector_load %arg12[%get3A_84] {strides = array<i32>} : memref<128xi32, #tpu.memory_space<vmem>>, vector<16xi32>,
      %add3A_86 = vector.broadcast %mul3A_19 : i32 to vector<16xi32>
      %add3A_87 = arith.addi %get3A_85, %add3A_86 : vector<16xi32>
      %swap3A_88 = arith.constant 80 : index
      %swap3A_89 = tpu.vector_load %arg13[%swap3A_88] {strides = array<i32>} : memref<128xi32, #tpu.memory_space<vmem>>, vector<16xi32>,
      tpu.vector_store %arg13[%swap3A_88], %add3A_87 {strides = array<i32>} : memref<128xi32, #tpu.memory_space<vmem>>, vector<16xi32>,
      %get3A_90 = arith.constant 96 : index
      %get3A_91 = tpu.vector_load %arg12[%get3A_90] {strides = array<i32>} : memref<128xi32, #tpu.memory_space<vmem>>, vector<16xi32>,
      %add3A_92 = vector.broadcast %mul3A_19 : i32 to vector<16xi32>
      %add3A_93 = arith.addi %get3A_91, %add3A_92 : vector<16xi32>
      %swap3A_94 = arith.constant 96 : index
      %swap3A_95 = tpu.vector_load %arg13[%swap3A_94] {strides = array<i32>} : memref<128xi32, #tpu.memory_space<vmem>>, vector<16xi32>,
      tpu.vector_store %arg13[%swap3A_94], %add3A_93 {strides = array<i32>} : memref<128xi32, #tpu.memory_space<vmem>>, vector<16xi32>,
      %get3A_96 = arith.constant 112 : index
      %get3A_97 = tpu.vector_load %arg12[%get3A_96] {strides = array<i32>} : memref<128xi32, #tpu.memory_space<vmem>>, vector<16xi32>,
      %add3A_98 = vector.broadcast %mul3A_19 : i32 to vector<16xi32>
      %add3A_99 = arith.addi %get3A_97, %add3A_98 : vector<16xi32>
      %swap3A_100 = arith.constant 112 : index
      %swap3A_101 = tpu.vector_load %arg13[%swap3A_100] {strides = array<i32>} : memref<128xi32, #tpu.memory_space<vmem>>, vector<16xi32>,
      tpu.vector_store %arg13[%swap3A_100], %add3A_99 {strides = array<i32>} : memref<128xi32, #tpu.memory_space<vmem>>, vector<16xi32>,
      %dma_start3A = arith.constant 0 : i32
      %dma_start3A_102 = arith.constant 0 : i32
      %dma_start3A_103 = tpu.memref_slice %arg4[%dma_start3A, %dma_start3A_102] : memref<20000x64xf32, #tpu.memory_space<hbm>> -> memref<20000x64xf32, #tpu.memory_space<hbm>>
      tpu.enqueue_indirect_dma source(%dma_start3A_103 : memref<20000x64xf32, #tpu.memory_space<hbm>>) target(%arg10 : memref<128x64xf32, #tpu.memory_space<vmem>>) offsets(%arg13 : memref<128xi32, #tpu.memory_space<vmem>>) semaphore(%arg16 : memref<!tpu.dma_semaphore, #tpu.memory_space<semaphore_mem>>)
      %get3A_104 = arith.constant 0 : index
      %get3A_105 = tpu.vector_load %arg12[%get3A_104] {strides = array<i32>} : memref<128xi32, #tpu.memory_space<vmem>>, vector<16xi32>,
      %get3A_106 = arith.constant 0 : index
      %get3A_107 = tpu.vector_load %arg14[%get3A_106] {strides = array<i32>} : memref<128xi32, #tpu.memory_space<vmem>>, vector<16xi32>,
      %gather3A = tpu.vector_load_idx %arg8[%get3A_105] : memref<10000xf32, #tpu.memory_space<vmem>>[vector<16xi32>], vector<16xf32>,
      %gather3A_108 = tpu.vector_load_idx %arg9[%get3A_107] : memref<10000xf32, #tpu.memory_space<vmem>>[vector<16xi32>], vector<16xf32>,
      %add3A_109 = arith.addf %gather3A, %gather3A_108 : vector<16xf32>
      %mul3A_110 = arith.constant 2.000000e-01 : f32
      %mul3A_111 = vector.broadcast %mul3A_110 : f32 to vector<16xf32>
      %mul3A_112 = arith.mulf %mul3A_111, %add3A_109 : vector<16xf32>
      %max3A = arith.maximumf %add3A_109, %mul3A_112 : vector<16xf32>
      %exp3A = math.exp %max3A : vector<16xf32>
      %add3A_113 = arith.constant 0 : i32
      %add3A_114 = vector.broadcast %add3A_113 : i32 to vector<16xi32>
      %add3A_115 = arith.addi %iota3A, %add3A_114 : vector<16xi32>
      %broadcast_in_dim3A_116 = arith.constant 64 : i32
      %broadcast_in_dim3A_117 = vector.broadcast %broadcast_in_dim3A_116 : i32 to vector<16xi32>
      tpu.vector_store_idx %arg11[%add3A_115, %broadcast_in_dim3A_117], %exp3A : memref<128x80xf32, #tpu.memory_space<vmem>>[vector<16xi32>, vector<16xi32>], vector<16xf32>,
      %get3A_118 = arith.constant 16 : index
      %get3A_119 = tpu.vector_load %arg12[%get3A_118] {strides = array<i32>} : memref<128xi32, #tpu.memory_space<vmem>>, vector<16xi32>,
      %get3A_120 = arith.constant 16 : index
      %get3A_121 = tpu.vector_load %arg14[%get3A_120] {strides = array<i32>} : memref<128xi32, #tpu.memory_space<vmem>>, vector<16xi32>,
      %gather3A_122 = tpu.vector_load_idx %arg8[%get3A_119] : memref<10000xf32, #tpu.memory_space<vmem>>[vector<16xi32>], vector<16xf32>,
      %gather3A_123 = tpu.vector_load_idx %arg9[%get3A_121] : memref<10000xf32, #tpu.memory_space<vmem>>[vector<16xi32>], vector<16xf32>,
      %add3A_124 = arith.addf %gather3A_122, %gather3A_123 : vector<16xf32>
      %mul3A_125 = arith.constant 2.000000e-01 : f32
      %mul3A_126 = vector.broadcast %mul3A_125 : f32 to vector<16xf32>
      %mul3A_127 = arith.mulf %mul3A_126, %add3A_124 : vector<16xf32>
      %max3A_128 = arith.maximumf %add3A_124, %mul3A_127 : vector<16xf32>
      %exp3A_129 = math.exp %max3A_128 : vector<16xf32>
      %add3A_130 = arith.constant 16 : i32
      %add3A_131 = vector.broadcast %add3A_130 : i32 to vector<16xi32>
      %add3A_132 = arith.addi %iota3A, %add3A_131 : vector<16xi32>
      %broadcast_in_dim3A_133 = arith.constant 64 : i32
      %broadcast_in_dim3A_134 = vector.broadcast %broadcast_in_dim3A_133 : i32 to vector<16xi32>
      tpu.vector_store_idx %arg11[%add3A_132, %broadcast_in_dim3A_134], %exp3A_129 : memref<128x80xf32, #tpu.memory_space<vmem>>[vector<16xi32>, vector<16xi32>], vector<16xf32>,
      %get3A_135 = arith.constant 32 : index
      %get3A_136 = tpu.vector_load %arg12[%get3A_135] {strides = array<i32>} : memref<128xi32, #tpu.memory_space<vmem>>, vector<16xi32>,
      %get3A_137 = arith.constant 32 : index
      %get3A_138 = tpu.vector_load %arg14[%get3A_137] {strides = array<i32>} : memref<128xi32, #tpu.memory_space<vmem>>, vector<16xi32>,
      %gather3A_139 = tpu.vector_load_idx %arg8[%get3A_136] : memref<10000xf32, #tpu.memory_space<vmem>>[vector<16xi32>], vector<16xf32>,
      %gather3A_140 = tpu.vector_load_idx %arg9[%get3A_138] : memref<10000xf32, #tpu.memory_space<vmem>>[vector<16xi32>], vector<16xf32>,
      %add3A_141 = arith.addf %gather3A_139, %gather3A_140 : vector<16xf32>
      %mul3A_142 = arith.constant 2.000000e-01 : f32
      %mul3A_143 = vector.broadcast %mul3A_142 : f32 to vector<16xf32>
      %mul3A_144 = arith.mulf %mul3A_143, %add3A_141 : vector<16xf32>
      %max3A_145 = arith.maximumf %add3A_141, %mul3A_144 : vector<16xf32>
      %exp3A_146 = math.exp %max3A_145 : vector<16xf32>
      %add3A_147 = arith.constant 32 : i32
      %add3A_148 = vector.broadcast %add3A_147 : i32 to vector<16xi32>
      %add3A_149 = arith.addi %iota3A, %add3A_148 : vector<16xi32>
      %broadcast_in_dim3A_150 = arith.constant 64 : i32
      %broadcast_in_dim3A_151 = vector.broadcast %broadcast_in_dim3A_150 : i32 to vector<16xi32>
      tpu.vector_store_idx %arg11[%add3A_149, %broadcast_in_dim3A_151], %exp3A_146 : memref<128x80xf32, #tpu.memory_space<vmem>>[vector<16xi32>, vector<16xi32>], vector<16xf32>,
      %get3A_152 = arith.constant 48 : index
      %get3A_153 = tpu.vector_load %arg12[%get3A_152] {strides = array<i32>} : memref<128xi32, #tpu.memory_space<vmem>>, vector<16xi32>,
      %get3A_154 = arith.constant 48 : index
      %get3A_155 = tpu.vector_load %arg14[%get3A_154] {strides = array<i32>} : memref<128xi32, #tpu.memory_space<vmem>>, vector<16xi32>,
      %gather3A_156 = tpu.vector_load_idx %arg8[%get3A_153] : memref<10000xf32, #tpu.memory_space<vmem>>[vector<16xi32>], vector<16xf32>,
      %gather3A_157 = tpu.vector_load_idx %arg9[%get3A_155] : memref<10000xf32, #tpu.memory_space<vmem>>[vector<16xi32>], vector<16xf32>,
      %add3A_158 = arith.addf %gather3A_156, %gather3A_157 : vector<16xf32>
      %mul3A_159 = arith.constant 2.000000e-01 : f32
      %mul3A_160 = vector.broadcast %mul3A_159 : f32 to vector<16xf32>
      %mul3A_161 = arith.mulf %mul3A_160, %add3A_158 : vector<16xf32>
      %max3A_162 = arith.maximumf %add3A_158, %mul3A_161 : vector<16xf32>
      %exp3A_163 = math.exp %max3A_162 : vector<16xf32>
      %add3A_164 = arith.constant 48 : i32
      %add3A_165 = vector.broadcast %add3A_164 : i32 to vector<16xi32>
      %add3A_166 = arith.addi %iota3A, %add3A_165 : vector<16xi32>
      %broadcast_in_dim3A_167 = arith.constant 64 : i32
      %broadcast_in_dim3A_168 = vector.broadcast %broadcast_in_dim3A_167 : i32 to vector<16xi32>
      tpu.vector_store_idx %arg11[%add3A_166, %broadcast_in_dim3A_168], %exp3A_163 : memref<128x80xf32, #tpu.memory_space<vmem>>[vector<16xi32>, vector<16xi32>], vector<16xf32>,
      %get3A_169 = arith.constant 64 : index
      %get3A_170 = tpu.vector_load %arg12[%get3A_169] {strides = array<i32>} : memref<128xi32, #tpu.memory_space<vmem>>, vector<16xi32>,
      %get3A_171 = arith.constant 64 : index
      %get3A_172 = tpu.vector_load %arg14[%get3A_171] {strides = array<i32>} : memref<128xi32, #tpu.memory_space<vmem>>, vector<16xi32>,
      %gather3A_173 = tpu.vector_load_idx %arg8[%get3A_170] : memref<10000xf32, #tpu.memory_space<vmem>>[vector<16xi32>], vector<16xf32>,
      %gather3A_174 = tpu.vector_load_idx %arg9[%get3A_172] : memref<10000xf32, #tpu.memory_space<vmem>>[vector<16xi32>], vector<16xf32>,
      %add3A_175 = arith.addf %gather3A_173, %gather3A_174 : vector<16xf32>
      %mul3A_176 = arith.constant 2.000000e-01 : f32
      %mul3A_177 = vector.broadcast %mul3A_176 : f32 to vector<16xf32>
      %mul3A_178 = arith.mulf %mul3A_177, %add3A_175 : vector<16xf32>
      %max3A_179 = arith.maximumf %add3A_175, %mul3A_178 : vector<16xf32>
      %exp3A_180 = math.exp %max3A_179 : vector<16xf32>
      %add3A_181 = arith.constant 64 : i32
      %add3A_182 = vector.broadcast %add3A_181 : i32 to vector<16xi32>
      %add3A_183 = arith.addi %iota3A, %add3A_182 : vector<16xi32>
      %broadcast_in_dim3A_184 = arith.constant 64 : i32
      %broadcast_in_dim3A_185 = vector.broadcast %broadcast_in_dim3A_184 : i32 to vector<16xi32>
      tpu.vector_store_idx %arg11[%add3A_183, %broadcast_in_dim3A_185], %exp3A_180 : memref<128x80xf32, #tpu.memory_space<vmem>>[vector<16xi32>, vector<16xi32>], vector<16xf32>,
      %get3A_186 = arith.constant 80 : index
      %get3A_187 = tpu.vector_load %arg12[%get3A_186] {strides = array<i32>} : memref<128xi32, #tpu.memory_space<vmem>>, vector<16xi32>,
      %get3A_188 = arith.constant 80 : index
      %get3A_189 = tpu.vector_load %arg14[%get3A_188] {strides = array<i32>} : memref<128xi32, #tpu.memory_space<vmem>>, vector<16xi32>,
      %gather3A_190 = tpu.vector_load_idx %arg8[%get3A_187] : memref<10000xf32, #tpu.memory_space<vmem>>[vector<16xi32>], vector<16xf32>,
      %gather3A_191 = tpu.vector_load_idx %arg9[%get3A_189] : memref<10000xf32, #tpu.memory_space<vmem>>[vector<16xi32>], vector<16xf32>,
      %add3A_192 = arith.addf %gather3A_190, %gather3A_191 : vector<16xf32>
      %mul3A_193 = arith.constant 2.000000e-01 : f32
      %mul3A_194 = vector.broadcast %mul3A_193 : f32 to vector<16xf32>
      %mul3A_195 = arith.mulf %mul3A_194, %add3A_192 : vector<16xf32>
      %max3A_196 = arith.maximumf %add3A_192, %mul3A_195 : vector<16xf32>
      %exp3A_197 = math.exp %max3A_196 : vector<16xf32>
      %add3A_198 = arith.constant 80 : i32
      %add3A_199 = vector.broadcast %add3A_198 : i32 to vector<16xi32>
      %add3A_200 = arith.addi %iota3A, %add3A_199 : vector<16xi32>
      %broadcast_in_dim3A_201 = arith.constant 64 : i32
      %broadcast_in_dim3A_202 = vector.broadcast %broadcast_in_dim3A_201 : i32 to vector<16xi32>
      tpu.vector_store_idx %arg11[%add3A_200, %broadcast_in_dim3A_202], %exp3A_197 : memref<128x80xf32, #tpu.memory_space<vmem>>[vector<16xi32>, vector<16xi32>], vector<16xf32>,
      %get3A_203 = arith.constant 96 : index
      %get3A_204 = tpu.vector_load %arg12[%get3A_203] {strides = array<i32>} : memref<128xi32, #tpu.memory_space<vmem>>, vector<16xi32>,
      %get3A_205 = arith.constant 96 : index
      %get3A_206 = tpu.vector_load %arg14[%get3A_205] {strides = array<i32>} : memref<128xi32, #tpu.memory_space<vmem>>, vector<16xi32>,
      %gather3A_207 = tpu.vector_load_idx %arg8[%get3A_204] : memref<10000xf32, #tpu.memory_space<vmem>>[vector<16xi32>], vector<16xf32>,
      %gather3A_208 = tpu.vector_load_idx %arg9[%get3A_206] : memref<10000xf32, #tpu.memory_space<vmem>>[vector<16xi32>], vector<16xf32>,
      %add3A_209 = arith.addf %gather3A_207, %gather3A_208 : vector<16xf32>
      %mul3A_210 = arith.constant 2.000000e-01 : f32
      %mul3A_211 = vector.broadcast %mul3A_210 : f32 to vector<16xf32>
      %mul3A_212 = arith.mulf %mul3A_211, %add3A_209 : vector<16xf32>
      %max3A_213 = arith.maximumf %add3A_209, %mul3A_212 : vector<16xf32>
      %exp3A_214 = math.exp %max3A_213 : vector<16xf32>
      %add3A_215 = arith.constant 96 : i32
      %add3A_216 = vector.broadcast %add3A_215 : i32 to vector<16xi32>
      %add3A_217 = arith.addi %iota3A, %add3A_216 : vector<16xi32>
      %broadcast_in_dim3A_218 = arith.constant 64 : i32
      %broadcast_in_dim3A_219 = vector.broadcast %broadcast_in_dim3A_218 : i32 to vector<16xi32>
      tpu.vector_store_idx %arg11[%add3A_217, %broadcast_in_dim3A_219], %exp3A_214 : memref<128x80xf32, #tpu.memory_space<vmem>>[vector<16xi32>, vector<16xi32>], vector<16xf32>,
      %get3A_220 = arith.constant 112 : index
      %get3A_221 = tpu.vector_load %arg12[%get3A_220] {strides = array<i32>} : memref<128xi32, #tpu.memory_space<vmem>>, vector<16xi32>,
      %get3A_222 = arith.constant 112 : index
      %get3A_223 = tpu.vector_load %arg14[%get3A_222] {strides = array<i32>} : memref<128xi32, #tpu.memory_space<vmem>>, vector<16xi32>,
      %gather3A_224 = tpu.vector_load_idx %arg8[%get3A_221] : memref<10000xf32, #tpu.memory_space<vmem>>[vector<16xi32>], vector<16xf32>,
      %gather3A_225 = tpu.vector_load_idx %arg9[%get3A_223] : memref<10000xf32, #tpu.memory_space<vmem>>[vector<16xi32>], vector<16xf32>,
      %add3A_226 = arith.addf %gather3A_224, %gather3A_225 : vector<16xf32>
      %mul3A_227 = arith.constant 2.000000e-01 : f32
      %mul3A_228 = vector.broadcast %mul3A_227 : f32 to vector<16xf32>
      %mul3A_229 = arith.mulf %mul3A_228, %add3A_226 : vector<16xf32>
      %max3A_230 = arith.maximumf %add3A_226, %mul3A_229 : vector<16xf32>
      %exp3A_231 = math.exp %max3A_230 : vector<16xf32>
      %add3A_232 = arith.constant 112 : i32
      %add3A_233 = vector.broadcast %add3A_232 : i32 to vector<16xi32>
      %add3A_234 = arith.addi %iota3A, %add3A_233 : vector<16xi32>
      %broadcast_in_dim3A_235 = arith.constant 64 : i32
      %broadcast_in_dim3A_236 = vector.broadcast %broadcast_in_dim3A_235 : i32 to vector<16xi32>
      tpu.vector_store_idx %arg11[%add3A_234, %broadcast_in_dim3A_236], %exp3A_231 : memref<128x80xf32, #tpu.memory_space<vmem>>[vector<16xi32>, vector<16xi32>], vector<16xf32>,
      %dma_wait3A = arith.constant 0 : i32
      %dma_wait3A_237 = arith.constant 0 : i32
      %dma_wait3A_238 = tpu.memref_slice %arg4[%dma_wait3A, %dma_wait3A_237] : memref<20000x64xf32, #tpu.memory_space<hbm>> -> memref<20000x64xf32, #tpu.memory_space<hbm>>
      tpu.wait_indirect_dma semaphore(%arg16 : memref<!tpu.dma_semaphore, #tpu.memory_space<semaphore_mem>>) src(%dma_wait3A_238 : memref<20000x64xf32, #tpu.memory_space<hbm>>) dst(%arg10 : memref<128x64xf32, #tpu.memory_space<vmem>>)
      %scan3A_239 = arith.constant 0 : i32
      %scan3A_240 = arith.constant 0 : i32
      %scan3A_241 = arith.constant 128 : i32
      %scan3A_242 = arith.addi %scan3A_240, %scan3A_241 : i32
      %scan3A_243 = arith.constant 1 : i32
      scf.for %scan3A_245 = %scan3A_240 to %scan3A_242 step %scan3A_243  : i32 {
        %get3A_246 = arith.index_cast %scan3A_245 : i32 to index
        %get3A_247 = arith.constant 64 : index
        %get3A_248 = tpu.vector_load %arg11[%get3A_246, %get3A_247] {strides = array<i32>} : memref<128x80xf32, #tpu.memory_space<vmem>>, vector<16xf32>,
        %slice3A = vector.extract_strided_slice %get3A_248 {offsets = [0], sizes = [1], strides = [1]} : vector<16xf32> to vector<1xf32>
        %squeeze3A = vector.extract %slice3A[0] : f32 from vector<1xf32>
        %broadcast_in_dim3A_249 = vector.broadcast %squeeze3A : f32 to vector<16xf32>
        %get3A_250 = arith.index_cast %scan3A_245 : i32 to index
        %get3A_251 = arith.constant 0 : index
        %get3A_252 = tpu.vector_load %arg10[%get3A_250, %get3A_251] {strides = array<i32>} : memref<128x64xf32, #tpu.memory_space<vmem>>, vector<16xf32>,
        %mul3A_253 = arith.mulf %get3A_252, %broadcast_in_dim3A_249 : vector<16xf32>
        %swap3A_254 = arith.index_cast %scan3A_245 : i32 to index
        %swap3A_255 = arith.constant 0 : index
        %swap3A_256 = tpu.vector_load %arg11[%swap3A_254, %swap3A_255] {strides = array<i32>} : memref<128x80xf32, #tpu.memory_space<vmem>>, vector<16xf32>,
        tpu.vector_store %arg11[%swap3A_254, %swap3A_255], %mul3A_253 {strides = array<i32>} : memref<128x80xf32, #tpu.memory_space<vmem>>, vector<16xf32>,
        %get3A_257 = arith.index_cast %scan3A_245 : i32 to index
        %get3A_258 = arith.constant 16 : index
        %get3A_259 = tpu.vector_load %arg10[%get3A_257, %get3A_258] {strides = array<i32>} : memref<128x64xf32, #tpu.memory_space<vmem>>, vector<16xf32>,
        %mul3A_260 = arith.mulf %get3A_259, %broadcast_in_dim3A_249 : vector<16xf32>
        %swap3A_261 = arith.index_cast %scan3A_245 : i32 to index
        %swap3A_262 = arith.constant 16 : index
        %swap3A_263 = tpu.vector_load %arg11[%swap3A_261, %swap3A_262] {strides = array<i32>} : memref<128x80xf32, #tpu.memory_space<vmem>>, vector<16xf32>,
        tpu.vector_store %arg11[%swap3A_261, %swap3A_262], %mul3A_260 {strides = array<i32>} : memref<128x80xf32, #tpu.memory_space<vmem>>, vector<16xf32>,
        %get3A_264 = arith.index_cast %scan3A_245 : i32 to index
        %get3A_265 = arith.constant 32 : index
        %get3A_266 = tpu.vector_load %arg10[%get3A_264, %get3A_265] {strides = array<i32>} : memref<128x64xf32, #tpu.memory_space<vmem>>, vector<16xf32>,
        %mul3A_267 = arith.mulf %get3A_266, %broadcast_in_dim3A_249 : vector<16xf32>
        %swap3A_268 = arith.index_cast %scan3A_245 : i32 to index
        %swap3A_269 = arith.constant 32 : index
        %swap3A_270 = tpu.vector_load %arg11[%swap3A_268, %swap3A_269] {strides = array<i32>} : memref<128x80xf32, #tpu.memory_space<vmem>>, vector<16xf32>,
        tpu.vector_store %arg11[%swap3A_268, %swap3A_269], %mul3A_267 {strides = array<i32>} : memref<128x80xf32, #tpu.memory_space<vmem>>, vector<16xf32>,
        %get3A_271 = arith.index_cast %scan3A_245 : i32 to index
        %get3A_272 = arith.constant 48 : index
        %get3A_273 = tpu.vector_load %arg10[%get3A_271, %get3A_272] {strides = array<i32>} : memref<128x64xf32, #tpu.memory_space<vmem>>, vector<16xf32>,
        %mul3A_274 = arith.mulf %get3A_273, %broadcast_in_dim3A_249 : vector<16xf32>
        %swap3A_275 = arith.index_cast %scan3A_245 : i32 to index
        %swap3A_276 = arith.constant 48 : index
        %swap3A_277 = tpu.vector_load %arg11[%swap3A_275, %swap3A_276] {strides = array<i32>} : memref<128x80xf32, #tpu.memory_space<vmem>>, vector<16xf32>,
        tpu.vector_store %arg11[%swap3A_275, %swap3A_276], %mul3A_274 {strides = array<i32>} : memref<128x80xf32, #tpu.memory_space<vmem>>, vector<16xf32>,
      }
      %scan3A_244 = arith.constant 128 : i32
      "tpu.region"() ({
        %run_scoped3A = tpu.sem_alloc : memref<!tpu.dma_semaphore, #tpu.memory_space<semaphore_mem>>
        %dma_start3A_245 = arith.constant 0 : i32
        %dma_start3A_246 = arith.constant 0 : i32
        %dma_start3A_247 = tpu.memref_slice %arg15[%dma_start3A_245, %dma_start3A_246] : memref<10240x80xf32, #tpu.memory_space<vmem_shared>> -> memref<10240x80xf32, #tpu.memory_space<vmem_shared>>
        tpu.enqueue_indirect_dma source(%arg11 : memref<128x80xf32, #tpu.memory_space<vmem>>) target(%dma_start3A_247 : memref<10240x80xf32, #tpu.memory_space<vmem_shared>>) offsets(%arg14 : memref<128xi32, #tpu.memory_space<vmem>>) semaphore(%run_scoped3A : memref<!tpu.dma_semaphore, #tpu.memory_space<semaphore_mem>>) {add = true}
        %dma_wait3A_248 = arith.constant 0 : i32
        %dma_wait3A_249 = arith.constant 0 : i32
        %dma_wait3A_250 = tpu.memref_slice %arg15[%dma_wait3A_248, %dma_wait3A_249] : memref<10240x80xf32, #tpu.memory_space<vmem_shared>> -> memref<10240x80xf32, #tpu.memory_space<vmem_shared>>
        tpu.wait_indirect_dma semaphore(%run_scoped3A : memref<!tpu.dma_semaphore, #tpu.memory_space<semaphore_mem>>) src(%arg11 : memref<128x80xf32, #tpu.memory_space<vmem>>) dst(%dma_wait3A_250 : memref<10240x80xf32, #tpu.memory_space<vmem_shared>>)
        tpu.yield
      }) : () -> ()
    }
    %scan3A_25 = arith.constant 162 : i32
    %barrier3A_26 = arith.constant 0 : index
    tpu.barrier barrier_id(%barrier3A_26)
    %add3A_27 = arith.constant 0 : i32
    %add3A_28 = arith.addi %mul3A_6, %add3A_27 : i32
    "tpu.region"() ({
      %run_scoped3A = tpu.sem_alloc : memref<!tpu.dma_semaphore, #tpu.memory_space<semaphore_mem>>
      %dma_start3A = arith.constant 0 : i32
      %dma_start3A_52 = tpu.memref_slice %arg15[%add3A_28, %dma_start3A] : memref<10240x80xf32, #tpu.memory_space<vmem_shared>> -> memref<128x80xf32, #tpu.memory_space<vmem_shared>>
      %dma_start3A_53 = arith.constant 0 : i32
      %dma_start3A_54 = tpu.memref_slice %arg15[%add3A_28, %dma_start3A_53] : memref<10240x80xf32, #tpu.memory_space<vmem_shared>> -> memref<128x80xf32, #tpu.memory_space<vmem_shared>>
      tpu.enqueue_dma source(%dma_start3A_54 : memref<128x80xf32, #tpu.memory_space<vmem_shared>>) target(%arg11 : memref<128x80xf32, #tpu.memory_space<vmem>>) target_semaphore(%run_scoped3A : memref<!tpu.dma_semaphore, #tpu.memory_space<semaphore_mem>>)
      %dma_wait3A = arith.constant 0 : i32
      %dma_wait3A_55 = tpu.memref_slice %arg15[%add3A_28, %dma_wait3A] : memref<10240x80xf32, #tpu.memory_space<vmem_shared>> -> memref<128x80xf32, #tpu.memory_space<vmem_shared>>
      %dma_wait3A_56 = arith.constant 0 : i32
      %dma_wait3A_57 = tpu.memref_slice %arg15[%add3A_28, %dma_wait3A_56] : memref<10240x80xf32, #tpu.memory_space<vmem_shared>> -> memref<128x80xf32, #tpu.memory_space<vmem_shared>>
      tpu.wait_dma2 semaphore(%run_scoped3A : memref<!tpu.dma_semaphore, #tpu.memory_space<semaphore_mem>>) src(%dma_wait3A_57 : memref<128x80xf32, #tpu.memory_space<vmem_shared>>) dst(%arg11 : memref<128x80xf32, #tpu.memory_space<vmem>>)
      tpu.yield
    }) : () -> ()
    %mul3A_29 = arith.constant 10240 : i32
    %mul3A_30 = arith.muli %arg0, %mul3A_29 : i32
    %add3A_31 = arith.addi %mul3A_30, %add3A_28 : i32
    "tpu.region"() ({
      %run_scoped3A = tpu.sem_alloc : memref<!tpu.dma_semaphore, #tpu.memory_space<semaphore_mem>>
      %dma_start3A = arith.constant 0 : i32
      %dma_start3A_52 = tpu.memref_slice %arg7[%add3A_31, %dma_start3A] : memref<20480x80xf32, #tpu.memory_space<hbm>> -> memref<128x80xf32, #tpu.memory_space<hbm>>
      %dma_start3A_53 = arith.constant 0 : i32
      %dma_start3A_54 = tpu.memref_slice %arg7[%add3A_31, %dma_start3A_53] : memref<20480x80xf32, #tpu.memory_space<hbm>> -> memref<128x80xf32, #tpu.memory_space<hbm>>
      tpu.enqueue_dma source(%arg11 : memref<128x80xf32, #tpu.memory_space<vmem>>) target(%dma_start3A_54 : memref<128x80xf32, #tpu.memory_space<hbm>>) target_semaphore(%run_scoped3A : memref<!tpu.dma_semaphore, #tpu.memory_space<semaphore_mem>>)
      %dma_wait3A = arith.constant 0 : i32
      %dma_wait3A_55 = tpu.memref_slice %arg7[%add3A_31, %dma_wait3A] : memref<20480x80xf32, #tpu.memory_space<hbm>> -> memref<128x80xf32, #tpu.memory_space<hbm>>
      %dma_wait3A_56 = arith.constant 0 : i32
      %dma_wait3A_57 = tpu.memref_slice %arg7[%add3A_31, %dma_wait3A_56] : memref<20480x80xf32, #tpu.memory_space<hbm>> -> memref<128x80xf32, #tpu.memory_space<hbm>>
      tpu.wait_dma2 semaphore(%run_scoped3A : memref<!tpu.dma_semaphore, #tpu.memory_space<semaphore_mem>>) src(%arg11 : memref<128x80xf32, #tpu.memory_space<vmem>>) dst(%dma_wait3A_57 : memref<128x80xf32, #tpu.memory_space<hbm>>)
      tpu.yield
    }) : () -> ()
    %add3A_32 = arith.constant 128 : i32
    %add3A_33 = arith.addi %mul3A_6, %add3A_32 : i32
    "tpu.region"() ({
      %run_scoped3A = tpu.sem_alloc : memref<!tpu.dma_semaphore, #tpu.memory_space<semaphore_mem>>
      %dma_start3A = arith.constant 0 : i32
      %dma_start3A_52 = tpu.memref_slice %arg15[%add3A_33, %dma_start3A] : memref<10240x80xf32, #tpu.memory_space<vmem_shared>> -> memref<128x80xf32, #tpu.memory_space<vmem_shared>>
      %dma_start3A_53 = arith.constant 0 : i32
      %dma_start3A_54 = tpu.memref_slice %arg15[%add3A_33, %dma_start3A_53] : memref<10240x80xf32, #tpu.memory_space<vmem_shared>> -> memref<128x80xf32, #tpu.memory_space<vmem_shared>>
      tpu.enqueue_dma source(%dma_start3A_54 : memref<128x80xf32, #tpu.memory_space<vmem_shared>>) target(%arg11 : memref<128x80xf32, #tpu.memory_space<vmem>>) target_semaphore(%run_scoped3A : memref<!tpu.dma_semaphore, #tpu.memory_space<semaphore_mem>>)
      %dma_wait3A = arith.constant 0 : i32
      %dma_wait3A_55 = tpu.memref_slice %arg15[%add3A_33, %dma_wait3A] : memref<10240x80xf32, #tpu.memory_space<vmem_shared>> -> memref<128x80xf32, #tpu.memory_space<vmem_shared>>
      %dma_wait3A_56 = arith.constant 0 : i32
      %dma_wait3A_57 = tpu.memref_slice %arg15[%add3A_33, %dma_wait3A_56] : memref<10240x80xf32, #tpu.memory_space<vmem_shared>> -> memref<128x80xf32, #tpu.memory_space<vmem_shared>>
      tpu.wait_dma2 semaphore(%run_scoped3A : memref<!tpu.dma_semaphore, #tpu.memory_space<semaphore_mem>>) src(%dma_wait3A_57 : memref<128x80xf32, #tpu.memory_space<vmem_shared>>) dst(%arg11 : memref<128x80xf32, #tpu.memory_space<vmem>>)
      tpu.yield
    }) : () -> ()
    %mul3A_34 = arith.constant 10240 : i32
    %mul3A_35 = arith.muli %arg0, %mul3A_34 : i32
    %add3A_36 = arith.addi %mul3A_35, %add3A_33 : i32
    "tpu.region"() ({
      %run_scoped3A = tpu.sem_alloc : memref<!tpu.dma_semaphore, #tpu.memory_space<semaphore_mem>>
      %dma_start3A = arith.constant 0 : i32
      %dma_start3A_52 = tpu.memref_slice %arg7[%add3A_36, %dma_start3A] : memref<20480x80xf32, #tpu.memory_space<hbm>> -> memref<128x80xf32, #tpu.memory_space<hbm>>
      %dma_start3A_53 = arith.constant 0 : i32
      %dma_start3A_54 = tpu.memref_slice %arg7[%add3A_36, %dma_start3A_53] : memref<20480x80xf32, #tpu.memory_space<hbm>> -> memref<128x80xf32, #tpu.memory_space<hbm>>
      tpu.enqueue_dma source(%arg11 : memref<128x80xf32, #tpu.memory_space<vmem>>) target(%dma_start3A_54 : memref<128x80xf32, #tpu.memory_space<hbm>>) target_semaphore(%run_scoped3A : memref<!tpu.dma_semaphore, #tpu.memory_space<semaphore_mem>>)
      %dma_wait3A = arith.constant 0 : i32
      %dma_wait3A_55 = tpu.memref_slice %arg7[%add3A_36, %dma_wait3A] : memref<20480x80xf32, #tpu.memory_space<hbm>> -> memref<128x80xf32, #tpu.memory_space<hbm>>
      %dma_wait3A_56 = arith.constant 0 : i32
      %dma_wait3A_57 = tpu.memref_slice %arg7[%add3A_36, %dma_wait3A_56] : memref<20480x80xf32, #tpu.memory_space<hbm>> -> memref<128x80xf32, #tpu.memory_space<hbm>>
      tpu.wait_dma2 semaphore(%run_scoped3A : memref<!tpu.dma_semaphore, #tpu.memory_space<semaphore_mem>>) src(%arg11 : memref<128x80xf32, #tpu.memory_space<vmem>>) dst(%dma_wait3A_57 : memref<128x80xf32, #tpu.memory_space<hbm>>)
      tpu.yield
    }) : () -> ()
    %add3A_37 = arith.constant 256 : i32
    %add3A_38 = arith.addi %mul3A_6, %add3A_37 : i32
    "tpu.region"() ({
      %run_scoped3A = tpu.sem_alloc : memref<!tpu.dma_semaphore, #tpu.memory_space<semaphore_mem>>
      %dma_start3A = arith.constant 0 : i32
      %dma_start3A_52 = tpu.memref_slice %arg15[%add3A_38, %dma_start3A] : memref<10240x80xf32, #tpu.memory_space<vmem_shared>> -> memref<128x80xf32, #tpu.memory_space<vmem_shared>>
      %dma_start3A_53 = arith.constant 0 : i32
      %dma_start3A_54 = tpu.memref_slice %arg15[%add3A_38, %dma_start3A_53] : memref<10240x80xf32, #tpu.memory_space<vmem_shared>> -> memref<128x80xf32, #tpu.memory_space<vmem_shared>>
      tpu.enqueue_dma source(%dma_start3A_54 : memref<128x80xf32, #tpu.memory_space<vmem_shared>>) target(%arg11 : memref<128x80xf32, #tpu.memory_space<vmem>>) target_semaphore(%run_scoped3A : memref<!tpu.dma_semaphore, #tpu.memory_space<semaphore_mem>>)
      %dma_wait3A = arith.constant 0 : i32
      %dma_wait3A_55 = tpu.memref_slice %arg15[%add3A_38, %dma_wait3A] : memref<10240x80xf32, #tpu.memory_space<vmem_shared>> -> memref<128x80xf32, #tpu.memory_space<vmem_shared>>
      %dma_wait3A_56 = arith.constant 0 : i32
      %dma_wait3A_57 = tpu.memref_slice %arg15[%add3A_38, %dma_wait3A_56] : memref<10240x80xf32, #tpu.memory_space<vmem_shared>> -> memref<128x80xf32, #tpu.memory_space<vmem_shared>>
      tpu.wait_dma2 semaphore(%run_scoped3A : memref<!tpu.dma_semaphore, #tpu.memory_space<semaphore_mem>>) src(%dma_wait3A_57 : memref<128x80xf32, #tpu.memory_space<vmem_shared>>) dst(%arg11 : memref<128x80xf32, #tpu.memory_space<vmem>>)
      tpu.yield
    }) : () -> ()
    %mul3A_39 = arith.constant 10240 : i32
    %mul3A_40 = arith.muli %arg0, %mul3A_39 : i32
    %add3A_41 = arith.addi %mul3A_40, %add3A_38 : i32
    "tpu.region"() ({
      %run_scoped3A = tpu.sem_alloc : memref<!tpu.dma_semaphore, #tpu.memory_space<semaphore_mem>>
      %dma_start3A = arith.constant 0 : i32
      %dma_start3A_52 = tpu.memref_slice %arg7[%add3A_41, %dma_start3A] : memref<20480x80xf32, #tpu.memory_space<hbm>> -> memref<128x80xf32, #tpu.memory_space<hbm>>
      %dma_start3A_53 = arith.constant 0 : i32
      %dma_start3A_54 = tpu.memref_slice %arg7[%add3A_41, %dma_start3A_53] : memref<20480x80xf32, #tpu.memory_space<hbm>> -> memref<128x80xf32, #tpu.memory_space<hbm>>
      tpu.enqueue_dma source(%arg11 : memref<128x80xf32, #tpu.memory_space<vmem>>) target(%dma_start3A_54 : memref<128x80xf32, #tpu.memory_space<hbm>>) target_semaphore(%run_scoped3A : memref<!tpu.dma_semaphore, #tpu.memory_space<semaphore_mem>>)
      %dma_wait3A = arith.constant 0 : i32
      %dma_wait3A_55 = tpu.memref_slice %arg7[%add3A_41, %dma_wait3A] : memref<20480x80xf32, #tpu.memory_space<hbm>> -> memref<128x80xf32, #tpu.memory_space<hbm>>
      %dma_wait3A_56 = arith.constant 0 : i32
      %dma_wait3A_57 = tpu.memref_slice %arg7[%add3A_41, %dma_wait3A_56] : memref<20480x80xf32, #tpu.memory_space<hbm>> -> memref<128x80xf32, #tpu.memory_space<hbm>>
      tpu.wait_dma2 semaphore(%run_scoped3A : memref<!tpu.dma_semaphore, #tpu.memory_space<semaphore_mem>>) src(%arg11 : memref<128x80xf32, #tpu.memory_space<vmem>>) dst(%dma_wait3A_57 : memref<128x80xf32, #tpu.memory_space<hbm>>)
      tpu.yield
    }) : () -> ()
    %add3A_42 = arith.constant 384 : i32
    %add3A_43 = arith.addi %mul3A_6, %add3A_42 : i32
    "tpu.region"() ({
      %run_scoped3A = tpu.sem_alloc : memref<!tpu.dma_semaphore, #tpu.memory_space<semaphore_mem>>
      %dma_start3A = arith.constant 0 : i32
      %dma_start3A_52 = tpu.memref_slice %arg15[%add3A_43, %dma_start3A] : memref<10240x80xf32, #tpu.memory_space<vmem_shared>> -> memref<128x80xf32, #tpu.memory_space<vmem_shared>>
      %dma_start3A_53 = arith.constant 0 : i32
      %dma_start3A_54 = tpu.memref_slice %arg15[%add3A_43, %dma_start3A_53] : memref<10240x80xf32, #tpu.memory_space<vmem_shared>> -> memref<128x80xf32, #tpu.memory_space<vmem_shared>>
      tpu.enqueue_dma source(%dma_start3A_54 : memref<128x80xf32, #tpu.memory_space<vmem_shared>>) target(%arg11 : memref<128x80xf32, #tpu.memory_space<vmem>>) target_semaphore(%run_scoped3A : memref<!tpu.dma_semaphore, #tpu.memory_space<semaphore_mem>>)
      %dma_wait3A = arith.constant 0 : i32
      %dma_wait3A_55 = tpu.memref_slice %arg15[%add3A_43, %dma_wait3A] : memref<10240x80xf32, #tpu.memory_space<vmem_shared>> -> memref<128x80xf32, #tpu.memory_space<vmem_shared>>
      %dma_wait3A_56 = arith.constant 0 : i32
      %dma_wait3A_57 = tpu.memref_slice %arg15[%add3A_43, %dma_wait3A_56] : memref<10240x80xf32, #tpu.memory_space<vmem_shared>> -> memref<128x80xf32, #tpu.memory_space<vmem_shared>>
      tpu.wait_dma2 semaphore(%run_scoped3A : memref<!tpu.dma_semaphore, #tpu.memory_space<semaphore_mem>>) src(%dma_wait3A_57 : memref<128x80xf32, #tpu.memory_space<vmem_shared>>) dst(%arg11 : memref<128x80xf32, #tpu.memory_space<vmem>>)
      tpu.yield
    }) : () -> ()
    %mul3A_44 = arith.constant 10240 : i32
    %mul3A_45 = arith.muli %arg0, %mul3A_44 : i32
    %add3A_46 = arith.addi %mul3A_45, %add3A_43 : i32
    "tpu.region"() ({
      %run_scoped3A = tpu.sem_alloc : memref<!tpu.dma_semaphore, #tpu.memory_space<semaphore_mem>>
      %dma_start3A = arith.constant 0 : i32
      %dma_start3A_52 = tpu.memref_slice %arg7[%add3A_46, %dma_start3A] : memref<20480x80xf32, #tpu.memory_space<hbm>> -> memref<128x80xf32, #tpu.memory_space<hbm>>
      %dma_start3A_53 = arith.constant 0 : i32
      %dma_start3A_54 = tpu.memref_slice %arg7[%add3A_46, %dma_start3A_53] : memref<20480x80xf32, #tpu.memory_space<hbm>> -> memref<128x80xf32, #tpu.memory_space<hbm>>
      tpu.enqueue_dma source(%arg11 : memref<128x80xf32, #tpu.memory_space<vmem>>) target(%dma_start3A_54 : memref<128x80xf32, #tpu.memory_space<hbm>>) target_semaphore(%run_scoped3A : memref<!tpu.dma_semaphore, #tpu.memory_space<semaphore_mem>>)
      %dma_wait3A = arith.constant 0 : i32
      %dma_wait3A_55 = tpu.memref_slice %arg7[%add3A_46, %dma_wait3A] : memref<20480x80xf32, #tpu.memory_space<hbm>> -> memref<128x80xf32, #tpu.memory_space<hbm>>
      %dma_wait3A_56 = arith.constant 0 : i32
      %dma_wait3A_57 = tpu.memref_slice %arg7[%add3A_46, %dma_wait3A_56] : memref<20480x80xf32, #tpu.memory_space<hbm>> -> memref<128x80xf32, #tpu.memory_space<hbm>>
      tpu.wait_dma2 semaphore(%run_scoped3A : memref<!tpu.dma_semaphore, #tpu.memory_space<semaphore_mem>>) src(%arg11 : memref<128x80xf32, #tpu.memory_space<vmem>>) dst(%dma_wait3A_57 : memref<128x80xf32, #tpu.memory_space<hbm>>)
      tpu.yield
    }) : () -> ()
    %add3A_47 = arith.constant 512 : i32
    %add3A_48 = arith.addi %mul3A_6, %add3A_47 : i32
    "tpu.region"() ({
      %run_scoped3A = tpu.sem_alloc : memref<!tpu.dma_semaphore, #tpu.memory_space<semaphore_mem>>
      %dma_start3A = arith.constant 0 : i32
      %dma_start3A_52 = tpu.memref_slice %arg15[%add3A_48, %dma_start3A] : memref<10240x80xf32, #tpu.memory_space<vmem_shared>> -> memref<128x80xf32, #tpu.memory_space<vmem_shared>>
      %dma_start3A_53 = arith.constant 0 : i32
      %dma_start3A_54 = tpu.memref_slice %arg15[%add3A_48, %dma_start3A_53] : memref<10240x80xf32, #tpu.memory_space<vmem_shared>> -> memref<128x80xf32, #tpu.memory_space<vmem_shared>>
      tpu.enqueue_dma source(%dma_start3A_54 : memref<128x80xf32, #tpu.memory_space<vmem_shared>>) target(%arg11 : memref<128x80xf32, #tpu.memory_space<vmem>>) target_semaphore(%run_scoped3A : memref<!tpu.dma_semaphore, #tpu.memory_space<semaphore_mem>>)
      %dma_wait3A = arith.constant 0 : i32
      %dma_wait3A_55 = tpu.memref_slice %arg15[%add3A_48, %dma_wait3A] : memref<10240x80xf32, #tpu.memory_space<vmem_shared>> -> memref<128x80xf32, #tpu.memory_space<vmem_shared>>
      %dma_wait3A_56 = arith.constant 0 : i32
      %dma_wait3A_57 = tpu.memref_slice %arg15[%add3A_48, %dma_wait3A_56] : memref<10240x80xf32, #tpu.memory_space<vmem_shared>> -> memref<128x80xf32, #tpu.memory_space<vmem_shared>>
      tpu.wait_dma2 semaphore(%run_scoped3A : memref<!tpu.dma_semaphore, #tpu.memory_space<semaphore_mem>>) src(%dma_wait3A_57 : memref<128x80xf32, #tpu.memory_space<vmem_shared>>) dst(%arg11 : memref<128x80xf32, #tpu.memory_space<vmem>>)
      tpu.yield
    }) : () -> ()
    %mul3A_49 = arith.constant 10240 : i32
    %mul3A_50 = arith.muli %arg0, %mul3A_49 : i32
    %add3A_51 = arith.addi %mul3A_50, %add3A_48 : i32
    "tpu.region"() ({
      %run_scoped3A = tpu.sem_alloc : memref<!tpu.dma_semaphore, #tpu.memory_space<semaphore_mem>>
      %dma_start3A = arith.constant 0 : i32
      %dma_start3A_52 = tpu.memref_slice %arg7[%add3A_51, %dma_start3A] : memref<20480x80xf32, #tpu.memory_space<hbm>> -> memref<128x80xf32, #tpu.memory_space<hbm>>
      %dma_start3A_53 = arith.constant 0 : i32
      %dma_start3A_54 = tpu.memref_slice %arg7[%add3A_51, %dma_start3A_53] : memref<20480x80xf32, #tpu.memory_space<hbm>> -> memref<128x80xf32, #tpu.memory_space<hbm>>
      tpu.enqueue_dma source(%arg11 : memref<128x80xf32, #tpu.memory_space<vmem>>) target(%dma_start3A_54 : memref<128x80xf32, #tpu.memory_space<hbm>>) target_semaphore(%run_scoped3A : memref<!tpu.dma_semaphore, #tpu.memory_space<semaphore_mem>>)
      %dma_wait3A = arith.constant 0 : i32
      %dma_wait3A_55 = tpu.memref_slice %arg7[%add3A_51, %dma_wait3A] : memref<20480x80xf32, #tpu.memory_space<hbm>> -> memref<128x80xf32, #tpu.memory_space<hbm>>
      %dma_wait3A_56 = arith.constant 0 : i32
      %dma_wait3A_57 = tpu.memref_slice %arg7[%add3A_51, %dma_wait3A_56] : memref<20480x80xf32, #tpu.memory_space<hbm>> -> memref<128x80xf32, #tpu.memory_space<hbm>>
      tpu.wait_dma2 semaphore(%run_scoped3A : memref<!tpu.dma_semaphore, #tpu.memory_space<semaphore_mem>>) src(%arg11 : memref<128x80xf32, #tpu.memory_space<vmem>>) dst(%dma_wait3A_57 : memref<128x80xf32, #tpu.memory_space<hbm>>)
      tpu.yield
    }) : () -> ()
    return
  }
}

#map = affine_map<(d0, d1) -> (0)>
#map1 = affine_map<(d0, d1) -> (0, 0)>
module attributes {stable_mosaic.version = 14 : i64} {
  func.func @_edge_body(%arg0: i32, %arg1: i32, %arg2: memref<331776xi32, #tpu.memory_space<hbm>>, %arg3: memref<331776xi32, #tpu.memory_space<hbm>>, %arg4: memref<10000x64xf32, #tpu.memory_space<hbm>>, %arg5: memref<10000xf32, #tpu.memory_space<hbm>>, %arg6: memref<10000xf32, #tpu.memory_space<hbm>>, %arg7: memref<20480x80xf32, #tpu.memory_space<hbm>>, %arg8: memref<10000xf32, #tpu.memory_space<vmem>>, %arg9: memref<10000xf32, #tpu.memory_space<vmem>>, %arg10: memref<128x64xf32, #tpu.memory_space<vmem>>, %arg11: memref<128x80xf32, #tpu.memory_space<vmem>>, %arg12: memref<128xi32, #tpu.memory_space<vmem>>, %arg13: memref<128xi32, #tpu.memory_space<vmem>>, %arg14: memref<128xi32, #tpu.memory_space<vmem>>, %arg15: memref<10240x80xf32, #tpu.memory_space<vmem_shared>>, %arg16: memref<!tpu.dma_semaphore, #tpu.memory_space<semaphore_mem>>) attributes {dimension_semantics = [#tpu.dimension_semantics<core_parallel>, #tpu.dimension_semantics<subcore_parallel>], iteration_bounds = array<i64: 2, 16>, scalar_prefetch = 0 : i64, scratch_operands = 9 : i64, tpu.core_type = #tpu.core_type<sc_vector_subcore>, window_params = [{transform_indices = #map}, {transform_indices = #map}, {transform_indices = #map1}, {transform_indices = #map}, {transform_indices = #map}, {transform_indices = #map1}]} {
    %broadcast_in_dim3A = arith.constant 0.000000e+00 : f32
    %broadcast_in_dim3A_0 = vector.broadcast %broadcast_in_dim3A : f32 to vector<16xf32>
    "tpu.region"() ({
      %run_scoped3A = tpu.sem_alloc : memref<!tpu.dma_semaphore, #tpu.memory_space<semaphore_mem>>
      tpu.enqueue_dma source(%arg5 : memref<10000xf32, #tpu.memory_space<hbm>>) target(%arg8 : memref<10000xf32, #tpu.memory_space<vmem>>) target_semaphore(%run_scoped3A : memref<!tpu.dma_semaphore, #tpu.memory_space<semaphore_mem>>)
      tpu.wait_dma2 semaphore(%run_scoped3A : memref<!tpu.dma_semaphore, #tpu.memory_space<semaphore_mem>>) src(%arg5 : memref<10000xf32, #tpu.memory_space<hbm>>) dst(%arg8 : memref<10000xf32, #tpu.memory_space<vmem>>)
      tpu.yield
    }) : () -> ()
    "tpu.region"() ({
      %run_scoped3A = tpu.sem_alloc : memref<!tpu.dma_semaphore, #tpu.memory_space<semaphore_mem>>
      tpu.enqueue_dma source(%arg6 : memref<10000xf32, #tpu.memory_space<hbm>>) target(%arg9 : memref<10000xf32, #tpu.memory_space<vmem>>) target_semaphore(%run_scoped3A : memref<!tpu.dma_semaphore, #tpu.memory_space<semaphore_mem>>)
      tpu.wait_dma2 semaphore(%run_scoped3A : memref<!tpu.dma_semaphore, #tpu.memory_space<semaphore_mem>>) src(%arg6 : memref<10000xf32, #tpu.memory_space<hbm>>) dst(%arg9 : memref<10000xf32, #tpu.memory_space<vmem>>)
      tpu.yield
    }) : () -> ()
    %scan3A = arith.constant 0 : i32
    %scan3A_1 = arith.constant 0 : i32
    %scan3A_2 = arith.constant 128 : i32
    %scan3A_3 = arith.addi %scan3A_1, %scan3A_2 : i32
    %scan3A_4 = arith.constant 1 : i32
    scf.for %scan3A_53 = %scan3A_1 to %scan3A_3 step %scan3A_4  : i32 {
      %swap3A = arith.index_cast %scan3A_53 : i32 to index
      %swap3A_54 = arith.constant 0 : index
      %swap3A_55 = tpu.vector_load %arg11[%swap3A, %swap3A_54] {strides = array<i32>} : memref<128x80xf32, #tpu.memory_space<vmem>>, vector<16xf32>,
      tpu.vector_store %arg11[%swap3A, %swap3A_54], %broadcast_in_dim3A_0 {strides = array<i32>} : memref<128x80xf32, #tpu.memory_space<vmem>>, vector<16xf32>,
      %swap3A_56 = arith.index_cast %scan3A_53 : i32 to index
      %swap3A_57 = arith.constant 16 : index
      %swap3A_58 = tpu.vector_load %arg11[%swap3A_56, %swap3A_57] {strides = array<i32>} : memref<128x80xf32, #tpu.memory_space<vmem>>, vector<16xf32>,
      tpu.vector_store %arg11[%swap3A_56, %swap3A_57], %broadcast_in_dim3A_0 {strides = array<i32>} : memref<128x80xf32, #tpu.memory_space<vmem>>, vector<16xf32>,
      %swap3A_59 = arith.index_cast %scan3A_53 : i32 to index
      %swap3A_60 = arith.constant 32 : index
      %swap3A_61 = tpu.vector_load %arg11[%swap3A_59, %swap3A_60] {strides = array<i32>} : memref<128x80xf32, #tpu.memory_space<vmem>>, vector<16xf32>,
      tpu.vector_store %arg11[%swap3A_59, %swap3A_60], %broadcast_in_dim3A_0 {strides = array<i32>} : memref<128x80xf32, #tpu.memory_space<vmem>>, vector<16xf32>,
      %swap3A_62 = arith.index_cast %scan3A_53 : i32 to index
      %swap3A_63 = arith.constant 48 : index
      %swap3A_64 = tpu.vector_load %arg11[%swap3A_62, %swap3A_63] {strides = array<i32>} : memref<128x80xf32, #tpu.memory_space<vmem>>, vector<16xf32>,
      tpu.vector_store %arg11[%swap3A_62, %swap3A_63], %broadcast_in_dim3A_0 {strides = array<i32>} : memref<128x80xf32, #tpu.memory_space<vmem>>, vector<16xf32>,
      %swap3A_65 = arith.index_cast %scan3A_53 : i32 to index
      %swap3A_66 = arith.constant 64 : index
      %swap3A_67 = tpu.vector_load %arg11[%swap3A_65, %swap3A_66] {strides = array<i32>} : memref<128x80xf32, #tpu.memory_space<vmem>>, vector<16xf32>,
      tpu.vector_store %arg11[%swap3A_65, %swap3A_66], %broadcast_in_dim3A_0 {strides = array<i32>} : memref<128x80xf32, #tpu.memory_space<vmem>>, vector<16xf32>,
    }
    %scan3A_5 = arith.constant 128 : i32
    %mul3A = arith.constant 640 : i32
    %mul3A_6 = arith.muli %arg1, %mul3A : i32
    %add3A = arith.constant 0 : i32
    %add3A_7 = arith.addi %mul3A_6, %add3A : i32
    "tpu.region"() ({
      %run_scoped3A = tpu.sem_alloc : memref<!tpu.dma_semaphore, #tpu.memory_space<semaphore_mem>>
      %dma_start3A = arith.constant 0 : i32
      %dma_start3A_53 = tpu.memref_slice %arg15[%add3A_7, %dma_start3A] : memref<10240x80xf32, #tpu.memory_space<vmem_shared>> -> memref<128x80xf32, #tpu.memory_space<vmem_shared>>
      %dma_start3A_54 = arith.constant 0 : i32
      %dma_start3A_55 = tpu.memref_slice %arg15[%add3A_7, %dma_start3A_54] : memref<10240x80xf32, #tpu.memory_space<vmem_shared>> -> memref<128x80xf32, #tpu.memory_space<vmem_shared>>
      tpu.enqueue_dma source(%arg11 : memref<128x80xf32, #tpu.memory_space<vmem>>) target(%dma_start3A_55 : memref<128x80xf32, #tpu.memory_space<vmem_shared>>) target_semaphore(%run_scoped3A : memref<!tpu.dma_semaphore, #tpu.memory_space<semaphore_mem>>)
      %dma_wait3A = arith.constant 0 : i32
      %dma_wait3A_56 = tpu.memref_slice %arg15[%add3A_7, %dma_wait3A] : memref<10240x80xf32, #tpu.memory_space<vmem_shared>> -> memref<128x80xf32, #tpu.memory_space<vmem_shared>>
      %dma_wait3A_57 = arith.constant 0 : i32
      %dma_wait3A_58 = tpu.memref_slice %arg15[%add3A_7, %dma_wait3A_57] : memref<10240x80xf32, #tpu.memory_space<vmem_shared>> -> memref<128x80xf32, #tpu.memory_space<vmem_shared>>
      tpu.wait_dma2 semaphore(%run_scoped3A : memref<!tpu.dma_semaphore, #tpu.memory_space<semaphore_mem>>) src(%arg11 : memref<128x80xf32, #tpu.memory_space<vmem>>) dst(%dma_wait3A_58 : memref<128x80xf32, #tpu.memory_space<vmem_shared>>)
      tpu.yield
    }) : () -> ()
    %add3A_8 = arith.constant 128 : i32
    %add3A_9 = arith.addi %mul3A_6, %add3A_8 : i32
    "tpu.region"() ({
      %run_scoped3A = tpu.sem_alloc : memref<!tpu.dma_semaphore, #tpu.memory_space<semaphore_mem>>
      %dma_start3A = arith.constant 0 : i32
      %dma_start3A_53 = tpu.memref_slice %arg15[%add3A_9, %dma_start3A] : memref<10240x80xf32, #tpu.memory_space<vmem_shared>> -> memref<128x80xf32, #tpu.memory_space<vmem_shared>>
      %dma_start3A_54 = arith.constant 0 : i32
      %dma_start3A_55 = tpu.memref_slice %arg15[%add3A_9, %dma_start3A_54] : memref<10240x80xf32, #tpu.memory_space<vmem_shared>> -> memref<128x80xf32, #tpu.memory_space<vmem_shared>>
      tpu.enqueue_dma source(%arg11 : memref<128x80xf32, #tpu.memory_space<vmem>>) target(%dma_start3A_55 : memref<128x80xf32, #tpu.memory_space<vmem_shared>>) target_semaphore(%run_scoped3A : memref<!tpu.dma_semaphore, #tpu.memory_space<semaphore_mem>>)
      %dma_wait3A = arith.constant 0 : i32
      %dma_wait3A_56 = tpu.memref_slice %arg15[%add3A_9, %dma_wait3A] : memref<10240x80xf32, #tpu.memory_space<vmem_shared>> -> memref<128x80xf32, #tpu.memory_space<vmem_shared>>
      %dma_wait3A_57 = arith.constant 0 : i32
      %dma_wait3A_58 = tpu.memref_slice %arg15[%add3A_9, %dma_wait3A_57] : memref<10240x80xf32, #tpu.memory_space<vmem_shared>> -> memref<128x80xf32, #tpu.memory_space<vmem_shared>>
      tpu.wait_dma2 semaphore(%run_scoped3A : memref<!tpu.dma_semaphore, #tpu.memory_space<semaphore_mem>>) src(%arg11 : memref<128x80xf32, #tpu.memory_space<vmem>>) dst(%dma_wait3A_58 : memref<128x80xf32, #tpu.memory_space<vmem_shared>>)
      tpu.yield
    }) : () -> ()
    %add3A_10 = arith.constant 256 : i32
    %add3A_11 = arith.addi %mul3A_6, %add3A_10 : i32
    "tpu.region"() ({
      %run_scoped3A = tpu.sem_alloc : memref<!tpu.dma_semaphore, #tpu.memory_space<semaphore_mem>>
      %dma_start3A = arith.constant 0 : i32
      %dma_start3A_53 = tpu.memref_slice %arg15[%add3A_11, %dma_start3A] : memref<10240x80xf32, #tpu.memory_space<vmem_shared>> -> memref<128x80xf32, #tpu.memory_space<vmem_shared>>
      %dma_start3A_54 = arith.constant 0 : i32
      %dma_start3A_55 = tpu.memref_slice %arg15[%add3A_11, %dma_start3A_54] : memref<10240x80xf32, #tpu.memory_space<vmem_shared>> -> memref<128x80xf32, #tpu.memory_space<vmem_shared>>
      tpu.enqueue_dma source(%arg11 : memref<128x80xf32, #tpu.memory_space<vmem>>) target(%dma_start3A_55 : memref<128x80xf32, #tpu.memory_space<vmem_shared>>) target_semaphore(%run_scoped3A : memref<!tpu.dma_semaphore, #tpu.memory_space<semaphore_mem>>)
      %dma_wait3A = arith.constant 0 : i32
      %dma_wait3A_56 = tpu.memref_slice %arg15[%add3A_11, %dma_wait3A] : memref<10240x80xf32, #tpu.memory_space<vmem_shared>> -> memref<128x80xf32, #tpu.memory_space<vmem_shared>>
      %dma_wait3A_57 = arith.constant 0 : i32
      %dma_wait3A_58 = tpu.memref_slice %arg15[%add3A_11, %dma_wait3A_57] : memref<10240x80xf32, #tpu.memory_space<vmem_shared>> -> memref<128x80xf32, #tpu.memory_space<vmem_shared>>
      tpu.wait_dma2 semaphore(%run_scoped3A : memref<!tpu.dma_semaphore, #tpu.memory_space<semaphore_mem>>) src(%arg11 : memref<128x80xf32, #tpu.memory_space<vmem>>) dst(%dma_wait3A_58 : memref<128x80xf32, #tpu.memory_space<vmem_shared>>)
      tpu.yield
    }) : () -> ()
    %add3A_12 = arith.constant 384 : i32
    %add3A_13 = arith.addi %mul3A_6, %add3A_12 : i32
    "tpu.region"() ({
      %run_scoped3A = tpu.sem_alloc : memref<!tpu.dma_semaphore, #tpu.memory_space<semaphore_mem>>
      %dma_start3A = arith.constant 0 : i32
      %dma_start3A_53 = tpu.memref_slice %arg15[%add3A_13, %dma_start3A] : memref<10240x80xf32, #tpu.memory_space<vmem_shared>> -> memref<128x80xf32, #tpu.memory_space<vmem_shared>>
      %dma_start3A_54 = arith.constant 0 : i32
      %dma_start3A_55 = tpu.memref_slice %arg15[%add3A_13, %dma_start3A_54] : memref<10240x80xf32, #tpu.memory_space<vmem_shared>> -> memref<128x80xf32, #tpu.memory_space<vmem_shared>>
      tpu.enqueue_dma source(%arg11 : memref<128x80xf32, #tpu.memory_space<vmem>>) target(%dma_start3A_55 : memref<128x80xf32, #tpu.memory_space<vmem_shared>>) target_semaphore(%run_scoped3A : memref<!tpu.dma_semaphore, #tpu.memory_space<semaphore_mem>>)
      %dma_wait3A = arith.constant 0 : i32
      %dma_wait3A_56 = tpu.memref_slice %arg15[%add3A_13, %dma_wait3A] : memref<10240x80xf32, #tpu.memory_space<vmem_shared>> -> memref<128x80xf32, #tpu.memory_space<vmem_shared>>
      %dma_wait3A_57 = arith.constant 0 : i32
      %dma_wait3A_58 = tpu.memref_slice %arg15[%add3A_13, %dma_wait3A_57] : memref<10240x80xf32, #tpu.memory_space<vmem_shared>> -> memref<128x80xf32, #tpu.memory_space<vmem_shared>>
      tpu.wait_dma2 semaphore(%run_scoped3A : memref<!tpu.dma_semaphore, #tpu.memory_space<semaphore_mem>>) src(%arg11 : memref<128x80xf32, #tpu.memory_space<vmem>>) dst(%dma_wait3A_58 : memref<128x80xf32, #tpu.memory_space<vmem_shared>>)
      tpu.yield
    }) : () -> ()
    %add3A_14 = arith.constant 512 : i32
    %add3A_15 = arith.addi %mul3A_6, %add3A_14 : i32
    "tpu.region"() ({
      %run_scoped3A = tpu.sem_alloc : memref<!tpu.dma_semaphore, #tpu.memory_space<semaphore_mem>>
      %dma_start3A = arith.constant 0 : i32
      %dma_start3A_53 = tpu.memref_slice %arg15[%add3A_15, %dma_start3A] : memref<10240x80xf32, #tpu.memory_space<vmem_shared>> -> memref<128x80xf32, #tpu.memory_space<vmem_shared>>
      %dma_start3A_54 = arith.constant 0 : i32
      %dma_start3A_55 = tpu.memref_slice %arg15[%add3A_15, %dma_start3A_54] : memref<10240x80xf32, #tpu.memory_space<vmem_shared>> -> memref<128x80xf32, #tpu.memory_space<vmem_shared>>
      tpu.enqueue_dma source(%arg11 : memref<128x80xf32, #tpu.memory_space<vmem>>) target(%dma_start3A_55 : memref<128x80xf32, #tpu.memory_space<vmem_shared>>) target_semaphore(%run_scoped3A : memref<!tpu.dma_semaphore, #tpu.memory_space<semaphore_mem>>)
      %dma_wait3A = arith.constant 0 : i32
      %dma_wait3A_56 = tpu.memref_slice %arg15[%add3A_15, %dma_wait3A] : memref<10240x80xf32, #tpu.memory_space<vmem_shared>> -> memref<128x80xf32, #tpu.memory_space<vmem_shared>>
      %dma_wait3A_57 = arith.constant 0 : i32
      %dma_wait3A_58 = tpu.memref_slice %arg15[%add3A_15, %dma_wait3A_57] : memref<10240x80xf32, #tpu.memory_space<vmem_shared>> -> memref<128x80xf32, #tpu.memory_space<vmem_shared>>
      tpu.wait_dma2 semaphore(%run_scoped3A : memref<!tpu.dma_semaphore, #tpu.memory_space<semaphore_mem>>) src(%arg11 : memref<128x80xf32, #tpu.memory_space<vmem>>) dst(%dma_wait3A_58 : memref<128x80xf32, #tpu.memory_space<vmem_shared>>)
      tpu.yield
    }) : () -> ()
    %barrier3A = arith.constant 0 : index
    tpu.barrier barrier_id(%barrier3A)
    %iota3A = tpu.iota {dimensions = array<i32: 0>} : vector<16xi32>
    %mul3A_16 = arith.constant 165888 : i32
    %mul3A_17 = arith.muli %arg0, %mul3A_16 : i32
    %mul3A_18 = arith.constant 10368 : i32
    %mul3A_19 = arith.muli %arg1, %mul3A_18 : i32
    %add3A_20 = arith.addi %mul3A_17, %mul3A_19 : i32
    %scan3A_21 = arith.constant 0 : i32
    %scan3A_22 = arith.constant 0 : i32
    %scan3A_23 = arith.constant 81 : i32
    %scan3A_24 = arith.addi %scan3A_22, %scan3A_23 : i32
    %scan3A_25 = arith.constant 1 : i32
    scf.for %scan3A_53 = %scan3A_22 to %scan3A_24 step %scan3A_25  : i32 {
      %mul3A_54 = arith.constant 128 : i32
      %mul3A_55 = arith.muli %scan3A_53, %mul3A_54 : i32
      %add3A_56 = arith.addi %add3A_20, %mul3A_55 : i32
      "tpu.region"() ({
        %run_scoped3A = tpu.sem_alloc : memref<!tpu.dma_semaphore, #tpu.memory_space<semaphore_mem>>
        %dma_start3A_199 = tpu.memref_slice %arg2[%add3A_56] : memref<331776xi32, #tpu.memory_space<hbm>> -> memref<128xi32, #tpu.memory_space<hbm>>
        %dma_start3A_200 = tpu.memref_slice %arg2[%add3A_56] : memref<331776xi32, #tpu.memory_space<hbm>> -> memref<128xi32, #tpu.memory_space<hbm>>
        tpu.enqueue_dma source(%dma_start3A_200 : memref<128xi32, #tpu.memory_space<hbm>>) target(%arg12 : memref<128xi32, #tpu.memory_space<vmem>>) target_semaphore(%run_scoped3A : memref<!tpu.dma_semaphore, #tpu.memory_space<semaphore_mem>>)
        %dma_wait3A_201 = tpu.memref_slice %arg2[%add3A_56] : memref<331776xi32, #tpu.memory_space<hbm>> -> memref<128xi32, #tpu.memory_space<hbm>>
        %dma_wait3A_202 = tpu.memref_slice %arg2[%add3A_56] : memref<331776xi32, #tpu.memory_space<hbm>> -> memref<128xi32, #tpu.memory_space<hbm>>
        tpu.wait_dma2 semaphore(%run_scoped3A : memref<!tpu.dma_semaphore, #tpu.memory_space<semaphore_mem>>) src(%dma_wait3A_202 : memref<128xi32, #tpu.memory_space<hbm>>) dst(%arg12 : memref<128xi32, #tpu.memory_space<vmem>>)
        tpu.yield
      }) : () -> ()
      "tpu.region"() ({
        %run_scoped3A = tpu.sem_alloc : memref<!tpu.dma_semaphore, #tpu.memory_space<semaphore_mem>>
        %dma_start3A_199 = tpu.memref_slice %arg3[%add3A_56] : memref<331776xi32, #tpu.memory_space<hbm>> -> memref<128xi32, #tpu.memory_space<hbm>>
        %dma_start3A_200 = tpu.memref_slice %arg3[%add3A_56] : memref<331776xi32, #tpu.memory_space<hbm>> -> memref<128xi32, #tpu.memory_space<hbm>>
        tpu.enqueue_dma source(%dma_start3A_200 : memref<128xi32, #tpu.memory_space<hbm>>) target(%arg14 : memref<128xi32, #tpu.memory_space<vmem>>) target_semaphore(%run_scoped3A : memref<!tpu.dma_semaphore, #tpu.memory_space<semaphore_mem>>)
        %dma_wait3A_201 = tpu.memref_slice %arg3[%add3A_56] : memref<331776xi32, #tpu.memory_space<hbm>> -> memref<128xi32, #tpu.memory_space<hbm>>
        %dma_wait3A_202 = tpu.memref_slice %arg3[%add3A_56] : memref<331776xi32, #tpu.memory_space<hbm>> -> memref<128xi32, #tpu.memory_space<hbm>>
        tpu.wait_dma2 semaphore(%run_scoped3A : memref<!tpu.dma_semaphore, #tpu.memory_space<semaphore_mem>>) src(%dma_wait3A_202 : memref<128xi32, #tpu.memory_space<hbm>>) dst(%arg14 : memref<128xi32, #tpu.memory_space<vmem>>)
        tpu.yield
      }) : () -> ()
      %dma_start3A = arith.constant 0 : i32
      %dma_start3A_57 = arith.constant 0 : i32
      %dma_start3A_58 = tpu.memref_slice %arg4[%dma_start3A, %dma_start3A_57] : memref<10000x64xf32, #tpu.memory_space<hbm>> -> memref<10000x64xf32, #tpu.memory_space<hbm>>
      tpu.enqueue_indirect_dma source(%dma_start3A_58 : memref<10000x64xf32, #tpu.memory_space<hbm>>) target(%arg10 : memref<128x64xf32, #tpu.memory_space<vmem>>) offsets(%arg12 : memref<128xi32, #tpu.memory_space<vmem>>) semaphore(%arg16 : memref<!tpu.dma_semaphore, #tpu.memory_space<semaphore_mem>>)
      %get3A = arith.constant 0 : index
      %get3A_59 = tpu.vector_load %arg12[%get3A] {strides = array<i32>} : memref<128xi32, #tpu.memory_space<vmem>>, vector<16xi32>,
      %get3A_60 = arith.constant 0 : index
      %get3A_61 = tpu.vector_load %arg14[%get3A_60] {strides = array<i32>} : memref<128xi32, #tpu.memory_space<vmem>>, vector<16xi32>,
      %gather3A = tpu.vector_load_idx %arg8[%get3A_59] : memref<10000xf32, #tpu.memory_space<vmem>>[vector<16xi32>], vector<16xf32>,
      %gather3A_62 = tpu.vector_load_idx %arg9[%get3A_61] : memref<10000xf32, #tpu.memory_space<vmem>>[vector<16xi32>], vector<16xf32>,
      %add3A_63 = arith.addf %gather3A, %gather3A_62 : vector<16xf32>
      %mul3A_64 = arith.constant 2.000000e-01 : f32
      %mul3A_65 = vector.broadcast %mul3A_64 : f32 to vector<16xf32>
      %mul3A_66 = arith.mulf %mul3A_65, %add3A_63 : vector<16xf32>
      %max3A = arith.maximumf %add3A_63, %mul3A_66 : vector<16xf32>
      %exp3A = math.exp %max3A : vector<16xf32>
      %add3A_67 = arith.constant 0 : i32
      %add3A_68 = vector.broadcast %add3A_67 : i32 to vector<16xi32>
      %add3A_69 = arith.addi %iota3A, %add3A_68 : vector<16xi32>
      %broadcast_in_dim3A_70 = arith.constant 64 : i32
      %broadcast_in_dim3A_71 = vector.broadcast %broadcast_in_dim3A_70 : i32 to vector<16xi32>
      tpu.vector_store_idx %arg11[%add3A_69, %broadcast_in_dim3A_71], %exp3A : memref<128x80xf32, #tpu.memory_space<vmem>>[vector<16xi32>, vector<16xi32>], vector<16xf32>,
      %get3A_72 = arith.constant 16 : index
      %get3A_73 = tpu.vector_load %arg12[%get3A_72] {strides = array<i32>} : memref<128xi32, #tpu.memory_space<vmem>>, vector<16xi32>,
      %get3A_74 = arith.constant 16 : index
      %get3A_75 = tpu.vector_load %arg14[%get3A_74] {strides = array<i32>} : memref<128xi32, #tpu.memory_space<vmem>>, vector<16xi32>,
      %gather3A_76 = tpu.vector_load_idx %arg8[%get3A_73] : memref<10000xf32, #tpu.memory_space<vmem>>[vector<16xi32>], vector<16xf32>,
      %gather3A_77 = tpu.vector_load_idx %arg9[%get3A_75] : memref<10000xf32, #tpu.memory_space<vmem>>[vector<16xi32>], vector<16xf32>,
      %add3A_78 = arith.addf %gather3A_76, %gather3A_77 : vector<16xf32>
      %mul3A_79 = arith.constant 2.000000e-01 : f32
      %mul3A_80 = vector.broadcast %mul3A_79 : f32 to vector<16xf32>
      %mul3A_81 = arith.mulf %mul3A_80, %add3A_78 : vector<16xf32>
      %max3A_82 = arith.maximumf %add3A_78, %mul3A_81 : vector<16xf32>
      %exp3A_83 = math.exp %max3A_82 : vector<16xf32>
      %add3A_84 = arith.constant 16 : i32
      %add3A_85 = vector.broadcast %add3A_84 : i32 to vector<16xi32>
      %add3A_86 = arith.addi %iota3A, %add3A_85 : vector<16xi32>
      %broadcast_in_dim3A_87 = arith.constant 64 : i32
      %broadcast_in_dim3A_88 = vector.broadcast %broadcast_in_dim3A_87 : i32 to vector<16xi32>
      tpu.vector_store_idx %arg11[%add3A_86, %broadcast_in_dim3A_88], %exp3A_83 : memref<128x80xf32, #tpu.memory_space<vmem>>[vector<16xi32>, vector<16xi32>], vector<16xf32>,
      %get3A_89 = arith.constant 32 : index
      %get3A_90 = tpu.vector_load %arg12[%get3A_89] {strides = array<i32>} : memref<128xi32, #tpu.memory_space<vmem>>, vector<16xi32>,
      %get3A_91 = arith.constant 32 : index
      %get3A_92 = tpu.vector_load %arg14[%get3A_91] {strides = array<i32>} : memref<128xi32, #tpu.memory_space<vmem>>, vector<16xi32>,
      %gather3A_93 = tpu.vector_load_idx %arg8[%get3A_90] : memref<10000xf32, #tpu.memory_space<vmem>>[vector<16xi32>], vector<16xf32>,
      %gather3A_94 = tpu.vector_load_idx %arg9[%get3A_92] : memref<10000xf32, #tpu.memory_space<vmem>>[vector<16xi32>], vector<16xf32>,
      %add3A_95 = arith.addf %gather3A_93, %gather3A_94 : vector<16xf32>
      %mul3A_96 = arith.constant 2.000000e-01 : f32
      %mul3A_97 = vector.broadcast %mul3A_96 : f32 to vector<16xf32>
      %mul3A_98 = arith.mulf %mul3A_97, %add3A_95 : vector<16xf32>
      %max3A_99 = arith.maximumf %add3A_95, %mul3A_98 : vector<16xf32>
      %exp3A_100 = math.exp %max3A_99 : vector<16xf32>
      %add3A_101 = arith.constant 32 : i32
      %add3A_102 = vector.broadcast %add3A_101 : i32 to vector<16xi32>
      %add3A_103 = arith.addi %iota3A, %add3A_102 : vector<16xi32>
      %broadcast_in_dim3A_104 = arith.constant 64 : i32
      %broadcast_in_dim3A_105 = vector.broadcast %broadcast_in_dim3A_104 : i32 to vector<16xi32>
      tpu.vector_store_idx %arg11[%add3A_103, %broadcast_in_dim3A_105], %exp3A_100 : memref<128x80xf32, #tpu.memory_space<vmem>>[vector<16xi32>, vector<16xi32>], vector<16xf32>,
      %get3A_106 = arith.constant 48 : index
      %get3A_107 = tpu.vector_load %arg12[%get3A_106] {strides = array<i32>} : memref<128xi32, #tpu.memory_space<vmem>>, vector<16xi32>,
      %get3A_108 = arith.constant 48 : index
      %get3A_109 = tpu.vector_load %arg14[%get3A_108] {strides = array<i32>} : memref<128xi32, #tpu.memory_space<vmem>>, vector<16xi32>,
      %gather3A_110 = tpu.vector_load_idx %arg8[%get3A_107] : memref<10000xf32, #tpu.memory_space<vmem>>[vector<16xi32>], vector<16xf32>,
      %gather3A_111 = tpu.vector_load_idx %arg9[%get3A_109] : memref<10000xf32, #tpu.memory_space<vmem>>[vector<16xi32>], vector<16xf32>,
      %add3A_112 = arith.addf %gather3A_110, %gather3A_111 : vector<16xf32>
      %mul3A_113 = arith.constant 2.000000e-01 : f32
      %mul3A_114 = vector.broadcast %mul3A_113 : f32 to vector<16xf32>
      %mul3A_115 = arith.mulf %mul3A_114, %add3A_112 : vector<16xf32>
      %max3A_116 = arith.maximumf %add3A_112, %mul3A_115 : vector<16xf32>
      %exp3A_117 = math.exp %max3A_116 : vector<16xf32>
      %add3A_118 = arith.constant 48 : i32
      %add3A_119 = vector.broadcast %add3A_118 : i32 to vector<16xi32>
      %add3A_120 = arith.addi %iota3A, %add3A_119 : vector<16xi32>
      %broadcast_in_dim3A_121 = arith.constant 64 : i32
      %broadcast_in_dim3A_122 = vector.broadcast %broadcast_in_dim3A_121 : i32 to vector<16xi32>
      tpu.vector_store_idx %arg11[%add3A_120, %broadcast_in_dim3A_122], %exp3A_117 : memref<128x80xf32, #tpu.memory_space<vmem>>[vector<16xi32>, vector<16xi32>], vector<16xf32>,
      %get3A_123 = arith.constant 64 : index
      %get3A_124 = tpu.vector_load %arg12[%get3A_123] {strides = array<i32>} : memref<128xi32, #tpu.memory_space<vmem>>, vector<16xi32>,
      %get3A_125 = arith.constant 64 : index
      %get3A_126 = tpu.vector_load %arg14[%get3A_125] {strides = array<i32>} : memref<128xi32, #tpu.memory_space<vmem>>, vector<16xi32>,
      %gather3A_127 = tpu.vector_load_idx %arg8[%get3A_124] : memref<10000xf32, #tpu.memory_space<vmem>>[vector<16xi32>], vector<16xf32>,
      %gather3A_128 = tpu.vector_load_idx %arg9[%get3A_126] : memref<10000xf32, #tpu.memory_space<vmem>>[vector<16xi32>], vector<16xf32>,
      %add3A_129 = arith.addf %gather3A_127, %gather3A_128 : vector<16xf32>
      %mul3A_130 = arith.constant 2.000000e-01 : f32
      %mul3A_131 = vector.broadcast %mul3A_130 : f32 to vector<16xf32>
      %mul3A_132 = arith.mulf %mul3A_131, %add3A_129 : vector<16xf32>
      %max3A_133 = arith.maximumf %add3A_129, %mul3A_132 : vector<16xf32>
      %exp3A_134 = math.exp %max3A_133 : vector<16xf32>
      %add3A_135 = arith.constant 64 : i32
      %add3A_136 = vector.broadcast %add3A_135 : i32 to vector<16xi32>
      %add3A_137 = arith.addi %iota3A, %add3A_136 : vector<16xi32>
      %broadcast_in_dim3A_138 = arith.constant 64 : i32
      %broadcast_in_dim3A_139 = vector.broadcast %broadcast_in_dim3A_138 : i32 to vector<16xi32>
      tpu.vector_store_idx %arg11[%add3A_137, %broadcast_in_dim3A_139], %exp3A_134 : memref<128x80xf32, #tpu.memory_space<vmem>>[vector<16xi32>, vector<16xi32>], vector<16xf32>,
      %get3A_140 = arith.constant 80 : index
      %get3A_141 = tpu.vector_load %arg12[%get3A_140] {strides = array<i32>} : memref<128xi32, #tpu.memory_space<vmem>>, vector<16xi32>,
      %get3A_142 = arith.constant 80 : index
      %get3A_143 = tpu.vector_load %arg14[%get3A_142] {strides = array<i32>} : memref<128xi32, #tpu.memory_space<vmem>>, vector<16xi32>,
      %gather3A_144 = tpu.vector_load_idx %arg8[%get3A_141] : memref<10000xf32, #tpu.memory_space<vmem>>[vector<16xi32>], vector<16xf32>,
      %gather3A_145 = tpu.vector_load_idx %arg9[%get3A_143] : memref<10000xf32, #tpu.memory_space<vmem>>[vector<16xi32>], vector<16xf32>,
      %add3A_146 = arith.addf %gather3A_144, %gather3A_145 : vector<16xf32>
      %mul3A_147 = arith.constant 2.000000e-01 : f32
      %mul3A_148 = vector.broadcast %mul3A_147 : f32 to vector<16xf32>
      %mul3A_149 = arith.mulf %mul3A_148, %add3A_146 : vector<16xf32>
      %max3A_150 = arith.maximumf %add3A_146, %mul3A_149 : vector<16xf32>
      %exp3A_151 = math.exp %max3A_150 : vector<16xf32>
      %add3A_152 = arith.constant 80 : i32
      %add3A_153 = vector.broadcast %add3A_152 : i32 to vector<16xi32>
      %add3A_154 = arith.addi %iota3A, %add3A_153 : vector<16xi32>
      %broadcast_in_dim3A_155 = arith.constant 64 : i32
      %broadcast_in_dim3A_156 = vector.broadcast %broadcast_in_dim3A_155 : i32 to vector<16xi32>
      tpu.vector_store_idx %arg11[%add3A_154, %broadcast_in_dim3A_156], %exp3A_151 : memref<128x80xf32, #tpu.memory_space<vmem>>[vector<16xi32>, vector<16xi32>], vector<16xf32>,
      %get3A_157 = arith.constant 96 : index
      %get3A_158 = tpu.vector_load %arg12[%get3A_157] {strides = array<i32>} : memref<128xi32, #tpu.memory_space<vmem>>, vector<16xi32>,
      %get3A_159 = arith.constant 96 : index
      %get3A_160 = tpu.vector_load %arg14[%get3A_159] {strides = array<i32>} : memref<128xi32, #tpu.memory_space<vmem>>, vector<16xi32>,
      %gather3A_161 = tpu.vector_load_idx %arg8[%get3A_158] : memref<10000xf32, #tpu.memory_space<vmem>>[vector<16xi32>], vector<16xf32>,
      %gather3A_162 = tpu.vector_load_idx %arg9[%get3A_160] : memref<10000xf32, #tpu.memory_space<vmem>>[vector<16xi32>], vector<16xf32>,
      %add3A_163 = arith.addf %gather3A_161, %gather3A_162 : vector<16xf32>
      %mul3A_164 = arith.constant 2.000000e-01 : f32
      %mul3A_165 = vector.broadcast %mul3A_164 : f32 to vector<16xf32>
      %mul3A_166 = arith.mulf %mul3A_165, %add3A_163 : vector<16xf32>
      %max3A_167 = arith.maximumf %add3A_163, %mul3A_166 : vector<16xf32>
      %exp3A_168 = math.exp %max3A_167 : vector<16xf32>
      %add3A_169 = arith.constant 96 : i32
      %add3A_170 = vector.broadcast %add3A_169 : i32 to vector<16xi32>
      %add3A_171 = arith.addi %iota3A, %add3A_170 : vector<16xi32>
      %broadcast_in_dim3A_172 = arith.constant 64 : i32
      %broadcast_in_dim3A_173 = vector.broadcast %broadcast_in_dim3A_172 : i32 to vector<16xi32>
      tpu.vector_store_idx %arg11[%add3A_171, %broadcast_in_dim3A_173], %exp3A_168 : memref<128x80xf32, #tpu.memory_space<vmem>>[vector<16xi32>, vector<16xi32>], vector<16xf32>,
      %get3A_174 = arith.constant 112 : index
      %get3A_175 = tpu.vector_load %arg12[%get3A_174] {strides = array<i32>} : memref<128xi32, #tpu.memory_space<vmem>>, vector<16xi32>,
      %get3A_176 = arith.constant 112 : index
      %get3A_177 = tpu.vector_load %arg14[%get3A_176] {strides = array<i32>} : memref<128xi32, #tpu.memory_space<vmem>>, vector<16xi32>,
      %gather3A_178 = tpu.vector_load_idx %arg8[%get3A_175] : memref<10000xf32, #tpu.memory_space<vmem>>[vector<16xi32>], vector<16xf32>,
      %gather3A_179 = tpu.vector_load_idx %arg9[%get3A_177] : memref<10000xf32, #tpu.memory_space<vmem>>[vector<16xi32>], vector<16xf32>,
      %add3A_180 = arith.addf %gather3A_178, %gather3A_179 : vector<16xf32>
      %mul3A_181 = arith.constant 2.000000e-01 : f32
      %mul3A_182 = vector.broadcast %mul3A_181 : f32 to vector<16xf32>
      %mul3A_183 = arith.mulf %mul3A_182, %add3A_180 : vector<16xf32>
      %max3A_184 = arith.maximumf %add3A_180, %mul3A_183 : vector<16xf32>
      %exp3A_185 = math.exp %max3A_184 : vector<16xf32>
      %add3A_186 = arith.constant 112 : i32
      %add3A_187 = vector.broadcast %add3A_186 : i32 to vector<16xi32>
      %add3A_188 = arith.addi %iota3A, %add3A_187 : vector<16xi32>
      %broadcast_in_dim3A_189 = arith.constant 64 : i32
      %broadcast_in_dim3A_190 = vector.broadcast %broadcast_in_dim3A_189 : i32 to vector<16xi32>
      tpu.vector_store_idx %arg11[%add3A_188, %broadcast_in_dim3A_190], %exp3A_185 : memref<128x80xf32, #tpu.memory_space<vmem>>[vector<16xi32>, vector<16xi32>], vector<16xf32>,
      %dma_wait3A = arith.constant 0 : i32
      %dma_wait3A_191 = arith.constant 0 : i32
      %dma_wait3A_192 = tpu.memref_slice %arg4[%dma_wait3A, %dma_wait3A_191] : memref<10000x64xf32, #tpu.memory_space<hbm>> -> memref<10000x64xf32, #tpu.memory_space<hbm>>
      tpu.wait_indirect_dma semaphore(%arg16 : memref<!tpu.dma_semaphore, #tpu.memory_space<semaphore_mem>>) src(%dma_wait3A_192 : memref<10000x64xf32, #tpu.memory_space<hbm>>) dst(%arg10 : memref<128x64xf32, #tpu.memory_space<vmem>>)
      %scan3A_193 = arith.constant 0 : i32
      %scan3A_194 = arith.constant 0 : i32
      %scan3A_195 = arith.constant 128 : i32
      %scan3A_196 = arith.addi %scan3A_194, %scan3A_195 : i32
      %scan3A_197 = arith.constant 1 : i32
      scf.for %scan3A_199 = %scan3A_194 to %scan3A_196 step %scan3A_197  : i32 {
        %get3A_200 = arith.index_cast %scan3A_199 : i32 to index
        %get3A_201 = arith.constant 64 : index
        %get3A_202 = tpu.vector_load %arg11[%get3A_200, %get3A_201] {strides = array<i32>} : memref<128x80xf32, #tpu.memory_space<vmem>>, vector<16xf32>,
        %slice3A = vector.extract_strided_slice %get3A_202 {offsets = [0], sizes = [1], strides = [1]} : vector<16xf32> to vector<1xf32>
        %squeeze3A = vector.extract %slice3A[0] : f32 from vector<1xf32>
        %broadcast_in_dim3A_203 = vector.broadcast %squeeze3A : f32 to vector<16xf32>
        %get3A_204 = arith.index_cast %scan3A_199 : i32 to index
        %get3A_205 = arith.constant 0 : index
        %get3A_206 = tpu.vector_load %arg10[%get3A_204, %get3A_205] {strides = array<i32>} : memref<128x64xf32, #tpu.memory_space<vmem>>, vector<16xf32>,
        %mul3A_207 = arith.mulf %get3A_206, %broadcast_in_dim3A_203 : vector<16xf32>
        %swap3A = arith.index_cast %scan3A_199 : i32 to index
        %swap3A_208 = arith.constant 0 : index
        %swap3A_209 = tpu.vector_load %arg11[%swap3A, %swap3A_208] {strides = array<i32>} : memref<128x80xf32, #tpu.memory_space<vmem>>, vector<16xf32>,
        tpu.vector_store %arg11[%swap3A, %swap3A_208], %mul3A_207 {strides = array<i32>} : memref<128x80xf32, #tpu.memory_space<vmem>>, vector<16xf32>,
        %get3A_210 = arith.index_cast %scan3A_199 : i32 to index
        %get3A_211 = arith.constant 16 : index
        %get3A_212 = tpu.vector_load %arg10[%get3A_210, %get3A_211] {strides = array<i32>} : memref<128x64xf32, #tpu.memory_space<vmem>>, vector<16xf32>,
        %mul3A_213 = arith.mulf %get3A_212, %broadcast_in_dim3A_203 : vector<16xf32>
        %swap3A_214 = arith.index_cast %scan3A_199 : i32 to index
        %swap3A_215 = arith.constant 16 : index
        %swap3A_216 = tpu.vector_load %arg11[%swap3A_214, %swap3A_215] {strides = array<i32>} : memref<128x80xf32, #tpu.memory_space<vmem>>, vector<16xf32>,
        tpu.vector_store %arg11[%swap3A_214, %swap3A_215], %mul3A_213 {strides = array<i32>} : memref<128x80xf32, #tpu.memory_space<vmem>>, vector<16xf32>,
        %get3A_217 = arith.index_cast %scan3A_199 : i32 to index
        %get3A_218 = arith.constant 32 : index
        %get3A_219 = tpu.vector_load %arg10[%get3A_217, %get3A_218] {strides = array<i32>} : memref<128x64xf32, #tpu.memory_space<vmem>>, vector<16xf32>,
        %mul3A_220 = arith.mulf %get3A_219, %broadcast_in_dim3A_203 : vector<16xf32>
        %swap3A_221 = arith.index_cast %scan3A_199 : i32 to index
        %swap3A_222 = arith.constant 32 : index
        %swap3A_223 = tpu.vector_load %arg11[%swap3A_221, %swap3A_222] {strides = array<i32>} : memref<128x80xf32, #tpu.memory_space<vmem>>, vector<16xf32>,
        tpu.vector_store %arg11[%swap3A_221, %swap3A_222], %mul3A_220 {strides = array<i32>} : memref<128x80xf32, #tpu.memory_space<vmem>>, vector<16xf32>,
        %get3A_224 = arith.index_cast %scan3A_199 : i32 to index
        %get3A_225 = arith.constant 48 : index
        %get3A_226 = tpu.vector_load %arg10[%get3A_224, %get3A_225] {strides = array<i32>} : memref<128x64xf32, #tpu.memory_space<vmem>>, vector<16xf32>,
        %mul3A_227 = arith.mulf %get3A_226, %broadcast_in_dim3A_203 : vector<16xf32>
        %swap3A_228 = arith.index_cast %scan3A_199 : i32 to index
        %swap3A_229 = arith.constant 48 : index
        %swap3A_230 = tpu.vector_load %arg11[%swap3A_228, %swap3A_229] {strides = array<i32>} : memref<128x80xf32, #tpu.memory_space<vmem>>, vector<16xf32>,
        tpu.vector_store %arg11[%swap3A_228, %swap3A_229], %mul3A_227 {strides = array<i32>} : memref<128x80xf32, #tpu.memory_space<vmem>>, vector<16xf32>,
      }
      %scan3A_198 = arith.constant 128 : i32
      "tpu.region"() ({
        %run_scoped3A = tpu.sem_alloc : memref<!tpu.dma_semaphore, #tpu.memory_space<semaphore_mem>>
        %dma_start3A_199 = arith.constant 0 : i32
        %dma_start3A_200 = arith.constant 0 : i32
        %dma_start3A_201 = tpu.memref_slice %arg15[%dma_start3A_199, %dma_start3A_200] : memref<10240x80xf32, #tpu.memory_space<vmem_shared>> -> memref<10240x80xf32, #tpu.memory_space<vmem_shared>>
        tpu.enqueue_indirect_dma source(%arg11 : memref<128x80xf32, #tpu.memory_space<vmem>>) target(%dma_start3A_201 : memref<10240x80xf32, #tpu.memory_space<vmem_shared>>) offsets(%arg14 : memref<128xi32, #tpu.memory_space<vmem>>) semaphore(%run_scoped3A : memref<!tpu.dma_semaphore, #tpu.memory_space<semaphore_mem>>) {add = true}
        %dma_wait3A_202 = arith.constant 0 : i32
        %dma_wait3A_203 = arith.constant 0 : i32
        %dma_wait3A_204 = tpu.memref_slice %arg15[%dma_wait3A_202, %dma_wait3A_203] : memref<10240x80xf32, #tpu.memory_space<vmem_shared>> -> memref<10240x80xf32, #tpu.memory_space<vmem_shared>>
        tpu.wait_indirect_dma semaphore(%run_scoped3A : memref<!tpu.dma_semaphore, #tpu.memory_space<semaphore_mem>>) src(%arg11 : memref<128x80xf32, #tpu.memory_space<vmem>>) dst(%dma_wait3A_204 : memref<10240x80xf32, #tpu.memory_space<vmem_shared>>)
        tpu.yield
      }) : () -> ()
    }
    %scan3A_26 = arith.constant 81 : i32
    %barrier3A_27 = arith.constant 0 : index
    tpu.barrier barrier_id(%barrier3A_27)
    %add3A_28 = arith.constant 0 : i32
    %add3A_29 = arith.addi %mul3A_6, %add3A_28 : i32
    "tpu.region"() ({
      %run_scoped3A = tpu.sem_alloc : memref<!tpu.dma_semaphore, #tpu.memory_space<semaphore_mem>>
      %dma_start3A = arith.constant 0 : i32
      %dma_start3A_53 = tpu.memref_slice %arg15[%add3A_29, %dma_start3A] : memref<10240x80xf32, #tpu.memory_space<vmem_shared>> -> memref<128x80xf32, #tpu.memory_space<vmem_shared>>
      %dma_start3A_54 = arith.constant 0 : i32
      %dma_start3A_55 = tpu.memref_slice %arg15[%add3A_29, %dma_start3A_54] : memref<10240x80xf32, #tpu.memory_space<vmem_shared>> -> memref<128x80xf32, #tpu.memory_space<vmem_shared>>
      tpu.enqueue_dma source(%dma_start3A_55 : memref<128x80xf32, #tpu.memory_space<vmem_shared>>) target(%arg11 : memref<128x80xf32, #tpu.memory_space<vmem>>) target_semaphore(%run_scoped3A : memref<!tpu.dma_semaphore, #tpu.memory_space<semaphore_mem>>)
      %dma_wait3A = arith.constant 0 : i32
      %dma_wait3A_56 = tpu.memref_slice %arg15[%add3A_29, %dma_wait3A] : memref<10240x80xf32, #tpu.memory_space<vmem_shared>> -> memref<128x80xf32, #tpu.memory_space<vmem_shared>>
      %dma_wait3A_57 = arith.constant 0 : i32
      %dma_wait3A_58 = tpu.memref_slice %arg15[%add3A_29, %dma_wait3A_57] : memref<10240x80xf32, #tpu.memory_space<vmem_shared>> -> memref<128x80xf32, #tpu.memory_space<vmem_shared>>
      tpu.wait_dma2 semaphore(%run_scoped3A : memref<!tpu.dma_semaphore, #tpu.memory_space<semaphore_mem>>) src(%dma_wait3A_58 : memref<128x80xf32, #tpu.memory_space<vmem_shared>>) dst(%arg11 : memref<128x80xf32, #tpu.memory_space<vmem>>)
      tpu.yield
    }) : () -> ()
    %mul3A_30 = arith.constant 10240 : i32
    %mul3A_31 = arith.muli %arg0, %mul3A_30 : i32
    %add3A_32 = arith.addi %mul3A_31, %add3A_29 : i32
    "tpu.region"() ({
      %run_scoped3A = tpu.sem_alloc : memref<!tpu.dma_semaphore, #tpu.memory_space<semaphore_mem>>
      %dma_start3A = arith.constant 0 : i32
      %dma_start3A_53 = tpu.memref_slice %arg7[%add3A_32, %dma_start3A] : memref<20480x80xf32, #tpu.memory_space<hbm>> -> memref<128x80xf32, #tpu.memory_space<hbm>>
      %dma_start3A_54 = arith.constant 0 : i32
      %dma_start3A_55 = tpu.memref_slice %arg7[%add3A_32, %dma_start3A_54] : memref<20480x80xf32, #tpu.memory_space<hbm>> -> memref<128x80xf32, #tpu.memory_space<hbm>>
      tpu.enqueue_dma source(%arg11 : memref<128x80xf32, #tpu.memory_space<vmem>>) target(%dma_start3A_55 : memref<128x80xf32, #tpu.memory_space<hbm>>) target_semaphore(%run_scoped3A : memref<!tpu.dma_semaphore, #tpu.memory_space<semaphore_mem>>)
      %dma_wait3A = arith.constant 0 : i32
      %dma_wait3A_56 = tpu.memref_slice %arg7[%add3A_32, %dma_wait3A] : memref<20480x80xf32, #tpu.memory_space<hbm>> -> memref<128x80xf32, #tpu.memory_space<hbm>>
      %dma_wait3A_57 = arith.constant 0 : i32
      %dma_wait3A_58 = tpu.memref_slice %arg7[%add3A_32, %dma_wait3A_57] : memref<20480x80xf32, #tpu.memory_space<hbm>> -> memref<128x80xf32, #tpu.memory_space<hbm>>
      tpu.wait_dma2 semaphore(%run_scoped3A : memref<!tpu.dma_semaphore, #tpu.memory_space<semaphore_mem>>) src(%arg11 : memref<128x80xf32, #tpu.memory_space<vmem>>) dst(%dma_wait3A_58 : memref<128x80xf32, #tpu.memory_space<hbm>>)
      tpu.yield
    }) : () -> ()
    %add3A_33 = arith.constant 128 : i32
    %add3A_34 = arith.addi %mul3A_6, %add3A_33 : i32
    "tpu.region"() ({
      %run_scoped3A = tpu.sem_alloc : memref<!tpu.dma_semaphore, #tpu.memory_space<semaphore_mem>>
      %dma_start3A = arith.constant 0 : i32
      %dma_start3A_53 = tpu.memref_slice %arg15[%add3A_34, %dma_start3A] : memref<10240x80xf32, #tpu.memory_space<vmem_shared>> -> memref<128x80xf32, #tpu.memory_space<vmem_shared>>
      %dma_start3A_54 = arith.constant 0 : i32
      %dma_start3A_55 = tpu.memref_slice %arg15[%add3A_34, %dma_start3A_54] : memref<10240x80xf32, #tpu.memory_space<vmem_shared>> -> memref<128x80xf32, #tpu.memory_space<vmem_shared>>
      tpu.enqueue_dma source(%dma_start3A_55 : memref<128x80xf32, #tpu.memory_space<vmem_shared>>) target(%arg11 : memref<128x80xf32, #tpu.memory_space<vmem>>) target_semaphore(%run_scoped3A : memref<!tpu.dma_semaphore, #tpu.memory_space<semaphore_mem>>)
      %dma_wait3A = arith.constant 0 : i32
      %dma_wait3A_56 = tpu.memref_slice %arg15[%add3A_34, %dma_wait3A] : memref<10240x80xf32, #tpu.memory_space<vmem_shared>> -> memref<128x80xf32, #tpu.memory_space<vmem_shared>>
      %dma_wait3A_57 = arith.constant 0 : i32
      %dma_wait3A_58 = tpu.memref_slice %arg15[%add3A_34, %dma_wait3A_57] : memref<10240x80xf32, #tpu.memory_space<vmem_shared>> -> memref<128x80xf32, #tpu.memory_space<vmem_shared>>
      tpu.wait_dma2 semaphore(%run_scoped3A : memref<!tpu.dma_semaphore, #tpu.memory_space<semaphore_mem>>) src(%dma_wait3A_58 : memref<128x80xf32, #tpu.memory_space<vmem_shared>>) dst(%arg11 : memref<128x80xf32, #tpu.memory_space<vmem>>)
      tpu.yield
    }) : () -> ()
    %mul3A_35 = arith.constant 10240 : i32
    %mul3A_36 = arith.muli %arg0, %mul3A_35 : i32
    %add3A_37 = arith.addi %mul3A_36, %add3A_34 : i32
    "tpu.region"() ({
      %run_scoped3A = tpu.sem_alloc : memref<!tpu.dma_semaphore, #tpu.memory_space<semaphore_mem>>
      %dma_start3A = arith.constant 0 : i32
      %dma_start3A_53 = tpu.memref_slice %arg7[%add3A_37, %dma_start3A] : memref<20480x80xf32, #tpu.memory_space<hbm>> -> memref<128x80xf32, #tpu.memory_space<hbm>>
      %dma_start3A_54 = arith.constant 0 : i32
      %dma_start3A_55 = tpu.memref_slice %arg7[%add3A_37, %dma_start3A_54] : memref<20480x80xf32, #tpu.memory_space<hbm>> -> memref<128x80xf32, #tpu.memory_space<hbm>>
      tpu.enqueue_dma source(%arg11 : memref<128x80xf32, #tpu.memory_space<vmem>>) target(%dma_start3A_55 : memref<128x80xf32, #tpu.memory_space<hbm>>) target_semaphore(%run_scoped3A : memref<!tpu.dma_semaphore, #tpu.memory_space<semaphore_mem>>)
      %dma_wait3A = arith.constant 0 : i32
      %dma_wait3A_56 = tpu.memref_slice %arg7[%add3A_37, %dma_wait3A] : memref<20480x80xf32, #tpu.memory_space<hbm>> -> memref<128x80xf32, #tpu.memory_space<hbm>>
      %dma_wait3A_57 = arith.constant 0 : i32
      %dma_wait3A_58 = tpu.memref_slice %arg7[%add3A_37, %dma_wait3A_57] : memref<20480x80xf32, #tpu.memory_space<hbm>> -> memref<128x80xf32, #tpu.memory_space<hbm>>
      tpu.wait_dma2 semaphore(%run_scoped3A : memref<!tpu.dma_semaphore, #tpu.memory_space<semaphore_mem>>) src(%arg11 : memref<128x80xf32, #tpu.memory_space<vmem>>) dst(%dma_wait3A_58 : memref<128x80xf32, #tpu.memory_space<hbm>>)
      tpu.yield
    }) : () -> ()
    %add3A_38 = arith.constant 256 : i32
    %add3A_39 = arith.addi %mul3A_6, %add3A_38 : i32
    "tpu.region"() ({
      %run_scoped3A = tpu.sem_alloc : memref<!tpu.dma_semaphore, #tpu.memory_space<semaphore_mem>>
      %dma_start3A = arith.constant 0 : i32
      %dma_start3A_53 = tpu.memref_slice %arg15[%add3A_39, %dma_start3A] : memref<10240x80xf32, #tpu.memory_space<vmem_shared>> -> memref<128x80xf32, #tpu.memory_space<vmem_shared>>
      %dma_start3A_54 = arith.constant 0 : i32
      %dma_start3A_55 = tpu.memref_slice %arg15[%add3A_39, %dma_start3A_54] : memref<10240x80xf32, #tpu.memory_space<vmem_shared>> -> memref<128x80xf32, #tpu.memory_space<vmem_shared>>
      tpu.enqueue_dma source(%dma_start3A_55 : memref<128x80xf32, #tpu.memory_space<vmem_shared>>) target(%arg11 : memref<128x80xf32, #tpu.memory_space<vmem>>) target_semaphore(%run_scoped3A : memref<!tpu.dma_semaphore, #tpu.memory_space<semaphore_mem>>)
      %dma_wait3A = arith.constant 0 : i32
      %dma_wait3A_56 = tpu.memref_slice %arg15[%add3A_39, %dma_wait3A] : memref<10240x80xf32, #tpu.memory_space<vmem_shared>> -> memref<128x80xf32, #tpu.memory_space<vmem_shared>>
      %dma_wait3A_57 = arith.constant 0 : i32
      %dma_wait3A_58 = tpu.memref_slice %arg15[%add3A_39, %dma_wait3A_57] : memref<10240x80xf32, #tpu.memory_space<vmem_shared>> -> memref<128x80xf32, #tpu.memory_space<vmem_shared>>
      tpu.wait_dma2 semaphore(%run_scoped3A : memref<!tpu.dma_semaphore, #tpu.memory_space<semaphore_mem>>) src(%dma_wait3A_58 : memref<128x80xf32, #tpu.memory_space<vmem_shared>>) dst(%arg11 : memref<128x80xf32, #tpu.memory_space<vmem>>)
      tpu.yield
    }) : () -> ()
    %mul3A_40 = arith.constant 10240 : i32
    %mul3A_41 = arith.muli %arg0, %mul3A_40 : i32
    %add3A_42 = arith.addi %mul3A_41, %add3A_39 : i32
    "tpu.region"() ({
      %run_scoped3A = tpu.sem_alloc : memref<!tpu.dma_semaphore, #tpu.memory_space<semaphore_mem>>
      %dma_start3A = arith.constant 0 : i32
      %dma_start3A_53 = tpu.memref_slice %arg7[%add3A_42, %dma_start3A] : memref<20480x80xf32, #tpu.memory_space<hbm>> -> memref<128x80xf32, #tpu.memory_space<hbm>>
      %dma_start3A_54 = arith.constant 0 : i32
      %dma_start3A_55 = tpu.memref_slice %arg7[%add3A_42, %dma_start3A_54] : memref<20480x80xf32, #tpu.memory_space<hbm>> -> memref<128x80xf32, #tpu.memory_space<hbm>>
      tpu.enqueue_dma source(%arg11 : memref<128x80xf32, #tpu.memory_space<vmem>>) target(%dma_start3A_55 : memref<128x80xf32, #tpu.memory_space<hbm>>) target_semaphore(%run_scoped3A : memref<!tpu.dma_semaphore, #tpu.memory_space<semaphore_mem>>)
      %dma_wait3A = arith.constant 0 : i32
      %dma_wait3A_56 = tpu.memref_slice %arg7[%add3A_42, %dma_wait3A] : memref<20480x80xf32, #tpu.memory_space<hbm>> -> memref<128x80xf32, #tpu.memory_space<hbm>>
      %dma_wait3A_57 = arith.constant 0 : i32
      %dma_wait3A_58 = tpu.memref_slice %arg7[%add3A_42, %dma_wait3A_57] : memref<20480x80xf32, #tpu.memory_space<hbm>> -> memref<128x80xf32, #tpu.memory_space<hbm>>
      tpu.wait_dma2 semaphore(%run_scoped3A : memref<!tpu.dma_semaphore, #tpu.memory_space<semaphore_mem>>) src(%arg11 : memref<128x80xf32, #tpu.memory_space<vmem>>) dst(%dma_wait3A_58 : memref<128x80xf32, #tpu.memory_space<hbm>>)
      tpu.yield
    }) : () -> ()
    %add3A_43 = arith.constant 384 : i32
    %add3A_44 = arith.addi %mul3A_6, %add3A_43 : i32
    "tpu.region"() ({
      %run_scoped3A = tpu.sem_alloc : memref<!tpu.dma_semaphore, #tpu.memory_space<semaphore_mem>>
      %dma_start3A = arith.constant 0 : i32
      %dma_start3A_53 = tpu.memref_slice %arg15[%add3A_44, %dma_start3A] : memref<10240x80xf32, #tpu.memory_space<vmem_shared>> -> memref<128x80xf32, #tpu.memory_space<vmem_shared>>
      %dma_start3A_54 = arith.constant 0 : i32
      %dma_start3A_55 = tpu.memref_slice %arg15[%add3A_44, %dma_start3A_54] : memref<10240x80xf32, #tpu.memory_space<vmem_shared>> -> memref<128x80xf32, #tpu.memory_space<vmem_shared>>
      tpu.enqueue_dma source(%dma_start3A_55 : memref<128x80xf32, #tpu.memory_space<vmem_shared>>) target(%arg11 : memref<128x80xf32, #tpu.memory_space<vmem>>) target_semaphore(%run_scoped3A : memref<!tpu.dma_semaphore, #tpu.memory_space<semaphore_mem>>)
      %dma_wait3A = arith.constant 0 : i32
      %dma_wait3A_56 = tpu.memref_slice %arg15[%add3A_44, %dma_wait3A] : memref<10240x80xf32, #tpu.memory_space<vmem_shared>> -> memref<128x80xf32, #tpu.memory_space<vmem_shared>>
      %dma_wait3A_57 = arith.constant 0 : i32
      %dma_wait3A_58 = tpu.memref_slice %arg15[%add3A_44, %dma_wait3A_57] : memref<10240x80xf32, #tpu.memory_space<vmem_shared>> -> memref<128x80xf32, #tpu.memory_space<vmem_shared>>
      tpu.wait_dma2 semaphore(%run_scoped3A : memref<!tpu.dma_semaphore, #tpu.memory_space<semaphore_mem>>) src(%dma_wait3A_58 : memref<128x80xf32, #tpu.memory_space<vmem_shared>>) dst(%arg11 : memref<128x80xf32, #tpu.memory_space<vmem>>)
      tpu.yield
    }) : () -> ()
    %mul3A_45 = arith.constant 10240 : i32
    %mul3A_46 = arith.muli %arg0, %mul3A_45 : i32
    %add3A_47 = arith.addi %mul3A_46, %add3A_44 : i32
    "tpu.region"() ({
      %run_scoped3A = tpu.sem_alloc : memref<!tpu.dma_semaphore, #tpu.memory_space<semaphore_mem>>
      %dma_start3A = arith.constant 0 : i32
      %dma_start3A_53 = tpu.memref_slice %arg7[%add3A_47, %dma_start3A] : memref<20480x80xf32, #tpu.memory_space<hbm>> -> memref<128x80xf32, #tpu.memory_space<hbm>>
      %dma_start3A_54 = arith.constant 0 : i32
      %dma_start3A_55 = tpu.memref_slice %arg7[%add3A_47, %dma_start3A_54] : memref<20480x80xf32, #tpu.memory_space<hbm>> -> memref<128x80xf32, #tpu.memory_space<hbm>>
      tpu.enqueue_dma source(%arg11 : memref<128x80xf32, #tpu.memory_space<vmem>>) target(%dma_start3A_55 : memref<128x80xf32, #tpu.memory_space<hbm>>) target_semaphore(%run_scoped3A : memref<!tpu.dma_semaphore, #tpu.memory_space<semaphore_mem>>)
      %dma_wait3A = arith.constant 0 : i32
      %dma_wait3A_56 = tpu.memref_slice %arg7[%add3A_47, %dma_wait3A] : memref<20480x80xf32, #tpu.memory_space<hbm>> -> memref<128x80xf32, #tpu.memory_space<hbm>>
      %dma_wait3A_57 = arith.constant 0 : i32
      %dma_wait3A_58 = tpu.memref_slice %arg7[%add3A_47, %dma_wait3A_57] : memref<20480x80xf32, #tpu.memory_space<hbm>> -> memref<128x80xf32, #tpu.memory_space<hbm>>
      tpu.wait_dma2 semaphore(%run_scoped3A : memref<!tpu.dma_semaphore, #tpu.memory_space<semaphore_mem>>) src(%arg11 : memref<128x80xf32, #tpu.memory_space<vmem>>) dst(%dma_wait3A_58 : memref<128x80xf32, #tpu.memory_space<hbm>>)
      tpu.yield
    }) : () -> ()
    %add3A_48 = arith.constant 512 : i32
    %add3A_49 = arith.addi %mul3A_6, %add3A_48 : i32
    "tpu.region"() ({
      %run_scoped3A = tpu.sem_alloc : memref<!tpu.dma_semaphore, #tpu.memory_space<semaphore_mem>>
      %dma_start3A = arith.constant 0 : i32
      %dma_start3A_53 = tpu.memref_slice %arg15[%add3A_49, %dma_start3A] : memref<10240x80xf32, #tpu.memory_space<vmem_shared>> -> memref<128x80xf32, #tpu.memory_space<vmem_shared>>
      %dma_start3A_54 = arith.constant 0 : i32
      %dma_start3A_55 = tpu.memref_slice %arg15[%add3A_49, %dma_start3A_54] : memref<10240x80xf32, #tpu.memory_space<vmem_shared>> -> memref<128x80xf32, #tpu.memory_space<vmem_shared>>
      tpu.enqueue_dma source(%dma_start3A_55 : memref<128x80xf32, #tpu.memory_space<vmem_shared>>) target(%arg11 : memref<128x80xf32, #tpu.memory_space<vmem>>) target_semaphore(%run_scoped3A : memref<!tpu.dma_semaphore, #tpu.memory_space<semaphore_mem>>)
      %dma_wait3A = arith.constant 0 : i32
      %dma_wait3A_56 = tpu.memref_slice %arg15[%add3A_49, %dma_wait3A] : memref<10240x80xf32, #tpu.memory_space<vmem_shared>> -> memref<128x80xf32, #tpu.memory_space<vmem_shared>>
      %dma_wait3A_57 = arith.constant 0 : i32
      %dma_wait3A_58 = tpu.memref_slice %arg15[%add3A_49, %dma_wait3A_57] : memref<10240x80xf32, #tpu.memory_space<vmem_shared>> -> memref<128x80xf32, #tpu.memory_space<vmem_shared>>
      tpu.wait_dma2 semaphore(%run_scoped3A : memref<!tpu.dma_semaphore, #tpu.memory_space<semaphore_mem>>) src(%dma_wait3A_58 : memref<128x80xf32, #tpu.memory_space<vmem_shared>>) dst(%arg11 : memref<128x80xf32, #tpu.memory_space<vmem>>)
      tpu.yield
    }) : () -> ()
    %mul3A_50 = arith.constant 10240 : i32
    %mul3A_51 = arith.muli %arg0, %mul3A_50 : i32
    %add3A_52 = arith.addi %mul3A_51, %add3A_49 : i32
    "tpu.region"() ({
      %run_scoped3A = tpu.sem_alloc : memref<!tpu.dma_semaphore, #tpu.memory_space<semaphore_mem>>
      %dma_start3A = arith.constant 0 : i32
      %dma_start3A_53 = tpu.memref_slice %arg7[%add3A_52, %dma_start3A] : memref<20480x80xf32, #tpu.memory_space<hbm>> -> memref<128x80xf32, #tpu.memory_space<hbm>>
      %dma_start3A_54 = arith.constant 0 : i32
      %dma_start3A_55 = tpu.memref_slice %arg7[%add3A_52, %dma_start3A_54] : memref<20480x80xf32, #tpu.memory_space<hbm>> -> memref<128x80xf32, #tpu.memory_space<hbm>>
      tpu.enqueue_dma source(%arg11 : memref<128x80xf32, #tpu.memory_space<vmem>>) target(%dma_start3A_55 : memref<128x80xf32, #tpu.memory_space<hbm>>) target_semaphore(%run_scoped3A : memref<!tpu.dma_semaphore, #tpu.memory_space<semaphore_mem>>)
      %dma_wait3A = arith.constant 0 : i32
      %dma_wait3A_56 = tpu.memref_slice %arg7[%add3A_52, %dma_wait3A] : memref<20480x80xf32, #tpu.memory_space<hbm>> -> memref<128x80xf32, #tpu.memory_space<hbm>>
      %dma_wait3A_57 = arith.constant 0 : i32
      %dma_wait3A_58 = tpu.memref_slice %arg7[%add3A_52, %dma_wait3A_57] : memref<20480x80xf32, #tpu.memory_space<hbm>> -> memref<128x80xf32, #tpu.memory_space<hbm>>
      tpu.wait_dma2 semaphore(%run_scoped3A : memref<!tpu.dma_semaphore, #tpu.memory_space<semaphore_mem>>) src(%arg11 : memref<128x80xf32, #tpu.memory_space<vmem>>) dst(%dma_wait3A_58 : memref<128x80xf32, #tpu.memory_space<hbm>>)
      tpu.yield
    }) : () -> ()
    return
  }
}

module attributes {stable_mosaic.version = 14 : i64} {
  func.func @_k1_body(%arg0: i32, %arg1: memref<400x128xf32, #tpu.memory_space<vmem>>, %arg2: memref<128x256xf32, #tpu.memory_space<vmem>>, %arg3: memref<256x8xf32, #tpu.memory_space<vmem>>, %arg4: memref<256x8xf32, #tpu.memory_space<vmem>>, %arg5: memref<400x256xf32, #tpu.memory_space<vmem>>, %arg6: memref<400x8xf32, #tpu.memory_space<vmem>>, %arg7: memref<400x8xf32, #tpu.memory_space<vmem>>) attributes {dimension_semantics = [#tpu.dimension_semantics<arbitrary>], iteration_bounds = array<i64: 25>, scalar_prefetch = 0 : i64, scratch_operands = 0 : i64, tpu.core_type = #tpu.core_type<tc>, window_params = [{transform_indices = @transform_0, window_bounds = array<i64: 400, 128>}, {pipeline_mode = #tpu.pipeline_mode<synchronous>, transform_indices = @transform_1, window_bounds = array<i64: 128, 256>}, {pipeline_mode = #tpu.pipeline_mode<synchronous>, transform_indices = @transform_2, window_bounds = array<i64: 256, 8>}, {pipeline_mode = #tpu.pipeline_mode<synchronous>, transform_indices = @transform_3, window_bounds = array<i64: 256, 8>}, {transform_indices = @transform_4, window_bounds = array<i64: 400, 256>}, {transform_indices = @transform_5, window_bounds = array<i64: 400, 8>}, {transform_indices = @transform_6, window_bounds = array<i64: 400, 8>}]} {
    %get3A = arith.constant 0 : index
    %get3A_0 = arith.constant 0 : index
    %get3A_1 = vector.load %arg1[%get3A, %get3A_0] : memref<400x128xf32, #tpu.memory_space<vmem>>, vector<400x128xf32>
    %get3A_2 = arith.constant 0 : index
    %get3A_3 = arith.constant 0 : index
    %get3A_4 = vector.load %arg2[%get3A_2, %get3A_3] : memref<128x256xf32, #tpu.memory_space<vmem>>, vector<128x256xf32>
    %dot_general3A = arith.constant dense<0.000000e+00> : vector<400x256xf32>
    %dot_general3A_5 = tpu.matmul %get3A_1, %get3A_4, %dot_general3A {dimension_numbers = #tpu.dot_dimension_numbers<[1], [0], [0], [1], [0, 0, 1, 1], [], []>, transpose_lhs_hint = false} : vector<400x128xf32>, vector<128x256xf32>, vector<400x256xf32> -> vector<400x256xf32>
    %swap3A = arith.constant 0 : index
    %swap3A_6 = arith.constant 0 : index
    %swap3A_7 = vector.load %arg5[%swap3A, %swap3A_6] : memref<400x256xf32, #tpu.memory_space<vmem>>, vector<400x256xf32>
    tpu.vector_store %arg5[%swap3A, %swap3A_6], %dot_general3A_5 {strides = array<i32>} : memref<400x256xf32, #tpu.memory_space<vmem>>, vector<400x256xf32>,
    %get3A_8 = arith.constant 0 : index
    %get3A_9 = arith.constant 0 : index
    %get3A_10 = vector.load %arg3[%get3A_8, %get3A_9] : memref<256x8xf32, #tpu.memory_space<vmem>>, vector<256x8xf32>
    %dot_general3A_11 = arith.constant dense<0.000000e+00> : vector<400x8xf32>
    %dot_general3A_12 = tpu.matmul %dot_general3A_5, %get3A_10, %dot_general3A_11 {dimension_numbers = #tpu.dot_dimension_numbers<[1], [0], [0], [1], [0, 0, 1, 1], [], []>, precision = #tpu.contract_precision<fp32>, transpose_lhs_hint = false} : vector<400x256xf32>, vector<256x8xf32>, vector<400x8xf32> -> vector<400x8xf32>
    %swap3A_13 = arith.constant 0 : index
    %swap3A_14 = arith.constant 0 : index
    %swap3A_15 = vector.load %arg6[%swap3A_13, %swap3A_14] : memref<400x8xf32, #tpu.memory_space<vmem>>, vector<400x8xf32>
    tpu.vector_store %arg6[%swap3A_13, %swap3A_14], %dot_general3A_12 {strides = array<i32>} : memref<400x8xf32, #tpu.memory_space<vmem>>, vector<400x8xf32>,
    %get3A_16 = arith.constant 0 : index
    %get3A_17 = arith.constant 0 : index
    %get3A_18 = vector.load %arg4[%get3A_16, %get3A_17] : memref<256x8xf32, #tpu.memory_space<vmem>>, vector<256x8xf32>
    %dot_general3A_19 = arith.constant dense<0.000000e+00> : vector<400x8xf32>
    %dot_general3A_20 = tpu.matmul %dot_general3A_5, %get3A_18, %dot_general3A_19 {dimension_numbers = #tpu.dot_dimension_numbers<[1], [0], [0], [1], [0, 0, 1, 1], [], []>, precision = #tpu.contract_precision<fp32>, transpose_lhs_hint = false} : vector<400x256xf32>, vector<256x8xf32>, vector<400x8xf32> -> vector<400x8xf32>
    %swap3A_21 = arith.constant 0 : index
    %swap3A_22 = arith.constant 0 : index
    %swap3A_23 = vector.load %arg7[%swap3A_21, %swap3A_22] : memref<400x8xf32, #tpu.memory_space<vmem>>, vector<400x8xf32>
    tpu.vector_store %arg7[%swap3A_21, %swap3A_22], %dot_general3A_20 {strides = array<i32>} : memref<400x8xf32, #tpu.memory_space<vmem>>, vector<400x8xf32>,
    return
  }
  func.func @transform_0(%arg0: i32) -> (i32, i32) {
    %c0_i32 = arith.constant 0 : i32
    %c0_i32_0 = arith.constant 0 : i32
    return %arg0, %c0_i32 : i32, i32
  }
  func.func @transform_1(%arg0: i32) -> (i32, i32) {
    %c0_i32 = arith.constant 0 : i32
    %c0_i32_0 = arith.constant 0 : i32
    %c0_i32_1 = arith.constant 0 : i32
    return %c0_i32, %c0_i32_0 : i32, i32
  }
  func.func @transform_2(%arg0: i32) -> (i32, i32) {
    %c0_i32 = arith.constant 0 : i32
    %c0_i32_0 = arith.constant 0 : i32
    %c0_i32_1 = arith.constant 0 : i32
    return %c0_i32, %c0_i32_0 : i32, i32
  }
  func.func @transform_3(%arg0: i32) -> (i32, i32) {
    %c0_i32 = arith.constant 0 : i32
    %c0_i32_0 = arith.constant 0 : i32
    %c0_i32_1 = arith.constant 0 : i32
    return %c0_i32, %c0_i32_0 : i32, i32
  }
  func.func @transform_4(%arg0: i32) -> (i32, i32) {
    %c0_i32 = arith.constant 0 : i32
    %c0_i32_0 = arith.constant 0 : i32
    return %arg0, %c0_i32 : i32, i32
  }
  func.func @transform_5(%arg0: i32) -> (i32, i32) {
    %c0_i32 = arith.constant 0 : i32
    %c0_i32_0 = arith.constant 0 : i32
    return %arg0, %c0_i32 : i32, i32
  }
  func.func @transform_6(%arg0: i32) -> (i32, i32) {
    %c0_i32 = arith.constant 0 : i32
    %c0_i32_0 = arith.constant 0 : i32
    return %arg0, %c0_i32 : i32, i32
  }
}

module attributes {stable_mosaic.version = 14 : i64} {
  func.func @_k23_body(%arg0: i32, %arg1: memref<400x256xf32, #tpu.memory_space<vmem>>, %arg2: memref<400x8xf32, #tpu.memory_space<vmem>>, %arg3: memref<8x256xf32, #tpu.memory_space<vmem>>, %arg4: memref<1x256xf32, #tpu.memory_space<vmem>>, %arg5: memref<256x256xf32, #tpu.memory_space<vmem>>, %arg6: memref<256x8xf32, #tpu.memory_space<vmem>>, %arg7: memref<256x8xf32, #tpu.memory_space<vmem>>, %arg8: memref<400x256xf32, #tpu.memory_space<vmem>>, %arg9: memref<400x8xf32, #tpu.memory_space<vmem>>, %arg10: memref<400x8xf32, #tpu.memory_space<vmem>>) attributes {dimension_semantics = [#tpu.dimension_semantics<arbitrary>], iteration_bounds = array<i64: 25>, scalar_prefetch = 0 : i64, scratch_operands = 0 : i64, tpu.core_type = #tpu.core_type<tc>, window_params = [{transform_indices = @transform_0, window_bounds = array<i64: 400, 256>}, {transform_indices = @transform_1, window_bounds = array<i64: 400, 8>}, {pipeline_mode = #tpu.pipeline_mode<synchronous>, transform_indices = @transform_2, window_bounds = array<i64: 8, 256>}, {pipeline_mode = #tpu.pipeline_mode<synchronous>, transform_indices = @transform_3, window_bounds = array<i64: 1, 256>}, {pipeline_mode = #tpu.pipeline_mode<synchronous>, transform_indices = @transform_4, window_bounds = array<i64: 256, 256>}, {pipeline_mode = #tpu.pipeline_mode<synchronous>, transform_indices = @transform_5, window_bounds = array<i64: 256, 8>}, {pipeline_mode = #tpu.pipeline_mode<synchronous>, transform_indices = @transform_6, window_bounds = array<i64: 256, 8>}, {transform_indices = @transform_7, window_bounds = array<i64: 400, 256>}, {transform_indices = @transform_8, window_bounds = array<i64: 400, 8>}, {transform_indices = @transform_9, window_bounds = array<i64: 400, 8>}]} {
    %get3A = arith.constant 0 : index
    %get3A_0 = arith.constant 0 : index
    %get3A_1 = vector.load %arg2[%get3A, %get3A_0] : memref<400x8xf32, #tpu.memory_space<vmem>>, vector<400x8xf32>
    %add3A = arith.constant 1.000000e-16 : f32
    %add3A_2 = vector.broadcast %add3A : f32 to vector<400x8xf32>
    %add3A_3 = arith.addf %get3A_1, %add3A_2 : vector<400x8xf32>
    %div3A = arith.constant 1.000000e+00 : f32
    %div3A_4 = vector.broadcast %div3A : f32 to vector<400x8xf32>
    %div3A_5 = arith.divf %div3A_4, %add3A_3 : vector<400x8xf32>
    %get3A_6 = arith.constant 0 : index
    %get3A_7 = arith.constant 0 : index
    %get3A_8 = vector.load %arg3[%get3A_6, %get3A_7] : memref<8x256xf32, #tpu.memory_space<vmem>>, vector<8x256xf32>
    %dot_general3A = arith.constant dense<0.000000e+00> : vector<400x256xf32>
    %dot_general3A_9 = tpu.matmul %div3A_5, %get3A_8, %dot_general3A {dimension_numbers = #tpu.dot_dimension_numbers<[1], [0], [0], [1], [0, 0, 1, 1], [], []>, precision = #tpu.contract_precision<fp32>, transpose_lhs_hint = false} : vector<400x8xf32>, vector<8x256xf32>, vector<400x256xf32> -> vector<400x256xf32>
    %get3A_10 = arith.constant 0 : index
    %get3A_11 = arith.constant 0 : index
    %get3A_12 = vector.load %arg1[%get3A_10, %get3A_11] : memref<400x256xf32, #tpu.memory_space<vmem>>, vector<400x256xf32>
    %mul3A = arith.mulf %get3A_12, %dot_general3A_9 : vector<400x256xf32>
    %get3A_13 = arith.constant 0 : index
    %get3A_14 = arith.constant 0 : index
    %get3A_15 = vector.load %arg4[%get3A_13, %get3A_14] : memref<1x256xf32, #tpu.memory_space<vmem>>, vector<1x256xf32>
    %add3A_16 = vector.broadcast %get3A_15 : vector<1x256xf32> to vector<400x256xf32>
    %add3A_17 = arith.addf %mul3A, %add3A_16 : vector<400x256xf32>
    %gt3A = arith.constant 0.000000e+00 : f32
    %gt3A_18 = vector.broadcast %gt3A : f32 to vector<400x256xf32>
    %gt3A_19 = arith.cmpf ogt, %add3A_17, %gt3A_18 : vector<400x256xf32>
    %exp3A = math.exp %add3A_17 : vector<400x256xf32>
    %sub3A = arith.constant 1.000000e+00 : f32
    %sub3A_20 = vector.broadcast %sub3A : f32 to vector<400x256xf32>
    %sub3A_21 = arith.subf %exp3A, %sub3A_20 : vector<400x256xf32>
    %select_n3A = arith.select %gt3A_19, %add3A_17, %sub3A_21 : vector<400x256xi1>, vector<400x256xf32>
    %get3A_22 = arith.constant 0 : index
    %get3A_23 = arith.constant 0 : index
    %get3A_24 = vector.load %arg5[%get3A_22, %get3A_23] : memref<256x256xf32, #tpu.memory_space<vmem>>, vector<256x256xf32>
    %dot_general3A_25 = arith.constant dense<0.000000e+00> : vector<400x256xf32>
    %dot_general3A_26 = tpu.matmul %select_n3A, %get3A_24, %dot_general3A_25 {dimension_numbers = #tpu.dot_dimension_numbers<[1], [0], [0], [1], [0, 0, 1, 1], [], []>, transpose_lhs_hint = false} : vector<400x256xf32>, vector<256x256xf32>, vector<400x256xf32> -> vector<400x256xf32>
    %swap3A = arith.constant 0 : index
    %swap3A_27 = arith.constant 0 : index
    %swap3A_28 = vector.load %arg8[%swap3A, %swap3A_27] : memref<400x256xf32, #tpu.memory_space<vmem>>, vector<400x256xf32>
    tpu.vector_store %arg8[%swap3A, %swap3A_27], %dot_general3A_26 {strides = array<i32>} : memref<400x256xf32, #tpu.memory_space<vmem>>, vector<400x256xf32>,
    %get3A_29 = arith.constant 0 : index
    %get3A_30 = arith.constant 0 : index
    %get3A_31 = vector.load %arg6[%get3A_29, %get3A_30] : memref<256x8xf32, #tpu.memory_space<vmem>>, vector<256x8xf32>
    %dot_general3A_32 = arith.constant dense<0.000000e+00> : vector<400x8xf32>
    %dot_general3A_33 = tpu.matmul %dot_general3A_26, %get3A_31, %dot_general3A_32 {dimension_numbers = #tpu.dot_dimension_numbers<[1], [0], [0], [1], [0, 0, 1, 1], [], []>, precision = #tpu.contract_precision<fp32>, transpose_lhs_hint = false} : vector<400x256xf32>, vector<256x8xf32>, vector<400x8xf32> -> vector<400x8xf32>
    %swap3A_34 = arith.constant 0 : index
    %swap3A_35 = arith.constant 0 : index
    %swap3A_36 = vector.load %arg9[%swap3A_34, %swap3A_35] : memref<400x8xf32, #tpu.memory_space<vmem>>, vector<400x8xf32>
    tpu.vector_store %arg9[%swap3A_34, %swap3A_35], %dot_general3A_33 {strides = array<i32>} : memref<400x8xf32, #tpu.memory_space<vmem>>, vector<400x8xf32>,
    %get3A_37 = arith.constant 0 : index
    %get3A_38 = arith.constant 0 : index
    %get3A_39 = vector.load %arg7[%get3A_37, %get3A_38] : memref<256x8xf32, #tpu.memory_space<vmem>>, vector<256x8xf32>
    %dot_general3A_40 = arith.constant dense<0.000000e+00> : vector<400x8xf32>
    %dot_general3A_41 = tpu.matmul %dot_general3A_26, %get3A_39, %dot_general3A_40 {dimension_numbers = #tpu.dot_dimension_numbers<[1], [0], [0], [1], [0, 0, 1, 1], [], []>, precision = #tpu.contract_precision<fp32>, transpose_lhs_hint = false} : vector<400x256xf32>, vector<256x8xf32>, vector<400x8xf32> -> vector<400x8xf32>
    %swap3A_42 = arith.constant 0 : index
    %swap3A_43 = arith.constant 0 : index
    %swap3A_44 = vector.load %arg10[%swap3A_42, %swap3A_43] : memref<400x8xf32, #tpu.memory_space<vmem>>, vector<400x8xf32>
    tpu.vector_store %arg10[%swap3A_42, %swap3A_43], %dot_general3A_41 {strides = array<i32>} : memref<400x8xf32, #tpu.memory_space<vmem>>, vector<400x8xf32>,
    return
  }
  func.func @transform_0(%arg0: i32) -> (i32, i32) {
    %c0_i32 = arith.constant 0 : i32
    %c0_i32_0 = arith.constant 0 : i32
    return %arg0, %c0_i32 : i32, i32
  }
  func.func @transform_1(%arg0: i32) -> (i32, i32) {
    %c0_i32 = arith.constant 0 : i32
    %c0_i32_0 = arith.constant 0 : i32
    return %arg0, %c0_i32 : i32, i32
  }
  func.func @transform_2(%arg0: i32) -> (i32, i32) {
    %c0_i32 = arith.constant 0 : i32
    %c0_i32_0 = arith.constant 0 : i32
    %c0_i32_1 = arith.constant 0 : i32
    return %c0_i32, %c0_i32_0 : i32, i32
  }
  func.func @transform_3(%arg0: i32) -> (i32, i32) {
    %c0_i32 = arith.constant 0 : i32
    %c0_i32_0 = arith.constant 0 : i32
    %c0_i32_1 = arith.constant 0 : i32
    return %c0_i32, %c0_i32_0 : i32, i32
  }
  func.func @transform_4(%arg0: i32) -> (i32, i32) {
    %c0_i32 = arith.constant 0 : i32
    %c0_i32_0 = arith.constant 0 : i32
    %c0_i32_1 = arith.constant 0 : i32
    return %c0_i32, %c0_i32_0 : i32, i32
  }
  func.func @transform_5(%arg0: i32) -> (i32, i32) {
    %c0_i32 = arith.constant 0 : i32
    %c0_i32_0 = arith.constant 0 : i32
    %c0_i32_1 = arith.constant 0 : i32
    return %c0_i32, %c0_i32_0 : i32, i32
  }
  func.func @transform_6(%arg0: i32) -> (i32, i32) {
    %c0_i32 = arith.constant 0 : i32
    %c0_i32_0 = arith.constant 0 : i32
    %c0_i32_1 = arith.constant 0 : i32
    return %c0_i32, %c0_i32_0 : i32, i32
  }
  func.func @transform_7(%arg0: i32) -> (i32, i32) {
    %c0_i32 = arith.constant 0 : i32
    %c0_i32_0 = arith.constant 0 : i32
    return %arg0, %c0_i32 : i32, i32
  }
  func.func @transform_8(%arg0: i32) -> (i32, i32) {
    %c0_i32 = arith.constant 0 : i32
    %c0_i32_0 = arith.constant 0 : i32
    return %arg0, %c0_i32 : i32, i32
  }
  func.func @transform_9(%arg0: i32) -> (i32, i32) {
    %c0_i32 = arith.constant 0 : i32
    %c0_i32_0 = arith.constant 0 : i32
    return %arg0, %c0_i32 : i32, i32
  }
}

module attributes {stable_mosaic.version = 14 : i64} {
  func.func @_k23_body(%arg0: i32, %arg1: memref<400x256xf32, #tpu.memory_space<vmem>>, %arg2: memref<400x8xf32, #tpu.memory_space<vmem>>, %arg3: memref<8x256xf32, #tpu.memory_space<vmem>>, %arg4: memref<1x256xf32, #tpu.memory_space<vmem>>, %arg5: memref<256x64xf32, #tpu.memory_space<vmem>>, %arg6: memref<64x8xf32, #tpu.memory_space<vmem>>, %arg7: memref<64x8xf32, #tpu.memory_space<vmem>>, %arg8: memref<400x64xf32, #tpu.memory_space<vmem>>, %arg9: memref<400x8xf32, #tpu.memory_space<vmem>>, %arg10: memref<400x8xf32, #tpu.memory_space<vmem>>) attributes {dimension_semantics = [#tpu.dimension_semantics<arbitrary>], iteration_bounds = array<i64: 25>, scalar_prefetch = 0 : i64, scratch_operands = 0 : i64, tpu.core_type = #tpu.core_type<tc>, window_params = [{transform_indices = @transform_0, window_bounds = array<i64: 400, 256>}, {transform_indices = @transform_1, window_bounds = array<i64: 400, 8>}, {pipeline_mode = #tpu.pipeline_mode<synchronous>, transform_indices = @transform_2, window_bounds = array<i64: 8, 256>}, {pipeline_mode = #tpu.pipeline_mode<synchronous>, transform_indices = @transform_3, window_bounds = array<i64: 1, 256>}, {pipeline_mode = #tpu.pipeline_mode<synchronous>, transform_indices = @transform_4, window_bounds = array<i64: 256, 64>}, {pipeline_mode = #tpu.pipeline_mode<synchronous>, transform_indices = @transform_5, window_bounds = array<i64: 64, 8>}, {pipeline_mode = #tpu.pipeline_mode<synchronous>, transform_indices = @transform_6, window_bounds = array<i64: 64, 8>}, {transform_indices = @transform_7, window_bounds = array<i64: 400, 64>}, {transform_indices = @transform_8, window_bounds = array<i64: 400, 8>}, {transform_indices = @transform_9, window_bounds = array<i64: 400, 8>}]} {
    %get3A = arith.constant 0 : index
    %get3A_0 = arith.constant 0 : index
    %get3A_1 = vector.load %arg2[%get3A, %get3A_0] : memref<400x8xf32, #tpu.memory_space<vmem>>, vector<400x8xf32>
    %add3A = arith.constant 1.000000e-16 : f32
    %add3A_2 = vector.broadcast %add3A : f32 to vector<400x8xf32>
    %add3A_3 = arith.addf %get3A_1, %add3A_2 : vector<400x8xf32>
    %div3A = arith.constant 1.000000e+00 : f32
    %div3A_4 = vector.broadcast %div3A : f32 to vector<400x8xf32>
    %div3A_5 = arith.divf %div3A_4, %add3A_3 : vector<400x8xf32>
    %get3A_6 = arith.constant 0 : index
    %get3A_7 = arith.constant 0 : index
    %get3A_8 = vector.load %arg3[%get3A_6, %get3A_7] : memref<8x256xf32, #tpu.memory_space<vmem>>, vector<8x256xf32>
    %dot_general3A = arith.constant dense<0.000000e+00> : vector<400x256xf32>
    %dot_general3A_9 = tpu.matmul %div3A_5, %get3A_8, %dot_general3A {dimension_numbers = #tpu.dot_dimension_numbers<[1], [0], [0], [1], [0, 0, 1, 1], [], []>, precision = #tpu.contract_precision<fp32>, transpose_lhs_hint = false} : vector<400x8xf32>, vector<8x256xf32>, vector<400x256xf32> -> vector<400x256xf32>
    %get3A_10 = arith.constant 0 : index
    %get3A_11 = arith.constant 0 : index
    %get3A_12 = vector.load %arg1[%get3A_10, %get3A_11] : memref<400x256xf32, #tpu.memory_space<vmem>>, vector<400x256xf32>
    %mul3A = arith.mulf %get3A_12, %dot_general3A_9 : vector<400x256xf32>
    %get3A_13 = arith.constant 0 : index
    %get3A_14 = arith.constant 0 : index
    %get3A_15 = vector.load %arg4[%get3A_13, %get3A_14] : memref<1x256xf32, #tpu.memory_space<vmem>>, vector<1x256xf32>
    %add3A_16 = vector.broadcast %get3A_15 : vector<1x256xf32> to vector<400x256xf32>
    %add3A_17 = arith.addf %mul3A, %add3A_16 : vector<400x256xf32>
    %gt3A = arith.constant 0.000000e+00 : f32
    %gt3A_18 = vector.broadcast %gt3A : f32 to vector<400x256xf32>
    %gt3A_19 = arith.cmpf ogt, %add3A_17, %gt3A_18 : vector<400x256xf32>
    %exp3A = math.exp %add3A_17 : vector<400x256xf32>
    %sub3A = arith.constant 1.000000e+00 : f32
    %sub3A_20 = vector.broadcast %sub3A : f32 to vector<400x256xf32>
    %sub3A_21 = arith.subf %exp3A, %sub3A_20 : vector<400x256xf32>
    %select_n3A = arith.select %gt3A_19, %add3A_17, %sub3A_21 : vector<400x256xi1>, vector<400x256xf32>
    %get3A_22 = arith.constant 0 : index
    %get3A_23 = arith.constant 0 : index
    %get3A_24 = vector.load %arg5[%get3A_22, %get3A_23] : memref<256x64xf32, #tpu.memory_space<vmem>>, vector<256x64xf32>
    %dot_general3A_25 = arith.constant dense<0.000000e+00> : vector<400x64xf32>
    %dot_general3A_26 = tpu.matmul %select_n3A, %get3A_24, %dot_general3A_25 {dimension_numbers = #tpu.dot_dimension_numbers<[1], [0], [0], [1], [0, 0, 1, 1], [], []>, transpose_lhs_hint = false} : vector<400x256xf32>, vector<256x64xf32>, vector<400x64xf32> -> vector<400x64xf32>
    %swap3A = arith.constant 0 : index
    %swap3A_27 = arith.constant 0 : index
    %swap3A_28 = vector.load %arg8[%swap3A, %swap3A_27] : memref<400x64xf32, #tpu.memory_space<vmem>>, vector<400x64xf32>
    tpu.vector_store %arg8[%swap3A, %swap3A_27], %dot_general3A_26 {strides = array<i32>} : memref<400x64xf32, #tpu.memory_space<vmem>>, vector<400x64xf32>,
    %get3A_29 = arith.constant 0 : index
    %get3A_30 = arith.constant 0 : index
    %get3A_31 = vector.load %arg6[%get3A_29, %get3A_30] : memref<64x8xf32, #tpu.memory_space<vmem>>, vector<64x8xf32>
    %dot_general3A_32 = arith.constant dense<0.000000e+00> : vector<400x8xf32>
    %dot_general3A_33 = tpu.matmul %dot_general3A_26, %get3A_31, %dot_general3A_32 {dimension_numbers = #tpu.dot_dimension_numbers<[1], [0], [0], [1], [0, 0, 1, 1], [], []>, precision = #tpu.contract_precision<fp32>, transpose_lhs_hint = false} : vector<400x64xf32>, vector<64x8xf32>, vector<400x8xf32> -> vector<400x8xf32>
    %swap3A_34 = arith.constant 0 : index
    %swap3A_35 = arith.constant 0 : index
    %swap3A_36 = vector.load %arg9[%swap3A_34, %swap3A_35] : memref<400x8xf32, #tpu.memory_space<vmem>>, vector<400x8xf32>
    tpu.vector_store %arg9[%swap3A_34, %swap3A_35], %dot_general3A_33 {strides = array<i32>} : memref<400x8xf32, #tpu.memory_space<vmem>>, vector<400x8xf32>,
    %get3A_37 = arith.constant 0 : index
    %get3A_38 = arith.constant 0 : index
    %get3A_39 = vector.load %arg7[%get3A_37, %get3A_38] : memref<64x8xf32, #tpu.memory_space<vmem>>, vector<64x8xf32>
    %dot_general3A_40 = arith.constant dense<0.000000e+00> : vector<400x8xf32>
    %dot_general3A_41 = tpu.matmul %dot_general3A_26, %get3A_39, %dot_general3A_40 {dimension_numbers = #tpu.dot_dimension_numbers<[1], [0], [0], [1], [0, 0, 1, 1], [], []>, precision = #tpu.contract_precision<fp32>, transpose_lhs_hint = false} : vector<400x64xf32>, vector<64x8xf32>, vector<400x8xf32> -> vector<400x8xf32>
    %swap3A_42 = arith.constant 0 : index
    %swap3A_43 = arith.constant 0 : index
    %swap3A_44 = vector.load %arg10[%swap3A_42, %swap3A_43] : memref<400x8xf32, #tpu.memory_space<vmem>>, vector<400x8xf32>
    tpu.vector_store %arg10[%swap3A_42, %swap3A_43], %dot_general3A_41 {strides = array<i32>} : memref<400x8xf32, #tpu.memory_space<vmem>>, vector<400x8xf32>,
    return
  }
  func.func @transform_0(%arg0: i32) -> (i32, i32) {
    %c0_i32 = arith.constant 0 : i32
    %c0_i32_0 = arith.constant 0 : i32
    return %arg0, %c0_i32 : i32, i32
  }
  func.func @transform_1(%arg0: i32) -> (i32, i32) {
    %c0_i32 = arith.constant 0 : i32
    %c0_i32_0 = arith.constant 0 : i32
    return %arg0, %c0_i32 : i32, i32
  }
  func.func @transform_2(%arg0: i32) -> (i32, i32) {
    %c0_i32 = arith.constant 0 : i32
    %c0_i32_0 = arith.constant 0 : i32
    %c0_i32_1 = arith.constant 0 : i32
    return %c0_i32, %c0_i32_0 : i32, i32
  }
  func.func @transform_3(%arg0: i32) -> (i32, i32) {
    %c0_i32 = arith.constant 0 : i32
    %c0_i32_0 = arith.constant 0 : i32
    %c0_i32_1 = arith.constant 0 : i32
    return %c0_i32, %c0_i32_0 : i32, i32
  }
  func.func @transform_4(%arg0: i32) -> (i32, i32) {
    %c0_i32 = arith.constant 0 : i32
    %c0_i32_0 = arith.constant 0 : i32
    %c0_i32_1 = arith.constant 0 : i32
    return %c0_i32, %c0_i32_0 : i32, i32
  }
  func.func @transform_5(%arg0: i32) -> (i32, i32) {
    %c0_i32 = arith.constant 0 : i32
    %c0_i32_0 = arith.constant 0 : i32
    %c0_i32_1 = arith.constant 0 : i32
    return %c0_i32, %c0_i32_0 : i32, i32
  }
  func.func @transform_6(%arg0: i32) -> (i32, i32) {
    %c0_i32 = arith.constant 0 : i32
    %c0_i32_0 = arith.constant 0 : i32
    %c0_i32_1 = arith.constant 0 : i32
    return %c0_i32, %c0_i32_0 : i32, i32
  }
  func.func @transform_7(%arg0: i32) -> (i32, i32) {
    %c0_i32 = arith.constant 0 : i32
    %c0_i32_0 = arith.constant 0 : i32
    return %arg0, %c0_i32 : i32, i32
  }
  func.func @transform_8(%arg0: i32) -> (i32, i32) {
    %c0_i32 = arith.constant 0 : i32
    %c0_i32_0 = arith.constant 0 : i32
    return %arg0, %c0_i32 : i32, i32
  }
  func.func @transform_9(%arg0: i32) -> (i32, i32) {
    %c0_i32 = arith.constant 0 : i32
    %c0_i32_0 = arith.constant 0 : i32
    return %arg0, %c0_i32 : i32, i32
  }
}

module attributes {stable_mosaic.version = 14 : i64} {
  func.func @_k4_body(%arg0: i32, %arg1: memref<400x80xf32, #tpu.memory_space<vmem>>, %arg2: memref<400x80xf32, #tpu.memory_space<vmem>>, %arg3: memref<400x1xi32, #tpu.memory_space<vmem>>, %arg4: memref<1x64xf32, #tpu.memory_space<vmem>>, %arg5: memref<64x32xf32, #tpu.memory_space<vmem>>, %arg6: memref<1x32xf32, #tpu.memory_space<vmem>>, %arg7: memref<32x8xf32, #tpu.memory_space<vmem>>, %arg8: memref<1x8xf32, #tpu.memory_space<vmem>>, %arg9: memref<64x8xf32, #tpu.memory_space<vmem>>, %arg10: memref<64x128xf32, #tpu.memory_space<vmem>>) attributes {dimension_semantics = [#tpu.dimension_semantics<arbitrary>], iteration_bounds = array<i64: 25>, scalar_prefetch = 0 : i64, scratch_operands = 1 : i64, tpu.core_type = #tpu.core_type<tc>, window_params = [{transform_indices = @transform_0, window_bounds = array<i64: 400, 80>}, {transform_indices = @transform_1, window_bounds = array<i64: 400, 80>}, {transform_indices = @transform_2, window_bounds = array<i64: 400, 1>}, {pipeline_mode = #tpu.pipeline_mode<synchronous>, transform_indices = @transform_3, window_bounds = array<i64: 1, 64>}, {pipeline_mode = #tpu.pipeline_mode<synchronous>, transform_indices = @transform_4, window_bounds = array<i64: 64, 32>}, {pipeline_mode = #tpu.pipeline_mode<synchronous>, transform_indices = @transform_5, window_bounds = array<i64: 1, 32>}, {pipeline_mode = #tpu.pipeline_mode<synchronous>, transform_indices = @transform_6, window_bounds = array<i64: 32, 8>}, {pipeline_mode = #tpu.pipeline_mode<synchronous>, transform_indices = @transform_7, window_bounds = array<i64: 1, 8>}, {pipeline_mode = #tpu.pipeline_mode<synchronous>, transform_indices = @transform_8, window_bounds = array<i64: 64, 8>}]} {
    %eq3A = arith.constant 0 : i32
    %eq3A_0 = arith.cmpi eq, %arg0, %eq3A : i32
    %convert_element_type3A = arith.extui %eq3A_0 : i1 to i32
    %cond3A = arith.constant 0 : i32
    %cond3A_1 = arith.cmpi ne, %convert_element_type3A, %cond3A : i32
    scf.if %cond3A_1 {
      %broadcast_in_dim3A_41 = arith.constant 0.000000e+00 : f32
      %broadcast_in_dim3A_42 = vector.broadcast %broadcast_in_dim3A_41 : f32 to vector<64x128xf32>
      %swap3A_43 = arith.constant 0 : index
      %swap3A_44 = arith.constant 0 : index
      %swap3A_45 = vector.load %arg10[%swap3A_43, %swap3A_44] : memref<64x128xf32, #tpu.memory_space<vmem>>, vector<64x128xf32>
      tpu.vector_store %arg10[%swap3A_43, %swap3A_44], %broadcast_in_dim3A_42 {strides = array<i32>} : memref<64x128xf32, #tpu.memory_space<vmem>>, vector<64x128xf32>,
    } else {
    }
    %get3A = arith.constant 0 : index
    %get3A_2 = arith.constant 0 : index
    %get3A_3 = vector.load %arg1[%get3A, %get3A_2] : memref<400x80xf32, #tpu.memory_space<vmem>>, vector<400x80xf32>
    %get3A_4 = arith.constant 0 : index
    %get3A_5 = arith.constant 0 : index
    %get3A_6 = vector.load %arg2[%get3A_4, %get3A_5] : memref<400x80xf32, #tpu.memory_space<vmem>>, vector<400x80xf32>
    %slice3A = vector.extract_strided_slice %get3A_3 {offsets = [0, 0], sizes = [400, 64], strides = [1, 1]} : vector<400x80xf32> to vector<400x64xf32>
    %slice3A_7 = vector.extract_strided_slice %get3A_6 {offsets = [0, 0], sizes = [400, 64], strides = [1, 1]} : vector<400x80xf32> to vector<400x64xf32>
    %add3A = arith.addf %slice3A, %slice3A_7 : vector<400x64xf32>
    %slice3A_8 = vector.extract_strided_slice %get3A_3 {offsets = [0, 64], sizes = [400, 1], strides = [1, 1]} : vector<400x80xf32> to vector<400x1xf32>
    %slice3A_9 = vector.extract_strided_slice %get3A_6 {offsets = [0, 64], sizes = [400, 1], strides = [1, 1]} : vector<400x80xf32> to vector<400x1xf32>
    %add3A_10 = arith.addf %slice3A_8, %slice3A_9 : vector<400x1xf32>
    %add3A_11 = arith.constant 1.000000e-16 : f32
    %add3A_12 = vector.broadcast %add3A_11 : f32 to vector<400x1xf32>
    %add3A_13 = arith.addf %add3A_10, %add3A_12 : vector<400x1xf32>
    %div3A = vector.broadcast %add3A_13 : vector<400x1xf32> to vector<400x64xf32>
    %div3A_14 = arith.divf %add3A, %div3A : vector<400x64xf32>
    %get3A_15 = arith.constant 0 : index
    %get3A_16 = arith.constant 0 : index
    %get3A_17 = vector.load %arg4[%get3A_15, %get3A_16] : memref<1x64xf32, #tpu.memory_space<vmem>>, vector<1x64xf32>
    %add3A_18 = vector.broadcast %get3A_17 : vector<1x64xf32> to vector<400x64xf32>
    %add3A_19 = arith.addf %div3A_14, %add3A_18 : vector<400x64xf32>
    %get3A_20 = arith.constant 0 : index
    %get3A_21 = arith.constant 0 : index
    %get3A_22 = vector.load %arg3[%get3A_20, %get3A_21] : memref<400x1xi32, #tpu.memory_space<vmem>>, vector<400x1xi32>
    %iota3A = tpu.iota {dimensions = array<i32: 1>} : vector<1x64xi32>
    %eq3A_23 = vector.broadcast %get3A_22 : vector<400x1xi32> to vector<400x64xi32>
    %eq3A_24 = vector.broadcast %iota3A : vector<1x64xi32> to vector<400x64xi32>
    %eq3A_25 = arith.cmpi eq, %eq3A_23, %eq3A_24 : vector<400x64xi32>
    %convert_element_type3A_26 = arith.extui %eq3A_25 : vector<400x64xi1> to vector<400x64xi32>
    %convert_element_type3A_27 = arith.sitofp %convert_element_type3A_26 : vector<400x64xi32> to vector<400x64xf32>
    %broadcast_in_dim3A = arith.constant 1.000000e+00 : f32
    %broadcast_in_dim3A_28 = vector.broadcast %broadcast_in_dim3A : f32 to vector<400x64xf32>
    %concatenate3A = tpu.concatenate %add3A_19, %broadcast_in_dim3A_28 in 1 : vector<400x64xf32>, vector<400x64xf32> -> vector<400x128xf32>
    %get3A_29 = arith.constant 0 : index
    %get3A_30 = arith.constant 0 : index
    %get3A_31 = vector.load %arg10[%get3A_29, %get3A_30] : memref<64x128xf32, #tpu.memory_space<vmem>>, vector<64x128xf32>
    %dot_general3A = arith.constant dense<0.000000e+00> : vector<64x128xf32>
    %dot_general3A_32 = tpu.matmul %convert_element_type3A_27, %concatenate3A, %dot_general3A {dimension_numbers = #tpu.dot_dimension_numbers<[0], [0], [1], [1], [0, 1, 1, 1], [], []>, precision = #tpu.contract_precision<fp32>, transpose_lhs_hint = false} : vector<400x64xf32>, vector<400x128xf32>, vector<64x128xf32> -> vector<64x128xf32>
    %add3A_33 = arith.addf %get3A_31, %dot_general3A_32 : vector<64x128xf32>
    %swap3A = arith.constant 0 : index
    %swap3A_34 = arith.constant 0 : index
    %swap3A_35 = vector.load %arg10[%swap3A, %swap3A_34] : memref<64x128xf32, #tpu.memory_space<vmem>>, vector<64x128xf32>
    tpu.vector_store %arg10[%swap3A, %swap3A_34], %add3A_33 {strides = array<i32>} : memref<64x128xf32, #tpu.memory_space<vmem>>, vector<64x128xf32>,
    %eq3A_36 = arith.constant 24 : i32
    %eq3A_37 = arith.cmpi eq, %arg0, %eq3A_36 : i32
    %convert_element_type3A_38 = arith.extui %eq3A_37 : i1 to i32
    %cond3A_39 = arith.constant 0 : i32
    %cond3A_40 = arith.cmpi ne, %convert_element_type3A_38, %cond3A_39 : i32
    scf.if %cond3A_40 {
      %get3A_41 = arith.constant 0 : index
      %get3A_42 = arith.constant 0 : index
      %get3A_43 = vector.load %arg10[%get3A_41, %get3A_42] : memref<64x128xf32, #tpu.memory_space<vmem>>, vector<64x128xf32>
      %slice3A_44 = vector.extract_strided_slice %get3A_43 {offsets = [0, 0], sizes = [64, 64], strides = [1, 1]} : vector<64x128xf32> to vector<64x64xf32>
      %slice3A_45 = vector.extract_strided_slice %get3A_43 {offsets = [0, 64], sizes = [64, 1], strides = [1, 1]} : vector<64x128xf32> to vector<64x1xf32>
      %max3A = arith.constant 1.000000e+00 : f32
      %max3A_46 = vector.broadcast %max3A : f32 to vector<64x1xf32>
      %max3A_47 = arith.maximumf %slice3A_45, %max3A_46 : vector<64x1xf32>
      %div3A_48 = vector.broadcast %max3A_47 : vector<64x1xf32> to vector<64x64xf32>
      %div3A_49 = arith.divf %slice3A_44, %div3A_48 : vector<64x64xf32>
      %get3A_50 = arith.constant 0 : index
      %get3A_51 = arith.constant 0 : index
      %get3A_52 = vector.load %arg5[%get3A_50, %get3A_51] : memref<64x32xf32, #tpu.memory_space<vmem>>, vector<64x32xf32>
      %dot_general3A_53 = arith.constant dense<0.000000e+00> : vector<64x32xf32>
      %dot_general3A_54 = tpu.matmul %div3A_49, %get3A_52, %dot_general3A_53 {dimension_numbers = #tpu.dot_dimension_numbers<[1], [0], [0], [1], [0, 0, 1, 1], [], []>, precision = #tpu.contract_precision<fp32>, transpose_lhs_hint = false} : vector<64x64xf32>, vector<64x32xf32>, vector<64x32xf32> -> vector<64x32xf32>
      %get3A_55 = arith.constant 0 : index
      %get3A_56 = arith.constant 0 : index
      %get3A_57 = vector.load %arg6[%get3A_55, %get3A_56] : memref<1x32xf32, #tpu.memory_space<vmem>>, vector<1x32xf32>
      %add3A_58 = vector.broadcast %get3A_57 : vector<1x32xf32> to vector<64x32xf32>
      %add3A_59 = arith.addf %dot_general3A_54, %add3A_58 : vector<64x32xf32>
      %max3A_60 = arith.constant 0.000000e+00 : f32
      %max3A_61 = vector.broadcast %max3A_60 : f32 to vector<64x32xf32>
      %max3A_62 = arith.maximumf %add3A_59, %max3A_61 : vector<64x32xf32>
      %get3A_63 = arith.constant 0 : index
      %get3A_64 = arith.constant 0 : index
      %get3A_65 = vector.load %arg7[%get3A_63, %get3A_64] : memref<32x8xf32, #tpu.memory_space<vmem>>, vector<32x8xf32>
      %dot_general3A_66 = arith.constant dense<0.000000e+00> : vector<64x8xf32>
      %dot_general3A_67 = tpu.matmul %max3A_62, %get3A_65, %dot_general3A_66 {dimension_numbers = #tpu.dot_dimension_numbers<[1], [0], [0], [1], [0, 0, 1, 1], [], []>, precision = #tpu.contract_precision<fp32>, transpose_lhs_hint = false} : vector<64x32xf32>, vector<32x8xf32>, vector<64x8xf32> -> vector<64x8xf32>
      %get3A_68 = arith.constant 0 : index
      %get3A_69 = arith.constant 0 : index
      %get3A_70 = vector.load %arg8[%get3A_68, %get3A_69] : memref<1x8xf32, #tpu.memory_space<vmem>>, vector<1x8xf32>
      %add3A_71 = vector.broadcast %get3A_70 : vector<1x8xf32> to vector<64x8xf32>
      %add3A_72 = arith.addf %dot_general3A_67, %add3A_71 : vector<64x8xf32>
      %swap3A_73 = arith.constant 0 : index
      %swap3A_74 = arith.constant 0 : index
      %swap3A_75 = vector.load %arg9[%swap3A_73, %swap3A_74] : memref<64x8xf32, #tpu.memory_space<vmem>>, vector<64x8xf32>
      tpu.vector_store %arg9[%swap3A_73, %swap3A_74], %add3A_72 {strides = array<i32>} : memref<64x8xf32, #tpu.memory_space<vmem>>, vector<64x8xf32>,
    } else {
    }
    return
  }
  func.func @transform_0(%arg0: i32) -> (i32, i32) {
    %c0_i32 = arith.constant 0 : i32
    %c0_i32_0 = arith.constant 0 : i32
    return %arg0, %c0_i32 : i32, i32
  }
  func.func @transform_1(%arg0: i32) -> (i32, i32) {
    %c0_i32 = arith.constant 0 : i32
    %c0_i32_0 = arith.constant 0 : i32
    return %arg0, %c0_i32 : i32, i32
  }
  func.func @transform_2(%arg0: i32) -> (i32, i32) {
    %c0_i32 = arith.constant 0 : i32
    %c0_i32_0 = arith.constant 0 : i32
    return %arg0, %c0_i32 : i32, i32
  }
  func.func @transform_3(%arg0: i32) -> (i32, i32) {
    %c0_i32 = arith.constant 0 : i32
    %c0_i32_0 = arith.constant 0 : i32
    %c0_i32_1 = arith.constant 0 : i32
    return %c0_i32, %c0_i32_0 : i32, i32
  }
  func.func @transform_4(%arg0: i32) -> (i32, i32) {
    %c0_i32 = arith.constant 0 : i32
    %c0_i32_0 = arith.constant 0 : i32
    %c0_i32_1 = arith.constant 0 : i32
    return %c0_i32, %c0_i32_0 : i32, i32
  }
  func.func @transform_5(%arg0: i32) -> (i32, i32) {
    %c0_i32 = arith.constant 0 : i32
    %c0_i32_0 = arith.constant 0 : i32
    %c0_i32_1 = arith.constant 0 : i32
    return %c0_i32, %c0_i32_0 : i32, i32
  }
  func.func @transform_6(%arg0: i32) -> (i32, i32) {
    %c0_i32 = arith.constant 0 : i32
    %c0_i32_0 = arith.constant 0 : i32
    %c0_i32_1 = arith.constant 0 : i32
    return %c0_i32, %c0_i32_0 : i32, i32
  }
  func.func @transform_7(%arg0: i32) -> (i32, i32) {
    %c0_i32 = arith.constant 0 : i32
    %c0_i32_0 = arith.constant 0 : i32
    %c0_i32_1 = arith.constant 0 : i32
    return %c0_i32, %c0_i32_0 : i32, i32
  }
  func.func @transform_8(%arg0: i32) -> (i32, i32) {
    %c0_i32 = arith.constant 0 : i32
    %c0_i32_0 = arith.constant 0 : i32
    %c0_i32_1 = arith.constant 0 : i32
    return %c0_i32, %c0_i32_0 : i32, i32
  }
}

</mosaic_0001>

<sc_bundles>
// kernel: kernel.11.cloned.1.call-start
scs
__scs_entry_jumppad:
0x0: {  	(pc) =	sbr.rel $0x88, $3  }
0x1: {  	(tag) =	ssettag $0x0;
	lr =	simm.s32 $0x1  }
0x2: {  	[smem:$0x3F8E] =	sst lr;
	_ =	strace $0xD0000000  }
0x3: {  	_ = 	snop  }
0x4: {  	_ = 	snop  }
0x5: {  	_ = 	snop  }
0x6: {  	_ = 	snop  }
0x7: {  	_ = 	snop  }
__scs_overlays_trampoline_lowered:
0x8: {  	[smem:$0x3F9D] =	sst s0  }
0x9: {  	[smem:$0x3F9E] =	sst s1  }
0xa: {  	[smem:$0x3F9F] =	sst s2  }
0xb: {  	[smem:$0x3FA0] =	sst s3  }
0xc: {  	[smem:$0x3FA1] =	sst s4  }
0xd: {  	[smem:$0x3FA2] =	sst s5  }
0xe: {  	[smem:$0x3FA3] =	sst s6  }
0xf: {  	[smem:$0x3FA4] =	sst s7  }
0x10: {  	[smem:$0x3FA5] =	sst s8  }
0x11: {  	[smem:$0x3FA6] =	sst s9;
	s0 =	simm.s32 @!p0 $0x0  }
0x12: {  	s1 =	sld [smem:$0x3F8C];
	s0 =	simm.s32 @p0 $0x1  }
0x13: {  	[smem:$0x3FA7] =	sst s0;
	s0 =	simm.s32 @!p1 $0x0  }
0x14: {  	s2 =	sld [smem:$0x3F8B];
	s0 =	simm.s32 @p1 $0x1  }
0x15: {  	[smem:$0x3FA8] =	sst s0;
	s0 =	simm.s32 @!p2 $0x0  }
0x16: {  	s3 =	sld [smem:$0x3FDB];
	s0 =	simm.s32 @p2 $0x1  }
0x17: {  	s4 =	simm.s32 $0x1BF5;
	[smem:$0x3FAA] =	sst s0  }
0x18: {  	s0 =	sld [smem:$0x3F8D];
	_ =	swait.ge [sflag:s4], $0x0  }
0x19: {  	s7 =	sld [smem:$0x3F8E]  }
0x1a: {  	s8 =	sadd.s32 $0xFFFFE003, lr  }
0x1b: {  	s9 =	sadd.s32 $0xFFFFFEF7, lr;
	s5 =	simm.s32 $0xFFFFFFFF;
	p2 =	slt.u32 s8, $0xFFFFF086  }
0x1c: {  	p1 =	slt.u32 s9, $0xF7A;
	s5 =	simm.s32 @!p2 $0x0  }
0x1d: {  	s5 =	simm.s32 @p1 $0x1;
	p0 =	seq.s32 s7, s2  }
0x1e: {  	s7 =	smul.u32 @!p0 $0xF7A, s2;
	p2 =	seq.s32 @!p0 s5, $0x0  }
0x1f: {  	s9 =	smul.u32 $0xF7A, s1;
	s8 =	simm.s32 @!p0 $0x1BF5;
	p2 =	por !p2, p0  }
0x20: {  	[sflag:s8] =	ssyncset.s32 @!p0 $0xFFFFF086;
	s6 =	sadd.s32 @!p0 s3, s7;
	s7 =	simm.s32 @!p0 $0x108  }
0x21: {  	s3 =	sadd.s32 s3, s9;
	s6 =	sadd.s32 @!p0 $0x88, s6;
	s7 =	simm.s32 @p2 $0x1082  }
0x22: {  	[simem:s7], [sflag:s8] =	dma.local @!p0 [hbm:s6], $0xF7A  }
0x23: {  	s9 =	sor.u32 $0xD0000000, s2;
	s6 =	simm.s32 $0x108;
	_ =	swait.ge @!p0 [sflag:s8], $0x0  }
0x24: {  	s3 =	sadd.s32 $0x88, s3;
	s6 =	simm.s32 @!p1 $0x1082;
	[sflag:s4] =	ssyncset.s32 $0xFFFFF086  }
0x25: {  	[simem:s6], [sflag:s4] =	dma.local [hbm:s3], $0xF7A  }
0x26: {  	[smem:$0x3F8E] =	sst s1;
	(tag) =	ssettag s2;
	_ =	strace s9  }
0x27: {  	s1 =	sld [smem:$0x3F9E]  }
0x28: {  	s2 =	sld [smem:$0x3F9F]  }
0x29: {  	s4 =	sld [smem:$0x3FA1]  }
0x2a: {  	p0 =	seq.s32 s5, $0x0;
	s5 =	sld [smem:$0x3FA2]  }
0x2b: {  	s6 =	sld [smem:$0x3FA3]  }
0x2c: {  	s7 =	sld [smem:$0x3FA4]  }
0x2d: {  	s3 =	simm.s32 $0x108;
	s8 =	sld [smem:$0x3FA5]  }
0x2e: {  	s3 =	simm.s32 @!p0 $0x1082;
	s9 =	sld [smem:$0x3FA6]  }
0x2f: {  	lr =	sadd.s32 s0, s3;
	s0 =	sld [smem:$0x3F9D]  }
0x30: {  	s3 =	sld [smem:$0x3FA0]  }
0x31: {  	[smem:$0x3FA9] =	sst s10  }
0x32: {  	s10 =	sld [smem:$0x3FA7];
	_ =	sdelay $0x3  }
0x33: {  	p0 =	seq.s32 s10, $0x1;
	s10 =	sld [smem:$0x3FA9];
	_ =	sdelay $0x3  }
0x34: {  	[smem:$0x3FA9] =	sst s10  }
0x35: {  	s10 =	sld [smem:$0x3FA8];
	_ =	sdelay $0x3  }
0x36: {  	p1 =	seq.s32 s10, $0x1;
	s10 =	sld [smem:$0x3FA9];
	_ =	sdelay $0x3  }
0x37: {  	[smem:$0x3FA9] =	sst s10  }
0x38: {  	s10 =	sld [smem:$0x3FAA]  }
0x39: {  	_ = 	snop;
	(pc) =	sbr.ind lr, $3  }
0x3a: {  	_ = 	snop  }
0x3b: {  	_ = 	snop  }
0x3c: {  	p2 =	seq.s32 s10, $0x1;
	s10 =	sld [smem:$0x3FA9]  }
0x3d: {  	_ =	shalt  }
0x3e: {  	_ =	shalt  }
0x3f: {  	_ =	shalt  }
0x40: {  	_ =	shalt  }
0x41: {  	_ =	shalt  }
0x42: {  	_ =	shalt  }
0x43: {  	_ =	shalt  }
0x44: {  	_ =	shalt  }
0x45: {  	_ =	shalt  }
0x46: {  	_ =	shalt  }
0x47: {  	_ =	shalt  }
0x48: {  	_ =	shalt  }
0x49: {  	_ =	shalt  }
0x4a: {  	_ =	shalt  }
0x4b: {  	_ =	shalt  }
0x4c: {  	_ =	shalt  }
0x4d: {  	_ =	shalt  }
0x4e: {  	_ =	shalt  }
0x4f: {  	_ =	shalt  }
0x50: {  	_ =	shalt  }
0x51: {  	_ =	shalt  }
0x52: {  	_ =	shalt  }
0x53: {  	_ =	shalt  }
0x54: {  	_ =	shalt  }
0x55: {  	_ =	shalt  }
0x56: {  	_ =	shalt  }
0x57: {  	_ =	shalt  }
0x58: {  	_ =	shalt  }
0x59: {  	_ =	shalt  }
0x5a: {  	_ =	shalt  }
0x5b: {  	_ =	shalt  }
0x5c: {  	_ =	shalt  }
0x5d: {  	_ =	shalt  }
0x5e: {  	_ =	shalt  }
0x5f: {  	_ =	shalt  }
0x60: {  	_ =	shalt  }
0x61: {  	_ =	shalt  }
0x62: {  	_ =	shalt  }
0x63: {  	_ =	shalt  }
0x64: {  	_ =	shalt  }
0x65: {  	_ =	shalt  }
0x66: {  	_ =	shalt  }
0x67: {  	_ =	shalt  }
0x68: {  	_ =	shalt  }
0x69: {  	_ =	shalt  }
0x6a: {  	_ =	shalt  }
0x6b: {  	_ =	shalt  }
0x6c: {  	_ =	shalt  }
0x6d: {  	_ =	shalt  }
0x6e: {  	_ =	shalt  }
0x6f: {  	_ =	shalt  }
0x70: {  	_ =	shalt  }
0x71: {  	_ =	shalt  }
0x72: {  	_ =	shalt  }
0x73: {  	_ =	shalt  }
0x74: {  	_ =	shalt  }
0x75: {  	_ =	shalt  }
0x76: {  	_ =	shalt  }
0x77: {  	_ =	shalt  }
0x78: {  	_ =	shalt  }
0x79: {  	_ =	shalt  }
0x7a: {  	_ =	shalt  }
0x7b: {  	_ =	shalt  }
0x7c: {  	_ =	shalt  }
0x7d: {  	_ =	shalt  }
0x7e: {  	_ =	shalt  }
0x7f: {  	_ =	shalt  }
0x80: {  	_ =	shalt  }
0x81: {  	_ =	shalt  }
0x82: {  	_ =	shalt  }
0x83: {  	_ =	shalt  }
0x84: {  	_ =	shalt  }
0x85: {  	_ =	shalt  }
0x86: {  	_ =	shalt  }
0x87: {  	_ =	shalt  }
.Lfunc_end0:
.L_simem_size_0:
called_computation_lowered:
.L_overlay_start_0:
0x88: {  	s2 =	sld [smem:$0x3FD9]  }
0x89: {  	s3 =	sld [smem:$0x3FFE];
	_ =	sdelay $0x1  }
0x8a: {  	s1 =	srdreg.scid  }
0x8b: {  	s0 =	sand.u32 $0x1, s1  }
0x8c: {  	s16 =	sshll.u32 s0, $0xA;
	s2 =	sadd.s32 s3, s2  }
0x8d: {  	s2 =	sadd.s32 s2, s16  }
0x8e: {  	[smem:$0x3FB5] =	sst s2  }
0x8f: {  	_ = 	snop  }
0x90: {  	(tm) =	ssettm $0x1  }
0x91: {  	s17 =	sld [smem:$0x3FFB];
	_ =	sdelay $0x3  }
0x92: {  	_ =	strace s17  }
0x93: {  	s2 =	sld [smem:$0x3FFC];
	_ =	sdelay $0x3  }
0x94: {  	_ =	strace s2  }
0x95: {  	s2 =	sld [smem:$0x3FFD];
	_ =	sdelay $0x3  }
0x96: {  	_ =	strace s2  }
0x97: {  	_ =	strace $0x8FFFFFFF  }
0x98: {  	s18 =	sld [smem:$0x3FDB];
	_ =	sdelay $0x1  }
0x99: {  	s19 =	simm.s32 $_scs_section_size  }
0x9a: {  	s4 =	simm.s32 $_size__tile_overlayer_lowered;
	s5 =	simm.s32 $_tile_overlayer_lowered  }
0x9b: {  	s22 =	simm.s32 $0x1BFF;
	s21 =	sshll.u32 s5, $0x1;
	s2 =	sadd.s32 s19, s18  }
0x9c: {  	s6 =	simm.s32 $0x0;
	s20 =	sshll.u32 s4, $0x1;
	s4 =	sadd.s32 s21, s2  }
0x9d: {  	[timem:s6], [sflag:s22] =	dma.local [hbm:s4], s20  }
0x9e: {  	_ =	swait.ge [sflag:s22], s20  }
0x9f: {  	s3 =	ssub.s32 $0x0, s20;
	[sflag:s22] =	ssyncset.done $0x0  }
0xa0: {  	[sflag:s22] =	ssyncadd.s32 s3;
	_ =	sdelay $0x1  }
0xa1: {  	s23 =	simm.s32 $0x1B8B  }
0xa2: {  	_ =	swait.ge [sflag:s23], $0x1  }
0xa3: {  	[sflag:s23] =	ssyncset.done $0x0  }
0xa4: {  	s25 =	simm.s32 $0x1B8E;
	s24 =	sld [smem:$0x3FFE];
	[sflag:s23] =	ssyncadd.s32 $0xFFFFFFFF  }
0xa5: {  	s26 =	simm.s32 $execute0_lowered;
	[smem:$0x3FD2] =	sst s25  }
0xa6: {  	s4 =	sshll.u32 s26, $0x1;
	_ =	strace $0x80000046;
	[dreg:$0x1] =	wrdreg $0xFFFFFFFF  }
0xa7: {  	s28 =	simm.s32 $_size_execute0_lowered;
	s2 =	sadd.s32 s2, s4;
	[dreg:$0x0] =	wrdreg $0x0  }
0xa8: {  	s4 =	sshll.u32 s28, $0x1;
	[dreg:$0x2] =	wrdreg s2  }
0xa9: {  	[dreg:$0x3] =	wrdreg s4  }
0xaa: {  	[dreg:$0x4] =	wrdreg $0xC0  }
0xab: {  	_ =	task [dreg:s6], $0x5FFFF  }
0xac: {  	[dreg:$0x1] =	wrdreg $0xFFFFFFFF  }
0xad: {  	[dreg:$0x0] =	wrdreg $0x60  }
0xae: {  	[dreg:$0x2] =	wrdreg s24  }
0xaf: {  	[dreg:$0x3] =	wrdreg $0x97A00  }
0xb0: {  	[dreg:$0x4] =	wrdreg $0x9  }
0xb1: {  	_ =	task.clear_ibuf [dreg:s6], $0x5FFFF;
	_ =	strace $0x90000046  }
0xb2: {  	s29 =	simm.s32 $0x9;
	_ =	strace $0x80000048  }
0xb3: {  	_ =	swait.ge [sflag:s29], $0x1  }
0xb4: {  	[sflag:s29] =	ssyncadd.s32 $0xFFFFFFFF  }
0xb5: {  	_ =	strace $0x90000048  }
0xb6: {  	_ =	sfence  }
0xb7: {  	s30 =	sld [smem:$0x0];
	_ =	sdelay $0x2  }
0xb8: {  	s31 =	sshll.u32 s1, $0xD;
	s1 =	sshrl.u32 s1, $0x2  }
0xb9: {  	s3 =	sand.u32 $0x4000, s31;
	s1 =	sadd.s32 s1, s30  }
0xba: {  	s0 =	sor.u32 s3, s0;
	s1 =	sshll.u32 s1, $0x11  }
0xbb: {  	s0 =	sor.u32 s1, s0  }
0xbc: {  	s0 =	sadd.s32 $0x8F2B, s0  }
0xbd: {  	[sflag:s0] =	ssyncadd.remote.s32 $0x1  }
0xbe: {  	_ =	sfence.sel $0xFFFF  }
0xbf: {  	[dreg:$0x0] =	wrdreg $0xFFFFFFFF;
	(pc) =	sbr.abs _section_cstart, $3  }
0xc0: {  	[dreg:$0x1] =	wrdreg $0xFFFFFFFF  }
0xc1: {  	_ =	task.clear_ibuf [dreg:s6], $0x2FFFF;
	_ =	strace $0x9FFFFFFF  }
0xc2: {  	(tm) =	ssettm $0x7FFFFFFF  }
0xc3: {  	_ =	shalt  }
tec
execute0_lowered:
.L_overlay_start_1:
0x0: {  	(tag) =	ssettag $0x1  }
0x1: {  	s0 =	rddreg [dreg:$0x0]  }
0x2: {  	s1 =	rddreg [dreg:$0x1]  }
0x3: {  	s2 =	simm.s32 $0x0;
	s3 =	srdreg.scid;
	s17 =	stileid.u32  }
0x4: {  	s28 =	simm.s32 $0x96A0;
	s29 =	simm.s32 $0x4E20;
	s30 =	simm.s32 $0x1  }
0x5: {  	s31 =	simm.s32 $0x0;
	[smem:$0x7FF] =	sst s2;
	s12 =	smul.u32 $0x280, s17  }
0x6: {  	s3 =	sand.u32 $0x1, s3;
	s4 =	sadd.s32 $0x32800, s0;
	s13 =	smul.u32 $0x32000, s17  }
0x7: {  	s5 =	sadd.s32 $0x28600, s0;
	s6 =	sadd.s32 $0x1400, s0;
	s7 =	smul.u32 $0x2710, s3  }
0x8: {  	_ =	strace $0x80000047;
	s9 =	ssub.s32 $0x2, s3;
	s3 =	smul.u32 $0x2800, s3  }
0x9: {  	s10 =	sshrl.u32 s9, $0x1;
	s14 =	sadd.s32 $0x80, s12;
	s19 =	sshrl.u32 s13, $0x2  }
0xa: {  	s22 =	sadd.s32 $0x14000, s13;
	s15 =	sadd.s32 $0x1E000, s13;
	s13 =	sadd.s32 $0x28000, s13  }
0xb: {  	s8 =	sshrl.u32 s7, $0x3;
	s16 =	ssub.s32 s9, s10;
	s20 =	smul.u32 $0x140, s14  }
0xc: {  	s9 =	sadd.s32 s19, s1;
	s23 =	sshrl.u32 s22, $0x2;
	s24 =	sshrl.u32 s15, $0x2  }
0xd: {  	s12 =	sadd.s32 s12, s3;
	s3 =	sadd.s32 s3, s14;
	s26 =	sshrl.u32 s13, $0x2  }
0xe: {  	s14 =	smul.u32 $0x5100, s17;
	s22 =	simm.s32 $0x2710;
	s8 =	sadd.s32 s8, s0  }
0xf: {  	s0 =	sadd.s32 $0x50A00, s0;
	s25 =	smul.u32 $0xA, s12;
	s12 =	sadd.s32 s24, s1  }
0x10: {  	s3 =	smul.u32 $0xA, s3;
	s13 =	sadd.s32 s26, s1;
	s24 =	simm.s32 $0x9620  }
0x11: {  	v0 =	vlaneseq.u32;
	s26 =	simm.s32 $0x80;
	s11 =	sadd.s32 $0x50000, s8;
	s8 =	sadd.s32 $0x4F600, s8  }
0x12: {  	v9 =	vmul.u32 $0x50, v0;
	s21 =	sshrl.u32 s20, $0x2;
	s20 =	smax.u32 s16, $0x1;
	[dreg:$0x3] =	wrdreg s11  }
0x13: {  	v1 =	vimm.f32 $0.0e+00;
	[dreg:$0x4] =	wrdreg s8;
	s10 =	sadd.s32 s21, s1;
	s11 =	sadd.s32 s23, s1  }
0x14: {  	v2 =	vadd.s32 $0x40, v9;
	v3 =	vadd.s32 $0x540, v9;
	v4 =	vadd.s32 $0xA40, v9;
	s15 =	sadd.s32 s0, s25;
	s0 =	sadd.s32 s0, s3;
	s21 =	simm.s32 $0x2  }
0x15: {  	v5 =	vadd.s32 $0xF40, v9;
	v6 =	vadd.s32 $0x1440, v9;
	v7 =	vadd.s32 $0x1940, v9;
	s23 =	simm.s32 $0x6E20;
	s25 =	simm.s32 $0x9720;
	[dreg:$0x5] =	wrdreg s0  }
0x16: {  	v8 =	vadd.s32 $0x1E40, v9;
	v9 =	vadd.s32 $0x2340, v9;
	v0 =	vmov s7;
	s17 =	sadd.s32 $0xA00, s15;
	s18 =	sadd.s32 $0xF00, s15;
	s19 =	sadd.s32 $0x1400, s15  }
.LBB2_1:
0x17: {  	s0 =	rddreg [dreg:$0x3]  }
0x18: {  	[tilespmem:s2], [sflag:$0x2] =	stream.linear.gather [hbm4b:s0+s2], $0x2710, $0x38;
	[tilespmem:$0x15FA0] =	vst v63  }
0x19: {  	_ =	swait.ge [sflag:s21], $0x2710  }
0x1a: {  	[sflag:s21] =	ssyncset.done $0x0  }
0x1b: {  	s16 =	rddreg [dreg:$0x4];
	[sflag:s21] =	ssyncadd.s32 $0xFFFFD8F0  }
0x1c: {  	[tilespmem:s22], [sflag:$0x2] =	stream.linear.gather [hbm4b:s16+s2], $0x2710, $0x38;
	[tilespmem:$0x15FA0] =	vst v63  }
0x1d: {  	_ =	swait.ge [sflag:s21], $0x2710  }
0x1e: {  	[sflag:s21] =	ssyncset.done $0x0  }
0x1f: {  	s3 =	simm.s32 $0x140;
	s0 =	simm.s32 $0x0;
	[sflag:s21] =	ssyncadd.s32 $0xFFFFD8F0  }
.LBB2_2:
0x20: {  	p0 =	sne.s32 s3, $0x9EC0;
	[tilespmem:s0+$0x6E60] =	vst v1;
	s7 =	smov.u32 s3;
	s3 =	sadd.s32 $0x140, s3  }
.Ltmp0:
0x21: {  	[tilespmem:s0+$0x6E50] =	vst v1;
	(pc) =	sbr.rel @p0 .LBB2_2-.Ltmp0, $4  }
0x22: {  	[tilespmem:s0+$0x6E40] =	vst v1  }
0x23: {  	[tilespmem:s0+$0x6E20] =	vst v1  }
0x24: {  	[tilespmem:s0+$0x6E30] =	vst v1  }
0x25: {  	s0 =	sshra.s32 s7, $0x2  }
0x26: {  	[tilespmem:s0+$0x6E60] =	vst v1  }
0x27: {  	[tilespmem:s0+$0x6E50] =	vst v1  }
0x28: {  	[tilespmem:s0+$0x6E40] =	vst v1  }
0x29: {  	[tilespmem:s0+$0x6E20] =	vst v1  }
0x2a: {  	[tilespmem:s0+$0x6E30] =	vst v1  }
0x2b: {  	[spmem:s9] =	stream.linear.scatter [tilespmem:s23], [sflag:$0x2], $0x2800, $0x38;
	[tilespmem:$0x15FA0] =	vst v63  }
0x2c: {  	_ =	swait.ge [sflag:s21], $0x2800  }
0x2d: {  	[sflag:s21] =	ssyncset.done $0x0  }
0x2e: {  	[sflag:s21] =	ssyncadd.s32 $0xFFFFD800  }
0x2f: {  	[spmem:s10] =	stream.linear.scatter [tilespmem:s23], [sflag:$0x2], $0x2800, $0x38;
	[tilespmem:$0x15FA0] =	vst v63  }
0x30: {  	_ =	swait.ge [sflag:s21], $0x2800  }
0x31: {  	[sflag:s21] =	ssyncset.done $0x0  }
0x32: {  	[sflag:s21] =	ssyncadd.s32 $0xFFFFD800  }
0x33: {  	[spmem:s11] =	stream.linear.scatter [tilespmem:s23], [sflag:$0x2], $0x2800, $0x38;
	[tilespmem:$0x15FA0] =	vst v63  }
0x34: {  	_ =	swait.ge [sflag:s21], $0x2800  }
0x35: {  	[sflag:s21] =	ssyncset.done $0x0  }
0x36: {  	[sflag:s21] =	ssyncadd.s32 $0xFFFFD800  }
0x37: {  	[spmem:s12] =	stream.linear.scatter [tilespmem:s23], [sflag:$0x2], $0x2800, $0x38;
	[tilespmem:$0x15FA0] =	vst v63  }
0x38: {  	_ =	swait.ge [sflag:s21], $0x2800  }
0x39: {  	[sflag:s21] =	ssyncset.done $0x0  }
0x3a: {  	[sflag:s21] =	ssyncadd.s32 $0xFFFFD800  }
0x3b: {  	[spmem:s13] =	stream.linear.scatter [tilespmem:s23], [sflag:$0x2], $0x2800, $0x38;
	[tilespmem:$0x15FA0] =	vst v63  }
0x3c: {  	_ =	swait.ge [sflag:s21], $0x2800  }
0x3d: {  	[sflag:s21] =	ssyncset.done $0x0  }
0x3e: {  	[sflag:s21] =	ssyncadd.s32 $0xFFFFD800  }
0x3f: {  	s0 =	simm.s32 $0x0;
	s3 =	simm.s32 $0x0;
	[bflag:$0x0] =	sbarrier.arrive $0xFFFF  }
.LBB2_4:
0x40: {  	s7 =	sshll.u32 s3, $0x7  }
0x41: {  	s7 =	sadd.s32 s14, s7  }
0x42: {  	s7 =	sshrl.u32 s7, $0x3  }
0x43: {  	s8 =	sadd.s32 s4, s7  }
0x44: {  	[tilespmem:s24], [sflag:$0x2] =	stream.linear.gather [hbm4b:s8+s0], $0x80, $0x38;
	[tilespmem:$0x15FA0] =	vst v63  }
0x45: {  	_ =	swait.ge [sflag:s21], $0x80  }
0x46: {  	[sflag:s21] =	ssyncset.done $0x0  }
0x47: {  	s7 =	sadd.s32 s5, s7;
	[sflag:s21] =	ssyncadd.s32 $0xFFFFFF80  }
0x48: {  	[tilespmem:s25], [sflag:$0x2] =	stream.linear.gather [hbm4b:s7+s0], $0x80, $0x38;
	[tilespmem:$0x15FA0] =	vst v63  }
0x49: {  	_ =	swait.ge [sflag:s21], $0x80  }
0x4a: {  	[sflag:s21] =	ssyncset.done $0x0  }
0x4b: {  	[sflag:s21] =	ssyncadd.s32 $0xFFFFFF80  }
0x4c: {  	v10 =	vld [tilespmem:$0x9620]  }
0x4d: {  	v11 =	vld [tilespmem:$0x9630]  }
0x4e: {  	v12 =	vld [tilespmem:$0x9640]  }
0x4f: {  	v13 =	vld [tilespmem:$0x9650]  }
0x50: {  	v14 =	vld [tilespmem:$0x9660]  }
0x51: {  	v15 =	vld [tilespmem:$0x9670];
	v10 =	vadd.s32 v0, v10  }
0x52: {  	[tilespmem:$0x96A0] =	vst v10;
	v10 =	vadd.s32 v0, v11;
	v11 =	vld [tilespmem:$0x9680]  }
0x53: {  	v63 =	vld [tilespmem:$0x9690];
	[tilespmem:$0x96B0] =	vst v10;
	v10 =	vadd.s32 v0, v12  }
0x54: {  	[tilespmem:$0x96C0] =	vst v10;
	v10 =	vadd.s32 v0, v13  }
0x55: {  	[tilespmem:$0x96D0] =	vst v10;
	v10 =	vadd.s32 v0, v14  }
0x56: {  	[tilespmem:$0x96E0] =	vst v10;
	v10 =	vadd.s32 v0, v15  }
0x57: {  	[tilespmem:$0x96F0] =	vst v10;
	v10 =	vadd.s32 v0, v11  }
0x58: {  	[tilespmem:$0x9700] =	vst v10;
	v10 =	vadd.s32 v0, v63  }
0x59: {  	[tilespmem:$0x9710] =	vst v10  }
0x5a: {  	[tilespmem:s29], [sflag:$0x1] =	stream.indirect.gather [hbm4b:s6+s26], $0x40, s28, s26, $0xb8;
	[tilespmem:$0x15FA0] =	vst v63  }
0x5b: {  	v10 =	vld [tilespmem:$0x9620]  }
0x5c: {  	v11 =	vld [tilespmem:$0x9720];
	_ =	sdelay $0x6  }
0x5d: {  	v10 =	vld.idx.msk [tilespmem:v10+s0+$0x0], $0xffff  }
0x5e: {  	v11 =	vld.idx.msk [tilespmem:v11+s22+$0x0], $0xffff;
	_ =	sdelay $0x4  }
0x5f: {  	v10 =	vadd.f32 v11, v10;
	_ =	sdelay $0x1  }
0x60: {  	v11 =	vmul.f32 $2.000000030e-01, v10;
	_ =	sdelay $0x1  }
0x61: {  	v10 =	vmax.f32 v10, v11  }
0x62: {  	v10 =	vmul.f32 $1.442695020e+00, v10;
	_ =	sdelay $0x1  }
0x63: {  	(erf) = vpow2.f32 v10;
	_ =	sdelay $0x8  }
0x64: {  	v10 =	vpop (erf)  }
0x65: {  	[tilespmem:v2+s23+$0x0] =	vst.idx.msk $0xffff, v10  }
0x66: {  	v10 =	vld [tilespmem:$0x9630]  }
0x67: {  	v11 =	vld [tilespmem:$0x9730];
	_ =	sdelay $0x6  }
0x68: {  	v10 =	vld.idx.msk [tilespmem:v10+s0+$0x0], $0xffff  }
0x69: {  	v11 =	vld.idx.msk [tilespmem:v11+s22+$0x0], $0xffff;
	_ =	sdelay $0x4  }
0x6a: {  	v10 =	vadd.f32 v11, v10;
	_ =	sdelay $0x1  }
0x6b: {  	v11 =	vmul.f32 $2.000000030e-01, v10;
	_ =	sdelay $0x1  }
0x6c: {  	v10 =	vmax.f32 v10, v11  }
0x6d: {  	v10 =	vmul.f32 $1.442695020e+00, v10;
	_ =	sdelay $0x1  }
0x6e: {  	(erf) = vpow2.f32 v10;
	_ =	sdelay $0x8  }
0x6f: {  	v10 =	vpop (erf)  }
0x70: {  	[tilespmem:v3+s23+$0x0] =	vst.idx.msk $0xffff, v10  }
0x71: {  	v10 =	vld [tilespmem:$0x9640]  }
0x72: {  	v11 =	vld [tilespmem:$0x9740];
	_ =	sdelay $0x6  }
0x73: {  	v10 =	vld.idx.msk [tilespmem:v10+s0+$0x0], $0xffff  }
0x74: {  	v11 =	vld.idx.msk [tilespmem:v11+s22+$0x0], $0xffff;
	_ =	sdelay $0x4  }
0x75: {  	v10 =	vadd.f32 v11, v10;
	_ =	sdelay $0x1  }
0x76: {  	v11 =	vmul.f32 $2.000000030e-01, v10;
	_ =	sdelay $0x1  }
0x77: {  	v10 =	vmax.f32 v10, v11  }
0x78: {  	v10 =	vmul.f32 $1.442695020e+00, v10;
	_ =	sdelay $0x1  }
0x79: {  	(erf) = vpow2.f32 v10;
	_ =	sdelay $0x8  }
0x7a: {  	v10 =	vpop (erf)  }
0x7b: {  	[tilespmem:v4+s23+$0x0] =	vst.idx.msk $0xffff, v10  }
0x7c: {  	v10 =	vld [tilespmem:$0x9650]  }
0x7d: {  	v11 =	vld [tilespmem:$0x9750];
	_ =	sdelay $0x6  }
0x7e: {  	v10 =	vld.idx.msk [tilespmem:v10+s0+$0x0], $0xffff  }
0x7f: {  	v11 =	vld.idx.msk [tilespmem:v11+s22+$0x0], $0xffff;
	_ =	sdelay $0x4  }
0x80: {  	v10 =	vadd.f32 v11, v10;
	_ =	sdelay $0x1  }
0x81: {  	v11 =	vmul.f32 $2.000000030e-01, v10;
	_ =	sdelay $0x1  }
0x82: {  	v10 =	vmax.f32 v10, v11  }
0x83: {  	v10 =	vmul.f32 $1.442695020e+00, v10;
	_ =	sdelay $0x1  }
0x84: {  	(erf) = vpow2.f32 v10;
	_ =	sdelay $0x8  }
0x85: {  	v10 =	vpop (erf)  }
0x86: {  	[tilespmem:v5+s23+$0x0] =	vst.idx.msk $0xffff, v10  }
0x87: {  	v10 =	vld [tilespmem:$0x9660]  }
0x88: {  	v11 =	vld [tilespmem:$0x9760];
	_ =	sdelay $0x6  }
0x89: {  	v10 =	vld.idx.msk [tilespmem:v10+s0+$0x0], $0xffff  }
0x8a: {  	v11 =	vld.idx.msk [tilespmem:v11+s22+$0x0], $0xffff;
	_ =	sdelay $0x4  }
0x8b: {  	v10 =	vadd.f32 v11, v10;
	_ =	sdelay $0x1  }
0x8c: {  	v11 =	vmul.f32 $2.000000030e-01, v10;
	_ =	sdelay $0x1  }
0x8d: {  	v10 =	vmax.f32 v10, v11  }
0x8e: {  	v10 =	vmul.f32 $1.442695020e+00, v10;
	_ =	sdelay $0x1  }
0x8f: {  	(erf) = vpow2.f32 v10;
	_ =	sdelay $0x8  }
0x90: {  	v10 =	vpop (erf)  }
0x91: {  	[tilespmem:v6+s23+$0x0] =	vst.idx.msk $0xffff, v10  }
0x92: {  	v10 =	vld [tilespmem:$0x9670]  }
0x93: {  	v11 =	vld [tilespmem:$0x9770];
	_ =	sdelay $0x6  }
0x94: {  	v10 =	vld.idx.msk [tilespmem:v10+s0+$0x0], $0xffff  }
0x95: {  	v11 =	vld.idx.msk [tilespmem:v11+s22+$0x0], $0xffff;
	_ =	sdelay $0x4  }
0x96: {  	v10 =	vadd.f32 v11, v10;
	_ =	sdelay $0x1  }
0x97: {  	v11 =	vmul.f32 $2.000000030e-01, v10;
	_ =	sdelay $0x1  }
0x98: {  	v10 =	vmax.f32 v10, v11  }
0x99: {  	v10 =	vmul.f32 $1.442695020e+00, v10;
	_ =	sdelay $0x1  }
0x9a: {  	(erf) = vpow2.f32 v10;
	_ =	sdelay $0x8  }
0x9b: {  	v10 =	vpop (erf)  }
0x9c: {  	[tilespmem:v7+s23+$0x0] =	vst.idx.msk $0xffff, v10  }
0x9d: {  	v10 =	vld [tilespmem:$0x9680]  }
0x9e: {  	v11 =	vld [tilespmem:$0x9780];
	_ =	sdelay $0x6  }
0x9f: {  	v10 =	vld.idx.msk [tilespmem:v10+s0+$0x0], $0xffff  }
0xa0: {  	v11 =	vld.idx.msk [tilespmem:v11+s22+$0x0], $0xffff;
	_ =	sdelay $0x4  }
0xa1: {  	v10 =	vadd.f32 v11, v10;
	_ =	sdelay $0x1  }
0xa2: {  	v11 =	vmul.f32 $2.000000030e-01, v10;
	_ =	sdelay $0x1  }
0xa3: {  	v10 =	vmax.f32 v10, v11  }
0xa4: {  	v10 =	vmul.f32 $1.442695020e+00, v10;
	_ =	sdelay $0x1  }
0xa5: {  	(erf) = vpow2.f32 v10;
	_ =	sdelay $0x8  }
0xa6: {  	v10 =	vpop (erf)  }
0xa7: {  	[tilespmem:v8+s23+$0x0] =	vst.idx.msk $0xffff, v10  }
0xa8: {  	v10 =	vld [tilespmem:$0x9690]  }
0xa9: {  	v11 =	vld [tilespmem:$0x9790];
	_ =	sdelay $0x6  }
0xaa: {  	v10 =	vld.idx.msk [tilespmem:v10+s0+$0x0], $0xffff  }
0xab: {  	v11 =	vld.idx.msk [tilespmem:v11+s22+$0x0], $0xffff;
	_ =	sdelay $0x4  }
0xac: {  	v10 =	vadd.f32 v11, v10;
	_ =	sdelay $0x1  }
0xad: {  	v11 =	vmul.f32 $2.000000030e-01, v10;
	_ =	sdelay $0x1  }
0xae: {  	v10 =	vmax.f32 v10, v11  }
0xaf: {  	v10 =	vmul.f32 $1.442695020e+00, v10;
	_ =	sdelay $0x1  }
0xb0: {  	(erf) = vpow2.f32 v10;
	_ =	sdelay $0x8  }
0xb1: {  	v10 =	vpop (erf)  }
0xb2: {  	[tilespmem:v9+s23+$0x0] =	vst.idx.msk $0xffff, v10  }
0xb3: {  	_ =	swait.ge [sflag:s30], $0x2000  }
0xb4: {  	[sflag:s30] =	ssyncset.done $0x0  }
0xb5: {  	s7 =	simm.s32 $0x6E40;
	[sflag:s30] =	ssyncadd.s32 $0xFFFFE000  }
0xb6: {  	s16 =	simm.s32 $0x0;
	s8 =	simm.s32 $0x100;
	v10 =	vld.msk [tilespmem:s7+$0x20 ss:$0x0], $0xffff  }
.LBB2_5:
0xb7: {  	p0 =	sne.s32 s8, $0x7F00;
	v11 =	vld [tilespmem:s16+$0x4E20];
	_ =	sdelay $0x4  }
0xb8: {  	v11 =	vmul.f32 v10, v11;
	_ =	sdelay $0x1  }
0xb9: {  	[tilespmem:s7+$0xFFFFFFE0] =	vst v11  }
0xba: {  	v11 =	vld [tilespmem:s16+$0x4E30];
	_ =	sdelay $0x4  }
0xbb: {  	v11 =	vmul.f32 v11, v10;
	_ =	sdelay $0x1  }
0xbc: {  	[tilespmem:s7+$0xFFFFFFF0] =	vst v11  }
0xbd: {  	v11 =	vld [tilespmem:s16+$0x4E40];
	_ =	sdelay $0x4  }
0xbe: {  	v11 =	vmul.f32 v11, v10;
	_ =	sdelay $0x1  }
0xbf: {  	[tilespmem:s7+$0x0] =	vst v11  }
0xc0: {  	v11 =	vld [tilespmem:s16+$0x4E50];
	_ =	sdelay $0x3  }
.Ltmp1:
0xc1: {  	(pc) =	sbr.rel @p0 .LBB2_5-.Ltmp1, $3  }
0xc2: {  	v10 =	vmul.f32 v11, v10;
	_ =	sdelay $0x1  }
0xc3: {  	[tilespmem:s7+$0x10] =	vst v10;
	s7 =	sadd.s32 $0x50, s7  }
0xc4: {  	s16 =	sshra.s32 s8, $0x2;
	s8 =	sadd.s32 $0x100, s8;
	v10 =	vld.msk [tilespmem:s7+$0x20 ss:$0x0], $0xffff  }
0xc5: {  	v11 =	vld [tilespmem:s16+$0x4E20];
	_ =	sdelay $0x4  }
0xc6: {  	v11 =	vmul.f32 v10, v11;
	_ =	sdelay $0x1  }
0xc7: {  	[tilespmem:s7+$0xFFFFFFE0] =	vst v11  }
0xc8: {  	v11 =	vld [tilespmem:s16+$0x4E30];
	_ =	sdelay $0x4  }
0xc9: {  	v11 =	vmul.f32 v11, v10;
	_ =	sdelay $0x1  }
0xca: {  	[tilespmem:s7+$0xFFFFFFF0] =	vst v11  }
0xcb: {  	v11 =	vld [tilespmem:s16+$0x4E40];
	_ =	sdelay $0x4  }
0xcc: {  	v11 =	vmul.f32 v11, v10;
	_ =	sdelay $0x1  }
0xcd: {  	[tilespmem:s7+$0x0] =	vst v11  }
0xce: {  	v11 =	vld [tilespmem:s16+$0x4E50];
	_ =	sdelay $0x4  }
0xcf: {  	s3 =	sadd.s32 $0x1, s3;
	v10 =	vmul.f32 v11, v10  }
0xd0: {  	p0 =	sne.s32 s3, $0xA2  }
.Ltmp2:
0xd1: {  	[tilespmem:s7+$0x10] =	vst v10;
	(pc) =	sbr.rel @p0 .LBB2_4-.Ltmp2, $4  }
0xd2: {  	[spmem:s1] =	stream.indirect.scatter.add.f32 [tilespmem:s23], [sflag:$0x2], $0x50, s25, s26, $0xb8;
	[tilespmem:$0x15FA0] =	vst v63  }
0xd3: {  	_ =	swait.ge [sflag:s21], $0x2800  }
0xd4: {  	[sflag:s21] =	ssyncset.done $0x0  }
0xd5: {  	[sflag:s21] =	ssyncadd.s32 $0xFFFFD800  }
0xd6: {  	[bflag:$0x0] =	sbarrier.arrive $0xFFFF  }
0xd7: {  	[tilespmem:s23], [sflag:$0x2] =	stream.linear.gather [spmem:s9], $0x2800, $0x38;
	[tilespmem:$0x15FA0] =	vst v63  }
0xd8: {  	_ =	swait.ge [sflag:s21], $0x2800  }
0xd9: {  	[sflag:s21] =	ssyncset.done $0x0  }
0xda: {  	[sflag:s21] =	ssyncadd.s32 $0xFFFFD800  }
0xdb: {  	[hbm4b:s15+s2] =	stream.linear.scatter [tilespmem:s23], [sflag:$0x2], $0x2800, $0x38;
	[tilespmem:$0x15FA0] =	vst v63  }
0xdc: {  	_ =	swait.ge [sflag:s21], $0x2800  }
0xdd: {  	[sflag:s21] =	ssyncset.done $0x0  }
0xde: {  	[sflag:s21] =	ssyncadd.s32 $0xFFFFD800  }
0xdf: {  	[tilespmem:s23], [sflag:$0x2] =	stream.linear.gather [spmem:s10], $0x2800, $0x38;
	[tilespmem:$0x15FA0] =	vst v63  }
0xe0: {  	_ =	swait.ge [sflag:s21], $0x2800  }
0xe1: {  	[sflag:s21] =	ssyncset.done $0x0  }
0xe2: {  	s0 =	rddreg [dreg:$0x5];
	[sflag:s21] =	ssyncadd.s32 $0xFFFFD800  }
0xe3: {  	[hbm4b:s0+s2] =	stream.linear.scatter [tilespmem:s23], [sflag:$0x2], $0x2800, $0x38;
	[tilespmem:$0x15FA0] =	vst v63  }
0xe4: {  	_ =	swait.ge [sflag:s21], $0x2800  }
0xe5: {  	[sflag:s21] =	ssyncset.done $0x0  }
0xe6: {  	[sflag:s21] =	ssyncadd.s32 $0xFFFFD800  }
0xe7: {  	[tilespmem:s23], [sflag:$0x2] =	stream.linear.gather [spmem:s11], $0x2800, $0x38;
	[tilespmem:$0x15FA0] =	vst v63  }
0xe8: {  	_ =	swait.ge [sflag:s21], $0x2800  }
0xe9: {  	[sflag:s21] =	ssyncset.done $0x0  }
0xea: {  	[sflag:s21] =	ssyncadd.s32 $0xFFFFD800  }
0xeb: {  	[hbm4b:s17+s2] =	stream.linear.scatter [tilespmem:s23], [sflag:$0x2], $0x2800, $0x38;
	[tilespmem:$0x15FA0] =	vst v63  }
0xec: {  	_ =	swait.ge [sflag:s21], $0x2800  }
0xed: {  	[sflag:s21] =	ssyncset.done $0x0  }
0xee: {  	[sflag:s21] =	ssyncadd.s32 $0xFFFFD800  }
0xef: {  	[tilespmem:s23], [sflag:$0x2] =	stream.linear.gather [spmem:s12], $0x2800, $0x38;
	[tilespmem:$0x15FA0] =	vst v63  }
0xf0: {  	_ =	swait.ge [sflag:s21], $0x2800  }
0xf1: {  	[sflag:s21] =	ssyncset.done $0x0  }
0xf2: {  	[sflag:s21] =	ssyncadd.s32 $0xFFFFD800  }
0xf3: {  	[hbm4b:s18+s2] =	stream.linear.scatter [tilespmem:s23], [sflag:$0x2], $0x2800, $0x38;
	[tilespmem:$0x15FA0] =	vst v63  }
0xf4: {  	_ =	swait.ge [sflag:s21], $0x2800  }
0xf5: {  	[sflag:s21] =	ssyncset.done $0x0  }
0xf6: {  	[sflag:s21] =	ssyncadd.s32 $0xFFFFD800  }
0xf7: {  	[tilespmem:s23], [sflag:$0x2] =	stream.linear.gather [spmem:s13], $0x2800, $0x38;
	[tilespmem:$0x15FA0] =	vst v63  }
0xf8: {  	s31 =	sadd.s32 $0x1, s31;
	_ =	swait.ge [sflag:s21], $0x2800  }
0xf9: {  	p0 =	sne.s32 s31, s20;
	[sflag:s21] =	ssyncset.done $0x0  }
.Ltmp3:
0xfa: {  	[sflag:s21] =	ssyncadd.s32 $0xFFFFD800;
	(pc) =	sbr.rel @p0 .LBB2_1-.Ltmp3, $4  }
0xfb: {  	[hbm4b:s19+s2] =	stream.linear.scatter [tilespmem:s23], [sflag:$0x2], $0x2800, $0x38;
	[tilespmem:$0x15FA0] =	vst v63  }
0xfc: {  	_ =	swait.ge [sflag:s21], $0x2800  }
0xfd: {  	[sflag:s21] =	ssyncset.done $0x0  }
0xfe: {  	[sflag:s21] =	ssyncadd.s32 $0xFFFFD800  }
0xff: {  	_ =	sfence.sel $0x180000  }
0x100: {  	[bflag:$0x0] =	sbarrier.arrive $0xFFFF  }
0x101: {  	_ =	strace $0x90000047  }
0x102: {  	s0 =	stileid.u32;
	[bflag:$0x2] =	sbarrier.arrive $0xFFFF  }
0x103: {  	p0 =	sne.s32 s0, $0x0;
	s0 =	rddreg [dreg:$0x2]  }
0x104: {  	s0 =	sadd.s32 @!p0 $0x100000, s0  }
0x105: {  	[sflag:s0] =	ssyncadd.tile.s32 @!p0 $0x1;
	_ =	shalt  }
.Lfunc_end2:
_tile_overlayer_lowered:
.L_overlay_start_2:
0x106: {  	(tag) =	ssettag $0x2  }
0x107: {  	s0 =	rddreg [dreg:$0x0];
	s2 =	stileid.u32  }
0x108: {  	s1 =	rddreg [dreg:$0x1];
	p0 =	sne.s32 s2, $0x0  }
0x109: {  	s3 =	rddreg [dreg:$0x2];
	[bflag:$0x3] =	sbarrier.arrive $0xFFFF;
	s2 =	simm.s32 @!p0 $0x1C02  }
0x10a: {  	[timem:s3], [sflag:s2] =	dma.local @!p0 [hbm:s0], s1  }
0x10b: {  	s0 =	simm.s32 @!p0 $0x2  }
0x10c: {  	_ =	swait.ge @!p0 [sflag:s0], s1  }
0x10d: {  	s1 =	ssub.s32 @!p0 $0x0, s1;
	[sflag:s0] =	ssyncset.done @!p0 $0x0  }
0x10e: {  	[sflag:s0] =	ssyncadd.s32 @!p0 s1  }
0x10f: {  	[bflag:$0x3] =	sbarrier.arrive $0xFFFF  }
0x110: {  	_ =	shalt  }

// kernel: kernel.14.cloned.1.call-start
scs
__scs_entry_jumppad:
0x0: {  	(pc) =	sbr.rel $0x88, $3  }
0x1: {  	(tag) =	ssettag $0x0;
	lr =	simm.s32 $0x1  }
0x2: {  	[smem:$0x3F8E] =	sst lr;
	_ =	strace $0xD0000000  }
0x3: {  	_ = 	snop  }
0x4: {  	_ = 	snop  }
0x5: {  	_ = 	snop  }
0x6: {  	_ = 	snop  }
0x7: {  	_ = 	snop  }
__scs_overlays_trampoline_lowered:
0x8: {  	[smem:$0x3F9D] =	sst s0  }
0x9: {  	[smem:$0x3F9E] =	sst s1  }
0xa: {  	[smem:$0x3F9F] =	sst s2  }
0xb: {  	[smem:$0x3FA0] =	sst s3  }
0xc: {  	[smem:$0x3FA1] =	sst s4  }
0xd: {  	[smem:$0x3FA2] =	sst s5  }
0xe: {  	[smem:$0x3FA3] =	sst s6  }
0xf: {  	[smem:$0x3FA4] =	sst s7  }
0x10: {  	[smem:$0x3FA5] =	sst s8  }
0x11: {  	[smem:$0x3FA6] =	sst s9;
	s0 =	simm.s32 @!p0 $0x0  }
0x12: {  	s1 =	sld [smem:$0x3F8C];
	s0 =	simm.s32 @p0 $0x1  }
0x13: {  	[smem:$0x3FA7] =	sst s0;
	s0 =	simm.s32 @!p1 $0x0  }
0x14: {  	s2 =	sld [smem:$0x3F8B];
	s0 =	simm.s32 @p1 $0x1  }
0x15: {  	[smem:$0x3FA8] =	sst s0;
	s0 =	simm.s32 @!p2 $0x0  }
0x16: {  	s3 =	sld [smem:$0x3FDB];
	s0 =	simm.s32 @p2 $0x1  }
0x17: {  	s4 =	simm.s32 $0x1BF5;
	[smem:$0x3FAA] =	sst s0  }
0x18: {  	s0 =	sld [smem:$0x3F8D];
	_ =	swait.ge [sflag:s4], $0x0  }
0x19: {  	s7 =	sld [smem:$0x3F8E]  }
0x1a: {  	s8 =	sadd.s32 $0xFFFFE003, lr  }
0x1b: {  	s9 =	sadd.s32 $0xFFFFFEF7, lr;
	s5 =	simm.s32 $0xFFFFFFFF;
	p2 =	slt.u32 s8, $0xFFFFF086  }
0x1c: {  	p1 =	slt.u32 s9, $0xF7A;
	s5 =	simm.s32 @!p2 $0x0  }
0x1d: {  	s5 =	simm.s32 @p1 $0x1;
	p0 =	seq.s32 s7, s2  }
0x1e: {  	s7 =	smul.u32 @!p0 $0xF7A, s2;
	p2 =	seq.s32 @!p0 s5, $0x0  }
0x1f: {  	s9 =	smul.u32 $0xF7A, s1;
	s8 =	simm.s32 @!p0 $0x1BF5;
	p2 =	por !p2, p0  }
0x20: {  	[sflag:s8] =	ssyncset.s32 @!p0 $0xFFFFF086;
	s6 =	sadd.s32 @!p0 s3, s7;
	s7 =	simm.s32 @!p0 $0x108  }
0x21: {  	s3 =	sadd.s32 s3, s9;
	s6 =	sadd.s32 @!p0 $0x88, s6;
	s7 =	simm.s32 @p2 $0x1082  }
0x22: {  	[simem:s7], [sflag:s8] =	dma.local @!p0 [hbm:s6], $0xF7A  }
0x23: {  	s9 =	sor.u32 $0xD0000000, s2;
	s6 =	simm.s32 $0x108;
	_ =	swait.ge @!p0 [sflag:s8], $0x0  }
0x24: {  	s3 =	sadd.s32 $0x88, s3;
	s6 =	simm.s32 @!p1 $0x1082;
	[sflag:s4] =	ssyncset.s32 $0xFFFFF086  }
0x25: {  	[simem:s6], [sflag:s4] =	dma.local [hbm:s3], $0xF7A  }
0x26: {  	[smem:$0x3F8E] =	sst s1;
	(tag) =	ssettag s2;
	_ =	strace s9  }
0x27: {  	s1 =	sld [smem:$0x3F9E]  }
0x28: {  	s2 =	sld [smem:$0x3F9F]  }
0x29: {  	s4 =	sld [smem:$0x3FA1]  }
0x2a: {  	p0 =	seq.s32 s5, $0x0;
	s5 =	sld [smem:$0x3FA2]  }
0x2b: {  	s6 =	sld [smem:$0x3FA3]  }
0x2c: {  	s7 =	sld [smem:$0x3FA4]  }
0x2d: {  	s3 =	simm.s32 $0x108;
	s8 =	sld [smem:$0x3FA5]  }
0x2e: {  	s3 =	simm.s32 @!p0 $0x1082;
	s9 =	sld [smem:$0x3FA6]  }
0x2f: {  	lr =	sadd.s32 s0, s3;
	s0 =	sld [smem:$0x3F9D]  }
0x30: {  	s3 =	sld [smem:$0x3FA0]  }
0x31: {  	[smem:$0x3FA9] =	sst s10  }
0x32: {  	s10 =	sld [smem:$0x3FA7];
	_ =	sdelay $0x3  }
0x33: {  	p0 =	seq.s32 s10, $0x1;
	s10 =	sld [smem:$0x3FA9];
	_ =	sdelay $0x3  }
0x34: {  	[smem:$0x3FA9] =	sst s10  }
0x35: {  	s10 =	sld [smem:$0x3FA8];
	_ =	sdelay $0x3  }
0x36: {  	p1 =	seq.s32 s10, $0x1;
	s10 =	sld [smem:$0x3FA9];
	_ =	sdelay $0x3  }
0x37: {  	[smem:$0x3FA9] =	sst s10  }
0x38: {  	s10 =	sld [smem:$0x3FAA]  }
0x39: {  	_ = 	snop;
	(pc) =	sbr.ind lr, $3  }
0x3a: {  	_ = 	snop  }
0x3b: {  	_ = 	snop  }
0x3c: {  	p2 =	seq.s32 s10, $0x1;
	s10 =	sld [smem:$0x3FA9]  }
0x3d: {  	_ =	shalt  }
0x3e: {  	_ =	shalt  }
0x3f: {  	_ =	shalt  }
0x40: {  	_ =	shalt  }
0x41: {  	_ =	shalt  }
0x42: {  	_ =	shalt  }
0x43: {  	_ =	shalt  }
0x44: {  	_ =	shalt  }
0x45: {  	_ =	shalt  }
0x46: {  	_ =	shalt  }
0x47: {  	_ =	shalt  }
0x48: {  	_ =	shalt  }
0x49: {  	_ =	shalt  }
0x4a: {  	_ =	shalt  }
0x4b: {  	_ =	shalt  }
0x4c: {  	_ =	shalt  }
0x4d: {  	_ =	shalt  }
0x4e: {  	_ =	shalt  }
0x4f: {  	_ =	shalt  }
0x50: {  	_ =	shalt  }
0x51: {  	_ =	shalt  }
0x52: {  	_ =	shalt  }
0x53: {  	_ =	shalt  }
0x54: {  	_ =	shalt  }
0x55: {  	_ =	shalt  }
0x56: {  	_ =	shalt  }
0x57: {  	_ =	shalt  }
0x58: {  	_ =	shalt  }
0x59: {  	_ =	shalt  }
0x5a: {  	_ =	shalt  }
0x5b: {  	_ =	shalt  }
0x5c: {  	_ =	shalt  }
0x5d: {  	_ =	shalt  }
0x5e: {  	_ =	shalt  }
0x5f: {  	_ =	shalt  }
0x60: {  	_ =	shalt  }
0x61: {  	_ =	shalt  }
0x62: {  	_ =	shalt  }
0x63: {  	_ =	shalt  }
0x64: {  	_ =	shalt  }
0x65: {  	_ =	shalt  }
0x66: {  	_ =	shalt  }
0x67: {  	_ =	shalt  }
0x68: {  	_ =	shalt  }
0x69: {  	_ =	shalt  }
0x6a: {  	_ =	shalt  }
0x6b: {  	_ =	shalt  }
0x6c: {  	_ =	shalt  }
0x6d: {  	_ =	shalt  }
0x6e: {  	_ =	shalt  }
0x6f: {  	_ =	shalt  }
0x70: {  	_ =	shalt  }
0x71: {  	_ =	shalt  }
0x72: {  	_ =	shalt  }
0x73: {  	_ =	shalt  }
0x74: {  	_ =	shalt  }
0x75: {  	_ =	shalt  }
0x76: {  	_ =	shalt  }
0x77: {  	_ =	shalt  }
0x78: {  	_ =	shalt  }
0x79: {  	_ =	shalt  }
0x7a: {  	_ =	shalt  }
0x7b: {  	_ =	shalt  }
0x7c: {  	_ =	shalt  }
0x7d: {  	_ =	shalt  }
0x7e: {  	_ =	shalt  }
0x7f: {  	_ =	shalt  }
0x80: {  	_ =	shalt  }
0x81: {  	_ =	shalt  }
0x82: {  	_ =	shalt  }
0x83: {  	_ =	shalt  }
0x84: {  	_ =	shalt  }
0x85: {  	_ =	shalt  }
0x86: {  	_ =	shalt  }
0x87: {  	_ =	shalt  }
.Lfunc_end0:
.L_simem_size_0:
called_computation.1_lowered:
.L_overlay_start_0:
0x88: {  	s2 =	sld [smem:$0x3FD9]  }
0x89: {  	s3 =	sld [smem:$0x3FFE];
	_ =	sdelay $0x1  }
0x8a: {  	s1 =	srdreg.scid  }
0x8b: {  	s0 =	sand.u32 $0x1, s1  }
0x8c: {  	s16 =	sshll.u32 s0, $0xA;
	s2 =	sadd.s32 s3, s2  }
0x8d: {  	s2 =	sadd.s32 s2, s16  }
0x8e: {  	[smem:$0x3FB5] =	sst s2  }
0x8f: {  	_ = 	snop  }
0x90: {  	(tm) =	ssettm $0x1  }
0x91: {  	s17 =	sld [smem:$0x3FFB];
	_ =	sdelay $0x3  }
0x92: {  	_ =	strace s17  }
0x93: {  	s2 =	sld [smem:$0x3FFC];
	_ =	sdelay $0x3  }
0x94: {  	_ =	strace s2  }
0x95: {  	s2 =	sld [smem:$0x3FFD];
	_ =	sdelay $0x3  }
0x96: {  	_ =	strace s2  }
0x97: {  	_ =	strace $0x8FFFFFFF  }
0x98: {  	s18 =	sld [smem:$0x3FDB];
	_ =	sdelay $0x1  }
0x99: {  	s19 =	simm.s32 $_scs_section_size  }
0x9a: {  	s4 =	simm.s32 $_size__tile_overlayer_lowered;
	s5 =	simm.s32 $_tile_overlayer_lowered  }
0x9b: {  	s22 =	simm.s32 $0x1BFF;
	s21 =	sshll.u32 s5, $0x1;
	s2 =	sadd.s32 s19, s18  }
0x9c: {  	s6 =	simm.s32 $0x0;
	s20 =	sshll.u32 s4, $0x1;
	s4 =	sadd.s32 s21, s2  }
0x9d: {  	[timem:s6], [sflag:s22] =	dma.local [hbm:s4], s20  }
0x9e: {  	_ =	swait.ge [sflag:s22], s20  }
0x9f: {  	s3 =	ssub.s32 $0x0, s20;
	[sflag:s22] =	ssyncset.done $0x0  }
0xa0: {  	[sflag:s22] =	ssyncadd.s32 s3;
	_ =	sdelay $0x1  }
0xa1: {  	s23 =	simm.s32 $0x1B8B  }
0xa2: {  	_ =	swait.ge [sflag:s23], $0x1  }
0xa3: {  	[sflag:s23] =	ssyncset.done $0x0  }
0xa4: {  	s25 =	simm.s32 $0x1B8E;
	s24 =	sld [smem:$0x3FFE];
	[sflag:s23] =	ssyncadd.s32 $0xFFFFFFFF  }
0xa5: {  	s26 =	simm.s32 $execute0_lowered;
	[smem:$0x3FD2] =	sst s25  }
0xa6: {  	s4 =	sshll.u32 s26, $0x1;
	_ =	strace $0x80000049;
	[dreg:$0x1] =	wrdreg $0xFFFFFFFF  }
0xa7: {  	s28 =	simm.s32 $_size_execute0_lowered;
	s2 =	sadd.s32 s2, s4;
	[dreg:$0x0] =	wrdreg $0x0  }
0xa8: {  	s4 =	sshll.u32 s28, $0x1;
	[dreg:$0x2] =	wrdreg s2  }
0xa9: {  	[dreg:$0x3] =	wrdreg s4  }
0xaa: {  	[dreg:$0x4] =	wrdreg $0xC0  }
0xab: {  	_ =	task [dreg:s6], $0x5FFFF  }
0xac: {  	[dreg:$0x1] =	wrdreg $0xFFFFFFFF  }
0xad: {  	[dreg:$0x0] =	wrdreg $0x60  }
0xae: {  	[dreg:$0x2] =	wrdreg s24  }
0xaf: {  	[dreg:$0x3] =	wrdreg $0x97A00  }
0xb0: {  	[dreg:$0x4] =	wrdreg $0x9  }
0xb1: {  	_ =	task.clear_ibuf [dreg:s6], $0x5FFFF;
	_ =	strace $0x90000049  }
0xb2: {  	s29 =	simm.s32 $0x9;
	_ =	strace $0x8000004B  }
0xb3: {  	_ =	swait.ge [sflag:s29], $0x1  }
0xb4: {  	[sflag:s29] =	ssyncadd.s32 $0xFFFFFFFF  }
0xb5: {  	_ =	strace $0x9000004B  }
0xb6: {  	_ =	sfence  }
0xb7: {  	s30 =	sld [smem:$0x0];
	_ =	sdelay $0x2  }
0xb8: {  	s31 =	sshll.u32 s1, $0xD;
	s1 =	sshrl.u32 s1, $0x2  }
0xb9: {  	s3 =	sand.u32 $0x4000, s31;
	s1 =	sadd.s32 s1, s30  }
0xba: {  	s0 =	sor.u32 s3, s0;
	s1 =	sshll.u32 s1, $0x11  }
0xbb: {  	s0 =	sor.u32 s1, s0  }
0xbc: {  	s0 =	sadd.s32 $0x8F2B, s0  }
0xbd: {  	[sflag:s0] =	ssyncadd.remote.s32 $0x1  }
0xbe: {  	_ =	sfence.sel $0xFFFF  }
0xbf: {  	[dreg:$0x0] =	wrdreg $0xFFFFFFFF;
	(pc) =	sbr.abs _section_cstart, $3  }
0xc0: {  	[dreg:$0x1] =	wrdreg $0xFFFFFFFF  }
0xc1: {  	_ =	task.clear_ibuf [dreg:s6], $0x2FFFF;
	_ =	strace $0x9FFFFFFF  }
0xc2: {  	(tm) =	ssettm $0x7FFFFFFF  }
0xc3: {  	_ =	shalt  }
tec
execute0_lowered:
.L_overlay_start_1:
0x0: {  	(tag) =	ssettag $0x1  }
0x1: {  	s0 =	rddreg [dreg:$0x0]  }
0x2: {  	s1 =	rddreg [dreg:$0x1]  }
0x3: {  	s2 =	simm.s32 $0x0;
	s3 =	srdreg.scid;
	s17 =	stileid.u32  }
0x4: {  	s28 =	simm.s32 $0x96A0;
	s29 =	simm.s32 $0x4E20;
	s30 =	simm.s32 $0x1  }
0x5: {  	s31 =	simm.s32 $0x0;
	[smem:$0x7FF] =	sst s2;
	s12 =	smul.u32 $0x280, s17  }
0x6: {  	s3 =	sand.u32 $0x1, s3;
	s4 =	sadd.s32 $0x32800, s0;
	s13 =	smul.u32 $0x32000, s17  }
0x7: {  	s5 =	sadd.s32 $0x28600, s0;
	s6 =	sadd.s32 $0x1400, s0;
	s7 =	smul.u32 $0x2710, s3  }
0x8: {  	_ =	strace $0x8000004A;
	s9 =	ssub.s32 $0x2, s3;
	s3 =	smul.u32 $0x2800, s3  }
0x9: {  	s10 =	sshrl.u32 s9, $0x1;
	s14 =	sadd.s32 $0x80, s12;
	s19 =	sshrl.u32 s13, $0x2  }
0xa: {  	s22 =	sadd.s32 $0x14000, s13;
	s15 =	sadd.s32 $0x1E000, s13;
	s13 =	sadd.s32 $0x28000, s13  }
0xb: {  	s8 =	sshrl.u32 s7, $0x3;
	s16 =	ssub.s32 s9, s10;
	s20 =	smul.u32 $0x140, s14  }
0xc: {  	s9 =	sadd.s32 s19, s1;
	s23 =	sshrl.u32 s22, $0x2;
	s24 =	sshrl.u32 s15, $0x2  }
0xd: {  	s12 =	sadd.s32 s12, s3;
	s3 =	sadd.s32 s3, s14;
	s26 =	sshrl.u32 s13, $0x2  }
0xe: {  	s14 =	smul.u32 $0x5100, s17;
	s22 =	simm.s32 $0x2710;
	s8 =	sadd.s32 s8, s0  }
0xf: {  	s0 =	sadd.s32 $0x3DE00, s0;
	s25 =	smul.u32 $0xA, s12;
	s12 =	sadd.s32 s24, s1  }
0x10: {  	s3 =	smul.u32 $0xA, s3;
	s13 =	sadd.s32 s26, s1;
	s24 =	simm.s32 $0x9620  }
0x11: {  	v0 =	vlaneseq.u32;
	s26 =	simm.s32 $0x80;
	s11 =	sadd.s32 $0x3D400, s8;
	s8 =	sadd.s32 $0x3CA00, s8  }
0x12: {  	v9 =	vmul.u32 $0x50, v0;
	s21 =	sshrl.u32 s20, $0x2;
	s20 =	smax.u32 s16, $0x1;
	[dreg:$0x3] =	wrdreg s11  }
0x13: {  	v1 =	vimm.f32 $0.0e+00;
	[dreg:$0x4] =	wrdreg s8;
	s10 =	sadd.s32 s21, s1;
	s11 =	sadd.s32 s23, s1  }
0x14: {  	v2 =	vadd.s32 $0x40, v9;
	v3 =	vadd.s32 $0x540, v9;
	v4 =	vadd.s32 $0xA40, v9;
	s15 =	sadd.s32 s0, s25;
	s0 =	sadd.s32 s0, s3;
	s21 =	simm.s32 $0x2  }
0x15: {  	v5 =	vadd.s32 $0xF40, v9;
	v6 =	vadd.s32 $0x1440, v9;
	v7 =	vadd.s32 $0x1940, v9;
	s23 =	simm.s32 $0x6E20;
	s25 =	simm.s32 $0x9720;
	[dreg:$0x5] =	wrdreg s0  }
0x16: {  	v8 =	vadd.s32 $0x1E40, v9;
	v9 =	vadd.s32 $0x2340, v9;
	v0 =	vmov s7;
	s17 =	sadd.s32 $0xA00, s15;
	s18 =	sadd.s32 $0xF00, s15;
	s19 =	sadd.s32 $0x1400, s15  }
.LBB2_1:
0x17: {  	s0 =	rddreg [dreg:$0x3]  }
0x18: {  	[tilespmem:s2], [sflag:$0x2] =	stream.linear.gather [hbm4b:s0+s2], $0x2710, $0x38;
	[tilespmem:$0x15FA0] =	vst v63  }
0x19: {  	_ =	swait.ge [sflag:s21], $0x2710  }
0x1a: {  	[sflag:s21] =	ssyncset.done $0x0  }
0x1b: {  	s16 =	rddreg [dreg:$0x4];
	[sflag:s21] =	ssyncadd.s32 $0xFFFFD8F0  }
0x1c: {  	[tilespmem:s22], [sflag:$0x2] =	stream.linear.gather [hbm4b:s16+s2], $0x2710, $0x38;
	[tilespmem:$0x15FA0] =	vst v63  }
0x1d: {  	_ =	swait.ge [sflag:s21], $0x2710  }
0x1e: {  	[sflag:s21] =	ssyncset.done $0x0  }
0x1f: {  	s3 =	simm.s32 $0x140;
	s0 =	simm.s32 $0x0;
	[sflag:s21] =	ssyncadd.s32 $0xFFFFD8F0  }
.LBB2_2:
0x20: {  	p0 =	sne.s32 s3, $0x9EC0;
	[tilespmem:s0+$0x6E60] =	vst v1;
	s7 =	smov.u32 s3;
	s3 =	sadd.s32 $0x140, s3  }
.Ltmp0:
0x21: {  	[tilespmem:s0+$0x6E50] =	vst v1;
	(pc) =	sbr.rel @p0 .LBB2_2-.Ltmp0, $4  }
0x22: {  	[tilespmem:s0+$0x6E40] =	vst v1  }
0x23: {  	[tilespmem:s0+$0x6E20] =	vst v1  }
0x24: {  	[tilespmem:s0+$0x6E30] =	vst v1  }
0x25: {  	s0 =	sshra.s32 s7, $0x2  }
0x26: {  	[tilespmem:s0+$0x6E60] =	vst v1  }
0x27: {  	[tilespmem:s0+$0x6E50] =	vst v1  }
0x28: {  	[tilespmem:s0+$0x6E40] =	vst v1  }
0x29: {  	[tilespmem:s0+$0x6E20] =	vst v1  }
0x2a: {  	[tilespmem:s0+$0x6E30] =	vst v1  }
0x2b: {  	[spmem:s9] =	stream.linear.scatter [tilespmem:s23], [sflag:$0x2], $0x2800, $0x38;
	[tilespmem:$0x15FA0] =	vst v63  }
0x2c: {  	_ =	swait.ge [sflag:s21], $0x2800  }
0x2d: {  	[sflag:s21] =	ssyncset.done $0x0  }
0x2e: {  	[sflag:s21] =	ssyncadd.s32 $0xFFFFD800  }
0x2f: {  	[spmem:s10] =	stream.linear.scatter [tilespmem:s23], [sflag:$0x2], $0x2800, $0x38;
	[tilespmem:$0x15FA0] =	vst v63  }
0x30: {  	_ =	swait.ge [sflag:s21], $0x2800  }
0x31: {  	[sflag:s21] =	ssyncset.done $0x0  }
0x32: {  	[sflag:s21] =	ssyncadd.s32 $0xFFFFD800  }
0x33: {  	[spmem:s11] =	stream.linear.scatter [tilespmem:s23], [sflag:$0x2], $0x2800, $0x38;
	[tilespmem:$0x15FA0] =	vst v63  }
0x34: {  	_ =	swait.ge [sflag:s21], $0x2800  }
0x35: {  	[sflag:s21] =	ssyncset.done $0x0  }
0x36: {  	[sflag:s21] =	ssyncadd.s32 $0xFFFFD800  }
0x37: {  	[spmem:s12] =	stream.linear.scatter [tilespmem:s23], [sflag:$0x2], $0x2800, $0x38;
	[tilespmem:$0x15FA0] =	vst v63  }
0x38: {  	_ =	swait.ge [sflag:s21], $0x2800  }
0x39: {  	[sflag:s21] =	ssyncset.done $0x0  }
0x3a: {  	[sflag:s21] =	ssyncadd.s32 $0xFFFFD800  }
0x3b: {  	[spmem:s13] =	stream.linear.scatter [tilespmem:s23], [sflag:$0x2], $0x2800, $0x38;
	[tilespmem:$0x15FA0] =	vst v63  }
0x3c: {  	_ =	swait.ge [sflag:s21], $0x2800  }
0x3d: {  	[sflag:s21] =	ssyncset.done $0x0  }
0x3e: {  	[sflag:s21] =	ssyncadd.s32 $0xFFFFD800  }
0x3f: {  	s0 =	simm.s32 $0x0;
	s3 =	simm.s32 $0x0;
	[bflag:$0x0] =	sbarrier.arrive $0xFFFF  }
.LBB2_4:
0x40: {  	s7 =	sshll.u32 s3, $0x7  }
0x41: {  	s7 =	sadd.s32 s14, s7  }
0x42: {  	s7 =	sshrl.u32 s7, $0x3  }
0x43: {  	s8 =	sadd.s32 s4, s7  }
0x44: {  	[tilespmem:s24], [sflag:$0x2] =	stream.linear.gather [hbm4b:s8+s0], $0x80, $0x38;
	[tilespmem:$0x15FA0] =	vst v63  }
0x45: {  	_ =	swait.ge [sflag:s21], $0x80  }
0x46: {  	[sflag:s21] =	ssyncset.done $0x0  }
0x47: {  	s7 =	sadd.s32 s5, s7;
	[sflag:s21] =	ssyncadd.s32 $0xFFFFFF80  }
0x48: {  	[tilespmem:s25], [sflag:$0x2] =	stream.linear.gather [hbm4b:s7+s0], $0x80, $0x38;
	[tilespmem:$0x15FA0] =	vst v63  }
0x49: {  	_ =	swait.ge [sflag:s21], $0x80  }
0x4a: {  	[sflag:s21] =	ssyncset.done $0x0  }
0x4b: {  	[sflag:s21] =	ssyncadd.s32 $0xFFFFFF80  }
0x4c: {  	v10 =	vld [tilespmem:$0x9620]  }
0x4d: {  	v11 =	vld [tilespmem:$0x9630]  }
0x4e: {  	v12 =	vld [tilespmem:$0x9640]  }
0x4f: {  	v13 =	vld [tilespmem:$0x9650]  }
0x50: {  	v14 =	vld [tilespmem:$0x9660]  }
0x51: {  	v15 =	vld [tilespmem:$0x9670];
	v10 =	vadd.s32 v0, v10  }
0x52: {  	[tilespmem:$0x96A0] =	vst v10;
	v10 =	vadd.s32 v0, v11;
	v11 =	vld [tilespmem:$0x9680]  }
0x53: {  	v63 =	vld [tilespmem:$0x9690];
	[tilespmem:$0x96B0] =	vst v10;
	v10 =	vadd.s32 v0, v12  }
0x54: {  	[tilespmem:$0x96C0] =	vst v10;
	v10 =	vadd.s32 v0, v13  }
0x55: {  	[tilespmem:$0x96D0] =	vst v10;
	v10 =	vadd.s32 v0, v14  }
0x56: {  	[tilespmem:$0x96E0] =	vst v10;
	v10 =	vadd.s32 v0, v15  }
0x57: {  	[tilespmem:$0x96F0] =	vst v10;
	v10 =	vadd.s32 v0, v11  }
0x58: {  	[tilespmem:$0x9700] =	vst v10;
	v10 =	vadd.s32 v0, v63  }
0x59: {  	[tilespmem:$0x9710] =	vst v10  }
0x5a: {  	[tilespmem:s29], [sflag:$0x1] =	stream.indirect.gather [hbm4b:s6+s26], $0x40, s28, s26, $0xb8;
	[tilespmem:$0x15FA0] =	vst v63  }
0x5b: {  	v10 =	vld [tilespmem:$0x9620]  }
0x5c: {  	v11 =	vld [tilespmem:$0x9720];
	_ =	sdelay $0x6  }
0x5d: {  	v10 =	vld.idx.msk [tilespmem:v10+s0+$0x0], $0xffff  }
0x5e: {  	v11 =	vld.idx.msk [tilespmem:v11+s22+$0x0], $0xffff;
	_ =	sdelay $0x4  }
0x5f: {  	v10 =	vadd.f32 v11, v10;
	_ =	sdelay $0x1  }
0x60: {  	v11 =	vmul.f32 $2.000000030e-01, v10;
	_ =	sdelay $0x1  }
0x61: {  	v10 =	vmax.f32 v10, v11  }
0x62: {  	v10 =	vmul.f32 $1.442695020e+00, v10;
	_ =	sdelay $0x1  }
0x63: {  	(erf) = vpow2.f32 v10;
	_ =	sdelay $0x8  }
0x64: {  	v10 =	vpop (erf)  }
0x65: {  	[tilespmem:v2+s23+$0x0] =	vst.idx.msk $0xffff, v10  }
0x66: {  	v10 =	vld [tilespmem:$0x9630]  }
0x67: {  	v11 =	vld [tilespmem:$0x9730];
	_ =	sdelay $0x6  }
0x68: {  	v10 =	vld.idx.msk [tilespmem:v10+s0+$0x0], $0xffff  }
0x69: {  	v11 =	vld.idx.msk [tilespmem:v11+s22+$0x0], $0xffff;
	_ =	sdelay $0x4  }
0x6a: {  	v10 =	vadd.f32 v11, v10;
	_ =	sdelay $0x1  }
0x6b: {  	v11 =	vmul.f32 $2.000000030e-01, v10;
	_ =	sdelay $0x1  }
0x6c: {  	v10 =	vmax.f32 v10, v11  }
0x6d: {  	v10 =	vmul.f32 $1.442695020e+00, v10;
	_ =	sdelay $0x1  }
0x6e: {  	(erf) = vpow2.f32 v10;
	_ =	sdelay $0x8  }
0x6f: {  	v10 =	vpop (erf)  }
0x70: {  	[tilespmem:v3+s23+$0x0] =	vst.idx.msk $0xffff, v10  }
0x71: {  	v10 =	vld [tilespmem:$0x9640]  }
0x72: {  	v11 =	vld [tilespmem:$0x9740];
	_ =	sdelay $0x6  }
0x73: {  	v10 =	vld.idx.msk [tilespmem:v10+s0+$0x0], $0xffff  }
0x74: {  	v11 =	vld.idx.msk [tilespmem:v11+s22+$0x0], $0xffff;
	_ =	sdelay $0x4  }
0x75: {  	v10 =	vadd.f32 v11, v10;
	_ =	sdelay $0x1  }
0x76: {  	v11 =	vmul.f32 $2.000000030e-01, v10;
	_ =	sdelay $0x1  }
0x77: {  	v10 =	vmax.f32 v10, v11  }
0x78: {  	v10 =	vmul.f32 $1.442695020e+00, v10;
	_ =	sdelay $0x1  }
0x79: {  	(erf) = vpow2.f32 v10;
	_ =	sdelay $0x8  }
0x7a: {  	v10 =	vpop (erf)  }
0x7b: {  	[tilespmem:v4+s23+$0x0] =	vst.idx.msk $0xffff, v10  }
0x7c: {  	v10 =	vld [tilespmem:$0x9650]  }
0x7d: {  	v11 =	vld [tilespmem:$0x9750];
	_ =	sdelay $0x6  }
0x7e: {  	v10 =	vld.idx.msk [tilespmem:v10+s0+$0x0], $0xffff  }
0x7f: {  	v11 =	vld.idx.msk [tilespmem:v11+s22+$0x0], $0xffff;
	_ =	sdelay $0x4  }
0x80: {  	v10 =	vadd.f32 v11, v10;
	_ =	sdelay $0x1  }
0x81: {  	v11 =	vmul.f32 $2.000000030e-01, v10;
	_ =	sdelay $0x1  }
0x82: {  	v10 =	vmax.f32 v10, v11  }
0x83: {  	v10 =	vmul.f32 $1.442695020e+00, v10;
	_ =	sdelay $0x1  }
0x84: {  	(erf) = vpow2.f32 v10;
	_ =	sdelay $0x8  }
0x85: {  	v10 =	vpop (erf)  }
0x86: {  	[tilespmem:v5+s23+$0x0] =	vst.idx.msk $0xffff, v10  }
0x87: {  	v10 =	vld [tilespmem:$0x9660]  }
0x88: {  	v11 =	vld [tilespmem:$0x9760];
	_ =	sdelay $0x6  }
0x89: {  	v10 =	vld.idx.msk [tilespmem:v10+s0+$0x0], $0xffff  }
0x8a: {  	v11 =	vld.idx.msk [tilespmem:v11+s22+$0x0], $0xffff;
	_ =	sdelay $0x4  }
0x8b: {  	v10 =	vadd.f32 v11, v10;
	_ =	sdelay $0x1  }
0x8c: {  	v11 =	vmul.f32 $2.000000030e-01, v10;
	_ =	sdelay $0x1  }
0x8d: {  	v10 =	vmax.f32 v10, v11  }
0x8e: {  	v10 =	vmul.f32 $1.442695020e+00, v10;
	_ =	sdelay $0x1  }
0x8f: {  	(erf) = vpow2.f32 v10;
	_ =	sdelay $0x8  }
0x90: {  	v10 =	vpop (erf)  }
0x91: {  	[tilespmem:v6+s23+$0x0] =	vst.idx.msk $0xffff, v10  }
0x92: {  	v10 =	vld [tilespmem:$0x9670]  }
0x93: {  	v11 =	vld [tilespmem:$0x9770];
	_ =	sdelay $0x6  }
0x94: {  	v10 =	vld.idx.msk [tilespmem:v10+s0+$0x0], $0xffff  }
0x95: {  	v11 =	vld.idx.msk [tilespmem:v11+s22+$0x0], $0xffff;
	_ =	sdelay $0x4  }
0x96: {  	v10 =	vadd.f32 v11, v10;
	_ =	sdelay $0x1  }
0x97: {  	v11 =	vmul.f32 $2.000000030e-01, v10;
	_ =	sdelay $0x1  }
0x98: {  	v10 =	vmax.f32 v10, v11  }
0x99: {  	v10 =	vmul.f32 $1.442695020e+00, v10;
	_ =	sdelay $0x1  }
0x9a: {  	(erf) = vpow2.f32 v10;
	_ =	sdelay $0x8  }
0x9b: {  	v10 =	vpop (erf)  }
0x9c: {  	[tilespmem:v7+s23+$0x0] =	vst.idx.msk $0xffff, v10  }
0x9d: {  	v10 =	vld [tilespmem:$0x9680]  }
0x9e: {  	v11 =	vld [tilespmem:$0x9780];
	_ =	sdelay $0x6  }
0x9f: {  	v10 =	vld.idx.msk [tilespmem:v10+s0+$0x0], $0xffff  }
0xa0: {  	v11 =	vld.idx.msk [tilespmem:v11+s22+$0x0], $0xffff;
	_ =	sdelay $0x4  }
0xa1: {  	v10 =	vadd.f32 v11, v10;
	_ =	sdelay $0x1  }
0xa2: {  	v11 =	vmul.f32 $2.000000030e-01, v10;
	_ =	sdelay $0x1  }
0xa3: {  	v10 =	vmax.f32 v10, v11  }
0xa4: {  	v10 =	vmul.f32 $1.442695020e+00, v10;
	_ =	sdelay $0x1  }
0xa5: {  	(erf) = vpow2.f32 v10;
	_ =	sdelay $0x8  }
0xa6: {  	v10 =	vpop (erf)  }
0xa7: {  	[tilespmem:v8+s23+$0x0] =	vst.idx.msk $0xffff, v10  }
0xa8: {  	v10 =	vld [tilespmem:$0x9690]  }
0xa9: {  	v11 =	vld [tilespmem:$0x9790];
	_ =	sdelay $0x6  }
0xaa: {  	v10 =	vld.idx.msk [tilespmem:v10+s0+$0x0], $0xffff  }
0xab: {  	v11 =	vld.idx.msk [tilespmem:v11+s22+$0x0], $0xffff;
	_ =	sdelay $0x4  }
0xac: {  	v10 =	vadd.f32 v11, v10;
	_ =	sdelay $0x1  }
0xad: {  	v11 =	vmul.f32 $2.000000030e-01, v10;
	_ =	sdelay $0x1  }
0xae: {  	v10 =	vmax.f32 v10, v11  }
0xaf: {  	v10 =	vmul.f32 $1.442695020e+00, v10;
	_ =	sdelay $0x1  }
0xb0: {  	(erf) = vpow2.f32 v10;
	_ =	sdelay $0x8  }
0xb1: {  	v10 =	vpop (erf)  }
0xb2: {  	[tilespmem:v9+s23+$0x0] =	vst.idx.msk $0xffff, v10  }
0xb3: {  	_ =	swait.ge [sflag:s30], $0x2000  }
0xb4: {  	[sflag:s30] =	ssyncset.done $0x0  }
0xb5: {  	s7 =	simm.s32 $0x6E40;
	[sflag:s30] =	ssyncadd.s32 $0xFFFFE000  }
0xb6: {  	s16 =	simm.s32 $0x0;
	s8 =	simm.s32 $0x100;
	v10 =	vld.msk [tilespmem:s7+$0x20 ss:$0x0], $0xffff  }
.LBB2_5:
0xb7: {  	p0 =	sne.s32 s8, $0x7F00;
	v11 =	vld [tilespmem:s16+$0x4E20];
	_ =	sdelay $0x4  }
0xb8: {  	v11 =	vmul.f32 v10, v11;
	_ =	sdelay $0x1  }
0xb9: {  	[tilespmem:s7+$0xFFFFFFE0] =	vst v11  }
0xba: {  	v11 =	vld [tilespmem:s16+$0x4E30];
	_ =	sdelay $0x4  }
0xbb: {  	v11 =	vmul.f32 v11, v10;
	_ =	sdelay $0x1  }
0xbc: {  	[tilespmem:s7+$0xFFFFFFF0] =	vst v11  }
0xbd: {  	v11 =	vld [tilespmem:s16+$0x4E40];
	_ =	sdelay $0x4  }
0xbe: {  	v11 =	vmul.f32 v11, v10;
	_ =	sdelay $0x1  }
0xbf: {  	[tilespmem:s7+$0x0] =	vst v11  }
0xc0: {  	v11 =	vld [tilespmem:s16+$0x4E50];
	_ =	sdelay $0x3  }
.Ltmp1:
0xc1: {  	(pc) =	sbr.rel @p0 .LBB2_5-.Ltmp1, $3  }
0xc2: {  	v10 =	vmul.f32 v11, v10;
	_ =	sdelay $0x1  }
0xc3: {  	[tilespmem:s7+$0x10] =	vst v10;
	s7 =	sadd.s32 $0x50, s7  }
0xc4: {  	s16 =	sshra.s32 s8, $0x2;
	s8 =	sadd.s32 $0x100, s8;
	v10 =	vld.msk [tilespmem:s7+$0x20 ss:$0x0], $0xffff  }
0xc5: {  	v11 =	vld [tilespmem:s16+$0x4E20];
	_ =	sdelay $0x4  }
0xc6: {  	v11 =	vmul.f32 v10, v11;
	_ =	sdelay $0x1  }
0xc7: {  	[tilespmem:s7+$0xFFFFFFE0] =	vst v11  }
0xc8: {  	v11 =	vld [tilespmem:s16+$0x4E30];
	_ =	sdelay $0x4  }
0xc9: {  	v11 =	vmul.f32 v11, v10;
	_ =	sdelay $0x1  }
0xca: {  	[tilespmem:s7+$0xFFFFFFF0] =	vst v11  }
0xcb: {  	v11 =	vld [tilespmem:s16+$0x4E40];
	_ =	sdelay $0x4  }
0xcc: {  	v11 =	vmul.f32 v11, v10;
	_ =	sdelay $0x1  }
0xcd: {  	[tilespmem:s7+$0x0] =	vst v11  }
0xce: {  	v11 =	vld [tilespmem:s16+$0x4E50];
	_ =	sdelay $0x4  }
0xcf: {  	s3 =	sadd.s32 $0x1, s3;
	v10 =	vmul.f32 v11, v10  }
0xd0: {  	p0 =	sne.s32 s3, $0xA2  }
.Ltmp2:
0xd1: {  	[tilespmem:s7+$0x10] =	vst v10;
	(pc) =	sbr.rel @p0 .LBB2_4-.Ltmp2, $4  }
0xd2: {  	[spmem:s1] =	stream.indirect.scatter.add.f32 [tilespmem:s23], [sflag:$0x2], $0x50, s25, s26, $0xb8;
	[tilespmem:$0x15FA0] =	vst v63  }
0xd3: {  	_ =	swait.ge [sflag:s21], $0x2800  }
0xd4: {  	[sflag:s21] =	ssyncset.done $0x0  }
0xd5: {  	[sflag:s21] =	ssyncadd.s32 $0xFFFFD800  }
0xd6: {  	[bflag:$0x0] =	sbarrier.arrive $0xFFFF  }
0xd7: {  	[tilespmem:s23], [sflag:$0x2] =	stream.linear.gather [spmem:s9], $0x2800, $0x38;
	[tilespmem:$0x15FA0] =	vst v63  }
0xd8: {  	_ =	swait.ge [sflag:s21], $0x2800  }
0xd9: {  	[sflag:s21] =	ssyncset.done $0x0  }
0xda: {  	[sflag:s21] =	ssyncadd.s32 $0xFFFFD800  }
0xdb: {  	[hbm4b:s15+s2] =	stream.linear.scatter [tilespmem:s23], [sflag:$0x2], $0x2800, $0x38;
	[tilespmem:$0x15FA0] =	vst v63  }
0xdc: {  	_ =	swait.ge [sflag:s21], $0x2800  }
0xdd: {  	[sflag:s21] =	ssyncset.done $0x0  }
0xde: {  	[sflag:s21] =	ssyncadd.s32 $0xFFFFD800  }
0xdf: {  	[tilespmem:s23], [sflag:$0x2] =	stream.linear.gather [spmem:s10], $0x2800, $0x38;
	[tilespmem:$0x15FA0] =	vst v63  }
0xe0: {  	_ =	swait.ge [sflag:s21], $0x2800  }
0xe1: {  	[sflag:s21] =	ssyncset.done $0x0  }
0xe2: {  	s0 =	rddreg [dreg:$0x5];
	[sflag:s21] =	ssyncadd.s32 $0xFFFFD800  }
0xe3: {  	[hbm4b:s0+s2] =	stream.linear.scatter [tilespmem:s23], [sflag:$0x2], $0x2800, $0x38;
	[tilespmem:$0x15FA0] =	vst v63  }
0xe4: {  	_ =	swait.ge [sflag:s21], $0x2800  }
0xe5: {  	[sflag:s21] =	ssyncset.done $0x0  }
0xe6: {  	[sflag:s21] =	ssyncadd.s32 $0xFFFFD800  }
0xe7: {  	[tilespmem:s23], [sflag:$0x2] =	stream.linear.gather [spmem:s11], $0x2800, $0x38;
	[tilespmem:$0x15FA0] =	vst v63  }
0xe8: {  	_ =	swait.ge [sflag:s21], $0x2800  }
0xe9: {  	[sflag:s21] =	ssyncset.done $0x0  }
0xea: {  	[sflag:s21] =	ssyncadd.s32 $0xFFFFD800  }
0xeb: {  	[hbm4b:s17+s2] =	stream.linear.scatter [tilespmem:s23], [sflag:$0x2], $0x2800, $0x38;
	[tilespmem:$0x15FA0] =	vst v63  }
0xec: {  	_ =	swait.ge [sflag:s21], $0x2800  }
0xed: {  	[sflag:s21] =	ssyncset.done $0x0  }
0xee: {  	[sflag:s21] =	ssyncadd.s32 $0xFFFFD800  }
0xef: {  	[tilespmem:s23], [sflag:$0x2] =	stream.linear.gather [spmem:s12], $0x2800, $0x38;
	[tilespmem:$0x15FA0] =	vst v63  }
0xf0: {  	_ =	swait.ge [sflag:s21], $0x2800  }
0xf1: {  	[sflag:s21] =	ssyncset.done $0x0  }
0xf2: {  	[sflag:s21] =	ssyncadd.s32 $0xFFFFD800  }
0xf3: {  	[hbm4b:s18+s2] =	stream.linear.scatter [tilespmem:s23], [sflag:$0x2], $0x2800, $0x38;
	[tilespmem:$0x15FA0] =	vst v63  }
0xf4: {  	_ =	swait.ge [sflag:s21], $0x2800  }
0xf5: {  	[sflag:s21] =	ssyncset.done $0x0  }
0xf6: {  	[sflag:s21] =	ssyncadd.s32 $0xFFFFD800  }
0xf7: {  	[tilespmem:s23], [sflag:$0x2] =	stream.linear.gather [spmem:s13], $0x2800, $0x38;
	[tilespmem:$0x15FA0] =	vst v63  }
0xf8: {  	s31 =	sadd.s32 $0x1, s31;
	_ =	swait.ge [sflag:s21], $0x2800  }
0xf9: {  	p0 =	sne.s32 s31, s20;
	[sflag:s21] =	ssyncset.done $0x0  }
.Ltmp3:
0xfa: {  	[sflag:s21] =	ssyncadd.s32 $0xFFFFD800;
	(pc) =	sbr.rel @p0 .LBB2_1-.Ltmp3, $4  }
0xfb: {  	[hbm4b:s19+s2] =	stream.linear.scatter [tilespmem:s23], [sflag:$0x2], $0x2800, $0x38;
	[tilespmem:$0x15FA0] =	vst v63  }
0xfc: {  	_ =	swait.ge [sflag:s21], $0x2800  }
0xfd: {  	[sflag:s21] =	ssyncset.done $0x0  }
0xfe: {  	[sflag:s21] =	ssyncadd.s32 $0xFFFFD800  }
0xff: {  	_ =	sfence.sel $0x180000  }
0x100: {  	[bflag:$0x0] =	sbarrier.arrive $0xFFFF  }
0x101: {  	_ =	strace $0x9000004A  }
0x102: {  	s0 =	stileid.u32;
	[bflag:$0x2] =	sbarrier.arrive $0xFFFF  }
0x103: {  	p0 =	sne.s32 s0, $0x0;
	s0 =	rddreg [dreg:$0x2]  }
0x104: {  	s0 =	sadd.s32 @!p0 $0x100000, s0  }
0x105: {  	[sflag:s0] =	ssyncadd.tile.s32 @!p0 $0x1;
	_ =	shalt  }
.Lfunc_end2:
_tile_overlayer_lowered:
.L_overlay_start_2:
0x106: {  	(tag) =	ssettag $0x2  }
0x107: {  	s0 =	rddreg [dreg:$0x0];
	s2 =	stileid.u32  }
0x108: {  	s1 =	rddreg [dreg:$0x1];
	p0 =	sne.s32 s2, $0x0  }
0x109: {  	s3 =	rddreg [dreg:$0x2];
	[bflag:$0x3] =	sbarrier.arrive $0xFFFF;
	s2 =	simm.s32 @!p0 $0x1C02  }
0x10a: {  	[timem:s3], [sflag:s2] =	dma.local @!p0 [hbm:s0], s1  }
0x10b: {  	s0 =	simm.s32 @!p0 $0x2  }
0x10c: {  	_ =	swait.ge @!p0 [sflag:s0], s1  }
0x10d: {  	s1 =	ssub.s32 @!p0 $0x0, s1;
	[sflag:s0] =	ssyncset.done @!p0 $0x0  }
0x10e: {  	[sflag:s0] =	ssyncadd.s32 @!p0 s1  }
0x10f: {  	[bflag:$0x3] =	sbarrier.arrive $0xFFFF  }
0x110: {  	_ =	shalt  }

// kernel: kernel.17.cloned.1.call-start
scs
__scs_entry_jumppad:
0x0: {  	(pc) =	sbr.rel $0x88, $3  }
0x1: {  	(tag) =	ssettag $0x0;
	lr =	simm.s32 $0x1  }
0x2: {  	[smem:$0x3F8E] =	sst lr;
	_ =	strace $0xD0000000  }
0x3: {  	_ = 	snop  }
0x4: {  	_ = 	snop  }
0x5: {  	_ = 	snop  }
0x6: {  	_ = 	snop  }
0x7: {  	_ = 	snop  }
__scs_overlays_trampoline_lowered:
0x8: {  	[smem:$0x3F9D] =	sst s0  }
0x9: {  	[smem:$0x3F9E] =	sst s1  }
0xa: {  	[smem:$0x3F9F] =	sst s2  }
0xb: {  	[smem:$0x3FA0] =	sst s3  }
0xc: {  	[smem:$0x3FA1] =	sst s4  }
0xd: {  	[smem:$0x3FA2] =	sst s5  }
0xe: {  	[smem:$0x3FA3] =	sst s6  }
0xf: {  	[smem:$0x3FA4] =	sst s7  }
0x10: {  	[smem:$0x3FA5] =	sst s8  }
0x11: {  	[smem:$0x3FA6] =	sst s9;
	s0 =	simm.s32 @!p0 $0x0  }
0x12: {  	s1 =	sld [smem:$0x3F8C];
	s0 =	simm.s32 @p0 $0x1  }
0x13: {  	[smem:$0x3FA7] =	sst s0;
	s0 =	simm.s32 @!p1 $0x0  }
0x14: {  	s2 =	sld [smem:$0x3F8B];
	s0 =	simm.s32 @p1 $0x1  }
0x15: {  	[smem:$0x3FA8] =	sst s0;
	s0 =	simm.s32 @!p2 $0x0  }
0x16: {  	s3 =	sld [smem:$0x3FDB];
	s0 =	simm.s32 @p2 $0x1  }
0x17: {  	s4 =	simm.s32 $0x1BF5;
	[smem:$0x3FAA] =	sst s0  }
0x18: {  	s0 =	sld [smem:$0x3F8D];
	_ =	swait.ge [sflag:s4], $0x0  }
0x19: {  	s7 =	sld [smem:$0x3F8E]  }
0x1a: {  	s8 =	sadd.s32 $0xFFFFE003, lr  }
0x1b: {  	s9 =	sadd.s32 $0xFFFFFEF7, lr;
	s5 =	simm.s32 $0xFFFFFFFF;
	p2 =	slt.u32 s8, $0xFFFFF086  }
0x1c: {  	p1 =	slt.u32 s9, $0xF7A;
	s5 =	simm.s32 @!p2 $0x0  }
0x1d: {  	s5 =	simm.s32 @p1 $0x1;
	p0 =	seq.s32 s7, s2  }
0x1e: {  	s7 =	smul.u32 @!p0 $0xF7A, s2;
	p2 =	seq.s32 @!p0 s5, $0x0  }
0x1f: {  	s9 =	smul.u32 $0xF7A, s1;
	s8 =	simm.s32 @!p0 $0x1BF5;
	p2 =	por !p2, p0  }
0x20: {  	[sflag:s8] =	ssyncset.s32 @!p0 $0xFFFFF086;
	s6 =	sadd.s32 @!p0 s3, s7;
	s7 =	simm.s32 @!p0 $0x108  }
0x21: {  	s3 =	sadd.s32 s3, s9;
	s6 =	sadd.s32 @!p0 $0x88, s6;
	s7 =	simm.s32 @p2 $0x1082  }
0x22: {  	[simem:s7], [sflag:s8] =	dma.local @!p0 [hbm:s6], $0xF7A  }
0x23: {  	s9 =	sor.u32 $0xD0000000, s2;
	s6 =	simm.s32 $0x108;
	_ =	swait.ge @!p0 [sflag:s8], $0x0  }
0x24: {  	s3 =	sadd.s32 $0x88, s3;
	s6 =	simm.s32 @!p1 $0x1082;
	[sflag:s4] =	ssyncset.s32 $0xFFFFF086  }
0x25: {  	[simem:s6], [sflag:s4] =	dma.local [hbm:s3], $0xF7A  }
0x26: {  	[smem:$0x3F8E] =	sst s1;
	(tag) =	ssettag s2;
	_ =	strace s9  }
0x27: {  	s1 =	sld [smem:$0x3F9E]  }
0x28: {  	s2 =	sld [smem:$0x3F9F]  }
0x29: {  	s4 =	sld [smem:$0x3FA1]  }
0x2a: {  	p0 =	seq.s32 s5, $0x0;
	s5 =	sld [smem:$0x3FA2]  }
0x2b: {  	s6 =	sld [smem:$0x3FA3]  }
0x2c: {  	s7 =	sld [smem:$0x3FA4]  }
0x2d: {  	s3 =	simm.s32 $0x108;
	s8 =	sld [smem:$0x3FA5]  }
0x2e: {  	s3 =	simm.s32 @!p0 $0x1082;
	s9 =	sld [smem:$0x3FA6]  }
0x2f: {  	lr =	sadd.s32 s0, s3;
	s0 =	sld [smem:$0x3F9D]  }
0x30: {  	s3 =	sld [smem:$0x3FA0]  }
0x31: {  	[smem:$0x3FA9] =	sst s10  }
0x32: {  	s10 =	sld [smem:$0x3FA7];
	_ =	sdelay $0x3  }
0x33: {  	p0 =	seq.s32 s10, $0x1;
	s10 =	sld [smem:$0x3FA9];
	_ =	sdelay $0x3  }
0x34: {  	[smem:$0x3FA9] =	sst s10  }
0x35: {  	s10 =	sld [smem:$0x3FA8];
	_ =	sdelay $0x3  }
0x36: {  	p1 =	seq.s32 s10, $0x1;
	s10 =	sld [smem:$0x3FA9];
	_ =	sdelay $0x3  }
0x37: {  	[smem:$0x3FA9] =	sst s10  }
0x38: {  	s10 =	sld [smem:$0x3FAA]  }
0x39: {  	_ = 	snop;
	(pc) =	sbr.ind lr, $3  }
0x3a: {  	_ = 	snop  }
0x3b: {  	_ = 	snop  }
0x3c: {  	p2 =	seq.s32 s10, $0x1;
	s10 =	sld [smem:$0x3FA9]  }
0x3d: {  	_ =	shalt  }
0x3e: {  	_ =	shalt  }
0x3f: {  	_ =	shalt  }
0x40: {  	_ =	shalt  }
0x41: {  	_ =	shalt  }
0x42: {  	_ =	shalt  }
0x43: {  	_ =	shalt  }
0x44: {  	_ =	shalt  }
0x45: {  	_ =	shalt  }
0x46: {  	_ =	shalt  }
0x47: {  	_ =	shalt  }
0x48: {  	_ =	shalt  }
0x49: {  	_ =	shalt  }
0x4a: {  	_ =	shalt  }
0x4b: {  	_ =	shalt  }
0x4c: {  	_ =	shalt  }
0x4d: {  	_ =	shalt  }
0x4e: {  	_ =	shalt  }
0x4f: {  	_ =	shalt  }
0x50: {  	_ =	shalt  }
0x51: {  	_ =	shalt  }
0x52: {  	_ =	shalt  }
0x53: {  	_ =	shalt  }
0x54: {  	_ =	shalt  }
0x55: {  	_ =	shalt  }
0x56: {  	_ =	shalt  }
0x57: {  	_ =	shalt  }
0x58: {  	_ =	shalt  }
0x59: {  	_ =	shalt  }
0x5a: {  	_ =	shalt  }
0x5b: {  	_ =	shalt  }
0x5c: {  	_ =	shalt  }
0x5d: {  	_ =	shalt  }
0x5e: {  	_ =	shalt  }
0x5f: {  	_ =	shalt  }
0x60: {  	_ =	shalt  }
0x61: {  	_ =	shalt  }
0x62: {  	_ =	shalt  }
0x63: {  	_ =	shalt  }
0x64: {  	_ =	shalt  }
0x65: {  	_ =	shalt  }
0x66: {  	_ =	shalt  }
0x67: {  	_ =	shalt  }
0x68: {  	_ =	shalt  }
0x69: {  	_ =	shalt  }
0x6a: {  	_ =	shalt  }
0x6b: {  	_ =	shalt  }
0x6c: {  	_ =	shalt  }
0x6d: {  	_ =	shalt  }
0x6e: {  	_ =	shalt  }
0x6f: {  	_ =	shalt  }
0x70: {  	_ =	shalt  }
0x71: {  	_ =	shalt  }
0x72: {  	_ =	shalt  }
0x73: {  	_ =	shalt  }
0x74: {  	_ =	shalt  }
0x75: {  	_ =	shalt  }
0x76: {  	_ =	shalt  }
0x77: {  	_ =	shalt  }
0x78: {  	_ =	shalt  }
0x79: {  	_ =	shalt  }
0x7a: {  	_ =	shalt  }
0x7b: {  	_ =	shalt  }
0x7c: {  	_ =	shalt  }
0x7d: {  	_ =	shalt  }
0x7e: {  	_ =	shalt  }
0x7f: {  	_ =	shalt  }
0x80: {  	_ =	shalt  }
0x81: {  	_ =	shalt  }
0x82: {  	_ =	shalt  }
0x83: {  	_ =	shalt  }
0x84: {  	_ =	shalt  }
0x85: {  	_ =	shalt  }
0x86: {  	_ =	shalt  }
0x87: {  	_ =	shalt  }
.Lfunc_end0:
.L_simem_size_0:
called_computation.2_lowered:
.L_overlay_start_0:
0x88: {  	s2 =	sld [smem:$0x3FD9]  }
0x89: {  	s3 =	sld [smem:$0x3FFE];
	_ =	sdelay $0x1  }
0x8a: {  	s1 =	srdreg.scid  }
0x8b: {  	s0 =	sand.u32 $0x1, s1  }
0x8c: {  	s16 =	sshll.u32 s0, $0xA;
	s2 =	sadd.s32 s3, s2  }
0x8d: {  	s2 =	sadd.s32 s2, s16  }
0x8e: {  	[smem:$0x3FB5] =	sst s2  }
0x8f: {  	_ = 	snop  }
0x90: {  	(tm) =	ssettm $0x1  }
0x91: {  	s17 =	sld [smem:$0x3FFB];
	_ =	sdelay $0x3  }
0x92: {  	_ =	strace s17  }
0x93: {  	s2 =	sld [smem:$0x3FFC];
	_ =	sdelay $0x3  }
0x94: {  	_ =	strace s2  }
0x95: {  	s2 =	sld [smem:$0x3FFD];
	_ =	sdelay $0x3  }
0x96: {  	_ =	strace s2  }
0x97: {  	_ =	strace $0x8FFFFFFF  }
0x98: {  	s18 =	sld [smem:$0x3FDB];
	_ =	sdelay $0x1  }
0x99: {  	s19 =	simm.s32 $_scs_section_size  }
0x9a: {  	s4 =	simm.s32 $_size__tile_overlayer_lowered;
	s5 =	simm.s32 $_tile_overlayer_lowered  }
0x9b: {  	s22 =	simm.s32 $0x1BFF;
	s21 =	sshll.u32 s5, $0x1;
	s2 =	sadd.s32 s19, s18  }
0x9c: {  	s6 =	simm.s32 $0x0;
	s20 =	sshll.u32 s4, $0x1;
	s4 =	sadd.s32 s21, s2  }
0x9d: {  	[timem:s6], [sflag:s22] =	dma.local [hbm:s4], s20  }
0x9e: {  	_ =	swait.ge [sflag:s22], s20  }
0x9f: {  	s3 =	ssub.s32 $0x0, s20;
	[sflag:s22] =	ssyncset.done $0x0  }
0xa0: {  	[sflag:s22] =	ssyncadd.s32 s3;
	_ =	sdelay $0x1  }
0xa1: {  	s23 =	simm.s32 $0x1B8B  }
0xa2: {  	_ =	swait.ge [sflag:s23], $0x1  }
0xa3: {  	[sflag:s23] =	ssyncset.done $0x0  }
0xa4: {  	s25 =	simm.s32 $0x1B8E;
	s24 =	sld [smem:$0x3FFE];
	[sflag:s23] =	ssyncadd.s32 $0xFFFFFFFF  }
0xa5: {  	s26 =	simm.s32 $execute0_lowered;
	[smem:$0x3FD2] =	sst s25  }
0xa6: {  	s4 =	sshll.u32 s26, $0x1;
	_ =	strace $0x8000004C;
	[dreg:$0x1] =	wrdreg $0xFFFFFFFF  }
0xa7: {  	s28 =	simm.s32 $_size_execute0_lowered;
	s2 =	sadd.s32 s2, s4;
	[dreg:$0x0] =	wrdreg $0x0  }
0xa8: {  	s4 =	sshll.u32 s28, $0x1;
	[dreg:$0x2] =	wrdreg s2  }
0xa9: {  	[dreg:$0x3] =	wrdreg s4  }
0xaa: {  	[dreg:$0x4] =	wrdreg $0xC0  }
0xab: {  	_ =	task [dreg:s6], $0x5FFFF  }
0xac: {  	[dreg:$0x1] =	wrdreg $0xFFFFFFFF  }
0xad: {  	[dreg:$0x0] =	wrdreg $0x60  }
0xae: {  	[dreg:$0x2] =	wrdreg s24  }
0xaf: {  	[dreg:$0x3] =	wrdreg $0x97A00  }
0xb0: {  	[dreg:$0x4] =	wrdreg $0x9  }
0xb1: {  	_ =	task.clear_ibuf [dreg:s6], $0x5FFFF;
	_ =	strace $0x9000004C  }
0xb2: {  	s29 =	simm.s32 $0x9;
	_ =	strace $0x8000004E  }
0xb3: {  	_ =	swait.ge [sflag:s29], $0x1  }
0xb4: {  	[sflag:s29] =	ssyncadd.s32 $0xFFFFFFFF  }
0xb5: {  	_ =	strace $0x9000004E  }
0xb6: {  	_ =	sfence  }
0xb7: {  	s30 =	sld [smem:$0x0];
	_ =	sdelay $0x2  }
0xb8: {  	s31 =	sshll.u32 s1, $0xD;
	s1 =	sshrl.u32 s1, $0x2  }
0xb9: {  	s3 =	sand.u32 $0x4000, s31;
	s1 =	sadd.s32 s1, s30  }
0xba: {  	s0 =	sor.u32 s3, s0;
	s1 =	sshll.u32 s1, $0x11  }
0xbb: {  	s0 =	sor.u32 s1, s0  }
0xbc: {  	s0 =	sadd.s32 $0x8F2B, s0  }
0xbd: {  	[sflag:s0] =	ssyncadd.remote.s32 $0x1  }
0xbe: {  	_ =	sfence.sel $0xFFFF  }
0xbf: {  	[dreg:$0x0] =	wrdreg $0xFFFFFFFF;
	(pc) =	sbr.abs _section_cstart, $3  }
0xc0: {  	[dreg:$0x1] =	wrdreg $0xFFFFFFFF  }
0xc1: {  	_ =	task.clear_ibuf [dreg:s6], $0x2FFFF;
	_ =	strace $0x9FFFFFFF  }
0xc2: {  	(tm) =	ssettm $0x7FFFFFFF  }
0xc3: {  	_ =	shalt  }
tec
execute0_lowered:
.L_overlay_start_1:
0x0: {  	(tag) =	ssettag $0x1  }
0x1: {  	s0 =	rddreg [dreg:$0x0]  }
0x2: {  	s1 =	rddreg [dreg:$0x1]  }
0x3: {  	s2 =	simm.s32 $0x0;
	s3 =	srdreg.scid;
	s17 =	stileid.u32  }
0x4: {  	s28 =	simm.s32 $0x96A0;
	s29 =	simm.s32 $0x4E20;
	s30 =	simm.s32 $0x1  }
0x5: {  	s31 =	simm.s32 $0x0;
	[smem:$0x7FF] =	sst s2;
	s12 =	smul.u32 $0x280, s17  }
0x6: {  	s3 =	sand.u32 $0x1, s3;
	s4 =	sadd.s32 $0x32800, s0;
	s13 =	smul.u32 $0x32000, s17  }
0x7: {  	s5 =	sadd.s32 $0x28600, s0;
	s6 =	sadd.s32 $0x3CA00, s0;
	s7 =	smul.u32 $0x2710, s3  }
0x8: {  	_ =	strace $0x8000004D;
	s9 =	ssub.s32 $0x2, s3;
	s3 =	smul.u32 $0x2800, s3  }
0x9: {  	s10 =	sshrl.u32 s9, $0x1;
	s14 =	sadd.s32 $0x80, s12;
	s19 =	sshrl.u32 s13, $0x2  }
0xa: {  	s22 =	sadd.s32 $0x14000, s13;
	s15 =	sadd.s32 $0x1E000, s13;
	s13 =	sadd.s32 $0x28000, s13  }
0xb: {  	s8 =	sshrl.u32 s7, $0x3;
	s16 =	ssub.s32 s9, s10;
	s20 =	smul.u32 $0x140, s14  }
0xc: {  	s9 =	sadd.s32 s19, s1;
	s23 =	sshrl.u32 s22, $0x2;
	s24 =	sshrl.u32 s15, $0x2  }
0xd: {  	s12 =	sadd.s32 s12, s3;
	s3 =	sadd.s32 s3, s14;
	s26 =	sshrl.u32 s13, $0x2  }
0xe: {  	s14 =	smul.u32 $0x5100, s17;
	s22 =	simm.s32 $0x2710;
	s8 =	sadd.s32 s8, s0  }
0xf: {  	s0 =	sadd.s32 $0x63C00, s0;
	s25 =	smul.u32 $0xA, s12;
	s12 =	sadd.s32 s24, s1  }
0x10: {  	s3 =	smul.u32 $0xA, s3;
	s13 =	sadd.s32 s26, s1;
	s24 =	simm.s32 $0x9620  }
0x11: {  	v0 =	vlaneseq.u32;
	s26 =	simm.s32 $0x80;
	s11 =	sadd.s32 $0x1E00, s8;
	s8 =	sadd.s32 $0x1400, s8  }
0x12: {  	v9 =	vmul.u32 $0x50, v0;
	s21 =	sshrl.u32 s20, $0x2;
	s20 =	smax.u32 s16, $0x1;
	[dreg:$0x3] =	wrdreg s11  }
0x13: {  	v1 =	vimm.f32 $0.0e+00;
	[dreg:$0x4] =	wrdreg s8;
	s10 =	sadd.s32 s21, s1;
	s11 =	sadd.s32 s23, s1  }
0x14: {  	v2 =	vadd.s32 $0x40, v9;
	v3 =	vadd.s32 $0x540, v9;
	v4 =	vadd.s32 $0xA40, v9;
	s15 =	sadd.s32 s0, s25;
	s0 =	sadd.s32 s0, s3;
	s21 =	simm.s32 $0x2  }
0x15: {  	v5 =	vadd.s32 $0xF40, v9;
	v6 =	vadd.s32 $0x1440, v9;
	v7 =	vadd.s32 $0x1940, v9;
	s23 =	simm.s32 $0x6E20;
	s25 =	simm.s32 $0x9720;
	[dreg:$0x5] =	wrdreg s0  }
0x16: {  	v8 =	vadd.s32 $0x1E40, v9;
	v9 =	vadd.s32 $0x2340, v9;
	v0 =	vmov s7;
	s17 =	sadd.s32 $0xA00, s15;
	s18 =	sadd.s32 $0xF00, s15;
	s19 =	sadd.s32 $0x1400, s15  }
.LBB2_1:
0x17: {  	s0 =	rddreg [dreg:$0x3]  }
0x18: {  	[tilespmem:s2], [sflag:$0x2] =	stream.linear.gather [hbm4b:s0+s2], $0x2710, $0x38;
	[tilespmem:$0x15FA0] =	vst v63  }
0x19: {  	_ =	swait.ge [sflag:s21], $0x2710  }
0x1a: {  	[sflag:s21] =	ssyncset.done $0x0  }
0x1b: {  	s16 =	rddreg [dreg:$0x4];
	[sflag:s21] =	ssyncadd.s32 $0xFFFFD8F0  }
0x1c: {  	[tilespmem:s22], [sflag:$0x2] =	stream.linear.gather [hbm4b:s16+s2], $0x2710, $0x38;
	[tilespmem:$0x15FA0] =	vst v63  }
0x1d: {  	_ =	swait.ge [sflag:s21], $0x2710  }
0x1e: {  	[sflag:s21] =	ssyncset.done $0x0  }
0x1f: {  	s3 =	simm.s32 $0x140;
	s0 =	simm.s32 $0x0;
	[sflag:s21] =	ssyncadd.s32 $0xFFFFD8F0  }
.LBB2_2:
0x20: {  	p0 =	sne.s32 s3, $0x9EC0;
	[tilespmem:s0+$0x6E60] =	vst v1;
	s7 =	smov.u32 s3;
	s3 =	sadd.s32 $0x140, s3  }
.Ltmp0:
0x21: {  	[tilespmem:s0+$0x6E50] =	vst v1;
	(pc) =	sbr.rel @p0 .LBB2_2-.Ltmp0, $4  }
0x22: {  	[tilespmem:s0+$0x6E40] =	vst v1  }
0x23: {  	[tilespmem:s0+$0x6E20] =	vst v1  }
0x24: {  	[tilespmem:s0+$0x6E30] =	vst v1  }
0x25: {  	s0 =	sshra.s32 s7, $0x2  }
0x26: {  	[tilespmem:s0+$0x6E60] =	vst v1  }
0x27: {  	[tilespmem:s0+$0x6E50] =	vst v1  }
0x28: {  	[tilespmem:s0+$0x6E40] =	vst v1  }
0x29: {  	[tilespmem:s0+$0x6E20] =	vst v1  }
0x2a: {  	[tilespmem:s0+$0x6E30] =	vst v1  }
0x2b: {  	[spmem:s9] =	stream.linear.scatter [tilespmem:s23], [sflag:$0x2], $0x2800, $0x38;
	[tilespmem:$0x15FA0] =	vst v63  }
0x2c: {  	_ =	swait.ge [sflag:s21], $0x2800  }
0x2d: {  	[sflag:s21] =	ssyncset.done $0x0  }
0x2e: {  	[sflag:s21] =	ssyncadd.s32 $0xFFFFD800  }
0x2f: {  	[spmem:s10] =	stream.linear.scatter [tilespmem:s23], [sflag:$0x2], $0x2800, $0x38;
	[tilespmem:$0x15FA0] =	vst v63  }
0x30: {  	_ =	swait.ge [sflag:s21], $0x2800  }
0x31: {  	[sflag:s21] =	ssyncset.done $0x0  }
0x32: {  	[sflag:s21] =	ssyncadd.s32 $0xFFFFD800  }
0x33: {  	[spmem:s11] =	stream.linear.scatter [tilespmem:s23], [sflag:$0x2], $0x2800, $0x38;
	[tilespmem:$0x15FA0] =	vst v63  }
0x34: {  	_ =	swait.ge [sflag:s21], $0x2800  }
0x35: {  	[sflag:s21] =	ssyncset.done $0x0  }
0x36: {  	[sflag:s21] =	ssyncadd.s32 $0xFFFFD800  }
0x37: {  	[spmem:s12] =	stream.linear.scatter [tilespmem:s23], [sflag:$0x2], $0x2800, $0x38;
	[tilespmem:$0x15FA0] =	vst v63  }
0x38: {  	_ =	swait.ge [sflag:s21], $0x2800  }
0x39: {  	[sflag:s21] =	ssyncset.done $0x0  }
0x3a: {  	[sflag:s21] =	ssyncadd.s32 $0xFFFFD800  }
0x3b: {  	[spmem:s13] =	stream.linear.scatter [tilespmem:s23], [sflag:$0x2], $0x2800, $0x38;
	[tilespmem:$0x15FA0] =	vst v63  }
0x3c: {  	_ =	swait.ge [sflag:s21], $0x2800  }
0x3d: {  	[sflag:s21] =	ssyncset.done $0x0  }
0x3e: {  	[sflag:s21] =	ssyncadd.s32 $0xFFFFD800  }
0x3f: {  	s0 =	simm.s32 $0x0;
	s3 =	simm.s32 $0x0;
	[bflag:$0x0] =	sbarrier.arrive $0xFFFF  }
.LBB2_4:
0x40: {  	s7 =	sshll.u32 s3, $0x7  }
0x41: {  	s7 =	sadd.s32 s14, s7  }
0x42: {  	s7 =	sshrl.u32 s7, $0x3  }
0x43: {  	s8 =	sadd.s32 s4, s7  }
0x44: {  	[tilespmem:s24], [sflag:$0x2] =	stream.linear.gather [hbm4b:s8+s0], $0x80, $0x38;
	[tilespmem:$0x15FA0] =	vst v63  }
0x45: {  	_ =	swait.ge [sflag:s21], $0x80  }
0x46: {  	[sflag:s21] =	ssyncset.done $0x0  }
0x47: {  	s7 =	sadd.s32 s5, s7;
	[sflag:s21] =	ssyncadd.s32 $0xFFFFFF80  }
0x48: {  	[tilespmem:s25], [sflag:$0x2] =	stream.linear.gather [hbm4b:s7+s0], $0x80, $0x38;
	[tilespmem:$0x15FA0] =	vst v63  }
0x49: {  	_ =	swait.ge [sflag:s21], $0x80  }
0x4a: {  	[sflag:s21] =	ssyncset.done $0x0  }
0x4b: {  	[sflag:s21] =	ssyncadd.s32 $0xFFFFFF80  }
0x4c: {  	v10 =	vld [tilespmem:$0x9620]  }
0x4d: {  	v11 =	vld [tilespmem:$0x9630]  }
0x4e: {  	v12 =	vld [tilespmem:$0x9640]  }
0x4f: {  	v13 =	vld [tilespmem:$0x9650]  }
0x50: {  	v14 =	vld [tilespmem:$0x9660]  }
0x51: {  	v15 =	vld [tilespmem:$0x9670];
	v10 =	vadd.s32 v0, v10  }
0x52: {  	[tilespmem:$0x96A0] =	vst v10;
	v10 =	vadd.s32 v0, v11;
	v11 =	vld [tilespmem:$0x9680]  }
0x53: {  	v63 =	vld [tilespmem:$0x9690];
	[tilespmem:$0x96B0] =	vst v10;
	v10 =	vadd.s32 v0, v12  }
0x54: {  	[tilespmem:$0x96C0] =	vst v10;
	v10 =	vadd.s32 v0, v13  }
0x55: {  	[tilespmem:$0x96D0] =	vst v10;
	v10 =	vadd.s32 v0, v14  }
0x56: {  	[tilespmem:$0x96E0] =	vst v10;
	v10 =	vadd.s32 v0, v15  }
0x57: {  	[tilespmem:$0x96F0] =	vst v10;
	v10 =	vadd.s32 v0, v11  }
0x58: {  	[tilespmem:$0x9700] =	vst v10;
	v10 =	vadd.s32 v0, v63  }
0x59: {  	[tilespmem:$0x9710] =	vst v10  }
0x5a: {  	[tilespmem:s29], [sflag:$0x1] =	stream.indirect.gather [hbm4b:s6+s26], $0x40, s28, s26, $0xb8;
	[tilespmem:$0x15FA0] =	vst v63  }
0x5b: {  	v10 =	vld [tilespmem:$0x9620]  }
0x5c: {  	v11 =	vld [tilespmem:$0x9720];
	_ =	sdelay $0x6  }
0x5d: {  	v10 =	vld.idx.msk [tilespmem:v10+s0+$0x0], $0xffff  }
0x5e: {  	v11 =	vld.idx.msk [tilespmem:v11+s22+$0x0], $0xffff;
	_ =	sdelay $0x4  }
0x5f: {  	v10 =	vadd.f32 v11, v10;
	_ =	sdelay $0x1  }
0x60: {  	v11 =	vmul.f32 $2.000000030e-01, v10;
	_ =	sdelay $0x1  }
0x61: {  	v10 =	vmax.f32 v10, v11  }
0x62: {  	v10 =	vmul.f32 $1.442695020e+00, v10;
	_ =	sdelay $0x1  }
0x63: {  	(erf) = vpow2.f32 v10;
	_ =	sdelay $0x8  }
0x64: {  	v10 =	vpop (erf)  }
0x65: {  	[tilespmem:v2+s23+$0x0] =	vst.idx.msk $0xffff, v10  }
0x66: {  	v10 =	vld [tilespmem:$0x9630]  }
0x67: {  	v11 =	vld [tilespmem:$0x9730];
	_ =	sdelay $0x6  }
0x68: {  	v10 =	vld.idx.msk [tilespmem:v10+s0+$0x0], $0xffff  }
0x69: {  	v11 =	vld.idx.msk [tilespmem:v11+s22+$0x0], $0xffff;
	_ =	sdelay $0x4  }
0x6a: {  	v10 =	vadd.f32 v11, v10;
	_ =	sdelay $0x1  }
0x6b: {  	v11 =	vmul.f32 $2.000000030e-01, v10;
	_ =	sdelay $0x1  }
0x6c: {  	v10 =	vmax.f32 v10, v11  }
0x6d: {  	v10 =	vmul.f32 $1.442695020e+00, v10;
	_ =	sdelay $0x1  }
0x6e: {  	(erf) = vpow2.f32 v10;
	_ =	sdelay $0x8  }
0x6f: {  	v10 =	vpop (erf)  }
0x70: {  	[tilespmem:v3+s23+$0x0] =	vst.idx.msk $0xffff, v10  }
0x71: {  	v10 =	vld [tilespmem:$0x9640]  }
0x72: {  	v11 =	vld [tilespmem:$0x9740];
	_ =	sdelay $0x6  }
0x73: {  	v10 =	vld.idx.msk [tilespmem:v10+s0+$0x0], $0xffff  }
0x74: {  	v11 =	vld.idx.msk [tilespmem:v11+s22+$0x0], $0xffff;
	_ =	sdelay $0x4  }
0x75: {  	v10 =	vadd.f32 v11, v10;
	_ =	sdelay $0x1  }
0x76: {  	v11 =	vmul.f32 $2.000000030e-01, v10;
	_ =	sdelay $0x1  }
0x77: {  	v10 =	vmax.f32 v10, v11  }
0x78: {  	v10 =	vmul.f32 $1.442695020e+00, v10;
	_ =	sdelay $0x1  }
0x79: {  	(erf) = vpow2.f32 v10;
	_ =	sdelay $0x8  }
0x7a: {  	v10 =	vpop (erf)  }
0x7b: {  	[tilespmem:v4+s23+$0x0] =	vst.idx.msk $0xffff, v10  }
0x7c: {  	v10 =	vld [tilespmem:$0x9650]  }
0x7d: {  	v11 =	vld [tilespmem:$0x9750];
	_ =	sdelay $0x6  }
0x7e: {  	v10 =	vld.idx.msk [tilespmem:v10+s0+$0x0], $0xffff  }
0x7f: {  	v11 =	vld.idx.msk [tilespmem:v11+s22+$0x0], $0xffff;
	_ =	sdelay $0x4  }
0x80: {  	v10 =	vadd.f32 v11, v10;
	_ =	sdelay $0x1  }
0x81: {  	v11 =	vmul.f32 $2.000000030e-01, v10;
	_ =	sdelay $0x1  }
0x82: {  	v10 =	vmax.f32 v10, v11  }
0x83: {  	v10 =	vmul.f32 $1.442695020e+00, v10;
	_ =	sdelay $0x1  }
0x84: {  	(erf) = vpow2.f32 v10;
	_ =	sdelay $0x8  }
0x85: {  	v10 =	vpop (erf)  }
0x86: {  	[tilespmem:v5+s23+$0x0] =	vst.idx.msk $0xffff, v10  }
0x87: {  	v10 =	vld [tilespmem:$0x9660]  }
0x88: {  	v11 =	vld [tilespmem:$0x9760];
	_ =	sdelay $0x6  }
0x89: {  	v10 =	vld.idx.msk [tilespmem:v10+s0+$0x0], $0xffff  }
0x8a: {  	v11 =	vld.idx.msk [tilespmem:v11+s22+$0x0], $0xffff;
	_ =	sdelay $0x4  }
0x8b: {  	v10 =	vadd.f32 v11, v10;
	_ =	sdelay $0x1  }
0x8c: {  	v11 =	vmul.f32 $2.000000030e-01, v10;
	_ =	sdelay $0x1  }
0x8d: {  	v10 =	vmax.f32 v10, v11  }
0x8e: {  	v10 =	vmul.f32 $1.442695020e+00, v10;
	_ =	sdelay $0x1  }
0x8f: {  	(erf) = vpow2.f32 v10;
	_ =	sdelay $0x8  }
0x90: {  	v10 =	vpop (erf)  }
0x91: {  	[tilespmem:v6+s23+$0x0] =	vst.idx.msk $0xffff, v10  }
0x92: {  	v10 =	vld [tilespmem:$0x9670]  }
0x93: {  	v11 =	vld [tilespmem:$0x9770];
	_ =	sdelay $0x6  }
0x94: {  	v10 =	vld.idx.msk [tilespmem:v10+s0+$0x0], $0xffff  }
0x95: {  	v11 =	vld.idx.msk [tilespmem:v11+s22+$0x0], $0xffff;
	_ =	sdelay $0x4  }
0x96: {  	v10 =	vadd.f32 v11, v10;
	_ =	sdelay $0x1  }
0x97: {  	v11 =	vmul.f32 $2.000000030e-01, v10;
	_ =	sdelay $0x1  }
0x98: {  	v10 =	vmax.f32 v10, v11  }
0x99: {  	v10 =	vmul.f32 $1.442695020e+00, v10;
	_ =	sdelay $0x1  }
0x9a: {  	(erf) = vpow2.f32 v10;
	_ =	sdelay $0x8  }
0x9b: {  	v10 =	vpop (erf)  }
0x9c: {  	[tilespmem:v7+s23+$0x0] =	vst.idx.msk $0xffff, v10  }
0x9d: {  	v10 =	vld [tilespmem:$0x9680]  }
0x9e: {  	v11 =	vld [tilespmem:$0x9780];
	_ =	sdelay $0x6  }
0x9f: {  	v10 =	vld.idx.msk [tilespmem:v10+s0+$0x0], $0xffff  }
0xa0: {  	v11 =	vld.idx.msk [tilespmem:v11+s22+$0x0], $0xffff;
	_ =	sdelay $0x4  }
0xa1: {  	v10 =	vadd.f32 v11, v10;
	_ =	sdelay $0x1  }
0xa2: {  	v11 =	vmul.f32 $2.000000030e-01, v10;
	_ =	sdelay $0x1  }
0xa3: {  	v10 =	vmax.f32 v10, v11  }
0xa4: {  	v10 =	vmul.f32 $1.442695020e+00, v10;
	_ =	sdelay $0x1  }
0xa5: {  	(erf) = vpow2.f32 v10;
	_ =	sdelay $0x8  }
0xa6: {  	v10 =	vpop (erf)  }
0xa7: {  	[tilespmem:v8+s23+$0x0] =	vst.idx.msk $0xffff, v10  }
0xa8: {  	v10 =	vld [tilespmem:$0x9690]  }
0xa9: {  	v11 =	vld [tilespmem:$0x9790];
	_ =	sdelay $0x6  }
0xaa: {  	v10 =	vld.idx.msk [tilespmem:v10+s0+$0x0], $0xffff  }
0xab: {  	v11 =	vld.idx.msk [tilespmem:v11+s22+$0x0], $0xffff;
	_ =	sdelay $0x4  }
0xac: {  	v10 =	vadd.f32 v11, v10;
	_ =	sdelay $0x1  }
0xad: {  	v11 =	vmul.f32 $2.000000030e-01, v10;
	_ =	sdelay $0x1  }
0xae: {  	v10 =	vmax.f32 v10, v11  }
0xaf: {  	v10 =	vmul.f32 $1.442695020e+00, v10;
	_ =	sdelay $0x1  }
0xb0: {  	(erf) = vpow2.f32 v10;
	_ =	sdelay $0x8  }
0xb1: {  	v10 =	vpop (erf)  }
0xb2: {  	[tilespmem:v9+s23+$0x0] =	vst.idx.msk $0xffff, v10  }
0xb3: {  	_ =	swait.ge [sflag:s30], $0x2000  }
0xb4: {  	[sflag:s30] =	ssyncset.done $0x0  }
0xb5: {  	s7 =	simm.s32 $0x6E40;
	[sflag:s30] =	ssyncadd.s32 $0xFFFFE000  }
0xb6: {  	s16 =	simm.s32 $0x0;
	s8 =	simm.s32 $0x100;
	v10 =	vld.msk [tilespmem:s7+$0x20 ss:$0x0], $0xffff  }
.LBB2_5:
0xb7: {  	p0 =	sne.s32 s8, $0x7F00;
	v11 =	vld [tilespmem:s16+$0x4E20];
	_ =	sdelay $0x4  }
0xb8: {  	v11 =	vmul.f32 v10, v11;
	_ =	sdelay $0x1  }
0xb9: {  	[tilespmem:s7+$0xFFFFFFE0] =	vst v11  }
0xba: {  	v11 =	vld [tilespmem:s16+$0x4E30];
	_ =	sdelay $0x4  }
0xbb: {  	v11 =	vmul.f32 v11, v10;
	_ =	sdelay $0x1  }
0xbc: {  	[tilespmem:s7+$0xFFFFFFF0] =	vst v11  }
0xbd: {  	v11 =	vld [tilespmem:s16+$0x4E40];
	_ =	sdelay $0x4  }
0xbe: {  	v11 =	vmul.f32 v11, v10;
	_ =	sdelay $0x1  }
0xbf: {  	[tilespmem:s7+$0x0] =	vst v11  }
0xc0: {  	v11 =	vld [tilespmem:s16+$0x4E50];
	_ =	sdelay $0x3  }
.Ltmp1:
0xc1: {  	(pc) =	sbr.rel @p0 .LBB2_5-.Ltmp1, $3  }
0xc2: {  	v10 =	vmul.f32 v11, v10;
	_ =	sdelay $0x1  }
0xc3: {  	[tilespmem:s7+$0x10] =	vst v10;
	s7 =	sadd.s32 $0x50, s7  }
0xc4: {  	s16 =	sshra.s32 s8, $0x2;
	s8 =	sadd.s32 $0x100, s8;
	v10 =	vld.msk [tilespmem:s7+$0x20 ss:$0x0], $0xffff  }
0xc5: {  	v11 =	vld [tilespmem:s16+$0x4E20];
	_ =	sdelay $0x4  }
0xc6: {  	v11 =	vmul.f32 v10, v11;
	_ =	sdelay $0x1  }
0xc7: {  	[tilespmem:s7+$0xFFFFFFE0] =	vst v11  }
0xc8: {  	v11 =	vld [tilespmem:s16+$0x4E30];
	_ =	sdelay $0x4  }
0xc9: {  	v11 =	vmul.f32 v11, v10;
	_ =	sdelay $0x1  }
0xca: {  	[tilespmem:s7+$0xFFFFFFF0] =	vst v11  }
0xcb: {  	v11 =	vld [tilespmem:s16+$0x4E40];
	_ =	sdelay $0x4  }
0xcc: {  	v11 =	vmul.f32 v11, v10;
	_ =	sdelay $0x1  }
0xcd: {  	[tilespmem:s7+$0x0] =	vst v11  }
0xce: {  	v11 =	vld [tilespmem:s16+$0x4E50];
	_ =	sdelay $0x4  }
0xcf: {  	s3 =	sadd.s32 $0x1, s3;
	v10 =	vmul.f32 v11, v10  }
0xd0: {  	p0 =	sne.s32 s3, $0xA2  }
.Ltmp2:
0xd1: {  	[tilespmem:s7+$0x10] =	vst v10;
	(pc) =	sbr.rel @p0 .LBB2_4-.Ltmp2, $4  }
0xd2: {  	[spmem:s1] =	stream.indirect.scatter.add.f32 [tilespmem:s23], [sflag:$0x2], $0x50, s25, s26, $0xb8;
	[tilespmem:$0x15FA0] =	vst v63  }
0xd3: {  	_ =	swait.ge [sflag:s21], $0x2800  }
0xd4: {  	[sflag:s21] =	ssyncset.done $0x0  }
0xd5: {  	[sflag:s21] =	ssyncadd.s32 $0xFFFFD800  }
0xd6: {  	[bflag:$0x0] =	sbarrier.arrive $0xFFFF  }
0xd7: {  	[tilespmem:s23], [sflag:$0x2] =	stream.linear.gather [spmem:s9], $0x2800, $0x38;
	[tilespmem:$0x15FA0] =	vst v63  }
0xd8: {  	_ =	swait.ge [sflag:s21], $0x2800  }
0xd9: {  	[sflag:s21] =	ssyncset.done $0x0  }
0xda: {  	[sflag:s21] =	ssyncadd.s32 $0xFFFFD800  }
0xdb: {  	[hbm4b:s15+s2] =	stream.linear.scatter [tilespmem:s23], [sflag:$0x2], $0x2800, $0x38;
	[tilespmem:$0x15FA0] =	vst v63  }
0xdc: {  	_ =	swait.ge [sflag:s21], $0x2800  }
0xdd: {  	[sflag:s21] =	ssyncset.done $0x0  }
0xde: {  	[sflag:s21] =	ssyncadd.s32 $0xFFFFD800  }
0xdf: {  	[tilespmem:s23], [sflag:$0x2] =	stream.linear.gather [spmem:s10], $0x2800, $0x38;
	[tilespmem:$0x15FA0] =	vst v63  }
0xe0: {  	_ =	swait.ge [sflag:s21], $0x2800  }
0xe1: {  	[sflag:s21] =	ssyncset.done $0x0  }
0xe2: {  	s0 =	rddreg [dreg:$0x5];
	[sflag:s21] =	ssyncadd.s32 $0xFFFFD800  }
0xe3: {  	[hbm4b:s0+s2] =	stream.linear.scatter [tilespmem:s23], [sflag:$0x2], $0x2800, $0x38;
	[tilespmem:$0x15FA0] =	vst v63  }
0xe4: {  	_ =	swait.ge [sflag:s21], $0x2800  }
0xe5: {  	[sflag:s21] =	ssyncset.done $0x0  }
0xe6: {  	[sflag:s21] =	ssyncadd.s32 $0xFFFFD800  }
0xe7: {  	[tilespmem:s23], [sflag:$0x2] =	stream.linear.gather [spmem:s11], $0x2800, $0x38;
	[tilespmem:$0x15FA0] =	vst v63  }
0xe8: {  	_ =	swait.ge [sflag:s21], $0x2800  }
0xe9: {  	[sflag:s21] =	ssyncset.done $0x0  }
0xea: {  	[sflag:s21] =	ssyncadd.s32 $0xFFFFD800  }
0xeb: {  	[hbm4b:s17+s2] =	stream.linear.scatter [tilespmem:s23], [sflag:$0x2], $0x2800, $0x38;
	[tilespmem:$0x15FA0] =	vst v63  }
0xec: {  	_ =	swait.ge [sflag:s21], $0x2800  }
0xed: {  	[sflag:s21] =	ssyncset.done $0x0  }
0xee: {  	[sflag:s21] =	ssyncadd.s32 $0xFFFFD800  }
0xef: {  	[tilespmem:s23], [sflag:$0x2] =	stream.linear.gather [spmem:s12], $0x2800, $0x38;
	[tilespmem:$0x15FA0] =	vst v63  }
0xf0: {  	_ =	swait.ge [sflag:s21], $0x2800  }
0xf1: {  	[sflag:s21] =	ssyncset.done $0x0  }
0xf2: {  	[sflag:s21] =	ssyncadd.s32 $0xFFFFD800  }
0xf3: {  	[hbm4b:s18+s2] =	stream.linear.scatter [tilespmem:s23], [sflag:$0x2], $0x2800, $0x38;
	[tilespmem:$0x15FA0] =	vst v63  }
0xf4: {  	_ =	swait.ge [sflag:s21], $0x2800  }
0xf5: {  	[sflag:s21] =	ssyncset.done $0x0  }
0xf6: {  	[sflag:s21] =	ssyncadd.s32 $0xFFFFD800  }
0xf7: {  	[tilespmem:s23], [sflag:$0x2] =	stream.linear.gather [spmem:s13], $0x2800, $0x38;
	[tilespmem:$0x15FA0] =	vst v63  }
0xf8: {  	s31 =	sadd.s32 $0x1, s31;
	_ =	swait.ge [sflag:s21], $0x2800  }
0xf9: {  	p0 =	sne.s32 s31, s20;
	[sflag:s21] =	ssyncset.done $0x0  }
.Ltmp3:
0xfa: {  	[sflag:s21] =	ssyncadd.s32 $0xFFFFD800;
	(pc) =	sbr.rel @p0 .LBB2_1-.Ltmp3, $4  }
0xfb: {  	[hbm4b:s19+s2] =	stream.linear.scatter [tilespmem:s23], [sflag:$0x2], $0x2800, $0x38;
	[tilespmem:$0x15FA0] =	vst v63  }
0xfc: {  	_ =	swait.ge [sflag:s21], $0x2800  }
0xfd: {  	[sflag:s21] =	ssyncset.done $0x0  }
0xfe: {  	[sflag:s21] =	ssyncadd.s32 $0xFFFFD800  }
0xff: {  	_ =	sfence.sel $0x180000  }
0x100: {  	[bflag:$0x0] =	sbarrier.arrive $0xFFFF  }
0x101: {  	_ =	strace $0x9000004D  }
0x102: {  	s0 =	stileid.u32;
	[bflag:$0x2] =	sbarrier.arrive $0xFFFF  }
0x103: {  	p0 =	sne.s32 s0, $0x0;
	s0 =	rddreg [dreg:$0x2]  }
0x104: {  	s0 =	sadd.s32 @!p0 $0x100000, s0  }
0x105: {  	[sflag:s0] =	ssyncadd.tile.s32 @!p0 $0x1;
	_ =	shalt  }
.Lfunc_end2:
_tile_overlayer_lowered:
.L_overlay_start_2:
0x106: {  	(tag) =	ssettag $0x2  }
0x107: {  	s0 =	rddreg [dreg:$0x0];
	s2 =	stileid.u32  }
0x108: {  	s1 =	rddreg [dreg:$0x1];
	p0 =	sne.s32 s2, $0x0  }
0x109: {  	s3 =	rddreg [dreg:$0x2];
	[bflag:$0x3] =	sbarrier.arrive $0xFFFF;
	s2 =	simm.s32 @!p0 $0x1C02  }
0x10a: {  	[timem:s3], [sflag:s2] =	dma.local @!p0 [hbm:s0], s1  }
0x10b: {  	s0 =	simm.s32 @!p0 $0x2  }
0x10c: {  	_ =	swait.ge @!p0 [sflag:s0], s1  }
0x10d: {  	s1 =	ssub.s32 @!p0 $0x0, s1;
	[sflag:s0] =	ssyncset.done @!p0 $0x0  }
0x10e: {  	[sflag:s0] =	ssyncadd.s32 @!p0 s1  }
0x10f: {  	[bflag:$0x3] =	sbarrier.arrive $0xFFFF  }
0x110: {  	_ =	shalt  }

// kernel: kernel.20.cloned.1.call-start
scs
__scs_entry_jumppad:
0x0: {  	(pc) =	sbr.rel $0x88, $3  }
0x1: {  	(tag) =	ssettag $0x0;
	lr =	simm.s32 $0x1  }
0x2: {  	[smem:$0x3F8E] =	sst lr;
	_ =	strace $0xD0000000  }
0x3: {  	_ = 	snop  }
0x4: {  	_ = 	snop  }
0x5: {  	_ = 	snop  }
0x6: {  	_ = 	snop  }
0x7: {  	_ = 	snop  }
__scs_overlays_trampoline_lowered:
0x8: {  	[smem:$0x3F9D] =	sst s0  }
0x9: {  	[smem:$0x3F9E] =	sst s1  }
0xa: {  	[smem:$0x3F9F] =	sst s2  }
0xb: {  	[smem:$0x3FA0] =	sst s3  }
0xc: {  	[smem:$0x3FA1] =	sst s4  }
0xd: {  	[smem:$0x3FA2] =	sst s5  }
0xe: {  	[smem:$0x3FA3] =	sst s6  }
0xf: {  	[smem:$0x3FA4] =	sst s7  }
0x10: {  	[smem:$0x3FA5] =	sst s8  }
0x11: {  	[smem:$0x3FA6] =	sst s9;
	s0 =	simm.s32 @!p0 $0x0  }
0x12: {  	s1 =	sld [smem:$0x3F8C];
	s0 =	simm.s32 @p0 $0x1  }
0x13: {  	[smem:$0x3FA7] =	sst s0;
	s0 =	simm.s32 @!p1 $0x0  }
0x14: {  	s2 =	sld [smem:$0x3F8B];
	s0 =	simm.s32 @p1 $0x1  }
0x15: {  	[smem:$0x3FA8] =	sst s0;
	s0 =	simm.s32 @!p2 $0x0  }
0x16: {  	s3 =	sld [smem:$0x3FDB];
	s0 =	simm.s32 @p2 $0x1  }
0x17: {  	s4 =	simm.s32 $0x1BF5;
	[smem:$0x3FAA] =	sst s0  }
0x18: {  	s0 =	sld [smem:$0x3F8D];
	_ =	swait.ge [sflag:s4], $0x0  }
0x19: {  	s7 =	sld [smem:$0x3F8E]  }
0x1a: {  	s8 =	sadd.s32 $0xFFFFE003, lr  }
0x1b: {  	s9 =	sadd.s32 $0xFFFFFEF7, lr;
	s5 =	simm.s32 $0xFFFFFFFF;
	p2 =	slt.u32 s8, $0xFFFFF086  }
0x1c: {  	p1 =	slt.u32 s9, $0xF7A;
	s5 =	simm.s32 @!p2 $0x0  }
0x1d: {  	s5 =	simm.s32 @p1 $0x1;
	p0 =	seq.s32 s7, s2  }
0x1e: {  	s7 =	smul.u32 @!p0 $0xF7A, s2;
	p2 =	seq.s32 @!p0 s5, $0x0  }
0x1f: {  	s9 =	smul.u32 $0xF7A, s1;
	s8 =	simm.s32 @!p0 $0x1BF5;
	p2 =	por !p2, p0  }
0x20: {  	[sflag:s8] =	ssyncset.s32 @!p0 $0xFFFFF086;
	s6 =	sadd.s32 @!p0 s3, s7;
	s7 =	simm.s32 @!p0 $0x108  }
0x21: {  	s3 =	sadd.s32 s3, s9;
	s6 =	sadd.s32 @!p0 $0x88, s6;
	s7 =	simm.s32 @p2 $0x1082  }
0x22: {  	[simem:s7], [sflag:s8] =	dma.local @!p0 [hbm:s6], $0xF7A  }
0x23: {  	s9 =	sor.u32 $0xD0000000, s2;
	s6 =	simm.s32 $0x108;
	_ =	swait.ge @!p0 [sflag:s8], $0x0  }
0x24: {  	s3 =	sadd.s32 $0x88, s3;
	s6 =	simm.s32 @!p1 $0x1082;
	[sflag:s4] =	ssyncset.s32 $0xFFFFF086  }
0x25: {  	[simem:s6], [sflag:s4] =	dma.local [hbm:s3], $0xF7A  }
0x26: {  	[smem:$0x3F8E] =	sst s1;
	(tag) =	ssettag s2;
	_ =	strace s9  }
0x27: {  	s1 =	sld [smem:$0x3F9E]  }
0x28: {  	s2 =	sld [smem:$0x3F9F]  }
0x29: {  	s4 =	sld [smem:$0x3FA1]  }
0x2a: {  	p0 =	seq.s32 s5, $0x0;
	s5 =	sld [smem:$0x3FA2]  }
0x2b: {  	s6 =	sld [smem:$0x3FA3]  }
0x2c: {  	s7 =	sld [smem:$0x3FA4]  }
0x2d: {  	s3 =	simm.s32 $0x108;
	s8 =	sld [smem:$0x3FA5]  }
0x2e: {  	s3 =	simm.s32 @!p0 $0x1082;
	s9 =	sld [smem:$0x3FA6]  }
0x2f: {  	lr =	sadd.s32 s0, s3;
	s0 =	sld [smem:$0x3F9D]  }
0x30: {  	s3 =	sld [smem:$0x3FA0]  }
0x31: {  	[smem:$0x3FA9] =	sst s10  }
0x32: {  	s10 =	sld [smem:$0x3FA7];
	_ =	sdelay $0x3  }
0x33: {  	p0 =	seq.s32 s10, $0x1;
	s10 =	sld [smem:$0x3FA9];
	_ =	sdelay $0x3  }
0x34: {  	[smem:$0x3FA9] =	sst s10  }
0x35: {  	s10 =	sld [smem:$0x3FA8];
	_ =	sdelay $0x3  }
0x36: {  	p1 =	seq.s32 s10, $0x1;
	s10 =	sld [smem:$0x3FA9];
	_ =	sdelay $0x3  }
0x37: {  	[smem:$0x3FA9] =	sst s10  }
0x38: {  	s10 =	sld [smem:$0x3FAA]  }
0x39: {  	_ = 	snop;
	(pc) =	sbr.ind lr, $3  }
0x3a: {  	_ = 	snop  }
0x3b: {  	_ = 	snop  }
0x3c: {  	p2 =	seq.s32 s10, $0x1;
	s10 =	sld [smem:$0x3FA9]  }
0x3d: {  	_ =	shalt  }
0x3e: {  	_ =	shalt  }
0x3f: {  	_ =	shalt  }
0x40: {  	_ =	shalt  }
0x41: {  	_ =	shalt  }
0x42: {  	_ =	shalt  }
0x43: {  	_ =	shalt  }
0x44: {  	_ =	shalt  }
0x45: {  	_ =	shalt  }
0x46: {  	_ =	shalt  }
0x47: {  	_ =	shalt  }
0x48: {  	_ =	shalt  }
0x49: {  	_ =	shalt  }
0x4a: {  	_ =	shalt  }
0x4b: {  	_ =	shalt  }
0x4c: {  	_ =	shalt  }
0x4d: {  	_ =	shalt  }
0x4e: {  	_ =	shalt  }
0x4f: {  	_ =	shalt  }
0x50: {  	_ =	shalt  }
0x51: {  	_ =	shalt  }
0x52: {  	_ =	shalt  }
0x53: {  	_ =	shalt  }
0x54: {  	_ =	shalt  }
0x55: {  	_ =	shalt  }
0x56: {  	_ =	shalt  }
0x57: {  	_ =	shalt  }
0x58: {  	_ =	shalt  }
0x59: {  	_ =	shalt  }
0x5a: {  	_ =	shalt  }
0x5b: {  	_ =	shalt  }
0x5c: {  	_ =	shalt  }
0x5d: {  	_ =	shalt  }
0x5e: {  	_ =	shalt  }
0x5f: {  	_ =	shalt  }
0x60: {  	_ =	shalt  }
0x61: {  	_ =	shalt  }
0x62: {  	_ =	shalt  }
0x63: {  	_ =	shalt  }
0x64: {  	_ =	shalt  }
0x65: {  	_ =	shalt  }
0x66: {  	_ =	shalt  }
0x67: {  	_ =	shalt  }
0x68: {  	_ =	shalt  }
0x69: {  	_ =	shalt  }
0x6a: {  	_ =	shalt  }
0x6b: {  	_ =	shalt  }
0x6c: {  	_ =	shalt  }
0x6d: {  	_ =	shalt  }
0x6e: {  	_ =	shalt  }
0x6f: {  	_ =	shalt  }
0x70: {  	_ =	shalt  }
0x71: {  	_ =	shalt  }
0x72: {  	_ =	shalt  }
0x73: {  	_ =	shalt  }
0x74: {  	_ =	shalt  }
0x75: {  	_ =	shalt  }
0x76: {  	_ =	shalt  }
0x77: {  	_ =	shalt  }
0x78: {  	_ =	shalt  }
0x79: {  	_ =	shalt  }
0x7a: {  	_ =	shalt  }
0x7b: {  	_ =	shalt  }
0x7c: {  	_ =	shalt  }
0x7d: {  	_ =	shalt  }
0x7e: {  	_ =	shalt  }
0x7f: {  	_ =	shalt  }
0x80: {  	_ =	shalt  }
0x81: {  	_ =	shalt  }
0x82: {  	_ =	shalt  }
0x83: {  	_ =	shalt  }
0x84: {  	_ =	shalt  }
0x85: {  	_ =	shalt  }
0x86: {  	_ =	shalt  }
0x87: {  	_ =	shalt  }
.Lfunc_end0:
.L_simem_size_0:
called_computation.3_lowered:
.L_overlay_start_0:
0x88: {  	s2 =	sld [smem:$0x3FD9]  }
0x89: {  	s3 =	sld [smem:$0x3FFE];
	_ =	sdelay $0x1  }
0x8a: {  	s1 =	srdreg.scid  }
0x8b: {  	s0 =	sand.u32 $0x1, s1  }
0x8c: {  	s16 =	sshll.u32 s0, $0xA;
	s2 =	sadd.s32 s3, s2  }
0x8d: {  	s2 =	sadd.s32 s2, s16  }
0x8e: {  	[smem:$0x3FB5] =	sst s2  }
0x8f: {  	_ = 	snop  }
0x90: {  	(tm) =	ssettm $0x1  }
0x91: {  	s17 =	sld [smem:$0x3FFB];
	_ =	sdelay $0x3  }
0x92: {  	_ =	strace s17  }
0x93: {  	s2 =	sld [smem:$0x3FFC];
	_ =	sdelay $0x3  }
0x94: {  	_ =	strace s2  }
0x95: {  	s2 =	sld [smem:$0x3FFD];
	_ =	sdelay $0x3  }
0x96: {  	_ =	strace s2  }
0x97: {  	_ =	strace $0x8FFFFFFF  }
0x98: {  	s18 =	sld [smem:$0x3FDB];
	_ =	sdelay $0x1  }
0x99: {  	s19 =	simm.s32 $_scs_section_size  }
0x9a: {  	s4 =	simm.s32 $_size__tile_overlayer_lowered;
	s5 =	simm.s32 $_tile_overlayer_lowered  }
0x9b: {  	s22 =	simm.s32 $0x1BFF;
	s21 =	sshll.u32 s5, $0x1;
	s2 =	sadd.s32 s19, s18  }
0x9c: {  	s6 =	simm.s32 $0x0;
	s20 =	sshll.u32 s4, $0x1;
	s4 =	sadd.s32 s21, s2  }
0x9d: {  	[timem:s6], [sflag:s22] =	dma.local [hbm:s4], s20  }
0x9e: {  	_ =	swait.ge [sflag:s22], s20  }
0x9f: {  	s3 =	ssub.s32 $0x0, s20;
	[sflag:s22] =	ssyncset.done $0x0  }
0xa0: {  	[sflag:s22] =	ssyncadd.s32 s3;
	_ =	sdelay $0x1  }
0xa1: {  	s23 =	simm.s32 $0x1B8B  }
0xa2: {  	_ =	swait.ge [sflag:s23], $0x1  }
0xa3: {  	[sflag:s23] =	ssyncset.done $0x0  }
0xa4: {  	s25 =	simm.s32 $0x1B8E;
	s24 =	sld [smem:$0x3FFE];
	[sflag:s23] =	ssyncadd.s32 $0xFFFFFFFF  }
0xa5: {  	s26 =	simm.s32 $execute0_lowered;
	[smem:$0x3FD2] =	sst s25  }
0xa6: {  	s4 =	sshll.u32 s26, $0x1;
	_ =	strace $0x8000004F;
	[dreg:$0x1] =	wrdreg $0xFFFFFFFF  }
0xa7: {  	s28 =	simm.s32 $_size_execute0_lowered;
	s2 =	sadd.s32 s2, s4;
	[dreg:$0x0] =	wrdreg $0x0  }
0xa8: {  	s4 =	sshll.u32 s28, $0x1;
	[dreg:$0x2] =	wrdreg s2  }
0xa9: {  	[dreg:$0x3] =	wrdreg s4  }
0xaa: {  	[dreg:$0x4] =	wrdreg $0xC0  }
0xab: {  	_ =	task [dreg:s6], $0x5FFFF  }
0xac: {  	[dreg:$0x1] =	wrdreg $0xFFFFFFFF  }
0xad: {  	[dreg:$0x0] =	wrdreg $0x60  }
0xae: {  	[dreg:$0x2] =	wrdreg s24  }
0xaf: {  	[dreg:$0x3] =	wrdreg $0x97A00  }
0xb0: {  	[dreg:$0x4] =	wrdreg $0x9  }
0xb1: {  	_ =	task.clear_ibuf [dreg:s6], $0x5FFFF;
	_ =	strace $0x9000004F  }
0xb2: {  	s29 =	simm.s32 $0x9;
	_ =	strace $0x80000051  }
0xb3: {  	_ =	swait.ge [sflag:s29], $0x1  }
0xb4: {  	[sflag:s29] =	ssyncadd.s32 $0xFFFFFFFF  }
0xb5: {  	_ =	strace $0x90000051  }
0xb6: {  	_ =	sfence  }
0xb7: {  	s30 =	sld [smem:$0x0];
	_ =	sdelay $0x2  }
0xb8: {  	s31 =	sshll.u32 s1, $0xD;
	s1 =	sshrl.u32 s1, $0x2  }
0xb9: {  	s3 =	sand.u32 $0x4000, s31;
	s1 =	sadd.s32 s1, s30  }
0xba: {  	s0 =	sor.u32 s3, s0;
	s1 =	sshll.u32 s1, $0x11  }
0xbb: {  	s0 =	sor.u32 s1, s0  }
0xbc: {  	s0 =	sadd.s32 $0x8F2B, s0  }
0xbd: {  	[sflag:s0] =	ssyncadd.remote.s32 $0x1  }
0xbe: {  	_ =	sfence.sel $0xFFFF  }
0xbf: {  	[dreg:$0x0] =	wrdreg $0xFFFFFFFF;
	(pc) =	sbr.abs _section_cstart, $3  }
0xc0: {  	[dreg:$0x1] =	wrdreg $0xFFFFFFFF  }
0xc1: {  	_ =	task.clear_ibuf [dreg:s6], $0x2FFFF;
	_ =	strace $0x9FFFFFFF  }
0xc2: {  	(tm) =	ssettm $0x7FFFFFFF  }
0xc3: {  	_ =	shalt  }
tec
execute0_lowered:
.L_overlay_start_1:
0x0: {  	(tag) =	ssettag $0x1  }
0x1: {  	s0 =	rddreg [dreg:$0x0]  }
0x2: {  	s1 =	rddreg [dreg:$0x1]  }
0x3: {  	s2 =	simm.s32 $0x0;
	s3 =	srdreg.scid;
	s17 =	stileid.u32  }
0x4: {  	s28 =	simm.s32 $0x96A0;
	s29 =	simm.s32 $0x4E20;
	s30 =	simm.s32 $0x1  }
0x5: {  	s31 =	simm.s32 $0x0;
	[smem:$0x7FF] =	sst s2;
	s12 =	smul.u32 $0x280, s17  }
0x6: {  	s3 =	sand.u32 $0x1, s3;
	s4 =	sadd.s32 $0x32800, s0;
	s13 =	smul.u32 $0x32000, s17  }
0x7: {  	s5 =	sadd.s32 $0x28600, s0;
	s6 =	sadd.s32 $0x3CA00, s0;
	s7 =	smul.u32 $0x2710, s3  }
0x8: {  	_ =	strace $0x80000050;
	s9 =	ssub.s32 $0x2, s3;
	s3 =	smul.u32 $0x2800, s3  }
0x9: {  	s10 =	sshrl.u32 s9, $0x1;
	s14 =	sadd.s32 $0x80, s12;
	s19 =	sshrl.u32 s13, $0x2  }
0xa: {  	s22 =	sadd.s32 $0x14000, s13;
	s15 =	sadd.s32 $0x1E000, s13;
	s13 =	sadd.s32 $0x28000, s13  }
0xb: {  	s8 =	sshrl.u32 s7, $0x3;
	s16 =	ssub.s32 s9, s10;
	s20 =	smul.u32 $0x140, s14  }
0xc: {  	s9 =	sadd.s32 s19, s1;
	s23 =	sshrl.u32 s22, $0x2;
	s24 =	sshrl.u32 s15, $0x2  }
0xd: {  	s12 =	sadd.s32 s12, s3;
	s3 =	sadd.s32 s3, s14;
	s26 =	sshrl.u32 s13, $0x2  }
0xe: {  	s14 =	smul.u32 $0x5100, s17;
	s22 =	simm.s32 $0x2710;
	s8 =	sadd.s32 s8, s0  }
0xf: {  	s0 =	sadd.s32 $0x63C00, s0;
	s25 =	smul.u32 $0xA, s12;
	s12 =	sadd.s32 s24, s1  }
0x10: {  	s3 =	smul.u32 $0xA, s3;
	s13 =	sadd.s32 s26, s1;
	s24 =	simm.s32 $0x9620  }
0x11: {  	v0 =	vlaneseq.u32;
	s26 =	simm.s32 $0x80;
	s11 =	sadd.s32 $0x3200, s8;
	s8 =	sadd.s32 $0x2800, s8  }
0x12: {  	v9 =	vmul.u32 $0x50, v0;
	s21 =	sshrl.u32 s20, $0x2;
	s20 =	smax.u32 s16, $0x1;
	[dreg:$0x3] =	wrdreg s11  }
0x13: {  	v1 =	vimm.f32 $0.0e+00;
	[dreg:$0x4] =	wrdreg s8;
	s10 =	sadd.s32 s21, s1;
	s11 =	sadd.s32 s23, s1  }
0x14: {  	v2 =	vadd.s32 $0x40, v9;
	v3 =	vadd.s32 $0x540, v9;
	v4 =	vadd.s32 $0xA40, v9;
	s15 =	sadd.s32 s0, s25;
	s0 =	sadd.s32 s0, s3;
	s21 =	simm.s32 $0x2  }
0x15: {  	v5 =	vadd.s32 $0xF40, v9;
	v6 =	vadd.s32 $0x1440, v9;
	v7 =	vadd.s32 $0x1940, v9;
	s23 =	simm.s32 $0x6E20;
	s25 =	simm.s32 $0x9720;
	[dreg:$0x5] =	wrdreg s0  }
0x16: {  	v8 =	vadd.s32 $0x1E40, v9;
	v9 =	vadd.s32 $0x2340, v9;
	v0 =	vmov s7;
	s17 =	sadd.s32 $0xA00, s15;
	s18 =	sadd.s32 $0xF00, s15;
	s19 =	sadd.s32 $0x1400, s15  }
.LBB2_1:
0x17: {  	s0 =	rddreg [dreg:$0x3]  }
0x18: {  	[tilespmem:s2], [sflag:$0x2] =	stream.linear.gather [hbm4b:s0+s2], $0x2710, $0x38;
	[tilespmem:$0x15FA0] =	vst v63  }
0x19: {  	_ =	swait.ge [sflag:s21], $0x2710  }
0x1a: {  	[sflag:s21] =	ssyncset.done $0x0  }
0x1b: {  	s16 =	rddreg [dreg:$0x4];
	[sflag:s21] =	ssyncadd.s32 $0xFFFFD8F0  }
0x1c: {  	[tilespmem:s22], [sflag:$0x2] =	stream.linear.gather [hbm4b:s16+s2], $0x2710, $0x38;
	[tilespmem:$0x15FA0] =	vst v63  }
0x1d: {  	_ =	swait.ge [sflag:s21], $0x2710  }
0x1e: {  	[sflag:s21] =	ssyncset.done $0x0  }
0x1f: {  	s3 =	simm.s32 $0x140;
	s0 =	simm.s32 $0x0;
	[sflag:s21] =	ssyncadd.s32 $0xFFFFD8F0  }
.LBB2_2:
0x20: {  	p0 =	sne.s32 s3, $0x9EC0;
	[tilespmem:s0+$0x6E60] =	vst v1;
	s7 =	smov.u32 s3;
	s3 =	sadd.s32 $0x140, s3  }
.Ltmp0:
0x21: {  	[tilespmem:s0+$0x6E50] =	vst v1;
	(pc) =	sbr.rel @p0 .LBB2_2-.Ltmp0, $4  }
0x22: {  	[tilespmem:s0+$0x6E40] =	vst v1  }
0x23: {  	[tilespmem:s0+$0x6E20] =	vst v1  }
0x24: {  	[tilespmem:s0+$0x6E30] =	vst v1  }
0x25: {  	s0 =	sshra.s32 s7, $0x2  }
0x26: {  	[tilespmem:s0+$0x6E60] =	vst v1  }
0x27: {  	[tilespmem:s0+$0x6E50] =	vst v1  }
0x28: {  	[tilespmem:s0+$0x6E40] =	vst v1  }
0x29: {  	[tilespmem:s0+$0x6E20] =	vst v1  }
0x2a: {  	[tilespmem:s0+$0x6E30] =	vst v1  }
0x2b: {  	[spmem:s9] =	stream.linear.scatter [tilespmem:s23], [sflag:$0x2], $0x2800, $0x38;
	[tilespmem:$0x15FA0] =	vst v63  }
0x2c: {  	_ =	swait.ge [sflag:s21], $0x2800  }
0x2d: {  	[sflag:s21] =	ssyncset.done $0x0  }
0x2e: {  	[sflag:s21] =	ssyncadd.s32 $0xFFFFD800  }
0x2f: {  	[spmem:s10] =	stream.linear.scatter [tilespmem:s23], [sflag:$0x2], $0x2800, $0x38;
	[tilespmem:$0x15FA0] =	vst v63  }
0x30: {  	_ =	swait.ge [sflag:s21], $0x2800  }
0x31: {  	[sflag:s21] =	ssyncset.done $0x0  }
0x32: {  	[sflag:s21] =	ssyncadd.s32 $0xFFFFD800  }
0x33: {  	[spmem:s11] =	stream.linear.scatter [tilespmem:s23], [sflag:$0x2], $0x2800, $0x38;
	[tilespmem:$0x15FA0] =	vst v63  }
0x34: {  	_ =	swait.ge [sflag:s21], $0x2800  }
0x35: {  	[sflag:s21] =	ssyncset.done $0x0  }
0x36: {  	[sflag:s21] =	ssyncadd.s32 $0xFFFFD800  }
0x37: {  	[spmem:s12] =	stream.linear.scatter [tilespmem:s23], [sflag:$0x2], $0x2800, $0x38;
	[tilespmem:$0x15FA0] =	vst v63  }
0x38: {  	_ =	swait.ge [sflag:s21], $0x2800  }
0x39: {  	[sflag:s21] =	ssyncset.done $0x0  }
0x3a: {  	[sflag:s21] =	ssyncadd.s32 $0xFFFFD800  }
0x3b: {  	[spmem:s13] =	stream.linear.scatter [tilespmem:s23], [sflag:$0x2], $0x2800, $0x38;
	[tilespmem:$0x15FA0] =	vst v63  }
0x3c: {  	_ =	swait.ge [sflag:s21], $0x2800  }
0x3d: {  	[sflag:s21] =	ssyncset.done $0x0  }
0x3e: {  	[sflag:s21] =	ssyncadd.s32 $0xFFFFD800  }
0x3f: {  	s0 =	simm.s32 $0x0;
	s3 =	simm.s32 $0x0;
	[bflag:$0x0] =	sbarrier.arrive $0xFFFF  }
.LBB2_4:
0x40: {  	s7 =	sshll.u32 s3, $0x7  }
0x41: {  	s7 =	sadd.s32 s14, s7  }
0x42: {  	s7 =	sshrl.u32 s7, $0x3  }
0x43: {  	s8 =	sadd.s32 s4, s7  }
0x44: {  	[tilespmem:s24], [sflag:$0x2] =	stream.linear.gather [hbm4b:s8+s0], $0x80, $0x38;
	[tilespmem:$0x15FA0] =	vst v63  }
0x45: {  	_ =	swait.ge [sflag:s21], $0x80  }
0x46: {  	[sflag:s21] =	ssyncset.done $0x0  }
0x47: {  	s7 =	sadd.s32 s5, s7;
	[sflag:s21] =	ssyncadd.s32 $0xFFFFFF80  }
0x48: {  	[tilespmem:s25], [sflag:$0x2] =	stream.linear.gather [hbm4b:s7+s0], $0x80, $0x38;
	[tilespmem:$0x15FA0] =	vst v63  }
0x49: {  	_ =	swait.ge [sflag:s21], $0x80  }
0x4a: {  	[sflag:s21] =	ssyncset.done $0x0  }
0x4b: {  	[sflag:s21] =	ssyncadd.s32 $0xFFFFFF80  }
0x4c: {  	v10 =	vld [tilespmem:$0x9620]  }
0x4d: {  	v11 =	vld [tilespmem:$0x9630]  }
0x4e: {  	v12 =	vld [tilespmem:$0x9640]  }
0x4f: {  	v13 =	vld [tilespmem:$0x9650]  }
0x50: {  	v14 =	vld [tilespmem:$0x9660]  }
0x51: {  	v15 =	vld [tilespmem:$0x9670];
	v10 =	vadd.s32 v0, v10  }
0x52: {  	[tilespmem:$0x96A0] =	vst v10;
	v10 =	vadd.s32 v0, v11;
	v11 =	vld [tilespmem:$0x9680]  }
0x53: {  	v63 =	vld [tilespmem:$0x9690];
	[tilespmem:$0x96B0] =	vst v10;
	v10 =	vadd.s32 v0, v12  }
0x54: {  	[tilespmem:$0x96C0] =	vst v10;
	v10 =	vadd.s32 v0, v13  }
0x55: {  	[tilespmem:$0x96D0] =	vst v10;
	v10 =	vadd.s32 v0, v14  }
0x56: {  	[tilespmem:$0x96E0] =	vst v10;
	v10 =	vadd.s32 v0, v15  }
0x57: {  	[tilespmem:$0x96F0] =	vst v10;
	v10 =	vadd.s32 v0, v11  }
0x58: {  	[tilespmem:$0x9700] =	vst v10;
	v10 =	vadd.s32 v0, v63  }
0x59: {  	[tilespmem:$0x9710] =	vst v10  }
0x5a: {  	[tilespmem:s29], [sflag:$0x1] =	stream.indirect.gather [hbm4b:s6+s26], $0x40, s28, s26, $0xb8;
	[tilespmem:$0x15FA0] =	vst v63  }
0x5b: {  	v10 =	vld [tilespmem:$0x9620]  }
0x5c: {  	v11 =	vld [tilespmem:$0x9720];
	_ =	sdelay $0x6  }
0x5d: {  	v10 =	vld.idx.msk [tilespmem:v10+s0+$0x0], $0xffff  }
0x5e: {  	v11 =	vld.idx.msk [tilespmem:v11+s22+$0x0], $0xffff;
	_ =	sdelay $0x4  }
0x5f: {  	v10 =	vadd.f32 v11, v10;
	_ =	sdelay $0x1  }
0x60: {  	v11 =	vmul.f32 $2.000000030e-01, v10;
	_ =	sdelay $0x1  }
0x61: {  	v10 =	vmax.f32 v10, v11  }
0x62: {  	v10 =	vmul.f32 $1.442695020e+00, v10;
	_ =	sdelay $0x1  }
0x63: {  	(erf) = vpow2.f32 v10;
	_ =	sdelay $0x8  }
0x64: {  	v10 =	vpop (erf)  }
0x65: {  	[tilespmem:v2+s23+$0x0] =	vst.idx.msk $0xffff, v10  }
0x66: {  	v10 =	vld [tilespmem:$0x9630]  }
0x67: {  	v11 =	vld [tilespmem:$0x9730];
	_ =	sdelay $0x6  }
0x68: {  	v10 =	vld.idx.msk [tilespmem:v10+s0+$0x0], $0xffff  }
0x69: {  	v11 =	vld.idx.msk [tilespmem:v11+s22+$0x0], $0xffff;
	_ =	sdelay $0x4  }
0x6a: {  	v10 =	vadd.f32 v11, v10;
	_ =	sdelay $0x1  }
0x6b: {  	v11 =	vmul.f32 $2.000000030e-01, v10;
	_ =	sdelay $0x1  }
0x6c: {  	v10 =	vmax.f32 v10, v11  }
0x6d: {  	v10 =	vmul.f32 $1.442695020e+00, v10;
	_ =	sdelay $0x1  }
0x6e: {  	(erf) = vpow2.f32 v10;
	_ =	sdelay $0x8  }
0x6f: {  	v10 =	vpop (erf)  }
0x70: {  	[tilespmem:v3+s23+$0x0] =	vst.idx.msk $0xffff, v10  }
0x71: {  	v10 =	vld [tilespmem:$0x9640]  }
0x72: {  	v11 =	vld [tilespmem:$0x9740];
	_ =	sdelay $0x6  }
0x73: {  	v10 =	vld.idx.msk [tilespmem:v10+s0+$0x0], $0xffff  }
0x74: {  	v11 =	vld.idx.msk [tilespmem:v11+s22+$0x0], $0xffff;
	_ =	sdelay $0x4  }
0x75: {  	v10 =	vadd.f32 v11, v10;
	_ =	sdelay $0x1  }
0x76: {  	v11 =	vmul.f32 $2.000000030e-01, v10;
	_ =	sdelay $0x1  }
0x77: {  	v10 =	vmax.f32 v10, v11  }
0x78: {  	v10 =	vmul.f32 $1.442695020e+00, v10;
	_ =	sdelay $0x1  }
0x79: {  	(erf) = vpow2.f32 v10;
	_ =	sdelay $0x8  }
0x7a: {  	v10 =	vpop (erf)  }
0x7b: {  	[tilespmem:v4+s23+$0x0] =	vst.idx.msk $0xffff, v10  }
0x7c: {  	v10 =	vld [tilespmem:$0x9650]  }
0x7d: {  	v11 =	vld [tilespmem:$0x9750];
	_ =	sdelay $0x6  }
0x7e: {  	v10 =	vld.idx.msk [tilespmem:v10+s0+$0x0], $0xffff  }
0x7f: {  	v11 =	vld.idx.msk [tilespmem:v11+s22+$0x0], $0xffff;
	_ =	sdelay $0x4  }
0x80: {  	v10 =	vadd.f32 v11, v10;
	_ =	sdelay $0x1  }
0x81: {  	v11 =	vmul.f32 $2.000000030e-01, v10;
	_ =	sdelay $0x1  }
0x82: {  	v10 =	vmax.f32 v10, v11  }
0x83: {  	v10 =	vmul.f32 $1.442695020e+00, v10;
	_ =	sdelay $0x1  }
0x84: {  	(erf) = vpow2.f32 v10;
	_ =	sdelay $0x8  }
0x85: {  	v10 =	vpop (erf)  }
0x86: {  	[tilespmem:v5+s23+$0x0] =	vst.idx.msk $0xffff, v10  }
0x87: {  	v10 =	vld [tilespmem:$0x9660]  }
0x88: {  	v11 =	vld [tilespmem:$0x9760];
	_ =	sdelay $0x6  }
0x89: {  	v10 =	vld.idx.msk [tilespmem:v10+s0+$0x0], $0xffff  }
0x8a: {  	v11 =	vld.idx.msk [tilespmem:v11+s22+$0x0], $0xffff;
	_ =	sdelay $0x4  }
0x8b: {  	v10 =	vadd.f32 v11, v10;
	_ =	sdelay $0x1  }
0x8c: {  	v11 =	vmul.f32 $2.000000030e-01, v10;
	_ =	sdelay $0x1  }
0x8d: {  	v10 =	vmax.f32 v10, v11  }
0x8e: {  	v10 =	vmul.f32 $1.442695020e+00, v10;
	_ =	sdelay $0x1  }
0x8f: {  	(erf) = vpow2.f32 v10;
	_ =	sdelay $0x8  }
0x90: {  	v10 =	vpop (erf)  }
0x91: {  	[tilespmem:v6+s23+$0x0] =	vst.idx.msk $0xffff, v10  }
0x92: {  	v10 =	vld [tilespmem:$0x9670]  }
0x93: {  	v11 =	vld [tilespmem:$0x9770];
	_ =	sdelay $0x6  }
0x94: {  	v10 =	vld.idx.msk [tilespmem:v10+s0+$0x0], $0xffff  }
0x95: {  	v11 =	vld.idx.msk [tilespmem:v11+s22+$0x0], $0xffff;
	_ =	sdelay $0x4  }
0x96: {  	v10 =	vadd.f32 v11, v10;
	_ =	sdelay $0x1  }
0x97: {  	v11 =	vmul.f32 $2.000000030e-01, v10;
	_ =	sdelay $0x1  }
0x98: {  	v10 =	vmax.f32 v10, v11  }
0x99: {  	v10 =	vmul.f32 $1.442695020e+00, v10;
	_ =	sdelay $0x1  }
0x9a: {  	(erf) = vpow2.f32 v10;
	_ =	sdelay $0x8  }
0x9b: {  	v10 =	vpop (erf)  }
0x9c: {  	[tilespmem:v7+s23+$0x0] =	vst.idx.msk $0xffff, v10  }
0x9d: {  	v10 =	vld [tilespmem:$0x9680]  }
0x9e: {  	v11 =	vld [tilespmem:$0x9780];
	_ =	sdelay $0x6  }
0x9f: {  	v10 =	vld.idx.msk [tilespmem:v10+s0+$0x0], $0xffff  }
0xa0: {  	v11 =	vld.idx.msk [tilespmem:v11+s22+$0x0], $0xffff;
	_ =	sdelay $0x4  }
0xa1: {  	v10 =	vadd.f32 v11, v10;
	_ =	sdelay $0x1  }
0xa2: {  	v11 =	vmul.f32 $2.000000030e-01, v10;
	_ =	sdelay $0x1  }
0xa3: {  	v10 =	vmax.f32 v10, v11  }
0xa4: {  	v10 =	vmul.f32 $1.442695020e+00, v10;
	_ =	sdelay $0x1  }
0xa5: {  	(erf) = vpow2.f32 v10;
	_ =	sdelay $0x8  }
0xa6: {  	v10 =	vpop (erf)  }
0xa7: {  	[tilespmem:v8+s23+$0x0] =	vst.idx.msk $0xffff, v10  }
0xa8: {  	v10 =	vld [tilespmem:$0x9690]  }
0xa9: {  	v11 =	vld [tilespmem:$0x9790];
	_ =	sdelay $0x6  }
0xaa: {  	v10 =	vld.idx.msk [tilespmem:v10+s0+$0x0], $0xffff  }
0xab: {  	v11 =	vld.idx.msk [tilespmem:v11+s22+$0x0], $0xffff;
	_ =	sdelay $0x4  }
0xac: {  	v10 =	vadd.f32 v11, v10;
	_ =	sdelay $0x1  }
0xad: {  	v11 =	vmul.f32 $2.000000030e-01, v10;
	_ =	sdelay $0x1  }
0xae: {  	v10 =	vmax.f32 v10, v11  }
0xaf: {  	v10 =	vmul.f32 $1.442695020e+00, v10;
	_ =	sdelay $0x1  }
0xb0: {  	(erf) = vpow2.f32 v10;
	_ =	sdelay $0x8  }
0xb1: {  	v10 =	vpop (erf)  }
0xb2: {  	[tilespmem:v9+s23+$0x0] =	vst.idx.msk $0xffff, v10  }
0xb3: {  	_ =	swait.ge [sflag:s30], $0x2000  }
0xb4: {  	[sflag:s30] =	ssyncset.done $0x0  }
0xb5: {  	s7 =	simm.s32 $0x6E40;
	[sflag:s30] =	ssyncadd.s32 $0xFFFFE000  }
0xb6: {  	s16 =	simm.s32 $0x0;
	s8 =	simm.s32 $0x100;
	v10 =	vld.msk [tilespmem:s7+$0x20 ss:$0x0], $0xffff  }
.LBB2_5:
0xb7: {  	p0 =	sne.s32 s8, $0x7F00;
	v11 =	vld [tilespmem:s16+$0x4E20];
	_ =	sdelay $0x4  }
0xb8: {  	v11 =	vmul.f32 v10, v11;
	_ =	sdelay $0x1  }
0xb9: {  	[tilespmem:s7+$0xFFFFFFE0] =	vst v11  }
0xba: {  	v11 =	vld [tilespmem:s16+$0x4E30];
	_ =	sdelay $0x4  }
0xbb: {  	v11 =	vmul.f32 v11, v10;
	_ =	sdelay $0x1  }
0xbc: {  	[tilespmem:s7+$0xFFFFFFF0] =	vst v11  }
0xbd: {  	v11 =	vld [tilespmem:s16+$0x4E40];
	_ =	sdelay $0x4  }
0xbe: {  	v11 =	vmul.f32 v11, v10;
	_ =	sdelay $0x1  }
0xbf: {  	[tilespmem:s7+$0x0] =	vst v11  }
0xc0: {  	v11 =	vld [tilespmem:s16+$0x4E50];
	_ =	sdelay $0x3  }
.Ltmp1:
0xc1: {  	(pc) =	sbr.rel @p0 .LBB2_5-.Ltmp1, $3  }
0xc2: {  	v10 =	vmul.f32 v11, v10;
	_ =	sdelay $0x1  }
0xc3: {  	[tilespmem:s7+$0x10] =	vst v10;
	s7 =	sadd.s32 $0x50, s7  }
0xc4: {  	s16 =	sshra.s32 s8, $0x2;
	s8 =	sadd.s32 $0x100, s8;
	v10 =	vld.msk [tilespmem:s7+$0x20 ss:$0x0], $0xffff  }
0xc5: {  	v11 =	vld [tilespmem:s16+$0x4E20];
	_ =	sdelay $0x4  }
0xc6: {  	v11 =	vmul.f32 v10, v11;
	_ =	sdelay $0x1  }
0xc7: {  	[tilespmem:s7+$0xFFFFFFE0] =	vst v11  }
0xc8: {  	v11 =	vld [tilespmem:s16+$0x4E30];
	_ =	sdelay $0x4  }
0xc9: {  	v11 =	vmul.f32 v11, v10;
	_ =	sdelay $0x1  }
0xca: {  	[tilespmem:s7+$0xFFFFFFF0] =	vst v11  }
0xcb: {  	v11 =	vld [tilespmem:s16+$0x4E40];
	_ =	sdelay $0x4  }
0xcc: {  	v11 =	vmul.f32 v11, v10;
	_ =	sdelay $0x1  }
0xcd: {  	[tilespmem:s7+$0x0] =	vst v11  }
0xce: {  	v11 =	vld [tilespmem:s16+$0x4E50];
	_ =	sdelay $0x4  }
0xcf: {  	s3 =	sadd.s32 $0x1, s3;
	v10 =	vmul.f32 v11, v10  }
0xd0: {  	p0 =	sne.s32 s3, $0xA2  }
.Ltmp2:
0xd1: {  	[tilespmem:s7+$0x10] =	vst v10;
	(pc) =	sbr.rel @p0 .LBB2_4-.Ltmp2, $4  }
0xd2: {  	[spmem:s1] =	stream.indirect.scatter.add.f32 [tilespmem:s23], [sflag:$0x2], $0x50, s25, s26, $0xb8;
	[tilespmem:$0x15FA0] =	vst v63  }
0xd3: {  	_ =	swait.ge [sflag:s21], $0x2800  }
0xd4: {  	[sflag:s21] =	ssyncset.done $0x0  }
0xd5: {  	[sflag:s21] =	ssyncadd.s32 $0xFFFFD800  }
0xd6: {  	[bflag:$0x0] =	sbarrier.arrive $0xFFFF  }
0xd7: {  	[tilespmem:s23], [sflag:$0x2] =	stream.linear.gather [spmem:s9], $0x2800, $0x38;
	[tilespmem:$0x15FA0] =	vst v63  }
0xd8: {  	_ =	swait.ge [sflag:s21], $0x2800  }
0xd9: {  	[sflag:s21] =	ssyncset.done $0x0  }
0xda: {  	[sflag:s21] =	ssyncadd.s32 $0xFFFFD800  }
0xdb: {  	[hbm4b:s15+s2] =	stream.linear.scatter [tilespmem:s23], [sflag:$0x2], $0x2800, $0x38;
	[tilespmem:$0x15FA0] =	vst v63  }
0xdc: {  	_ =	swait.ge [sflag:s21], $0x2800  }
0xdd: {  	[sflag:s21] =	ssyncset.done $0x0  }
0xde: {  	[sflag:s21] =	ssyncadd.s32 $0xFFFFD800  }
0xdf: {  	[tilespmem:s23], [sflag:$0x2] =	stream.linear.gather [spmem:s10], $0x2800, $0x38;
	[tilespmem:$0x15FA0] =	vst v63  }
0xe0: {  	_ =	swait.ge [sflag:s21], $0x2800  }
0xe1: {  	[sflag:s21] =	ssyncset.done $0x0  }
0xe2: {  	s0 =	rddreg [dreg:$0x5];
	[sflag:s21] =	ssyncadd.s32 $0xFFFFD800  }
0xe3: {  	[hbm4b:s0+s2] =	stream.linear.scatter [tilespmem:s23], [sflag:$0x2], $0x2800, $0x38;
	[tilespmem:$0x15FA0] =	vst v63  }
0xe4: {  	_ =	swait.ge [sflag:s21], $0x2800  }
0xe5: {  	[sflag:s21] =	ssyncset.done $0x0  }
0xe6: {  	[sflag:s21] =	ssyncadd.s32 $0xFFFFD800  }
0xe7: {  	[tilespmem:s23], [sflag:$0x2] =	stream.linear.gather [spmem:s11], $0x2800, $0x38;
	[tilespmem:$0x15FA0] =	vst v63  }
0xe8: {  	_ =	swait.ge [sflag:s21], $0x2800  }
0xe9: {  	[sflag:s21] =	ssyncset.done $0x0  }
0xea: {  	[sflag:s21] =	ssyncadd.s32 $0xFFFFD800  }
0xeb: {  	[hbm4b:s17+s2] =	stream.linear.scatter [tilespmem:s23], [sflag:$0x2], $0x2800, $0x38;
	[tilespmem:$0x15FA0] =	vst v63  }
0xec: {  	_ =	swait.ge [sflag:s21], $0x2800  }
0xed: {  	[sflag:s21] =	ssyncset.done $0x0  }
0xee: {  	[sflag:s21] =	ssyncadd.s32 $0xFFFFD800  }
0xef: {  	[tilespmem:s23], [sflag:$0x2] =	stream.linear.gather [spmem:s12], $0x2800, $0x38;
	[tilespmem:$0x15FA0] =	vst v63  }
0xf0: {  	_ =	swait.ge [sflag:s21], $0x2800  }
0xf1: {  	[sflag:s21] =	ssyncset.done $0x0  }
0xf2: {  	[sflag:s21] =	ssyncadd.s32 $0xFFFFD800  }
0xf3: {  	[hbm4b:s18+s2] =	stream.linear.scatter [tilespmem:s23], [sflag:$0x2], $0x2800, $0x38;
	[tilespmem:$0x15FA0] =	vst v63  }
0xf4: {  	_ =	swait.ge [sflag:s21], $0x2800  }
0xf5: {  	[sflag:s21] =	ssyncset.done $0x0  }
0xf6: {  	[sflag:s21] =	ssyncadd.s32 $0xFFFFD800  }
0xf7: {  	[tilespmem:s23], [sflag:$0x2] =	stream.linear.gather [spmem:s13], $0x2800, $0x38;
	[tilespmem:$0x15FA0] =	vst v63  }
0xf8: {  	s31 =	sadd.s32 $0x1, s31;
	_ =	swait.ge [sflag:s21], $0x2800  }
0xf9: {  	p0 =	sne.s32 s31, s20;
	[sflag:s21] =	ssyncset.done $0x0  }
.Ltmp3:
0xfa: {  	[sflag:s21] =	ssyncadd.s32 $0xFFFFD800;
	(pc) =	sbr.rel @p0 .LBB2_1-.Ltmp3, $4  }
0xfb: {  	[hbm4b:s19+s2] =	stream.linear.scatter [tilespmem:s23], [sflag:$0x2], $0x2800, $0x38;
	[tilespmem:$0x15FA0] =	vst v63  }
0xfc: {  	_ =	swait.ge [sflag:s21], $0x2800  }
0xfd: {  	[sflag:s21] =	ssyncset.done $0x0  }
0xfe: {  	[sflag:s21] =	ssyncadd.s32 $0xFFFFD800  }
0xff: {  	_ =	sfence.sel $0x180000  }
0x100: {  	[bflag:$0x0] =	sbarrier.arrive $0xFFFF  }
0x101: {  	_ =	strace $0x90000050  }
0x102: {  	s0 =	stileid.u32;
	[bflag:$0x2] =	sbarrier.arrive $0xFFFF  }
0x103: {  	p0 =	sne.s32 s0, $0x0;
	s0 =	rddreg [dreg:$0x2]  }
0x104: {  	s0 =	sadd.s32 @!p0 $0x100000, s0  }
0x105: {  	[sflag:s0] =	ssyncadd.tile.s32 @!p0 $0x1;
	_ =	shalt  }
.Lfunc_end2:
_tile_overlayer_lowered:
.L_overlay_start_2:
0x106: {  	(tag) =	ssettag $0x2  }
0x107: {  	s0 =	rddreg [dreg:$0x0];
	s2 =	stileid.u32  }
0x108: {  	s1 =	rddreg [dreg:$0x1];
	p0 =	sne.s32 s2, $0x0  }
0x109: {  	s3 =	rddreg [dreg:$0x2];
	[bflag:$0x3] =	sbarrier.arrive $0xFFFF;
	s2 =	simm.s32 @!p0 $0x1C02  }
0x10a: {  	[timem:s3], [sflag:s2] =	dma.local @!p0 [hbm:s0], s1  }
0x10b: {  	s0 =	simm.s32 @!p0 $0x2  }
0x10c: {  	_ =	swait.ge @!p0 [sflag:s0], s1  }
0x10d: {  	s1 =	ssub.s32 @!p0 $0x0, s1;
	[sflag:s0] =	ssyncset.done @!p0 $0x0  }
0x10e: {  	[sflag:s0] =	ssyncadd.s32 @!p0 s1  }
0x10f: {  	[bflag:$0x3] =	sbarrier.arrive $0xFFFF  }
0x110: {  	_ =	shalt  }

// kernel: kernel.23.cloned.1.call-start
scs
__scs_entry_jumppad:
0x0: {  	(pc) =	sbr.rel $0x88, $3  }
0x1: {  	(tag) =	ssettag $0x0;
	lr =	simm.s32 $0x1  }
0x2: {  	[smem:$0x3F8E] =	sst lr;
	_ =	strace $0xD0000000  }
0x3: {  	_ = 	snop  }
0x4: {  	_ = 	snop  }
0x5: {  	_ = 	snop  }
0x6: {  	_ = 	snop  }
0x7: {  	_ = 	snop  }
__scs_overlays_trampoline_lowered:
0x8: {  	[smem:$0x3F9D] =	sst s0  }
0x9: {  	[smem:$0x3F9E] =	sst s1  }
0xa: {  	[smem:$0x3F9F] =	sst s2  }
0xb: {  	[smem:$0x3FA0] =	sst s3  }
0xc: {  	[smem:$0x3FA1] =	sst s4  }
0xd: {  	[smem:$0x3FA2] =	sst s5  }
0xe: {  	[smem:$0x3FA3] =	sst s6  }
0xf: {  	[smem:$0x3FA4] =	sst s7  }
0x10: {  	[smem:$0x3FA5] =	sst s8  }
0x11: {  	[smem:$0x3FA6] =	sst s9;
	s0 =	simm.s32 @!p0 $0x0  }
0x12: {  	s1 =	sld [smem:$0x3F8C];
	s0 =	simm.s32 @p0 $0x1  }
0x13: {  	[smem:$0x3FA7] =	sst s0;
	s0 =	simm.s32 @!p1 $0x0  }
0x14: {  	s2 =	sld [smem:$0x3F8B];
	s0 =	simm.s32 @p1 $0x1  }
0x15: {  	[smem:$0x3FA8] =	sst s0;
	s0 =	simm.s32 @!p2 $0x0  }
0x16: {  	s3 =	sld [smem:$0x3FDB];
	s0 =	simm.s32 @p2 $0x1  }
0x17: {  	s4 =	simm.s32 $0x1BF5;
	[smem:$0x3FAA] =	sst s0  }
0x18: {  	s0 =	sld [smem:$0x3F8D];
	_ =	swait.ge [sflag:s4], $0x0  }
0x19: {  	s7 =	sld [smem:$0x3F8E]  }
0x1a: {  	s8 =	sadd.s32 $0xFFFFE003, lr  }
0x1b: {  	s9 =	sadd.s32 $0xFFFFFEF7, lr;
	s5 =	simm.s32 $0xFFFFFFFF;
	p2 =	slt.u32 s8, $0xFFFFF086  }
0x1c: {  	p1 =	slt.u32 s9, $0xF7A;
	s5 =	simm.s32 @!p2 $0x0  }
0x1d: {  	s5 =	simm.s32 @p1 $0x1;
	p0 =	seq.s32 s7, s2  }
0x1e: {  	s7 =	smul.u32 @!p0 $0xF7A, s2;
	p2 =	seq.s32 @!p0 s5, $0x0  }
0x1f: {  	s9 =	smul.u32 $0xF7A, s1;
	s8 =	simm.s32 @!p0 $0x1BF5;
	p2 =	por !p2, p0  }
0x20: {  	[sflag:s8] =	ssyncset.s32 @!p0 $0xFFFFF086;
	s6 =	sadd.s32 @!p0 s3, s7;
	s7 =	simm.s32 @!p0 $0x108  }
0x21: {  	s3 =	sadd.s32 s3, s9;
	s6 =	sadd.s32 @!p0 $0x88, s6;
	s7 =	simm.s32 @p2 $0x1082  }
0x22: {  	[simem:s7], [sflag:s8] =	dma.local @!p0 [hbm:s6], $0xF7A  }
0x23: {  	s9 =	sor.u32 $0xD0000000, s2;
	s6 =	simm.s32 $0x108;
	_ =	swait.ge @!p0 [sflag:s8], $0x0  }
0x24: {  	s3 =	sadd.s32 $0x88, s3;
	s6 =	simm.s32 @!p1 $0x1082;
	[sflag:s4] =	ssyncset.s32 $0xFFFFF086  }
0x25: {  	[simem:s6], [sflag:s4] =	dma.local [hbm:s3], $0xF7A  }
0x26: {  	[smem:$0x3F8E] =	sst s1;
	(tag) =	ssettag s2;
	_ =	strace s9  }
0x27: {  	s1 =	sld [smem:$0x3F9E]  }
0x28: {  	s2 =	sld [smem:$0x3F9F]  }
0x29: {  	s4 =	sld [smem:$0x3FA1]  }
0x2a: {  	p0 =	seq.s32 s5, $0x0;
	s5 =	sld [smem:$0x3FA2]  }
0x2b: {  	s6 =	sld [smem:$0x3FA3]  }
0x2c: {  	s7 =	sld [smem:$0x3FA4]  }
0x2d: {  	s3 =	simm.s32 $0x108;
	s8 =	sld [smem:$0x3FA5]  }
0x2e: {  	s3 =	simm.s32 @!p0 $0x1082;
	s9 =	sld [smem:$0x3FA6]  }
0x2f: {  	lr =	sadd.s32 s0, s3;
	s0 =	sld [smem:$0x3F9D]  }
0x30: {  	s3 =	sld [smem:$0x3FA0]  }
0x31: {  	[smem:$0x3FA9] =	sst s10  }
0x32: {  	s10 =	sld [smem:$0x3FA7];
	_ =	sdelay $0x3  }
0x33: {  	p0 =	seq.s32 s10, $0x1;
	s10 =	sld [smem:$0x3FA9];
	_ =	sdelay $0x3  }
0x34: {  	[smem:$0x3FA9] =	sst s10  }
0x35: {  	s10 =	sld [smem:$0x3FA8];
	_ =	sdelay $0x3  }
0x36: {  	p1 =	seq.s32 s10, $0x1;
	s10 =	sld [smem:$0x3FA9];
	_ =	sdelay $0x3  }
0x37: {  	[smem:$0x3FA9] =	sst s10  }
0x38: {  	s10 =	sld [smem:$0x3FAA]  }
0x39: {  	_ = 	snop;
	(pc) =	sbr.ind lr, $3  }
0x3a: {  	_ = 	snop  }
0x3b: {  	_ = 	snop  }
0x3c: {  	p2 =	seq.s32 s10, $0x1;
	s10 =	sld [smem:$0x3FA9]  }
0x3d: {  	_ =	shalt  }
0x3e: {  	_ =	shalt  }
0x3f: {  	_ =	shalt  }
0x40: {  	_ =	shalt  }
0x41: {  	_ =	shalt  }
0x42: {  	_ =	shalt  }
0x43: {  	_ =	shalt  }
0x44: {  	_ =	shalt  }
0x45: {  	_ =	shalt  }
0x46: {  	_ =	shalt  }
0x47: {  	_ =	shalt  }
0x48: {  	_ =	shalt  }
0x49: {  	_ =	shalt  }
0x4a: {  	_ =	shalt  }
0x4b: {  	_ =	shalt  }
0x4c: {  	_ =	shalt  }
0x4d: {  	_ =	shalt  }
0x4e: {  	_ =	shalt  }
0x4f: {  	_ =	shalt  }
0x50: {  	_ =	shalt  }
0x51: {  	_ =	shalt  }
0x52: {  	_ =	shalt  }
0x53: {  	_ =	shalt  }
0x54: {  	_ =	shalt  }
0x55: {  	_ =	shalt  }
0x56: {  	_ =	shalt  }
0x57: {  	_ =	shalt  }
0x58: {  	_ =	shalt  }
0x59: {  	_ =	shalt  }
0x5a: {  	_ =	shalt  }
0x5b: {  	_ =	shalt  }
0x5c: {  	_ =	shalt  }
0x5d: {  	_ =	shalt  }
0x5e: {  	_ =	shalt  }
0x5f: {  	_ =	shalt  }
0x60: {  	_ =	shalt  }
0x61: {  	_ =	shalt  }
0x62: {  	_ =	shalt  }
0x63: {  	_ =	shalt  }
0x64: {  	_ =	shalt  }
0x65: {  	_ =	shalt  }
0x66: {  	_ =	shalt  }
0x67: {  	_ =	shalt  }
0x68: {  	_ =	shalt  }
0x69: {  	_ =	shalt  }
0x6a: {  	_ =	shalt  }
0x6b: {  	_ =	shalt  }
0x6c: {  	_ =	shalt  }
0x6d: {  	_ =	shalt  }
0x6e: {  	_ =	shalt  }
0x6f: {  	_ =	shalt  }
0x70: {  	_ =	shalt  }
0x71: {  	_ =	shalt  }
0x72: {  	_ =	shalt  }
0x73: {  	_ =	shalt  }
0x74: {  	_ =	shalt  }
0x75: {  	_ =	shalt  }
0x76: {  	_ =	shalt  }
0x77: {  	_ =	shalt  }
0x78: {  	_ =	shalt  }
0x79: {  	_ =	shalt  }
0x7a: {  	_ =	shalt  }
0x7b: {  	_ =	shalt  }
0x7c: {  	_ =	shalt  }
0x7d: {  	_ =	shalt  }
0x7e: {  	_ =	shalt  }
0x7f: {  	_ =	shalt  }
0x80: {  	_ =	shalt  }
0x81: {  	_ =	shalt  }
0x82: {  	_ =	shalt  }
0x83: {  	_ =	shalt  }
0x84: {  	_ =	shalt  }
0x85: {  	_ =	shalt  }
0x86: {  	_ =	shalt  }
0x87: {  	_ =	shalt  }
.Lfunc_end0:
.L_simem_size_0:
called_computation.4_lowered:
.L_overlay_start_0:
0x88: {  	s2 =	sld [smem:$0x3FD9]  }
0x89: {  	s3 =	sld [smem:$0x3FFE];
	_ =	sdelay $0x1  }
0x8a: {  	s1 =	srdreg.scid  }
0x8b: {  	s0 =	sand.u32 $0x1, s1  }
0x8c: {  	s16 =	sshll.u32 s0, $0xA;
	s2 =	sadd.s32 s3, s2  }
0x8d: {  	s2 =	sadd.s32 s2, s16  }
0x8e: {  	[smem:$0x3FB5] =	sst s2  }
0x8f: {  	_ = 	snop  }
0x90: {  	(tm) =	ssettm $0x1  }
0x91: {  	s17 =	sld [smem:$0x3FFB];
	_ =	sdelay $0x3  }
0x92: {  	_ =	strace s17  }
0x93: {  	s2 =	sld [smem:$0x3FFC];
	_ =	sdelay $0x3  }
0x94: {  	_ =	strace s2  }
0x95: {  	s2 =	sld [smem:$0x3FFD];
	_ =	sdelay $0x3  }
0x96: {  	_ =	strace s2  }
0x97: {  	_ =	strace $0x8FFFFFFF  }
0x98: {  	s18 =	sld [smem:$0x3FDB];
	_ =	sdelay $0x1  }
0x99: {  	s19 =	simm.s32 $_scs_section_size  }
0x9a: {  	s4 =	simm.s32 $_size__tile_overlayer_lowered;
	s5 =	simm.s32 $_tile_overlayer_lowered  }
0x9b: {  	s22 =	simm.s32 $0x1BFF;
	s21 =	sshll.u32 s5, $0x1;
	s2 =	sadd.s32 s19, s18  }
0x9c: {  	s6 =	simm.s32 $0x0;
	s20 =	sshll.u32 s4, $0x1;
	s4 =	sadd.s32 s21, s2  }
0x9d: {  	[timem:s6], [sflag:s22] =	dma.local [hbm:s4], s20  }
0x9e: {  	_ =	swait.ge [sflag:s22], s20  }
0x9f: {  	s3 =	ssub.s32 $0x0, s20;
	[sflag:s22] =	ssyncset.done $0x0  }
0xa0: {  	[sflag:s22] =	ssyncadd.s32 s3;
	_ =	sdelay $0x1  }
0xa1: {  	s23 =	simm.s32 $0x1B8B  }
0xa2: {  	_ =	swait.ge [sflag:s23], $0x1  }
0xa3: {  	[sflag:s23] =	ssyncset.done $0x0  }
0xa4: {  	s25 =	simm.s32 $0x1B8E;
	s24 =	sld [smem:$0x3FFE];
	[sflag:s23] =	ssyncadd.s32 $0xFFFFFFFF  }
0xa5: {  	s26 =	simm.s32 $execute0_lowered;
	[smem:$0x3FD2] =	sst s25  }
0xa6: {  	s4 =	sshll.u32 s26, $0x1;
	_ =	strace $0x80000052;
	[dreg:$0x1] =	wrdreg $0xFFFFFFFF  }
0xa7: {  	s28 =	simm.s32 $_size_execute0_lowered;
	s2 =	sadd.s32 s2, s4;
	[dreg:$0x0] =	wrdreg $0x0  }
0xa8: {  	s4 =	sshll.u32 s28, $0x1;
	[dreg:$0x2] =	wrdreg s2  }
0xa9: {  	[dreg:$0x3] =	wrdreg s4  }
0xaa: {  	[dreg:$0x4] =	wrdreg $0xC0  }
0xab: {  	_ =	task [dreg:s6], $0x5FFFF  }
0xac: {  	[dreg:$0x1] =	wrdreg $0xFFFFFFFF  }
0xad: {  	[dreg:$0x0] =	wrdreg $0x60  }
0xae: {  	[dreg:$0x2] =	wrdreg s24  }
0xaf: {  	[dreg:$0x3] =	wrdreg $0x97200  }
0xb0: {  	[dreg:$0x4] =	wrdreg $0x9  }
0xb1: {  	_ =	task.clear_ibuf [dreg:s6], $0x5FFFF;
	_ =	strace $0x90000052  }
0xb2: {  	s29 =	simm.s32 $0x9;
	_ =	strace $0x80000054  }
0xb3: {  	_ =	swait.ge [sflag:s29], $0x1  }
0xb4: {  	[sflag:s29] =	ssyncadd.s32 $0xFFFFFFFF  }
0xb5: {  	_ =	strace $0x90000054  }
0xb6: {  	_ =	sfence  }
0xb7: {  	s30 =	sld [smem:$0x0];
	_ =	sdelay $0x2  }
0xb8: {  	s31 =	sshll.u32 s1, $0xD;
	s1 =	sshrl.u32 s1, $0x2  }
0xb9: {  	s3 =	sand.u32 $0x4000, s31;
	s1 =	sadd.s32 s1, s30  }
0xba: {  	s0 =	sor.u32 s3, s0;
	s1 =	sshll.u32 s1, $0x11  }
0xbb: {  	s0 =	sor.u32 s1, s0  }
0xbc: {  	s0 =	sadd.s32 $0x8F2B, s0  }
0xbd: {  	[sflag:s0] =	ssyncadd.remote.s32 $0x1  }
0xbe: {  	_ =	sfence.sel $0xFFFF  }
0xbf: {  	[dreg:$0x0] =	wrdreg $0xFFFFFFFF;
	(pc) =	sbr.abs _section_cstart, $3  }
0xc0: {  	[dreg:$0x1] =	wrdreg $0xFFFFFFFF  }
0xc1: {  	_ =	task.clear_ibuf [dreg:s6], $0x2FFFF;
	_ =	strace $0x9FFFFFFF  }
0xc2: {  	(tm) =	ssettm $0x7FFFFFFF  }
0xc3: {  	_ =	shalt  }
tec
execute0_lowered:
.L_overlay_start_1:
0x0: {  	(tag) =	ssettag $0x1  }
0x1: {  	s0 =	rddreg [dreg:$0x0]  }
0x2: {  	s1 =	rddreg [dreg:$0x1];
	s2 =	simm.s32 $0x0  }
0x3: {  	s15 =	stileid.u32;
	s21 =	srdreg.scid;
	s28 =	simm.s32 $0x4E20  }
0x4: {  	s29 =	simm.s32 $0x1;
	s30 =	simm.s32 $0x0;
	s31 =	simm.s32 $0x0  }
0x5: {  	[smem:$0x7FF] =	sst s2;
	s4 =	sadd.s32 $0x32800, s0;
	s5 =	sadd.s32 $0x28600, s0  }
0x6: {  	s6 =	sadd.s32 $0x1400, s0;
	s3 =	sadd.s32 $0x15400, s0;
	s7 =	smul.u32 $0x280, s15  }
0x7: {  	s8 =	sadd.s32 $0x14E00, s0;
	s22 =	smul.u32 $0x32000, s15;
	s0 =	sadd.s32 $0x3CA00, s0  }
0x8: {  	s15 =	smul.u32 $0x2880, s15;
	_ =	strace $0x80000053;
	[dreg:$0x3] =	wrdreg s3  }
0x9: {  	[dreg:$0x4] =	wrdreg s8;
	s3 =	sand.u32 $0x1, s21;
	s21 =	simm.s32 $0x2  }
0xa: {  	s9 =	ssub.s32 $0x2, s3;
	s12 =	sadd.s32 $0x80, s7;
	s14 =	smul.u32 $0x2800, s3  }
0xb: {  	s11 =	sshrl.u32 s22, $0x2;
	s23 =	sadd.s32 $0x14000, s22;
	s3 =	smul.u32 $0x28800, s3  }
0xc: {  	s26 =	sadd.s32 $0x1E000, s22;
	s8 =	sadd.s32 $0x28000, s22;
	s22 =	simm.s32 $0x2710  }
0xd: {  	s10 =	sshrl.u32 s9, $0x1;
	s13 =	smul.u32 $0x140, s12;
	s25 =	sshrl.u32 s23, $0x2  }
0xe: {  	s8 =	sshrl.u32 s8, $0x2;
	s23 =	simm.s32 $0x6E20;
	s20 =	ssub.s32 s9, s10  }
0xf: {  	s9 =	sadd.s32 s11, s1;
	s11 =	sadd.s32 s25, s1;
	s7 =	sadd.s32 s7, s14  }
0x10: {  	v0 =	vlaneseq.u32;
	s12 =	sadd.s32 s14, s12;
	s15 =	sadd.s32 s15, s3;
	s25 =	simm.s32 $0x96A0  }
0x11: {  	v8 =	vmul.u32 $0x50, v0;
	s24 =	sshrl.u32 s13, $0x2;
	s7 =	smul.u32 $0xA, s7;
	s13 =	sshrl.u32 s26, $0x2  }
0x12: {  	s16 =	smul.u32 $0xA, s12;
	s20 =	smax.u32 s20, $0x1;
	s26 =	simm.s32 $0x80  }
0x13: {  	v0 =	vimm.f32 $0.0e+00;
	v1 =	vadd.s32 $0x40, v8;
	v2 =	vadd.s32 $0x540, v8;
	s10 =	sadd.s32 s24, s1;
	s12 =	sadd.s32 s13, s1;
	s13 =	sadd.s32 s8, s1  }
0x14: {  	v3 =	vadd.s32 $0xA40, v8;
	v4 =	vadd.s32 $0xF40, v8;
	v5 =	vadd.s32 $0x1440, v8;
	s24 =	simm.s32 $0x9620;
	s14 =	sadd.s32 s0, s7;
	s16 =	sadd.s32 s0, s16  }
0x15: {  	v6 =	vadd.s32 $0x1940, v8;
	v7 =	vadd.s32 $0x1E40, v8;
	v8 =	vadd.s32 $0x2340, v8;
	s17 =	sadd.s32 $0xA00, s14;
	s18 =	sadd.s32 $0xF00, s14;
	s19 =	sadd.s32 $0x1400, s14  }
.LBB2_1:
0x16: {  	s0 =	rddreg [dreg:$0x3]  }
0x17: {  	[tilespmem:s2], [sflag:$0x2] =	stream.linear.gather [hbm4b:s0+s2], $0x2710, $0x38;
	[tilespmem:$0x15F20] =	vst v63  }
0x18: {  	_ =	swait.ge [sflag:s21], $0x2710  }
0x19: {  	[sflag:s21] =	ssyncset.done $0x0  }
0x1a: {  	s8 =	rddreg [dreg:$0x4];
	[sflag:s21] =	ssyncadd.s32 $0xFFFFD8F0  }
0x1b: {  	[tilespmem:s22], [sflag:$0x2] =	stream.linear.gather [hbm4b:s8+s2], $0x2710, $0x38;
	[tilespmem:$0x15F20] =	vst v63  }
0x1c: {  	_ =	swait.ge [sflag:s21], $0x2710  }
0x1d: {  	[sflag:s21] =	ssyncset.done $0x0  }
0x1e: {  	s3 =	simm.s32 $0x140;
	s0 =	simm.s32 $0x0;
	[sflag:s21] =	ssyncadd.s32 $0xFFFFD8F0  }
.LBB2_2:
0x1f: {  	p0 =	sne.s32 s3, $0x9EC0;
	[tilespmem:s0+$0x6E60] =	vst v0;
	s7 =	smov.u32 s3;
	s3 =	sadd.s32 $0x140, s3  }
.Ltmp0:
0x20: {  	[tilespmem:s0+$0x6E50] =	vst v0;
	(pc) =	sbr.rel @p0 .LBB2_2-.Ltmp0, $4  }
0x21: {  	[tilespmem:s0+$0x6E40] =	vst v0  }
0x22: {  	[tilespmem:s0+$0x6E20] =	vst v0  }
0x23: {  	[tilespmem:s0+$0x6E30] =	vst v0  }
0x24: {  	s0 =	sshra.s32 s7, $0x2  }
0x25: {  	[tilespmem:s0+$0x6E60] =	vst v0  }
0x26: {  	[tilespmem:s0+$0x6E50] =	vst v0  }
0x27: {  	[tilespmem:s0+$0x6E40] =	vst v0  }
0x28: {  	[tilespmem:s0+$0x6E20] =	vst v0  }
0x29: {  	[tilespmem:s0+$0x6E30] =	vst v0  }
0x2a: {  	[spmem:s9] =	stream.linear.scatter [tilespmem:s23], [sflag:$0x2], $0x2800, $0x38;
	[tilespmem:$0x15F20] =	vst v63  }
0x2b: {  	_ =	swait.ge [sflag:s21], $0x2800  }
0x2c: {  	[sflag:s21] =	ssyncset.done $0x0  }
0x2d: {  	[sflag:s21] =	ssyncadd.s32 $0xFFFFD800  }
0x2e: {  	[spmem:s10] =	stream.linear.scatter [tilespmem:s23], [sflag:$0x2], $0x2800, $0x38;
	[tilespmem:$0x15F20] =	vst v63  }
0x2f: {  	_ =	swait.ge [sflag:s21], $0x2800  }
0x30: {  	[sflag:s21] =	ssyncset.done $0x0  }
0x31: {  	[sflag:s21] =	ssyncadd.s32 $0xFFFFD800  }
0x32: {  	[spmem:s11] =	stream.linear.scatter [tilespmem:s23], [sflag:$0x2], $0x2800, $0x38;
	[tilespmem:$0x15F20] =	vst v63  }
0x33: {  	_ =	swait.ge [sflag:s21], $0x2800  }
0x34: {  	[sflag:s21] =	ssyncset.done $0x0  }
0x35: {  	[sflag:s21] =	ssyncadd.s32 $0xFFFFD800  }
0x36: {  	[spmem:s12] =	stream.linear.scatter [tilespmem:s23], [sflag:$0x2], $0x2800, $0x38;
	[tilespmem:$0x15F20] =	vst v63  }
0x37: {  	_ =	swait.ge [sflag:s21], $0x2800  }
0x38: {  	[sflag:s21] =	ssyncset.done $0x0  }
0x39: {  	[sflag:s21] =	ssyncadd.s32 $0xFFFFD800  }
0x3a: {  	[spmem:s13] =	stream.linear.scatter [tilespmem:s23], [sflag:$0x2], $0x2800, $0x38;
	[tilespmem:$0x15F20] =	vst v63  }
0x3b: {  	_ =	swait.ge [sflag:s21], $0x2800  }
0x3c: {  	[sflag:s21] =	ssyncset.done $0x0  }
0x3d: {  	[sflag:s21] =	ssyncadd.s32 $0xFFFFD800  }
0x3e: {  	s0 =	simm.s32 $0x0;
	[bflag:$0x0] =	sbarrier.arrive $0xFFFF  }
.LBB2_4:
0x3f: {  	s3 =	sshll.u32 s0, $0x7  }
0x40: {  	s3 =	sadd.s32 s3, s15  }
0x41: {  	s3 =	sshrl.u32 s3, $0x3  }
0x42: {  	s7 =	sadd.s32 s4, s3  }
0x43: {  	[tilespmem:s24], [sflag:$0x2] =	stream.linear.gather [hbm4b:s7+s31], $0x80, $0x38;
	[tilespmem:$0x15F20] =	vst v63  }
0x44: {  	_ =	swait.ge [sflag:s21], $0x80  }
0x45: {  	[sflag:s21] =	ssyncset.done $0x0  }
0x46: {  	s3 =	sadd.s32 s5, s3;
	[sflag:s21] =	ssyncadd.s32 $0xFFFFFF80  }
0x47: {  	[tilespmem:s25], [sflag:$0x2] =	stream.linear.gather [hbm4b:s3+s31], $0x80, $0x38;
	[tilespmem:$0x15F20] =	vst v63  }
0x48: {  	_ =	swait.ge [sflag:s21], $0x80  }
0x49: {  	[sflag:s21] =	ssyncset.done $0x0  }
0x4a: {  	[sflag:s21] =	ssyncadd.s32 $0xFFFFFF80  }
0x4b: {  	[tilespmem:s28], [sflag:$0x1] =	stream.indirect.gather [hbm4b:s6+s26], $0x40, s24, s26, $0xb8;
	[tilespmem:$0x15F20] =	vst v63  }
0x4c: {  	v9 =	vld [tilespmem:$0x9620]  }
0x4d: {  	v10 =	vld [tilespmem:$0x96A0];
	_ =	sdelay $0x6  }
0x4e: {  	v9 =	vld.idx.msk [tilespmem:v9+s31+$0x0], $0xffff  }
0x4f: {  	v10 =	vld.idx.msk [tilespmem:v10+s22+$0x0], $0xffff;
	_ =	sdelay $0x4  }
0x50: {  	v9 =	vadd.f32 v10, v9;
	_ =	sdelay $0x1  }
0x51: {  	v10 =	vmul.f32 $2.000000030e-01, v9;
	_ =	sdelay $0x1  }
0x52: {  	v9 =	vmax.f32 v9, v10  }
0x53: {  	v9 =	vmul.f32 $1.442695020e+00, v9;
	_ =	sdelay $0x1  }
0x54: {  	(erf) = vpow2.f32 v9;
	_ =	sdelay $0x8  }
0x55: {  	v9 =	vpop (erf)  }
0x56: {  	[tilespmem:v1+s23+$0x0] =	vst.idx.msk $0xffff, v9  }
0x57: {  	v9 =	vld [tilespmem:$0x9630]  }
0x58: {  	v10 =	vld [tilespmem:$0x96B0];
	_ =	sdelay $0x6  }
0x59: {  	v9 =	vld.idx.msk [tilespmem:v9+s31+$0x0], $0xffff  }
0x5a: {  	v10 =	vld.idx.msk [tilespmem:v10+s22+$0x0], $0xffff;
	_ =	sdelay $0x4  }
0x5b: {  	v9 =	vadd.f32 v10, v9;
	_ =	sdelay $0x1  }
0x5c: {  	v10 =	vmul.f32 $2.000000030e-01, v9;
	_ =	sdelay $0x1  }
0x5d: {  	v9 =	vmax.f32 v9, v10  }
0x5e: {  	v9 =	vmul.f32 $1.442695020e+00, v9;
	_ =	sdelay $0x1  }
0x5f: {  	(erf) = vpow2.f32 v9;
	_ =	sdelay $0x8  }
0x60: {  	v9 =	vpop (erf)  }
0x61: {  	[tilespmem:v2+s23+$0x0] =	vst.idx.msk $0xffff, v9  }
0x62: {  	v9 =	vld [tilespmem:$0x9640]  }
0x63: {  	v10 =	vld [tilespmem:$0x96C0];
	_ =	sdelay $0x6  }
0x64: {  	v9 =	vld.idx.msk [tilespmem:v9+s31+$0x0], $0xffff  }
0x65: {  	v10 =	vld.idx.msk [tilespmem:v10+s22+$0x0], $0xffff;
	_ =	sdelay $0x4  }
0x66: {  	v9 =	vadd.f32 v10, v9;
	_ =	sdelay $0x1  }
0x67: {  	v10 =	vmul.f32 $2.000000030e-01, v9;
	_ =	sdelay $0x1  }
0x68: {  	v9 =	vmax.f32 v9, v10  }
0x69: {  	v9 =	vmul.f32 $1.442695020e+00, v9;
	_ =	sdelay $0x1  }
0x6a: {  	(erf) = vpow2.f32 v9;
	_ =	sdelay $0x8  }
0x6b: {  	v9 =	vpop (erf)  }
0x6c: {  	[tilespmem:v3+s23+$0x0] =	vst.idx.msk $0xffff, v9  }
0x6d: {  	v9 =	vld [tilespmem:$0x9650]  }
0x6e: {  	v10 =	vld [tilespmem:$0x96D0];
	_ =	sdelay $0x6  }
0x6f: {  	v9 =	vld.idx.msk [tilespmem:v9+s31+$0x0], $0xffff  }
0x70: {  	v10 =	vld.idx.msk [tilespmem:v10+s22+$0x0], $0xffff;
	_ =	sdelay $0x4  }
0x71: {  	v9 =	vadd.f32 v10, v9;
	_ =	sdelay $0x1  }
0x72: {  	v10 =	vmul.f32 $2.000000030e-01, v9;
	_ =	sdelay $0x1  }
0x73: {  	v9 =	vmax.f32 v9, v10  }
0x74: {  	v9 =	vmul.f32 $1.442695020e+00, v9;
	_ =	sdelay $0x1  }
0x75: {  	(erf) = vpow2.f32 v9;
	_ =	sdelay $0x8  }
0x76: {  	v9 =	vpop (erf)  }
0x77: {  	[tilespmem:v4+s23+$0x0] =	vst.idx.msk $0xffff, v9  }
0x78: {  	v9 =	vld [tilespmem:$0x9660]  }
0x79: {  	v10 =	vld [tilespmem:$0x96E0];
	_ =	sdelay $0x6  }
0x7a: {  	v9 =	vld.idx.msk [tilespmem:v9+s31+$0x0], $0xffff  }
0x7b: {  	v10 =	vld.idx.msk [tilespmem:v10+s22+$0x0], $0xffff;
	_ =	sdelay $0x4  }
0x7c: {  	v9 =	vadd.f32 v10, v9;
	_ =	sdelay $0x1  }
0x7d: {  	v10 =	vmul.f32 $2.000000030e-01, v9;
	_ =	sdelay $0x1  }
0x7e: {  	v9 =	vmax.f32 v9, v10  }
0x7f: {  	v9 =	vmul.f32 $1.442695020e+00, v9;
	_ =	sdelay $0x1  }
0x80: {  	(erf) = vpow2.f32 v9;
	_ =	sdelay $0x8  }
0x81: {  	v9 =	vpop (erf)  }
0x82: {  	[tilespmem:v5+s23+$0x0] =	vst.idx.msk $0xffff, v9  }
0x83: {  	v9 =	vld [tilespmem:$0x9670]  }
0x84: {  	v10 =	vld [tilespmem:$0x96F0];
	_ =	sdelay $0x6  }
0x85: {  	v9 =	vld.idx.msk [tilespmem:v9+s31+$0x0], $0xffff  }
0x86: {  	v10 =	vld.idx.msk [tilespmem:v10+s22+$0x0], $0xffff;
	_ =	sdelay $0x4  }
0x87: {  	v9 =	vadd.f32 v10, v9;
	_ =	sdelay $0x1  }
0x88: {  	v10 =	vmul.f32 $2.000000030e-01, v9;
	_ =	sdelay $0x1  }
0x89: {  	v9 =	vmax.f32 v9, v10  }
0x8a: {  	v9 =	vmul.f32 $1.442695020e+00, v9;
	_ =	sdelay $0x1  }
0x8b: {  	(erf) = vpow2.f32 v9;
	_ =	sdelay $0x8  }
0x8c: {  	v9 =	vpop (erf)  }
0x8d: {  	[tilespmem:v6+s23+$0x0] =	vst.idx.msk $0xffff, v9  }
0x8e: {  	v9 =	vld [tilespmem:$0x9680]  }
0x8f: {  	v10 =	vld [tilespmem:$0x9700];
	_ =	sdelay $0x6  }
0x90: {  	v9 =	vld.idx.msk [tilespmem:v9+s31+$0x0], $0xffff  }
0x91: {  	v10 =	vld.idx.msk [tilespmem:v10+s22+$0x0], $0xffff;
	_ =	sdelay $0x4  }
0x92: {  	v9 =	vadd.f32 v10, v9;
	_ =	sdelay $0x1  }
0x93: {  	v10 =	vmul.f32 $2.000000030e-01, v9;
	_ =	sdelay $0x1  }
0x94: {  	v9 =	vmax.f32 v9, v10  }
0x95: {  	v9 =	vmul.f32 $1.442695020e+00, v9;
	_ =	sdelay $0x1  }
0x96: {  	(erf) = vpow2.f32 v9;
	_ =	sdelay $0x8  }
0x97: {  	v9 =	vpop (erf)  }
0x98: {  	[tilespmem:v7+s23+$0x0] =	vst.idx.msk $0xffff, v9  }
0x99: {  	v9 =	vld [tilespmem:$0x9690]  }
0x9a: {  	v10 =	vld [tilespmem:$0x9710];
	_ =	sdelay $0x6  }
0x9b: {  	v9 =	vld.idx.msk [tilespmem:v9+s31+$0x0], $0xffff  }
0x9c: {  	v10 =	vld.idx.msk [tilespmem:v10+s22+$0x0], $0xffff;
	_ =	sdelay $0x4  }
0x9d: {  	v9 =	vadd.f32 v10, v9;
	_ =	sdelay $0x1  }
0x9e: {  	v10 =	vmul.f32 $2.000000030e-01, v9;
	_ =	sdelay $0x1  }
0x9f: {  	v9 =	vmax.f32 v9, v10  }
0xa0: {  	v9 =	vmul.f32 $1.442695020e+00, v9;
	_ =	sdelay $0x1  }
0xa1: {  	(erf) = vpow2.f32 v9;
	_ =	sdelay $0x8  }
0xa2: {  	v9 =	vpop (erf)  }
0xa3: {  	[tilespmem:v8+s23+$0x0] =	vst.idx.msk $0xffff, v9  }
0xa4: {  	_ =	swait.ge [sflag:s29], $0x2000  }
0xa5: {  	[sflag:s29] =	ssyncset.done $0x0  }
0xa6: {  	s3 =	simm.s32 $0x6E40;
	[sflag:s29] =	ssyncadd.s32 $0xFFFFE000  }
0xa7: {  	s8 =	simm.s32 $0x0;
	s7 =	simm.s32 $0x100;
	v9 =	vld.msk [tilespmem:s3+$0x20 ss:$0x0], $0xffff  }
.LBB2_5:
0xa8: {  	p0 =	sne.s32 s7, $0x7F00;
	v10 =	vld [tilespmem:s8+$0x4E20];
	_ =	sdelay $0x4  }
0xa9: {  	v10 =	vmul.f32 v9, v10;
	_ =	sdelay $0x1  }
0xaa: {  	[tilespmem:s3+$0xFFFFFFE0] =	vst v10  }
0xab: {  	v10 =	vld [tilespmem:s8+$0x4E30];
	_ =	sdelay $0x4  }
0xac: {  	v10 =	vmul.f32 v10, v9;
	_ =	sdelay $0x1  }
0xad: {  	[tilespmem:s3+$0xFFFFFFF0] =	vst v10  }
0xae: {  	v10 =	vld [tilespmem:s8+$0x4E40];
	_ =	sdelay $0x4  }
0xaf: {  	v10 =	vmul.f32 v10, v9;
	_ =	sdelay $0x1  }
0xb0: {  	[tilespmem:s3+$0x0] =	vst v10  }
0xb1: {  	v10 =	vld [tilespmem:s8+$0x4E50];
	_ =	sdelay $0x3  }
.Ltmp1:
0xb2: {  	(pc) =	sbr.rel @p0 .LBB2_5-.Ltmp1, $3  }
0xb3: {  	v9 =	vmul.f32 v10, v9;
	_ =	sdelay $0x1  }
0xb4: {  	[tilespmem:s3+$0x10] =	vst v9;
	s3 =	sadd.s32 $0x50, s3  }
0xb5: {  	s8 =	sshra.s32 s7, $0x2;
	s7 =	sadd.s32 $0x100, s7;
	v9 =	vld.msk [tilespmem:s3+$0x20 ss:$0x0], $0xffff  }
0xb6: {  	v10 =	vld [tilespmem:s8+$0x4E20];
	_ =	sdelay $0x4  }
0xb7: {  	v10 =	vmul.f32 v9, v10;
	_ =	sdelay $0x1  }
0xb8: {  	[tilespmem:s3+$0xFFFFFFE0] =	vst v10  }
0xb9: {  	v10 =	vld [tilespmem:s8+$0x4E30];
	_ =	sdelay $0x4  }
0xba: {  	v10 =	vmul.f32 v10, v9;
	_ =	sdelay $0x1  }
0xbb: {  	[tilespmem:s3+$0xFFFFFFF0] =	vst v10  }
0xbc: {  	v10 =	vld [tilespmem:s8+$0x4E40];
	_ =	sdelay $0x4  }
0xbd: {  	v10 =	vmul.f32 v10, v9;
	_ =	sdelay $0x1  }
0xbe: {  	[tilespmem:s3+$0x0] =	vst v10  }
0xbf: {  	v10 =	vld [tilespmem:s8+$0x4E50];
	_ =	sdelay $0x4  }
0xc0: {  	s0 =	sadd.s32 $0x1, s0;
	v9 =	vmul.f32 v10, v9  }
0xc1: {  	p0 =	sne.s32 s0, $0x51  }
.Ltmp2:
0xc2: {  	[tilespmem:s3+$0x10] =	vst v9;
	(pc) =	sbr.rel @p0 .LBB2_4-.Ltmp2, $4  }
0xc3: {  	[spmem:s1] =	stream.indirect.scatter.add.f32 [tilespmem:s23], [sflag:$0x2], $0x50, s25, s26, $0xb8;
	[tilespmem:$0x15F20] =	vst v63  }
0xc4: {  	_ =	swait.ge [sflag:s21], $0x2800  }
0xc5: {  	[sflag:s21] =	ssyncset.done $0x0  }
0xc6: {  	[sflag:s21] =	ssyncadd.s32 $0xFFFFD800  }
0xc7: {  	[bflag:$0x0] =	sbarrier.arrive $0xFFFF  }
0xc8: {  	[tilespmem:s23], [sflag:$0x2] =	stream.linear.gather [spmem:s9], $0x2800, $0x38;
	[tilespmem:$0x15F20] =	vst v63  }
0xc9: {  	_ =	swait.ge [sflag:s21], $0x2800  }
0xca: {  	[sflag:s21] =	ssyncset.done $0x0  }
0xcb: {  	[sflag:s21] =	ssyncadd.s32 $0xFFFFD800  }
0xcc: {  	[hbm4b:s14+s2] =	stream.linear.scatter [tilespmem:s23], [sflag:$0x2], $0x2800, $0x38;
	[tilespmem:$0x15F20] =	vst v63  }
0xcd: {  	_ =	swait.ge [sflag:s21], $0x2800  }
0xce: {  	[sflag:s21] =	ssyncset.done $0x0  }
0xcf: {  	[sflag:s21] =	ssyncadd.s32 $0xFFFFD800  }
0xd0: {  	[tilespmem:s23], [sflag:$0x2] =	stream.linear.gather [spmem:s10], $0x2800, $0x38;
	[tilespmem:$0x15F20] =	vst v63  }
0xd1: {  	_ =	swait.ge [sflag:s21], $0x2800  }
0xd2: {  	[sflag:s21] =	ssyncset.done $0x0  }
0xd3: {  	[sflag:s21] =	ssyncadd.s32 $0xFFFFD800  }
0xd4: {  	[hbm4b:s16+s2] =	stream.linear.scatter [tilespmem:s23], [sflag:$0x2], $0x2800, $0x38;
	[tilespmem:$0x15F20] =	vst v63  }
0xd5: {  	_ =	swait.ge [sflag:s21], $0x2800  }
0xd6: {  	[sflag:s21] =	ssyncset.done $0x0  }
0xd7: {  	[sflag:s21] =	ssyncadd.s32 $0xFFFFD800  }
0xd8: {  	[tilespmem:s23], [sflag:$0x2] =	stream.linear.gather [spmem:s11], $0x2800, $0x38;
	[tilespmem:$0x15F20] =	vst v63  }
0xd9: {  	_ =	swait.ge [sflag:s21], $0x2800  }
0xda: {  	[sflag:s21] =	ssyncset.done $0x0  }
0xdb: {  	[sflag:s21] =	ssyncadd.s32 $0xFFFFD800  }
0xdc: {  	[hbm4b:s17+s2] =	stream.linear.scatter [tilespmem:s23], [sflag:$0x2], $0x2800, $0x38;
	[tilespmem:$0x15F20] =	vst v63  }
0xdd: {  	_ =	swait.ge [sflag:s21], $0x2800  }
0xde: {  	[sflag:s21] =	ssyncset.done $0x0  }
0xdf: {  	[sflag:s21] =	ssyncadd.s32 $0xFFFFD800  }
0xe0: {  	[tilespmem:s23], [sflag:$0x2] =	stream.linear.gather [spmem:s12], $0x2800, $0x38;
	[tilespmem:$0x15F20] =	vst v63  }
0xe1: {  	_ =	swait.ge [sflag:s21], $0x2800  }
0xe2: {  	[sflag:s21] =	ssyncset.done $0x0  }
0xe3: {  	[sflag:s21] =	ssyncadd.s32 $0xFFFFD800  }
0xe4: {  	[hbm4b:s18+s2] =	stream.linear.scatter [tilespmem:s23], [sflag:$0x2], $0x2800, $0x38;
	[tilespmem:$0x15F20] =	vst v63  }
0xe5: {  	_ =	swait.ge [sflag:s21], $0x2800  }
0xe6: {  	[sflag:s21] =	ssyncset.done $0x0  }
0xe7: {  	[sflag:s21] =	ssyncadd.s32 $0xFFFFD800  }
0xe8: {  	[tilespmem:s23], [sflag:$0x2] =	stream.linear.gather [spmem:s13], $0x2800, $0x38;
	[tilespmem:$0x15F20] =	vst v63  }
0xe9: {  	s30 =	sadd.s32 $0x1, s30;
	_ =	swait.ge [sflag:s21], $0x2800  }
0xea: {  	p0 =	sne.s32 s30, s20;
	[sflag:s21] =	ssyncset.done $0x0  }
.Ltmp3:
0xeb: {  	[sflag:s21] =	ssyncadd.s32 $0xFFFFD800;
	(pc) =	sbr.rel @p0 .LBB2_1-.Ltmp3, $4  }
0xec: {  	[hbm4b:s19+s2] =	stream.linear.scatter [tilespmem:s23], [sflag:$0x2], $0x2800, $0x38;
	[tilespmem:$0x15F20] =	vst v63  }
0xed: {  	_ =	swait.ge [sflag:s21], $0x2800  }
0xee: {  	[sflag:s21] =	ssyncset.done $0x0  }
0xef: {  	[sflag:s21] =	ssyncadd.s32 $0xFFFFD800  }
0xf0: {  	_ =	sfence.sel $0x180000  }
0xf1: {  	[bflag:$0x0] =	sbarrier.arrive $0xFFFF  }
0xf2: {  	_ =	strace $0x90000053  }
0xf3: {  	s0 =	stileid.u32;
	[bflag:$0x2] =	sbarrier.arrive $0xFFFF  }
0xf4: {  	p0 =	sne.s32 s0, $0x0;
	s0 =	rddreg [dreg:$0x2]  }
0xf5: {  	s0 =	sadd.s32 @!p0 $0x100000, s0  }
0xf6: {  	[sflag:s0] =	ssyncadd.tile.s32 @!p0 $0x1;
	_ =	shalt  }
.Lfunc_end2:
_tile_overlayer_lowered:
.L_overlay_start_2:
0xf7: {  	(tag) =	ssettag $0x2  }
0xf8: {  	s0 =	rddreg [dreg:$0x0];
	s2 =	stileid.u32  }
0xf9: {  	s1 =	rddreg [dreg:$0x1];
	p0 =	sne.s32 s2, $0x0  }
0xfa: {  	s3 =	rddreg [dreg:$0x2];
	[bflag:$0x3] =	sbarrier.arrive $0xFFFF;
	s2 =	simm.s32 @!p0 $0x1C02  }
0xfb: {  	[timem:s3], [sflag:s2] =	dma.local @!p0 [hbm:s0], s1  }
0xfc: {  	s0 =	simm.s32 @!p0 $0x2  }
0xfd: {  	_ =	swait.ge @!p0 [sflag:s0], s1  }
0xfe: {  	s1 =	ssub.s32 @!p0 $0x0, s1;
	[sflag:s0] =	ssyncset.done @!p0 $0x0  }
0xff: {  	[sflag:s0] =	ssyncadd.s32 @!p0 s1  }
0x100: {  	[bflag:$0x3] =	sbarrier.arrive $0xFFFF  }
0x101: {  	_ =	shalt  }

</sc_bundles>
